<compile_context>
chip_gen: v7x
topology: tpu7x:2x2x1
jax: 0.10.2.dev20260603
libtpu: 0.0.44.dev20260713+nightly
codegen_flags: <defaults>
</compile_context>

<pallas_src>
import functools

import jax
import jax.numpy as jnp
from jax import lax
from jax.experimental import pallas as pl
from jax.experimental.pallas import tpu as pltpu
from jax.experimental.pallas import tpu_sc as plsc

B, T, D = 4, 2048, 1024
L = 16
NC, NS = 2, 16
NW = NC * NS
T_PER_W = T // NW
CT = 8
NSTEP = T_PER_W // CT
ROWS = B * CT
VECS = D // L
NBUF = 3
UNROLL = 8

_mesh = plsc.VectorSubcoreMesh(core_axis_name="c", subcore_axis_name="s")


@functools.partial(
    pl.kernel,
    mesh=_mesh,
    out_type=jax.ShapeDtypeStruct((B, T, D), jnp.float32),
    scratch_types=[
        pltpu.VMEM((NSTEP * ROWS,), jnp.int32),
        pltpu.VMEM((NBUF, CT, D), jnp.float32),
        pltpu.VMEM((NBUF, ROWS, D), jnp.float32),
    ] + [pltpu.SemaphoreType.DMA] * (3 * NBUF + 1),
)
def _embed(idx_hbm, wpe_hbm, wte_hbm, out_hbm, idx2_v, wpe_v, rows_v, *sems):
    gsem = sems[0:NBUF]
    wsem = sems[NBUF:2 * NBUF]
    osem = sems[2 * NBUF:3 * NBUF]
    isem = sems[3 * NBUF]
    wid = lax.axis_index("s") * NC + lax.axis_index("c")
    t_base = wid * T_PER_W

    idx_handles = [
        pltpu.async_copy(idx_hbm.at[b, pl.ds(t_base + c * CT, CT)],
                         idx2_v.at[pl.ds(c * ROWS + b * CT, CT)], isem)
        for c in range(NSTEP)
        for b in range(B)
    ]
    for h in idx_handles:
        h.wait()

    def start_step(c, buf):
        t0 = t_base + c * CT
        iv = idx2_v.at[pl.ds(c * ROWS, ROWS)]
        return [
            pltpu.async_copy(wte_hbm.at[iv], rows_v.at[buf], gsem[buf]),
            pltpu.async_copy(wpe_hbm.at[pl.ds(t0, CT)], wpe_v.at[buf],
                             wsem[buf]),
        ]

    def compute_step(c, buf):
        def v_body(i, _):
            tl = i // (VECS // UNROLL)
            colbase = (i % (VECS // UNROLL)) * (UNROLL * L)
            for u in range(UNROLL):
                col = colbase + u * L
                w = wpe_v[buf, tl, pl.ds(col, L)]
                for b in range(B):
                    plsc.addupdate(rows_v.at[buf, b * CT + tl, pl.ds(col, L)],
                                   w)
            return 0

        lax.fori_loop(0, CT * VECS // UNROLL, v_body, 0)

    def start_out(c, buf):
        t0 = t_base + c * CT
        return [
            pltpu.async_copy(rows_v.at[buf, pl.ds(b * CT, CT)],
                             out_hbm.at[b, pl.ds(t0, CT)], osem[buf])
            for b in range(B)
        ]

    def wait_step(c, buf):
        pltpu.make_async_copy(out_hbm.at[0, pl.ds(0, ROWS)], rows_v.at[buf],
                              gsem[buf]).wait()
        pltpu.make_async_copy(wpe_hbm.at[pl.ds(t_base + c * CT, CT)],
                              wpe_v.at[buf], wsem[buf]).wait()

    def wait_out(c, buf):
        t0 = t_base + c * CT
        for b in range(B):
            pltpu.make_async_copy(rows_v.at[buf, pl.ds(b * CT, CT)],
                                  out_hbm.at[b, pl.ds(t0, CT)],
                                  osem[buf]).wait()

    start_step(0, 0)
    start_step(1, 1)

    def group_body(g, _):
        for j in range(NBUF):
            c = g * NBUF + j
            wait_step(c, j)
            compute_step(c, j)
            start_out(c, j)

            @pl.when(c >= 1)
            def _():
                wait_out(c - 1, (j + 2) % NBUF)
            start_step(c + 2, (j + 2) % NBUF)
        return 0

    lax.fori_loop(0, (NSTEP - 2) // NBUF, group_body, 0)

    for c in range(NSTEP - 2, NSTEP):
        wait_step(c, c % NBUF)
        compute_step(c, c % NBUF)
        start_out(c, c % NBUF)
    for c in range(NSTEP - 3, NSTEP):
        wait_out(c, c % NBUF)


def kernel(idx, wpe_table, wte_table):
    return _embed(idx.astype(jnp.int32), wpe_table, wte_table)

# --- scband reference (transcript-rebuilt; emitter-appended) ---
"""Pipeline reference for scband-embedding-27573690040552 (READ-ONLY COPY).

The authoritative reference and input builder live on the scoring server;
editing this copy changes nothing except your own understanding.
"""

import jax, jax.numpy as jnp
import numpy as np

B, T = 4, 2048
CONTEXT_WINDOW = 2048
VOCAB_SIZE = 100000
N_EMBD = 1024

def setup_inputs(seed: int = 0) -> dict:
    key = jax.random.key(seed)
    k_idx, k_wpe, k_wte = jax.random.split(key, 3)
    idx = jax.random.randint(k_idx, (B, T), 0, VOCAB_SIZE, dtype=jnp.int64 if jax.config.jax_enable_x64 else jnp.int32)
    wpe_table = jax.random.normal(k_wpe, (CONTEXT_WINDOW, N_EMBD), dtype=jnp.float32) * 0.02
    wte_table = jax.random.normal(k_wte, (VOCAB_SIZE, N_EMBD), dtype=jnp.float32) * 0.02
    return {"idx": idx, "wpe_table": wpe_table, "wte_table": wte_table}

def reference(idx, wpe_table, wte_table):
    # idx: (b, t)
    b, t = idx.shape
    # position embedding: gather rows 0..t-1, broadcast over batch
    wpe = jnp.take(wpe_table, jnp.arange(t), axis=0)[None, :, :]  # (1, t, d)
    # token embedding: gather per-token rows
    wte = jnp.take(wte_table, idx, axis=0)  # (b, t, d)
    output = wpe + wte
    # Dropout in eval mode (deterministic=True) is identity
    return output

if __name__ == "__main__":
    import jax
    _d = setup_inputs()
    print(jax.jit(kernel)(*tuple(_d.values())))

</pallas_src>

<mosaic_0001>
#map = affine_map<(d0, d1) -> (0, 0)>
#map1 = affine_map<(d0, d1) -> (0, 0, 0)>
module attributes {stable_mosaic.version = 14 : i64} {
  func.func @_embed(%arg0: i32, %arg1: i32, %arg2: memref<4x2048xi32, #tpu.memory_space<hbm>>, %arg3: memref<2048x1024xf32, #tpu.memory_space<hbm>>, %arg4: memref<100000x1024xf32, #tpu.memory_space<hbm>>, %arg5: memref<4x2048x1024xf32, #tpu.memory_space<hbm>>, %arg6: memref<256xi32, #tpu.memory_space<vmem>>, %arg7: memref<3x8x1024xf32, #tpu.memory_space<vmem>>, %arg8: memref<3x32x1024xf32, #tpu.memory_space<vmem>>, %arg9: memref<!tpu.dma_semaphore, #tpu.memory_space<semaphore_mem>>, %arg10: memref<!tpu.dma_semaphore, #tpu.memory_space<semaphore_mem>>, %arg11: memref<!tpu.dma_semaphore, #tpu.memory_space<semaphore_mem>>, %arg12: memref<!tpu.dma_semaphore, #tpu.memory_space<semaphore_mem>>, %arg13: memref<!tpu.dma_semaphore, #tpu.memory_space<semaphore_mem>>, %arg14: memref<!tpu.dma_semaphore, #tpu.memory_space<semaphore_mem>>, %arg15: memref<!tpu.dma_semaphore, #tpu.memory_space<semaphore_mem>>, %arg16: memref<!tpu.dma_semaphore, #tpu.memory_space<semaphore_mem>>, %arg17: memref<!tpu.dma_semaphore, #tpu.memory_space<semaphore_mem>>, %arg18: memref<!tpu.dma_semaphore, #tpu.memory_space<semaphore_mem>>) attributes {dimension_semantics = [#tpu.dimension_semantics<core_parallel>, #tpu.dimension_semantics<subcore_parallel>], iteration_bounds = array<i64: 2, 16>, scalar_prefetch = 0 : i64, scratch_operands = 13 : i64, tpu.core_type = #tpu.core_type<sc_vector_subcore>, window_params = [{transform_indices = #map}, {transform_indices = #map}, {transform_indices = #map}, {transform_indices = #map1}]} {
    %mul3A = arith.constant 2 : i32
    %mul3A_0 = arith.muli %arg1, %mul3A : i32
    %add3A = arith.addi %mul3A_0, %arg0 : i32
    %mul3A_1 = arith.constant 64 : i32
    %mul3A_2 = arith.muli %add3A, %mul3A_1 : i32
    %add3A_3 = arith.constant 0 : i32
    %add3A_4 = arith.addi %mul3A_2, %add3A_3 : i32
    %dma_start3A = arith.constant 0 : i32
    %dma_start3A_5 = arith.constant 0 : i32
    %dma_start3A_6 = tpu.memref_slice %arg6[%dma_start3A_5] : memref<256xi32, #tpu.memory_space<vmem>> -> memref<8xi32, #tpu.memory_space<vmem>>
    %dma_start3A_7 = tpu.memref_slice %arg2[%dma_start3A, %add3A_4] : memref<4x2048xi32, #tpu.memory_space<hbm>> -> memref<1x8xi32, #tpu.memory_space<hbm>>
    %dma_start3A_8 = tpu.memref_squeeze %dma_start3A_7 : memref<1x8xi32, #tpu.memory_space<hbm>> -> memref<8xi32, #tpu.memory_space<hbm>>
    %dma_start3A_9 = arith.constant 0 : i32
    %dma_start3A_10 = tpu.memref_slice %arg6[%dma_start3A_9] : memref<256xi32, #tpu.memory_space<vmem>> -> memref<8xi32, #tpu.memory_space<vmem>>
    %dma_start3A_11 = tpu.memref_slice %arg2[%dma_start3A, %add3A_4] : memref<4x2048xi32, #tpu.memory_space<hbm>> -> memref<1x8xi32, #tpu.memory_space<hbm>>
    %dma_start3A_12 = tpu.memref_squeeze %dma_start3A_11 : memref<1x8xi32, #tpu.memory_space<hbm>> -> memref<8xi32, #tpu.memory_space<hbm>>
    tpu.enqueue_dma source(%dma_start3A_12 : memref<8xi32, #tpu.memory_space<hbm>>) target(%dma_start3A_10 : memref<8xi32, #tpu.memory_space<vmem>>) target_semaphore(%arg18 : memref<!tpu.dma_semaphore, #tpu.memory_space<semaphore_mem>>)
    %add3A_13 = arith.constant 0 : i32
    %add3A_14 = arith.addi %mul3A_2, %add3A_13 : i32
    %dma_start3A_15 = arith.constant 1 : i32
    %dma_start3A_16 = arith.constant 8 : i32
    %dma_start3A_17 = tpu.memref_slice %arg6[%dma_start3A_16] : memref<256xi32, #tpu.memory_space<vmem>> -> memref<8xi32, #tpu.memory_space<vmem>>
    %dma_start3A_18 = tpu.memref_slice %arg2[%dma_start3A_15, %add3A_14] : memref<4x2048xi32, #tpu.memory_space<hbm>> -> memref<1x8xi32, #tpu.memory_space<hbm>>
    %dma_start3A_19 = tpu.memref_squeeze %dma_start3A_18 : memref<1x8xi32, #tpu.memory_space<hbm>> -> memref<8xi32, #tpu.memory_space<hbm>>
    %dma_start3A_20 = arith.constant 8 : i32
    %dma_start3A_21 = tpu.memref_slice %arg6[%dma_start3A_20] : memref<256xi32, #tpu.memory_space<vmem>> -> memref<8xi32, #tpu.memory_space<vmem>>
    %dma_start3A_22 = tpu.memref_slice %arg2[%dma_start3A_15, %add3A_14] : memref<4x2048xi32, #tpu.memory_space<hbm>> -> memref<1x8xi32, #tpu.memory_space<hbm>>
    %dma_start3A_23 = tpu.memref_squeeze %dma_start3A_22 : memref<1x8xi32, #tpu.memory_space<hbm>> -> memref<8xi32, #tpu.memory_space<hbm>>
    tpu.enqueue_dma source(%dma_start3A_23 : memref<8xi32, #tpu.memory_space<hbm>>) target(%dma_start3A_21 : memref<8xi32, #tpu.memory_space<vmem>>) target_semaphore(%arg18 : memref<!tpu.dma_semaphore, #tpu.memory_space<semaphore_mem>>)
    %add3A_24 = arith.constant 0 : i32
    %add3A_25 = arith.addi %mul3A_2, %add3A_24 : i32
    %dma_start3A_26 = arith.constant 2 : i32
    %dma_start3A_27 = arith.constant 16 : i32
    %dma_start3A_28 = tpu.memref_slice %arg6[%dma_start3A_27] : memref<256xi32, #tpu.memory_space<vmem>> -> memref<8xi32, #tpu.memory_space<vmem>>
    %dma_start3A_29 = tpu.memref_slice %arg2[%dma_start3A_26, %add3A_25] : memref<4x2048xi32, #tpu.memory_space<hbm>> -> memref<1x8xi32, #tpu.memory_space<hbm>>
    %dma_start3A_30 = tpu.memref_squeeze %dma_start3A_29 : memref<1x8xi32, #tpu.memory_space<hbm>> -> memref<8xi32, #tpu.memory_space<hbm>>
    %dma_start3A_31 = arith.constant 16 : i32
    %dma_start3A_32 = tpu.memref_slice %arg6[%dma_start3A_31] : memref<256xi32, #tpu.memory_space<vmem>> -> memref<8xi32, #tpu.memory_space<vmem>>
    %dma_start3A_33 = tpu.memref_slice %arg2[%dma_start3A_26, %add3A_25] : memref<4x2048xi32, #tpu.memory_space<hbm>> -> memref<1x8xi32, #tpu.memory_space<hbm>>
    %dma_start3A_34 = tpu.memref_squeeze %dma_start3A_33 : memref<1x8xi32, #tpu.memory_space<hbm>> -> memref<8xi32, #tpu.memory_space<hbm>>
    tpu.enqueue_dma source(%dma_start3A_34 : memref<8xi32, #tpu.memory_space<hbm>>) target(%dma_start3A_32 : memref<8xi32, #tpu.memory_space<vmem>>) target_semaphore(%arg18 : memref<!tpu.dma_semaphore, #tpu.memory_space<semaphore_mem>>)
    %add3A_35 = arith.constant 0 : i32
    %add3A_36 = arith.addi %mul3A_2, %add3A_35 : i32
    %dma_start3A_37 = arith.constant 3 : i32
    %dma_start3A_38 = arith.constant 24 : i32
    %dma_start3A_39 = tpu.memref_slice %arg6[%dma_start3A_38] : memref<256xi32, #tpu.memory_space<vmem>> -> memref<8xi32, #tpu.memory_space<vmem>>
    %dma_start3A_40 = tpu.memref_slice %arg2[%dma_start3A_37, %add3A_36] : memref<4x2048xi32, #tpu.memory_space<hbm>> -> memref<1x8xi32, #tpu.memory_space<hbm>>
    %dma_start3A_41 = tpu.memref_squeeze %dma_start3A_40 : memref<1x8xi32, #tpu.memory_space<hbm>> -> memref<8xi32, #tpu.memory_space<hbm>>
    %dma_start3A_42 = arith.constant 24 : i32
    %dma_start3A_43 = tpu.memref_slice %arg6[%dma_start3A_42] : memref<256xi32, #tpu.memory_space<vmem>> -> memref<8xi32, #tpu.memory_space<vmem>>
    %dma_start3A_44 = tpu.memref_slice %arg2[%dma_start3A_37, %add3A_36] : memref<4x2048xi32, #tpu.memory_space<hbm>> -> memref<1x8xi32, #tpu.memory_space<hbm>>
    %dma_start3A_45 = tpu.memref_squeeze %dma_start3A_44 : memref<1x8xi32, #tpu.memory_space<hbm>> -> memref<8xi32, #tpu.memory_space<hbm>>
    tpu.enqueue_dma source(%dma_start3A_45 : memref<8xi32, #tpu.memory_space<hbm>>) target(%dma_start3A_43 : memref<8xi32, #tpu.memory_space<vmem>>) target_semaphore(%arg18 : memref<!tpu.dma_semaphore, #tpu.memory_space<semaphore_mem>>)
    %add3A_46 = arith.constant 8 : i32
    %add3A_47 = arith.addi %mul3A_2, %add3A_46 : i32
    %dma_start3A_48 = arith.constant 0 : i32
    %dma_start3A_49 = arith.constant 32 : i32
    %dma_start3A_50 = tpu.memref_slice %arg6[%dma_start3A_49] : memref<256xi32, #tpu.memory_space<vmem>> -> memref<8xi32, #tpu.memory_space<vmem>>
    %dma_start3A_51 = tpu.memref_slice %arg2[%dma_start3A_48, %add3A_47] : memref<4x2048xi32, #tpu.memory_space<hbm>> -> memref<1x8xi32, #tpu.memory_space<hbm>>
    %dma_start3A_52 = tpu.memref_squeeze %dma_start3A_51 : memref<1x8xi32, #tpu.memory_space<hbm>> -> memref<8xi32, #tpu.memory_space<hbm>>
    %dma_start3A_53 = arith.constant 32 : i32
    %dma_start3A_54 = tpu.memref_slice %arg6[%dma_start3A_53] : memref<256xi32, #tpu.memory_space<vmem>> -> memref<8xi32, #tpu.memory_space<vmem>>
    %dma_start3A_55 = tpu.memref_slice %arg2[%dma_start3A_48, %add3A_47] : memref<4x2048xi32, #tpu.memory_space<hbm>> -> memref<1x8xi32, #tpu.memory_space<hbm>>
    %dma_start3A_56 = tpu.memref_squeeze %dma_start3A_55 : memref<1x8xi32, #tpu.memory_space<hbm>> -> memref<8xi32, #tpu.memory_space<hbm>>
    tpu.enqueue_dma source(%dma_start3A_56 : memref<8xi32, #tpu.memory_space<hbm>>) target(%dma_start3A_54 : memref<8xi32, #tpu.memory_space<vmem>>) target_semaphore(%arg18 : memref<!tpu.dma_semaphore, #tpu.memory_space<semaphore_mem>>)
    %add3A_57 = arith.constant 8 : i32
    %add3A_58 = arith.addi %mul3A_2, %add3A_57 : i32
    %dma_start3A_59 = arith.constant 1 : i32
    %dma_start3A_60 = arith.constant 40 : i32
    %dma_start3A_61 = tpu.memref_slice %arg6[%dma_start3A_60] : memref<256xi32, #tpu.memory_space<vmem>> -> memref<8xi32, #tpu.memory_space<vmem>>
    %dma_start3A_62 = tpu.memref_slice %arg2[%dma_start3A_59, %add3A_58] : memref<4x2048xi32, #tpu.memory_space<hbm>> -> memref<1x8xi32, #tpu.memory_space<hbm>>
    %dma_start3A_63 = tpu.memref_squeeze %dma_start3A_62 : memref<1x8xi32, #tpu.memory_space<hbm>> -> memref<8xi32, #tpu.memory_space<hbm>>
    %dma_start3A_64 = arith.constant 40 : i32
    %dma_start3A_65 = tpu.memref_slice %arg6[%dma_start3A_64] : memref<256xi32, #tpu.memory_space<vmem>> -> memref<8xi32, #tpu.memory_space<vmem>>
    %dma_start3A_66 = tpu.memref_slice %arg2[%dma_start3A_59, %add3A_58] : memref<4x2048xi32, #tpu.memory_space<hbm>> -> memref<1x8xi32, #tpu.memory_space<hbm>>
    %dma_start3A_67 = tpu.memref_squeeze %dma_start3A_66 : memref<1x8xi32, #tpu.memory_space<hbm>> -> memref<8xi32, #tpu.memory_space<hbm>>
    tpu.enqueue_dma source(%dma_start3A_67 : memref<8xi32, #tpu.memory_space<hbm>>) target(%dma_start3A_65 : memref<8xi32, #tpu.memory_space<vmem>>) target_semaphore(%arg18 : memref<!tpu.dma_semaphore, #tpu.memory_space<semaphore_mem>>)
    %add3A_68 = arith.constant 8 : i32
    %add3A_69 = arith.addi %mul3A_2, %add3A_68 : i32
    %dma_start3A_70 = arith.constant 2 : i32
    %dma_start3A_71 = arith.constant 48 : i32
    %dma_start3A_72 = tpu.memref_slice %arg6[%dma_start3A_71] : memref<256xi32, #tpu.memory_space<vmem>> -> memref<8xi32, #tpu.memory_space<vmem>>
    %dma_start3A_73 = tpu.memref_slice %arg2[%dma_start3A_70, %add3A_69] : memref<4x2048xi32, #tpu.memory_space<hbm>> -> memref<1x8xi32, #tpu.memory_space<hbm>>
    %dma_start3A_74 = tpu.memref_squeeze %dma_start3A_73 : memref<1x8xi32, #tpu.memory_space<hbm>> -> memref<8xi32, #tpu.memory_space<hbm>>
    %dma_start3A_75 = arith.constant 48 : i32
    %dma_start3A_76 = tpu.memref_slice %arg6[%dma_start3A_75] : memref<256xi32, #tpu.memory_space<vmem>> -> memref<8xi32, #tpu.memory_space<vmem>>
    %dma_start3A_77 = tpu.memref_slice %arg2[%dma_start3A_70, %add3A_69] : memref<4x2048xi32, #tpu.memory_space<hbm>> -> memref<1x8xi32, #tpu.memory_space<hbm>>
    %dma_start3A_78 = tpu.memref_squeeze %dma_start3A_77 : memref<1x8xi32, #tpu.memory_space<hbm>> -> memref<8xi32, #tpu.memory_space<hbm>>
    tpu.enqueue_dma source(%dma_start3A_78 : memref<8xi32, #tpu.memory_space<hbm>>) target(%dma_start3A_76 : memref<8xi32, #tpu.memory_space<vmem>>) target_semaphore(%arg18 : memref<!tpu.dma_semaphore, #tpu.memory_space<semaphore_mem>>)
    %add3A_79 = arith.constant 8 : i32
    %add3A_80 = arith.addi %mul3A_2, %add3A_79 : i32
    %dma_start3A_81 = arith.constant 3 : i32
    %dma_start3A_82 = arith.constant 56 : i32
    %dma_start3A_83 = tpu.memref_slice %arg6[%dma_start3A_82] : memref<256xi32, #tpu.memory_space<vmem>> -> memref<8xi32, #tpu.memory_space<vmem>>
    %dma_start3A_84 = tpu.memref_slice %arg2[%dma_start3A_81, %add3A_80] : memref<4x2048xi32, #tpu.memory_space<hbm>> -> memref<1x8xi32, #tpu.memory_space<hbm>>
    %dma_start3A_85 = tpu.memref_squeeze %dma_start3A_84 : memref<1x8xi32, #tpu.memory_space<hbm>> -> memref<8xi32, #tpu.memory_space<hbm>>
    %dma_start3A_86 = arith.constant 56 : i32
    %dma_start3A_87 = tpu.memref_slice %arg6[%dma_start3A_86] : memref<256xi32, #tpu.memory_space<vmem>> -> memref<8xi32, #tpu.memory_space<vmem>>
    %dma_start3A_88 = tpu.memref_slice %arg2[%dma_start3A_81, %add3A_80] : memref<4x2048xi32, #tpu.memory_space<hbm>> -> memref<1x8xi32, #tpu.memory_space<hbm>>
    %dma_start3A_89 = tpu.memref_squeeze %dma_start3A_88 : memref<1x8xi32, #tpu.memory_space<hbm>> -> memref<8xi32, #tpu.memory_space<hbm>>
    tpu.enqueue_dma source(%dma_start3A_89 : memref<8xi32, #tpu.memory_space<hbm>>) target(%dma_start3A_87 : memref<8xi32, #tpu.memory_space<vmem>>) target_semaphore(%arg18 : memref<!tpu.dma_semaphore, #tpu.memory_space<semaphore_mem>>)
    %add3A_90 = arith.constant 16 : i32
    %add3A_91 = arith.addi %mul3A_2, %add3A_90 : i32
    %dma_start3A_92 = arith.constant 0 : i32
    %dma_start3A_93 = arith.constant 64 : i32
    %dma_start3A_94 = tpu.memref_slice %arg6[%dma_start3A_93] : memref<256xi32, #tpu.memory_space<vmem>> -> memref<8xi32, #tpu.memory_space<vmem>>
    %dma_start3A_95 = tpu.memref_slice %arg2[%dma_start3A_92, %add3A_91] : memref<4x2048xi32, #tpu.memory_space<hbm>> -> memref<1x8xi32, #tpu.memory_space<hbm>>
    %dma_start3A_96 = tpu.memref_squeeze %dma_start3A_95 : memref<1x8xi32, #tpu.memory_space<hbm>> -> memref<8xi32, #tpu.memory_space<hbm>>
    %dma_start3A_97 = arith.constant 64 : i32
    %dma_start3A_98 = tpu.memref_slice %arg6[%dma_start3A_97] : memref<256xi32, #tpu.memory_space<vmem>> -> memref<8xi32, #tpu.memory_space<vmem>>
    %dma_start3A_99 = tpu.memref_slice %arg2[%dma_start3A_92, %add3A_91] : memref<4x2048xi32, #tpu.memory_space<hbm>> -> memref<1x8xi32, #tpu.memory_space<hbm>>
    %dma_start3A_100 = tpu.memref_squeeze %dma_start3A_99 : memref<1x8xi32, #tpu.memory_space<hbm>> -> memref<8xi32, #tpu.memory_space<hbm>>
    tpu.enqueue_dma source(%dma_start3A_100 : memref<8xi32, #tpu.memory_space<hbm>>) target(%dma_start3A_98 : memref<8xi32, #tpu.memory_space<vmem>>) target_semaphore(%arg18 : memref<!tpu.dma_semaphore, #tpu.memory_space<semaphore_mem>>)
    %add3A_101 = arith.constant 16 : i32
    %add3A_102 = arith.addi %mul3A_2, %add3A_101 : i32
    %dma_start3A_103 = arith.constant 1 : i32
    %dma_start3A_104 = arith.constant 72 : i32
    %dma_start3A_105 = tpu.memref_slice %arg6[%dma_start3A_104] : memref<256xi32, #tpu.memory_space<vmem>> -> memref<8xi32, #tpu.memory_space<vmem>>
    %dma_start3A_106 = tpu.memref_slice %arg2[%dma_start3A_103, %add3A_102] : memref<4x2048xi32, #tpu.memory_space<hbm>> -> memref<1x8xi32, #tpu.memory_space<hbm>>
    %dma_start3A_107 = tpu.memref_squeeze %dma_start3A_106 : memref<1x8xi32, #tpu.memory_space<hbm>> -> memref<8xi32, #tpu.memory_space<hbm>>
    %dma_start3A_108 = arith.constant 72 : i32
    %dma_start3A_109 = tpu.memref_slice %arg6[%dma_start3A_108] : memref<256xi32, #tpu.memory_space<vmem>> -> memref<8xi32, #tpu.memory_space<vmem>>
    %dma_start3A_110 = tpu.memref_slice %arg2[%dma_start3A_103, %add3A_102] : memref<4x2048xi32, #tpu.memory_space<hbm>> -> memref<1x8xi32, #tpu.memory_space<hbm>>
    %dma_start3A_111 = tpu.memref_squeeze %dma_start3A_110 : memref<1x8xi32, #tpu.memory_space<hbm>> -> memref<8xi32, #tpu.memory_space<hbm>>
    tpu.enqueue_dma source(%dma_start3A_111 : memref<8xi32, #tpu.memory_space<hbm>>) target(%dma_start3A_109 : memref<8xi32, #tpu.memory_space<vmem>>) target_semaphore(%arg18 : memref<!tpu.dma_semaphore, #tpu.memory_space<semaphore_mem>>)
    %add3A_112 = arith.constant 16 : i32
    %add3A_113 = arith.addi %mul3A_2, %add3A_112 : i32
    %dma_start3A_114 = arith.constant 2 : i32
    %dma_start3A_115 = arith.constant 80 : i32
    %dma_start3A_116 = tpu.memref_slice %arg6[%dma_start3A_115] : memref<256xi32, #tpu.memory_space<vmem>> -> memref<8xi32, #tpu.memory_space<vmem>>
    %dma_start3A_117 = tpu.memref_slice %arg2[%dma_start3A_114, %add3A_113] : memref<4x2048xi32, #tpu.memory_space<hbm>> -> memref<1x8xi32, #tpu.memory_space<hbm>>
    %dma_start3A_118 = tpu.memref_squeeze %dma_start3A_117 : memref<1x8xi32, #tpu.memory_space<hbm>> -> memref<8xi32, #tpu.memory_space<hbm>>
    %dma_start3A_119 = arith.constant 80 : i32
    %dma_start3A_120 = tpu.memref_slice %arg6[%dma_start3A_119] : memref<256xi32, #tpu.memory_space<vmem>> -> memref<8xi32, #tpu.memory_space<vmem>>
    %dma_start3A_121 = tpu.memref_slice %arg2[%dma_start3A_114, %add3A_113] : memref<4x2048xi32, #tpu.memory_space<hbm>> -> memref<1x8xi32, #tpu.memory_space<hbm>>
    %dma_start3A_122 = tpu.memref_squeeze %dma_start3A_121 : memref<1x8xi32, #tpu.memory_space<hbm>> -> memref<8xi32, #tpu.memory_space<hbm>>
    tpu.enqueue_dma source(%dma_start3A_122 : memref<8xi32, #tpu.memory_space<hbm>>) target(%dma_start3A_120 : memref<8xi32, #tpu.memory_space<vmem>>) target_semaphore(%arg18 : memref<!tpu.dma_semaphore, #tpu.memory_space<semaphore_mem>>)
    %add3A_123 = arith.constant 16 : i32
    %add3A_124 = arith.addi %mul3A_2, %add3A_123 : i32
    %dma_start3A_125 = arith.constant 3 : i32
    %dma_start3A_126 = arith.constant 88 : i32
    %dma_start3A_127 = tpu.memref_slice %arg6[%dma_start3A_126] : memref<256xi32, #tpu.memory_space<vmem>> -> memref<8xi32, #tpu.memory_space<vmem>>
    %dma_start3A_128 = tpu.memref_slice %arg2[%dma_start3A_125, %add3A_124] : memref<4x2048xi32, #tpu.memory_space<hbm>> -> memref<1x8xi32, #tpu.memory_space<hbm>>
    %dma_start3A_129 = tpu.memref_squeeze %dma_start3A_128 : memref<1x8xi32, #tpu.memory_space<hbm>> -> memref<8xi32, #tpu.memory_space<hbm>>
    %dma_start3A_130 = arith.constant 88 : i32
    %dma_start3A_131 = tpu.memref_slice %arg6[%dma_start3A_130] : memref<256xi32, #tpu.memory_space<vmem>> -> memref<8xi32, #tpu.memory_space<vmem>>
    %dma_start3A_132 = tpu.memref_slice %arg2[%dma_start3A_125, %add3A_124] : memref<4x2048xi32, #tpu.memory_space<hbm>> -> memref<1x8xi32, #tpu.memory_space<hbm>>
    %dma_start3A_133 = tpu.memref_squeeze %dma_start3A_132 : memref<1x8xi32, #tpu.memory_space<hbm>> -> memref<8xi32, #tpu.memory_space<hbm>>
    tpu.enqueue_dma source(%dma_start3A_133 : memref<8xi32, #tpu.memory_space<hbm>>) target(%dma_start3A_131 : memref<8xi32, #tpu.memory_space<vmem>>) target_semaphore(%arg18 : memref<!tpu.dma_semaphore, #tpu.memory_space<semaphore_mem>>)
    %add3A_134 = arith.constant 24 : i32
    %add3A_135 = arith.addi %mul3A_2, %add3A_134 : i32
    %dma_start3A_136 = arith.constant 0 : i32
    %dma_start3A_137 = arith.constant 96 : i32
    %dma_start3A_138 = tpu.memref_slice %arg6[%dma_start3A_137] : memref<256xi32, #tpu.memory_space<vmem>> -> memref<8xi32, #tpu.memory_space<vmem>>
    %dma_start3A_139 = tpu.memref_slice %arg2[%dma_start3A_136, %add3A_135] : memref<4x2048xi32, #tpu.memory_space<hbm>> -> memref<1x8xi32, #tpu.memory_space<hbm>>
    %dma_start3A_140 = tpu.memref_squeeze %dma_start3A_139 : memref<1x8xi32, #tpu.memory_space<hbm>> -> memref<8xi32, #tpu.memory_space<hbm>>
    %dma_start3A_141 = arith.constant 96 : i32
    %dma_start3A_142 = tpu.memref_slice %arg6[%dma_start3A_141] : memref<256xi32, #tpu.memory_space<vmem>> -> memref<8xi32, #tpu.memory_space<vmem>>
    %dma_start3A_143 = tpu.memref_slice %arg2[%dma_start3A_136, %add3A_135] : memref<4x2048xi32, #tpu.memory_space<hbm>> -> memref<1x8xi32, #tpu.memory_space<hbm>>
    %dma_start3A_144 = tpu.memref_squeeze %dma_start3A_143 : memref<1x8xi32, #tpu.memory_space<hbm>> -> memref<8xi32, #tpu.memory_space<hbm>>
    tpu.enqueue_dma source(%dma_start3A_144 : memref<8xi32, #tpu.memory_space<hbm>>) target(%dma_start3A_142 : memref<8xi32, #tpu.memory_space<vmem>>) target_semaphore(%arg18 : memref<!tpu.dma_semaphore, #tpu.memory_space<semaphore_mem>>)
    %add3A_145 = arith.constant 24 : i32
    %add3A_146 = arith.addi %mul3A_2, %add3A_145 : i32
    %dma_start3A_147 = arith.constant 1 : i32
    %dma_start3A_148 = arith.constant 104 : i32
    %dma_start3A_149 = tpu.memref_slice %arg6[%dma_start3A_148] : memref<256xi32, #tpu.memory_space<vmem>> -> memref<8xi32, #tpu.memory_space<vmem>>
    %dma_start3A_150 = tpu.memref_slice %arg2[%dma_start3A_147, %add3A_146] : memref<4x2048xi32, #tpu.memory_space<hbm>> -> memref<1x8xi32, #tpu.memory_space<hbm>>
    %dma_start3A_151 = tpu.memref_squeeze %dma_start3A_150 : memref<1x8xi32, #tpu.memory_space<hbm>> -> memref<8xi32, #tpu.memory_space<hbm>>
    %dma_start3A_152 = arith.constant 104 : i32
    %dma_start3A_153 = tpu.memref_slice %arg6[%dma_start3A_152] : memref<256xi32, #tpu.memory_space<vmem>> -> memref<8xi32, #tpu.memory_space<vmem>>
    %dma_start3A_154 = tpu.memref_slice %arg2[%dma_start3A_147, %add3A_146] : memref<4x2048xi32, #tpu.memory_space<hbm>> -> memref<1x8xi32, #tpu.memory_space<hbm>>
    %dma_start3A_155 = tpu.memref_squeeze %dma_start3A_154 : memref<1x8xi32, #tpu.memory_space<hbm>> -> memref<8xi32, #tpu.memory_space<hbm>>
    tpu.enqueue_dma source(%dma_start3A_155 : memref<8xi32, #tpu.memory_space<hbm>>) target(%dma_start3A_153 : memref<8xi32, #tpu.memory_space<vmem>>) target_semaphore(%arg18 : memref<!tpu.dma_semaphore, #tpu.memory_space<semaphore_mem>>)
    %add3A_156 = arith.constant 24 : i32
    %add3A_157 = arith.addi %mul3A_2, %add3A_156 : i32
    %dma_start3A_158 = arith.constant 2 : i32
    %dma_start3A_159 = arith.constant 112 : i32
    %dma_start3A_160 = tpu.memref_slice %arg6[%dma_start3A_159] : memref<256xi32, #tpu.memory_space<vmem>> -> memref<8xi32, #tpu.memory_space<vmem>>
    %dma_start3A_161 = tpu.memref_slice %arg2[%dma_start3A_158, %add3A_157] : memref<4x2048xi32, #tpu.memory_space<hbm>> -> memref<1x8xi32, #tpu.memory_space<hbm>>
    %dma_start3A_162 = tpu.memref_squeeze %dma_start3A_161 : memref<1x8xi32, #tpu.memory_space<hbm>> -> memref<8xi32, #tpu.memory_space<hbm>>
    %dma_start3A_163 = arith.constant 112 : i32
    %dma_start3A_164 = tpu.memref_slice %arg6[%dma_start3A_163] : memref<256xi32, #tpu.memory_space<vmem>> -> memref<8xi32, #tpu.memory_space<vmem>>
    %dma_start3A_165 = tpu.memref_slice %arg2[%dma_start3A_158, %add3A_157] : memref<4x2048xi32, #tpu.memory_space<hbm>> -> memref<1x8xi32, #tpu.memory_space<hbm>>
    %dma_start3A_166 = tpu.memref_squeeze %dma_start3A_165 : memref<1x8xi32, #tpu.memory_space<hbm>> -> memref<8xi32, #tpu.memory_space<hbm>>
    tpu.enqueue_dma source(%dma_start3A_166 : memref<8xi32, #tpu.memory_space<hbm>>) target(%dma_start3A_164 : memref<8xi32, #tpu.memory_space<vmem>>) target_semaphore(%arg18 : memref<!tpu.dma_semaphore, #tpu.memory_space<semaphore_mem>>)
    %add3A_167 = arith.constant 24 : i32
    %add3A_168 = arith.addi %mul3A_2, %add3A_167 : i32
    %dma_start3A_169 = arith.constant 3 : i32
    %dma_start3A_170 = arith.constant 120 : i32
    %dma_start3A_171 = tpu.memref_slice %arg6[%dma_start3A_170] : memref<256xi32, #tpu.memory_space<vmem>> -> memref<8xi32, #tpu.memory_space<vmem>>
    %dma_start3A_172 = tpu.memref_slice %arg2[%dma_start3A_169, %add3A_168] : memref<4x2048xi32, #tpu.memory_space<hbm>> -> memref<1x8xi32, #tpu.memory_space<hbm>>
    %dma_start3A_173 = tpu.memref_squeeze %dma_start3A_172 : memref<1x8xi32, #tpu.memory_space<hbm>> -> memref<8xi32, #tpu.memory_space<hbm>>
    %dma_start3A_174 = arith.constant 120 : i32
    %dma_start3A_175 = tpu.memref_slice %arg6[%dma_start3A_174] : memref<256xi32, #tpu.memory_space<vmem>> -> memref<8xi32, #tpu.memory_space<vmem>>
    %dma_start3A_176 = tpu.memref_slice %arg2[%dma_start3A_169, %add3A_168] : memref<4x2048xi32, #tpu.memory_space<hbm>> -> memref<1x8xi32, #tpu.memory_space<hbm>>
    %dma_start3A_177 = tpu.memref_squeeze %dma_start3A_176 : memref<1x8xi32, #tpu.memory_space<hbm>> -> memref<8xi32, #tpu.memory_space<hbm>>
    tpu.enqueue_dma source(%dma_start3A_177 : memref<8xi32, #tpu.memory_space<hbm>>) target(%dma_start3A_175 : memref<8xi32, #tpu.memory_space<vmem>>) target_semaphore(%arg18 : memref<!tpu.dma_semaphore, #tpu.memory_space<semaphore_mem>>)
    %add3A_178 = arith.constant 32 : i32
    %add3A_179 = arith.addi %mul3A_2, %add3A_178 : i32
    %dma_start3A_180 = arith.constant 0 : i32
    %dma_start3A_181 = arith.constant 128 : i32
    %dma_start3A_182 = tpu.memref_slice %arg6[%dma_start3A_181] : memref<256xi32, #tpu.memory_space<vmem>> -> memref<8xi32, #tpu.memory_space<vmem>>
    %dma_start3A_183 = tpu.memref_slice %arg2[%dma_start3A_180, %add3A_179] : memref<4x2048xi32, #tpu.memory_space<hbm>> -> memref<1x8xi32, #tpu.memory_space<hbm>>
    %dma_start3A_184 = tpu.memref_squeeze %dma_start3A_183 : memref<1x8xi32, #tpu.memory_space<hbm>> -> memref<8xi32, #tpu.memory_space<hbm>>
    %dma_start3A_185 = arith.constant 128 : i32
    %dma_start3A_186 = tpu.memref_slice %arg6[%dma_start3A_185] : memref<256xi32, #tpu.memory_space<vmem>> -> memref<8xi32, #tpu.memory_space<vmem>>
    %dma_start3A_187 = tpu.memref_slice %arg2[%dma_start3A_180, %add3A_179] : memref<4x2048xi32, #tpu.memory_space<hbm>> -> memref<1x8xi32, #tpu.memory_space<hbm>>
    %dma_start3A_188 = tpu.memref_squeeze %dma_start3A_187 : memref<1x8xi32, #tpu.memory_space<hbm>> -> memref<8xi32, #tpu.memory_space<hbm>>
    tpu.enqueue_dma source(%dma_start3A_188 : memref<8xi32, #tpu.memory_space<hbm>>) target(%dma_start3A_186 : memref<8xi32, #tpu.memory_space<vmem>>) target_semaphore(%arg18 : memref<!tpu.dma_semaphore, #tpu.memory_space<semaphore_mem>>)
    %add3A_189 = arith.constant 32 : i32
    %add3A_190 = arith.addi %mul3A_2, %add3A_189 : i32
    %dma_start3A_191 = arith.constant 1 : i32
    %dma_start3A_192 = arith.constant 136 : i32
    %dma_start3A_193 = tpu.memref_slice %arg6[%dma_start3A_192] : memref<256xi32, #tpu.memory_space<vmem>> -> memref<8xi32, #tpu.memory_space<vmem>>
    %dma_start3A_194 = tpu.memref_slice %arg2[%dma_start3A_191, %add3A_190] : memref<4x2048xi32, #tpu.memory_space<hbm>> -> memref<1x8xi32, #tpu.memory_space<hbm>>
    %dma_start3A_195 = tpu.memref_squeeze %dma_start3A_194 : memref<1x8xi32, #tpu.memory_space<hbm>> -> memref<8xi32, #tpu.memory_space<hbm>>
    %dma_start3A_196 = arith.constant 136 : i32
    %dma_start3A_197 = tpu.memref_slice %arg6[%dma_start3A_196] : memref<256xi32, #tpu.memory_space<vmem>> -> memref<8xi32, #tpu.memory_space<vmem>>
    %dma_start3A_198 = tpu.memref_slice %arg2[%dma_start3A_191, %add3A_190] : memref<4x2048xi32, #tpu.memory_space<hbm>> -> memref<1x8xi32, #tpu.memory_space<hbm>>
    %dma_start3A_199 = tpu.memref_squeeze %dma_start3A_198 : memref<1x8xi32, #tpu.memory_space<hbm>> -> memref<8xi32, #tpu.memory_space<hbm>>
    tpu.enqueue_dma source(%dma_start3A_199 : memref<8xi32, #tpu.memory_space<hbm>>) target(%dma_start3A_197 : memref<8xi32, #tpu.memory_space<vmem>>) target_semaphore(%arg18 : memref<!tpu.dma_semaphore, #tpu.memory_space<semaphore_mem>>)
    %add3A_200 = arith.constant 32 : i32
    %add3A_201 = arith.addi %mul3A_2, %add3A_200 : i32
    %dma_start3A_202 = arith.constant 2 : i32
    %dma_start3A_203 = arith.constant 144 : i32
    %dma_start3A_204 = tpu.memref_slice %arg6[%dma_start3A_203] : memref<256xi32, #tpu.memory_space<vmem>> -> memref<8xi32, #tpu.memory_space<vmem>>
    %dma_start3A_205 = tpu.memref_slice %arg2[%dma_start3A_202, %add3A_201] : memref<4x2048xi32, #tpu.memory_space<hbm>> -> memref<1x8xi32, #tpu.memory_space<hbm>>
    %dma_start3A_206 = tpu.memref_squeeze %dma_start3A_205 : memref<1x8xi32, #tpu.memory_space<hbm>> -> memref<8xi32, #tpu.memory_space<hbm>>
    %dma_start3A_207 = arith.constant 144 : i32
    %dma_start3A_208 = tpu.memref_slice %arg6[%dma_start3A_207] : memref<256xi32, #tpu.memory_space<vmem>> -> memref<8xi32, #tpu.memory_space<vmem>>
    %dma_start3A_209 = tpu.memref_slice %arg2[%dma_start3A_202, %add3A_201] : memref<4x2048xi32, #tpu.memory_space<hbm>> -> memref<1x8xi32, #tpu.memory_space<hbm>>
    %dma_start3A_210 = tpu.memref_squeeze %dma_start3A_209 : memref<1x8xi32, #tpu.memory_space<hbm>> -> memref<8xi32, #tpu.memory_space<hbm>>
    tpu.enqueue_dma source(%dma_start3A_210 : memref<8xi32, #tpu.memory_space<hbm>>) target(%dma_start3A_208 : memref<8xi32, #tpu.memory_space<vmem>>) target_semaphore(%arg18 : memref<!tpu.dma_semaphore, #tpu.memory_space<semaphore_mem>>)
    %add3A_211 = arith.constant 32 : i32
    %add3A_212 = arith.addi %mul3A_2, %add3A_211 : i32
    %dma_start3A_213 = arith.constant 3 : i32
    %dma_start3A_214 = arith.constant 152 : i32
    %dma_start3A_215 = tpu.memref_slice %arg6[%dma_start3A_214] : memref<256xi32, #tpu.memory_space<vmem>> -> memref<8xi32, #tpu.memory_space<vmem>>
    %dma_start3A_216 = tpu.memref_slice %arg2[%dma_start3A_213, %add3A_212] : memref<4x2048xi32, #tpu.memory_space<hbm>> -> memref<1x8xi32, #tpu.memory_space<hbm>>
    %dma_start3A_217 = tpu.memref_squeeze %dma_start3A_216 : memref<1x8xi32, #tpu.memory_space<hbm>> -> memref<8xi32, #tpu.memory_space<hbm>>
    %dma_start3A_218 = arith.constant 152 : i32
    %dma_start3A_219 = tpu.memref_slice %arg6[%dma_start3A_218] : memref<256xi32, #tpu.memory_space<vmem>> -> memref<8xi32, #tpu.memory_space<vmem>>
    %dma_start3A_220 = tpu.memref_slice %arg2[%dma_start3A_213, %add3A_212] : memref<4x2048xi32, #tpu.memory_space<hbm>> -> memref<1x8xi32, #tpu.memory_space<hbm>>
    %dma_start3A_221 = tpu.memref_squeeze %dma_start3A_220 : memref<1x8xi32, #tpu.memory_space<hbm>> -> memref<8xi32, #tpu.memory_space<hbm>>
    tpu.enqueue_dma source(%dma_start3A_221 : memref<8xi32, #tpu.memory_space<hbm>>) target(%dma_start3A_219 : memref<8xi32, #tpu.memory_space<vmem>>) target_semaphore(%arg18 : memref<!tpu.dma_semaphore, #tpu.memory_space<semaphore_mem>>)
    %add3A_222 = arith.constant 40 : i32
    %add3A_223 = arith.addi %mul3A_2, %add3A_222 : i32
    %dma_start3A_224 = arith.constant 0 : i32
    %dma_start3A_225 = arith.constant 160 : i32
    %dma_start3A_226 = tpu.memref_slice %arg6[%dma_start3A_225] : memref<256xi32, #tpu.memory_space<vmem>> -> memref<8xi32, #tpu.memory_space<vmem>>
    %dma_start3A_227 = tpu.memref_slice %arg2[%dma_start3A_224, %add3A_223] : memref<4x2048xi32, #tpu.memory_space<hbm>> -> memref<1x8xi32, #tpu.memory_space<hbm>>
    %dma_start3A_228 = tpu.memref_squeeze %dma_start3A_227 : memref<1x8xi32, #tpu.memory_space<hbm>> -> memref<8xi32, #tpu.memory_space<hbm>>
    %dma_start3A_229 = arith.constant 160 : i32
    %dma_start3A_230 = tpu.memref_slice %arg6[%dma_start3A_229] : memref<256xi32, #tpu.memory_space<vmem>> -> memref<8xi32, #tpu.memory_space<vmem>>
    %dma_start3A_231 = tpu.memref_slice %arg2[%dma_start3A_224, %add3A_223] : memref<4x2048xi32, #tpu.memory_space<hbm>> -> memref<1x8xi32, #tpu.memory_space<hbm>>
    %dma_start3A_232 = tpu.memref_squeeze %dma_start3A_231 : memref<1x8xi32, #tpu.memory_space<hbm>> -> memref<8xi32, #tpu.memory_space<hbm>>
    tpu.enqueue_dma source(%dma_start3A_232 : memref<8xi32, #tpu.memory_space<hbm>>) target(%dma_start3A_230 : memref<8xi32, #tpu.memory_space<vmem>>) target_semaphore(%arg18 : memref<!tpu.dma_semaphore, #tpu.memory_space<semaphore_mem>>)
    %add3A_233 = arith.constant 40 : i32
    %add3A_234 = arith.addi %mul3A_2, %add3A_233 : i32
    %dma_start3A_235 = arith.constant 1 : i32
    %dma_start3A_236 = arith.constant 168 : i32
    %dma_start3A_237 = tpu.memref_slice %arg6[%dma_start3A_236] : memref<256xi32, #tpu.memory_space<vmem>> -> memref<8xi32, #tpu.memory_space<vmem>>
    %dma_start3A_238 = tpu.memref_slice %arg2[%dma_start3A_235, %add3A_234] : memref<4x2048xi32, #tpu.memory_space<hbm>> -> memref<1x8xi32, #tpu.memory_space<hbm>>
    %dma_start3A_239 = tpu.memref_squeeze %dma_start3A_238 : memref<1x8xi32, #tpu.memory_space<hbm>> -> memref<8xi32, #tpu.memory_space<hbm>>
    %dma_start3A_240 = arith.constant 168 : i32
    %dma_start3A_241 = tpu.memref_slice %arg6[%dma_start3A_240] : memref<256xi32, #tpu.memory_space<vmem>> -> memref<8xi32, #tpu.memory_space<vmem>>
    %dma_start3A_242 = tpu.memref_slice %arg2[%dma_start3A_235, %add3A_234] : memref<4x2048xi32, #tpu.memory_space<hbm>> -> memref<1x8xi32, #tpu.memory_space<hbm>>
    %dma_start3A_243 = tpu.memref_squeeze %dma_start3A_242 : memref<1x8xi32, #tpu.memory_space<hbm>> -> memref<8xi32, #tpu.memory_space<hbm>>
    tpu.enqueue_dma source(%dma_start3A_243 : memref<8xi32, #tpu.memory_space<hbm>>) target(%dma_start3A_241 : memref<8xi32, #tpu.memory_space<vmem>>) target_semaphore(%arg18 : memref<!tpu.dma_semaphore, #tpu.memory_space<semaphore_mem>>)
    %add3A_244 = arith.constant 40 : i32
    %add3A_245 = arith.addi %mul3A_2, %add3A_244 : i32
    %dma_start3A_246 = arith.constant 2 : i32
    %dma_start3A_247 = arith.constant 176 : i32
    %dma_start3A_248 = tpu.memref_slice %arg6[%dma_start3A_247] : memref<256xi32, #tpu.memory_space<vmem>> -> memref<8xi32, #tpu.memory_space<vmem>>
    %dma_start3A_249 = tpu.memref_slice %arg2[%dma_start3A_246, %add3A_245] : memref<4x2048xi32, #tpu.memory_space<hbm>> -> memref<1x8xi32, #tpu.memory_space<hbm>>
    %dma_start3A_250 = tpu.memref_squeeze %dma_start3A_249 : memref<1x8xi32, #tpu.memory_space<hbm>> -> memref<8xi32, #tpu.memory_space<hbm>>
    %dma_start3A_251 = arith.constant 176 : i32
    %dma_start3A_252 = tpu.memref_slice %arg6[%dma_start3A_251] : memref<256xi32, #tpu.memory_space<vmem>> -> memref<8xi32, #tpu.memory_space<vmem>>
    %dma_start3A_253 = tpu.memref_slice %arg2[%dma_start3A_246, %add3A_245] : memref<4x2048xi32, #tpu.memory_space<hbm>> -> memref<1x8xi32, #tpu.memory_space<hbm>>
    %dma_start3A_254 = tpu.memref_squeeze %dma_start3A_253 : memref<1x8xi32, #tpu.memory_space<hbm>> -> memref<8xi32, #tpu.memory_space<hbm>>
    tpu.enqueue_dma source(%dma_start3A_254 : memref<8xi32, #tpu.memory_space<hbm>>) target(%dma_start3A_252 : memref<8xi32, #tpu.memory_space<vmem>>) target_semaphore(%arg18 : memref<!tpu.dma_semaphore, #tpu.memory_space<semaphore_mem>>)
    %add3A_255 = arith.constant 40 : i32
    %add3A_256 = arith.addi %mul3A_2, %add3A_255 : i32
    %dma_start3A_257 = arith.constant 3 : i32
    %dma_start3A_258 = arith.constant 184 : i32
    %dma_start3A_259 = tpu.memref_slice %arg6[%dma_start3A_258] : memref<256xi32, #tpu.memory_space<vmem>> -> memref<8xi32, #tpu.memory_space<vmem>>
    %dma_start3A_260 = tpu.memref_slice %arg2[%dma_start3A_257, %add3A_256] : memref<4x2048xi32, #tpu.memory_space<hbm>> -> memref<1x8xi32, #tpu.memory_space<hbm>>
    %dma_start3A_261 = tpu.memref_squeeze %dma_start3A_260 : memref<1x8xi32, #tpu.memory_space<hbm>> -> memref<8xi32, #tpu.memory_space<hbm>>
    %dma_start3A_262 = arith.constant 184 : i32
    %dma_start3A_263 = tpu.memref_slice %arg6[%dma_start3A_262] : memref<256xi32, #tpu.memory_space<vmem>> -> memref<8xi32, #tpu.memory_space<vmem>>
    %dma_start3A_264 = tpu.memref_slice %arg2[%dma_start3A_257, %add3A_256] : memref<4x2048xi32, #tpu.memory_space<hbm>> -> memref<1x8xi32, #tpu.memory_space<hbm>>
    %dma_start3A_265 = tpu.memref_squeeze %dma_start3A_264 : memref<1x8xi32, #tpu.memory_space<hbm>> -> memref<8xi32, #tpu.memory_space<hbm>>
    tpu.enqueue_dma source(%dma_start3A_265 : memref<8xi32, #tpu.memory_space<hbm>>) target(%dma_start3A_263 : memref<8xi32, #tpu.memory_space<vmem>>) target_semaphore(%arg18 : memref<!tpu.dma_semaphore, #tpu.memory_space<semaphore_mem>>)
    %add3A_266 = arith.constant 48 : i32
    %add3A_267 = arith.addi %mul3A_2, %add3A_266 : i32
    %dma_start3A_268 = arith.constant 0 : i32
    %dma_start3A_269 = arith.constant 192 : i32
    %dma_start3A_270 = tpu.memref_slice %arg6[%dma_start3A_269] : memref<256xi32, #tpu.memory_space<vmem>> -> memref<8xi32, #tpu.memory_space<vmem>>
    %dma_start3A_271 = tpu.memref_slice %arg2[%dma_start3A_268, %add3A_267] : memref<4x2048xi32, #tpu.memory_space<hbm>> -> memref<1x8xi32, #tpu.memory_space<hbm>>
    %dma_start3A_272 = tpu.memref_squeeze %dma_start3A_271 : memref<1x8xi32, #tpu.memory_space<hbm>> -> memref<8xi32, #tpu.memory_space<hbm>>
    %dma_start3A_273 = arith.constant 192 : i32
    %dma_start3A_274 = tpu.memref_slice %arg6[%dma_start3A_273] : memref<256xi32, #tpu.memory_space<vmem>> -> memref<8xi32, #tpu.memory_space<vmem>>
    %dma_start3A_275 = tpu.memref_slice %arg2[%dma_start3A_268, %add3A_267] : memref<4x2048xi32, #tpu.memory_space<hbm>> -> memref<1x8xi32, #tpu.memory_space<hbm>>
    %dma_start3A_276 = tpu.memref_squeeze %dma_start3A_275 : memref<1x8xi32, #tpu.memory_space<hbm>> -> memref<8xi32, #tpu.memory_space<hbm>>
    tpu.enqueue_dma source(%dma_start3A_276 : memref<8xi32, #tpu.memory_space<hbm>>) target(%dma_start3A_274 : memref<8xi32, #tpu.memory_space<vmem>>) target_semaphore(%arg18 : memref<!tpu.dma_semaphore, #tpu.memory_space<semaphore_mem>>)
    %add3A_277 = arith.constant 48 : i32
    %add3A_278 = arith.addi %mul3A_2, %add3A_277 : i32
    %dma_start3A_279 = arith.constant 1 : i32
    %dma_start3A_280 = arith.constant 200 : i32
    %dma_start3A_281 = tpu.memref_slice %arg6[%dma_start3A_280] : memref<256xi32, #tpu.memory_space<vmem>> -> memref<8xi32, #tpu.memory_space<vmem>>
    %dma_start3A_282 = tpu.memref_slice %arg2[%dma_start3A_279, %add3A_278] : memref<4x2048xi32, #tpu.memory_space<hbm>> -> memref<1x8xi32, #tpu.memory_space<hbm>>
    %dma_start3A_283 = tpu.memref_squeeze %dma_start3A_282 : memref<1x8xi32, #tpu.memory_space<hbm>> -> memref<8xi32, #tpu.memory_space<hbm>>
    %dma_start3A_284 = arith.constant 200 : i32
    %dma_start3A_285 = tpu.memref_slice %arg6[%dma_start3A_284] : memref<256xi32, #tpu.memory_space<vmem>> -> memref<8xi32, #tpu.memory_space<vmem>>
    %dma_start3A_286 = tpu.memref_slice %arg2[%dma_start3A_279, %add3A_278] : memref<4x2048xi32, #tpu.memory_space<hbm>> -> memref<1x8xi32, #tpu.memory_space<hbm>>
    %dma_start3A_287 = tpu.memref_squeeze %dma_start3A_286 : memref<1x8xi32, #tpu.memory_space<hbm>> -> memref<8xi32, #tpu.memory_space<hbm>>
    tpu.enqueue_dma source(%dma_start3A_287 : memref<8xi32, #tpu.memory_space<hbm>>) target(%dma_start3A_285 : memref<8xi32, #tpu.memory_space<vmem>>) target_semaphore(%arg18 : memref<!tpu.dma_semaphore, #tpu.memory_space<semaphore_mem>>)
    %add3A_288 = arith.constant 48 : i32
    %add3A_289 = arith.addi %mul3A_2, %add3A_288 : i32
    %dma_start3A_290 = arith.constant 2 : i32
    %dma_start3A_291 = arith.constant 208 : i32
    %dma_start3A_292 = tpu.memref_slice %arg6[%dma_start3A_291] : memref<256xi32, #tpu.memory_space<vmem>> -> memref<8xi32, #tpu.memory_space<vmem>>
    %dma_start3A_293 = tpu.memref_slice %arg2[%dma_start3A_290, %add3A_289] : memref<4x2048xi32, #tpu.memory_space<hbm>> -> memref<1x8xi32, #tpu.memory_space<hbm>>
    %dma_start3A_294 = tpu.memref_squeeze %dma_start3A_293 : memref<1x8xi32, #tpu.memory_space<hbm>> -> memref<8xi32, #tpu.memory_space<hbm>>
    %dma_start3A_295 = arith.constant 208 : i32
    %dma_start3A_296 = tpu.memref_slice %arg6[%dma_start3A_295] : memref<256xi32, #tpu.memory_space<vmem>> -> memref<8xi32, #tpu.memory_space<vmem>>
    %dma_start3A_297 = tpu.memref_slice %arg2[%dma_start3A_290, %add3A_289] : memref<4x2048xi32, #tpu.memory_space<hbm>> -> memref<1x8xi32, #tpu.memory_space<hbm>>
    %dma_start3A_298 = tpu.memref_squeeze %dma_start3A_297 : memref<1x8xi32, #tpu.memory_space<hbm>> -> memref<8xi32, #tpu.memory_space<hbm>>
    tpu.enqueue_dma source(%dma_start3A_298 : memref<8xi32, #tpu.memory_space<hbm>>) target(%dma_start3A_296 : memref<8xi32, #tpu.memory_space<vmem>>) target_semaphore(%arg18 : memref<!tpu.dma_semaphore, #tpu.memory_space<semaphore_mem>>)
    %add3A_299 = arith.constant 48 : i32
    %add3A_300 = arith.addi %mul3A_2, %add3A_299 : i32
    %dma_start3A_301 = arith.constant 3 : i32
    %dma_start3A_302 = arith.constant 216 : i32
    %dma_start3A_303 = tpu.memref_slice %arg6[%dma_start3A_302] : memref<256xi32, #tpu.memory_space<vmem>> -> memref<8xi32, #tpu.memory_space<vmem>>
    %dma_start3A_304 = tpu.memref_slice %arg2[%dma_start3A_301, %add3A_300] : memref<4x2048xi32, #tpu.memory_space<hbm>> -> memref<1x8xi32, #tpu.memory_space<hbm>>
    %dma_start3A_305 = tpu.memref_squeeze %dma_start3A_304 : memref<1x8xi32, #tpu.memory_space<hbm>> -> memref<8xi32, #tpu.memory_space<hbm>>
    %dma_start3A_306 = arith.constant 216 : i32
    %dma_start3A_307 = tpu.memref_slice %arg6[%dma_start3A_306] : memref<256xi32, #tpu.memory_space<vmem>> -> memref<8xi32, #tpu.memory_space<vmem>>
    %dma_start3A_308 = tpu.memref_slice %arg2[%dma_start3A_301, %add3A_300] : memref<4x2048xi32, #tpu.memory_space<hbm>> -> memref<1x8xi32, #tpu.memory_space<hbm>>
    %dma_start3A_309 = tpu.memref_squeeze %dma_start3A_308 : memref<1x8xi32, #tpu.memory_space<hbm>> -> memref<8xi32, #tpu.memory_space<hbm>>
    tpu.enqueue_dma source(%dma_start3A_309 : memref<8xi32, #tpu.memory_space<hbm>>) target(%dma_start3A_307 : memref<8xi32, #tpu.memory_space<vmem>>) target_semaphore(%arg18 : memref<!tpu.dma_semaphore, #tpu.memory_space<semaphore_mem>>)
    %add3A_310 = arith.constant 56 : i32
    %add3A_311 = arith.addi %mul3A_2, %add3A_310 : i32
    %dma_start3A_312 = arith.constant 0 : i32
    %dma_start3A_313 = arith.constant 224 : i32
    %dma_start3A_314 = tpu.memref_slice %arg6[%dma_start3A_313] : memref<256xi32, #tpu.memory_space<vmem>> -> memref<8xi32, #tpu.memory_space<vmem>>
    %dma_start3A_315 = tpu.memref_slice %arg2[%dma_start3A_312, %add3A_311] : memref<4x2048xi32, #tpu.memory_space<hbm>> -> memref<1x8xi32, #tpu.memory_space<hbm>>
    %dma_start3A_316 = tpu.memref_squeeze %dma_start3A_315 : memref<1x8xi32, #tpu.memory_space<hbm>> -> memref<8xi32, #tpu.memory_space<hbm>>
    %dma_start3A_317 = arith.constant 224 : i32
    %dma_start3A_318 = tpu.memref_slice %arg6[%dma_start3A_317] : memref<256xi32, #tpu.memory_space<vmem>> -> memref<8xi32, #tpu.memory_space<vmem>>
    %dma_start3A_319 = tpu.memref_slice %arg2[%dma_start3A_312, %add3A_311] : memref<4x2048xi32, #tpu.memory_space<hbm>> -> memref<1x8xi32, #tpu.memory_space<hbm>>
    %dma_start3A_320 = tpu.memref_squeeze %dma_start3A_319 : memref<1x8xi32, #tpu.memory_space<hbm>> -> memref<8xi32, #tpu.memory_space<hbm>>
    tpu.enqueue_dma source(%dma_start3A_320 : memref<8xi32, #tpu.memory_space<hbm>>) target(%dma_start3A_318 : memref<8xi32, #tpu.memory_space<vmem>>) target_semaphore(%arg18 : memref<!tpu.dma_semaphore, #tpu.memory_space<semaphore_mem>>)
    %add3A_321 = arith.constant 56 : i32
    %add3A_322 = arith.addi %mul3A_2, %add3A_321 : i32
    %dma_start3A_323 = arith.constant 1 : i32
    %dma_start3A_324 = arith.constant 232 : i32
    %dma_start3A_325 = tpu.memref_slice %arg6[%dma_start3A_324] : memref<256xi32, #tpu.memory_space<vmem>> -> memref<8xi32, #tpu.memory_space<vmem>>
    %dma_start3A_326 = tpu.memref_slice %arg2[%dma_start3A_323, %add3A_322] : memref<4x2048xi32, #tpu.memory_space<hbm>> -> memref<1x8xi32, #tpu.memory_space<hbm>>
    %dma_start3A_327 = tpu.memref_squeeze %dma_start3A_326 : memref<1x8xi32, #tpu.memory_space<hbm>> -> memref<8xi32, #tpu.memory_space<hbm>>
    %dma_start3A_328 = arith.constant 232 : i32
    %dma_start3A_329 = tpu.memref_slice %arg6[%dma_start3A_328] : memref<256xi32, #tpu.memory_space<vmem>> -> memref<8xi32, #tpu.memory_space<vmem>>
    %dma_start3A_330 = tpu.memref_slice %arg2[%dma_start3A_323, %add3A_322] : memref<4x2048xi32, #tpu.memory_space<hbm>> -> memref<1x8xi32, #tpu.memory_space<hbm>>
    %dma_start3A_331 = tpu.memref_squeeze %dma_start3A_330 : memref<1x8xi32, #tpu.memory_space<hbm>> -> memref<8xi32, #tpu.memory_space<hbm>>
    tpu.enqueue_dma source(%dma_start3A_331 : memref<8xi32, #tpu.memory_space<hbm>>) target(%dma_start3A_329 : memref<8xi32, #tpu.memory_space<vmem>>) target_semaphore(%arg18 : memref<!tpu.dma_semaphore, #tpu.memory_space<semaphore_mem>>)
    %add3A_332 = arith.constant 56 : i32
    %add3A_333 = arith.addi %mul3A_2, %add3A_332 : i32
    %dma_start3A_334 = arith.constant 2 : i32
    %dma_start3A_335 = arith.constant 240 : i32
    %dma_start3A_336 = tpu.memref_slice %arg6[%dma_start3A_335] : memref<256xi32, #tpu.memory_space<vmem>> -> memref<8xi32, #tpu.memory_space<vmem>>
    %dma_start3A_337 = tpu.memref_slice %arg2[%dma_start3A_334, %add3A_333] : memref<4x2048xi32, #tpu.memory_space<hbm>> -> memref<1x8xi32, #tpu.memory_space<hbm>>
    %dma_start3A_338 = tpu.memref_squeeze %dma_start3A_337 : memref<1x8xi32, #tpu.memory_space<hbm>> -> memref<8xi32, #tpu.memory_space<hbm>>
    %dma_start3A_339 = arith.constant 240 : i32
    %dma_start3A_340 = tpu.memref_slice %arg6[%dma_start3A_339] : memref<256xi32, #tpu.memory_space<vmem>> -> memref<8xi32, #tpu.memory_space<vmem>>
    %dma_start3A_341 = tpu.memref_slice %arg2[%dma_start3A_334, %add3A_333] : memref<4x2048xi32, #tpu.memory_space<hbm>> -> memref<1x8xi32, #tpu.memory_space<hbm>>
    %dma_start3A_342 = tpu.memref_squeeze %dma_start3A_341 : memref<1x8xi32, #tpu.memory_space<hbm>> -> memref<8xi32, #tpu.memory_space<hbm>>
    tpu.enqueue_dma source(%dma_start3A_342 : memref<8xi32, #tpu.memory_space<hbm>>) target(%dma_start3A_340 : memref<8xi32, #tpu.memory_space<vmem>>) target_semaphore(%arg18 : memref<!tpu.dma_semaphore, #tpu.memory_space<semaphore_mem>>)
    %add3A_343 = arith.constant 56 : i32
    %add3A_344 = arith.addi %mul3A_2, %add3A_343 : i32
    %dma_start3A_345 = arith.constant 3 : i32
    %dma_start3A_346 = arith.constant 248 : i32
    %dma_start3A_347 = tpu.memref_slice %arg6[%dma_start3A_346] : memref<256xi32, #tpu.memory_space<vmem>> -> memref<8xi32, #tpu.memory_space<vmem>>
    %dma_start3A_348 = tpu.memref_slice %arg2[%dma_start3A_345, %add3A_344] : memref<4x2048xi32, #tpu.memory_space<hbm>> -> memref<1x8xi32, #tpu.memory_space<hbm>>
    %dma_start3A_349 = tpu.memref_squeeze %dma_start3A_348 : memref<1x8xi32, #tpu.memory_space<hbm>> -> memref<8xi32, #tpu.memory_space<hbm>>
    %dma_start3A_350 = arith.constant 248 : i32
    %dma_start3A_351 = tpu.memref_slice %arg6[%dma_start3A_350] : memref<256xi32, #tpu.memory_space<vmem>> -> memref<8xi32, #tpu.memory_space<vmem>>
    %dma_start3A_352 = tpu.memref_slice %arg2[%dma_start3A_345, %add3A_344] : memref<4x2048xi32, #tpu.memory_space<hbm>> -> memref<1x8xi32, #tpu.memory_space<hbm>>
    %dma_start3A_353 = tpu.memref_squeeze %dma_start3A_352 : memref<1x8xi32, #tpu.memory_space<hbm>> -> memref<8xi32, #tpu.memory_space<hbm>>
    tpu.enqueue_dma source(%dma_start3A_353 : memref<8xi32, #tpu.memory_space<hbm>>) target(%dma_start3A_351 : memref<8xi32, #tpu.memory_space<vmem>>) target_semaphore(%arg18 : memref<!tpu.dma_semaphore, #tpu.memory_space<semaphore_mem>>)
    %dma_wait3A = arith.constant 0 : i32
    %dma_wait3A_354 = arith.constant 0 : i32
    %dma_wait3A_355 = tpu.memref_slice %arg6[%dma_wait3A_354] : memref<256xi32, #tpu.memory_space<vmem>> -> memref<8xi32, #tpu.memory_space<vmem>>
    %dma_wait3A_356 = tpu.memref_slice %arg2[%dma_wait3A, %add3A_4] : memref<4x2048xi32, #tpu.memory_space<hbm>> -> memref<1x8xi32, #tpu.memory_space<hbm>>
    %dma_wait3A_357 = tpu.memref_squeeze %dma_wait3A_356 : memref<1x8xi32, #tpu.memory_space<hbm>> -> memref<8xi32, #tpu.memory_space<hbm>>
    %dma_wait3A_358 = arith.constant 0 : i32
    %dma_wait3A_359 = tpu.memref_slice %arg6[%dma_wait3A_358] : memref<256xi32, #tpu.memory_space<vmem>> -> memref<8xi32, #tpu.memory_space<vmem>>
    %dma_wait3A_360 = tpu.memref_slice %arg2[%dma_wait3A, %add3A_4] : memref<4x2048xi32, #tpu.memory_space<hbm>> -> memref<1x8xi32, #tpu.memory_space<hbm>>
    %dma_wait3A_361 = tpu.memref_squeeze %dma_wait3A_360 : memref<1x8xi32, #tpu.memory_space<hbm>> -> memref<8xi32, #tpu.memory_space<hbm>>
    tpu.wait_dma2 semaphore(%arg18 : memref<!tpu.dma_semaphore, #tpu.memory_space<semaphore_mem>>) src(%dma_wait3A_361 : memref<8xi32, #tpu.memory_space<hbm>>) dst(%dma_wait3A_359 : memref<8xi32, #tpu.memory_space<vmem>>)
    %dma_wait3A_362 = arith.constant 1 : i32
    %dma_wait3A_363 = arith.constant 8 : i32
    %dma_wait3A_364 = tpu.memref_slice %arg6[%dma_wait3A_363] : memref<256xi32, #tpu.memory_space<vmem>> -> memref<8xi32, #tpu.memory_space<vmem>>
    %dma_wait3A_365 = tpu.memref_slice %arg2[%dma_wait3A_362, %add3A_14] : memref<4x2048xi32, #tpu.memory_space<hbm>> -> memref<1x8xi32, #tpu.memory_space<hbm>>
    %dma_wait3A_366 = tpu.memref_squeeze %dma_wait3A_365 : memref<1x8xi32, #tpu.memory_space<hbm>> -> memref<8xi32, #tpu.memory_space<hbm>>
    %dma_wait3A_367 = arith.constant 8 : i32
    %dma_wait3A_368 = tpu.memref_slice %arg6[%dma_wait3A_367] : memref<256xi32, #tpu.memory_space<vmem>> -> memref<8xi32, #tpu.memory_space<vmem>>
    %dma_wait3A_369 = tpu.memref_slice %arg2[%dma_wait3A_362, %add3A_14] : memref<4x2048xi32, #tpu.memory_space<hbm>> -> memref<1x8xi32, #tpu.memory_space<hbm>>
    %dma_wait3A_370 = tpu.memref_squeeze %dma_wait3A_369 : memref<1x8xi32, #tpu.memory_space<hbm>> -> memref<8xi32, #tpu.memory_space<hbm>>
    tpu.wait_dma2 semaphore(%arg18 : memref<!tpu.dma_semaphore, #tpu.memory_space<semaphore_mem>>) src(%dma_wait3A_370 : memref<8xi32, #tpu.memory_space<hbm>>) dst(%dma_wait3A_368 : memref<8xi32, #tpu.memory_space<vmem>>)
    %dma_wait3A_371 = arith.constant 2 : i32
    %dma_wait3A_372 = arith.constant 16 : i32
    %dma_wait3A_373 = tpu.memref_slice %arg6[%dma_wait3A_372] : memref<256xi32, #tpu.memory_space<vmem>> -> memref<8xi32, #tpu.memory_space<vmem>>
    %dma_wait3A_374 = tpu.memref_slice %arg2[%dma_wait3A_371, %add3A_25] : memref<4x2048xi32, #tpu.memory_space<hbm>> -> memref<1x8xi32, #tpu.memory_space<hbm>>
    %dma_wait3A_375 = tpu.memref_squeeze %dma_wait3A_374 : memref<1x8xi32, #tpu.memory_space<hbm>> -> memref<8xi32, #tpu.memory_space<hbm>>
    %dma_wait3A_376 = arith.constant 16 : i32
    %dma_wait3A_377 = tpu.memref_slice %arg6[%dma_wait3A_376] : memref<256xi32, #tpu.memory_space<vmem>> -> memref<8xi32, #tpu.memory_space<vmem>>
    %dma_wait3A_378 = tpu.memref_slice %arg2[%dma_wait3A_371, %add3A_25] : memref<4x2048xi32, #tpu.memory_space<hbm>> -> memref<1x8xi32, #tpu.memory_space<hbm>>
    %dma_wait3A_379 = tpu.memref_squeeze %dma_wait3A_378 : memref<1x8xi32, #tpu.memory_space<hbm>> -> memref<8xi32, #tpu.memory_space<hbm>>
    tpu.wait_dma2 semaphore(%arg18 : memref<!tpu.dma_semaphore, #tpu.memory_space<semaphore_mem>>) src(%dma_wait3A_379 : memref<8xi32, #tpu.memory_space<hbm>>) dst(%dma_wait3A_377 : memref<8xi32, #tpu.memory_space<vmem>>)
    %dma_wait3A_380 = arith.constant 3 : i32
    %dma_wait3A_381 = arith.constant 24 : i32
    %dma_wait3A_382 = tpu.memref_slice %arg6[%dma_wait3A_381] : memref<256xi32, #tpu.memory_space<vmem>> -> memref<8xi32, #tpu.memory_space<vmem>>
    %dma_wait3A_383 = tpu.memref_slice %arg2[%dma_wait3A_380, %add3A_36] : memref<4x2048xi32, #tpu.memory_space<hbm>> -> memref<1x8xi32, #tpu.memory_space<hbm>>
    %dma_wait3A_384 = tpu.memref_squeeze %dma_wait3A_383 : memref<1x8xi32, #tpu.memory_space<hbm>> -> memref<8xi32, #tpu.memory_space<hbm>>
    %dma_wait3A_385 = arith.constant 24 : i32
    %dma_wait3A_386 = tpu.memref_slice %arg6[%dma_wait3A_385] : memref<256xi32, #tpu.memory_space<vmem>> -> memref<8xi32, #tpu.memory_space<vmem>>
    %dma_wait3A_387 = tpu.memref_slice %arg2[%dma_wait3A_380, %add3A_36] : memref<4x2048xi32, #tpu.memory_space<hbm>> -> memref<1x8xi32, #tpu.memory_space<hbm>>
    %dma_wait3A_388 = tpu.memref_squeeze %dma_wait3A_387 : memref<1x8xi32, #tpu.memory_space<hbm>> -> memref<8xi32, #tpu.memory_space<hbm>>
    tpu.wait_dma2 semaphore(%arg18 : memref<!tpu.dma_semaphore, #tpu.memory_space<semaphore_mem>>) src(%dma_wait3A_388 : memref<8xi32, #tpu.memory_space<hbm>>) dst(%dma_wait3A_386 : memref<8xi32, #tpu.memory_space<vmem>>)
    %dma_wait3A_389 = arith.constant 0 : i32
    %dma_wait3A_390 = arith.constant 32 : i32
    %dma_wait3A_391 = tpu.memref_slice %arg6[%dma_wait3A_390] : memref<256xi32, #tpu.memory_space<vmem>> -> memref<8xi32, #tpu.memory_space<vmem>>
    %dma_wait3A_392 = tpu.memref_slice %arg2[%dma_wait3A_389, %add3A_47] : memref<4x2048xi32, #tpu.memory_space<hbm>> -> memref<1x8xi32, #tpu.memory_space<hbm>>
    %dma_wait3A_393 = tpu.memref_squeeze %dma_wait3A_392 : memref<1x8xi32, #tpu.memory_space<hbm>> -> memref<8xi32, #tpu.memory_space<hbm>>
    %dma_wait3A_394 = arith.constant 32 : i32
    %dma_wait3A_395 = tpu.memref_slice %arg6[%dma_wait3A_394] : memref<256xi32, #tpu.memory_space<vmem>> -> memref<8xi32, #tpu.memory_space<vmem>>
    %dma_wait3A_396 = tpu.memref_slice %arg2[%dma_wait3A_389, %add3A_47] : memref<4x2048xi32, #tpu.memory_space<hbm>> -> memref<1x8xi32, #tpu.memory_space<hbm>>
    %dma_wait3A_397 = tpu.memref_squeeze %dma_wait3A_396 : memref<1x8xi32, #tpu.memory_space<hbm>> -> memref<8xi32, #tpu.memory_space<hbm>>
    tpu.wait_dma2 semaphore(%arg18 : memref<!tpu.dma_semaphore, #tpu.memory_space<semaphore_mem>>) src(%dma_wait3A_397 : memref<8xi32, #tpu.memory_space<hbm>>) dst(%dma_wait3A_395 : memref<8xi32, #tpu.memory_space<vmem>>)
    %dma_wait3A_398 = arith.constant 1 : i32
    %dma_wait3A_399 = arith.constant 40 : i32
    %dma_wait3A_400 = tpu.memref_slice %arg6[%dma_wait3A_399] : memref<256xi32, #tpu.memory_space<vmem>> -> memref<8xi32, #tpu.memory_space<vmem>>
    %dma_wait3A_401 = tpu.memref_slice %arg2[%dma_wait3A_398, %add3A_58] : memref<4x2048xi32, #tpu.memory_space<hbm>> -> memref<1x8xi32, #tpu.memory_space<hbm>>
    %dma_wait3A_402 = tpu.memref_squeeze %dma_wait3A_401 : memref<1x8xi32, #tpu.memory_space<hbm>> -> memref<8xi32, #tpu.memory_space<hbm>>
    %dma_wait3A_403 = arith.constant 40 : i32
    %dma_wait3A_404 = tpu.memref_slice %arg6[%dma_wait3A_403] : memref<256xi32, #tpu.memory_space<vmem>> -> memref<8xi32, #tpu.memory_space<vmem>>
    %dma_wait3A_405 = tpu.memref_slice %arg2[%dma_wait3A_398, %add3A_58] : memref<4x2048xi32, #tpu.memory_space<hbm>> -> memref<1x8xi32, #tpu.memory_space<hbm>>
    %dma_wait3A_406 = tpu.memref_squeeze %dma_wait3A_405 : memref<1x8xi32, #tpu.memory_space<hbm>> -> memref<8xi32, #tpu.memory_space<hbm>>
    tpu.wait_dma2 semaphore(%arg18 : memref<!tpu.dma_semaphore, #tpu.memory_space<semaphore_mem>>) src(%dma_wait3A_406 : memref<8xi32, #tpu.memory_space<hbm>>) dst(%dma_wait3A_404 : memref<8xi32, #tpu.memory_space<vmem>>)
    %dma_wait3A_407 = arith.constant 2 : i32
    %dma_wait3A_408 = arith.constant 48 : i32
    %dma_wait3A_409 = tpu.memref_slice %arg6[%dma_wait3A_408] : memref<256xi32, #tpu.memory_space<vmem>> -> memref<8xi32, #tpu.memory_space<vmem>>
    %dma_wait3A_410 = tpu.memref_slice %arg2[%dma_wait3A_407, %add3A_69] : memref<4x2048xi32, #tpu.memory_space<hbm>> -> memref<1x8xi32, #tpu.memory_space<hbm>>
    %dma_wait3A_411 = tpu.memref_squeeze %dma_wait3A_410 : memref<1x8xi32, #tpu.memory_space<hbm>> -> memref<8xi32, #tpu.memory_space<hbm>>
    %dma_wait3A_412 = arith.constant 48 : i32
    %dma_wait3A_413 = tpu.memref_slice %arg6[%dma_wait3A_412] : memref<256xi32, #tpu.memory_space<vmem>> -> memref<8xi32, #tpu.memory_space<vmem>>
    %dma_wait3A_414 = tpu.memref_slice %arg2[%dma_wait3A_407, %add3A_69] : memref<4x2048xi32, #tpu.memory_space<hbm>> -> memref<1x8xi32, #tpu.memory_space<hbm>>
    %dma_wait3A_415 = tpu.memref_squeeze %dma_wait3A_414 : memref<1x8xi32, #tpu.memory_space<hbm>> -> memref<8xi32, #tpu.memory_space<hbm>>
    tpu.wait_dma2 semaphore(%arg18 : memref<!tpu.dma_semaphore, #tpu.memory_space<semaphore_mem>>) src(%dma_wait3A_415 : memref<8xi32, #tpu.memory_space<hbm>>) dst(%dma_wait3A_413 : memref<8xi32, #tpu.memory_space<vmem>>)
    %dma_wait3A_416 = arith.constant 3 : i32
    %dma_wait3A_417 = arith.constant 56 : i32
    %dma_wait3A_418 = tpu.memref_slice %arg6[%dma_wait3A_417] : memref<256xi32, #tpu.memory_space<vmem>> -> memref<8xi32, #tpu.memory_space<vmem>>
    %dma_wait3A_419 = tpu.memref_slice %arg2[%dma_wait3A_416, %add3A_80] : memref<4x2048xi32, #tpu.memory_space<hbm>> -> memref<1x8xi32, #tpu.memory_space<hbm>>
    %dma_wait3A_420 = tpu.memref_squeeze %dma_wait3A_419 : memref<1x8xi32, #tpu.memory_space<hbm>> -> memref<8xi32, #tpu.memory_space<hbm>>
    %dma_wait3A_421 = arith.constant 56 : i32
    %dma_wait3A_422 = tpu.memref_slice %arg6[%dma_wait3A_421] : memref<256xi32, #tpu.memory_space<vmem>> -> memref<8xi32, #tpu.memory_space<vmem>>
    %dma_wait3A_423 = tpu.memref_slice %arg2[%dma_wait3A_416, %add3A_80] : memref<4x2048xi32, #tpu.memory_space<hbm>> -> memref<1x8xi32, #tpu.memory_space<hbm>>
    %dma_wait3A_424 = tpu.memref_squeeze %dma_wait3A_423 : memref<1x8xi32, #tpu.memory_space<hbm>> -> memref<8xi32, #tpu.memory_space<hbm>>
    tpu.wait_dma2 semaphore(%arg18 : memref<!tpu.dma_semaphore, #tpu.memory_space<semaphore_mem>>) src(%dma_wait3A_424 : memref<8xi32, #tpu.memory_space<hbm>>) dst(%dma_wait3A_422 : memref<8xi32, #tpu.memory_space<vmem>>)
    %dma_wait3A_425 = arith.constant 0 : i32
    %dma_wait3A_426 = arith.constant 64 : i32
    %dma_wait3A_427 = tpu.memref_slice %arg6[%dma_wait3A_426] : memref<256xi32, #tpu.memory_space<vmem>> -> memref<8xi32, #tpu.memory_space<vmem>>
    %dma_wait3A_428 = tpu.memref_slice %arg2[%dma_wait3A_425, %add3A_91] : memref<4x2048xi32, #tpu.memory_space<hbm>> -> memref<1x8xi32, #tpu.memory_space<hbm>>
    %dma_wait3A_429 = tpu.memref_squeeze %dma_wait3A_428 : memref<1x8xi32, #tpu.memory_space<hbm>> -> memref<8xi32, #tpu.memory_space<hbm>>
    %dma_wait3A_430 = arith.constant 64 : i32
    %dma_wait3A_431 = tpu.memref_slice %arg6[%dma_wait3A_430] : memref<256xi32, #tpu.memory_space<vmem>> -> memref<8xi32, #tpu.memory_space<vmem>>
    %dma_wait3A_432 = tpu.memref_slice %arg2[%dma_wait3A_425, %add3A_91] : memref<4x2048xi32, #tpu.memory_space<hbm>> -> memref<1x8xi32, #tpu.memory_space<hbm>>
    %dma_wait3A_433 = tpu.memref_squeeze %dma_wait3A_432 : memref<1x8xi32, #tpu.memory_space<hbm>> -> memref<8xi32, #tpu.memory_space<hbm>>
    tpu.wait_dma2 semaphore(%arg18 : memref<!tpu.dma_semaphore, #tpu.memory_space<semaphore_mem>>) src(%dma_wait3A_433 : memref<8xi32, #tpu.memory_space<hbm>>) dst(%dma_wait3A_431 : memref<8xi32, #tpu.memory_space<vmem>>)
    %dma_wait3A_434 = arith.constant 1 : i32
    %dma_wait3A_435 = arith.constant 72 : i32
    %dma_wait3A_436 = tpu.memref_slice %arg6[%dma_wait3A_435] : memref<256xi32, #tpu.memory_space<vmem>> -> memref<8xi32, #tpu.memory_space<vmem>>
    %dma_wait3A_437 = tpu.memref_slice %arg2[%dma_wait3A_434, %add3A_102] : memref<4x2048xi32, #tpu.memory_space<hbm>> -> memref<1x8xi32, #tpu.memory_space<hbm>>
    %dma_wait3A_438 = tpu.memref_squeeze %dma_wait3A_437 : memref<1x8xi32, #tpu.memory_space<hbm>> -> memref<8xi32, #tpu.memory_space<hbm>>
    %dma_wait3A_439 = arith.constant 72 : i32
    %dma_wait3A_440 = tpu.memref_slice %arg6[%dma_wait3A_439] : memref<256xi32, #tpu.memory_space<vmem>> -> memref<8xi32, #tpu.memory_space<vmem>>
    %dma_wait3A_441 = tpu.memref_slice %arg2[%dma_wait3A_434, %add3A_102] : memref<4x2048xi32, #tpu.memory_space<hbm>> -> memref<1x8xi32, #tpu.memory_space<hbm>>
    %dma_wait3A_442 = tpu.memref_squeeze %dma_wait3A_441 : memref<1x8xi32, #tpu.memory_space<hbm>> -> memref<8xi32, #tpu.memory_space<hbm>>
    tpu.wait_dma2 semaphore(%arg18 : memref<!tpu.dma_semaphore, #tpu.memory_space<semaphore_mem>>) src(%dma_wait3A_442 : memref<8xi32, #tpu.memory_space<hbm>>) dst(%dma_wait3A_440 : memref<8xi32, #tpu.memory_space<vmem>>)
    %dma_wait3A_443 = arith.constant 2 : i32
    %dma_wait3A_444 = arith.constant 80 : i32
    %dma_wait3A_445 = tpu.memref_slice %arg6[%dma_wait3A_444] : memref<256xi32, #tpu.memory_space<vmem>> -> memref<8xi32, #tpu.memory_space<vmem>>
    %dma_wait3A_446 = tpu.memref_slice %arg2[%dma_wait3A_443, %add3A_113] : memref<4x2048xi32, #tpu.memory_space<hbm>> -> memref<1x8xi32, #tpu.memory_space<hbm>>
    %dma_wait3A_447 = tpu.memref_squeeze %dma_wait3A_446 : memref<1x8xi32, #tpu.memory_space<hbm>> -> memref<8xi32, #tpu.memory_space<hbm>>
    %dma_wait3A_448 = arith.constant 80 : i32
    %dma_wait3A_449 = tpu.memref_slice %arg6[%dma_wait3A_448] : memref<256xi32, #tpu.memory_space<vmem>> -> memref<8xi32, #tpu.memory_space<vmem>>
    %dma_wait3A_450 = tpu.memref_slice %arg2[%dma_wait3A_443, %add3A_113] : memref<4x2048xi32, #tpu.memory_space<hbm>> -> memref<1x8xi32, #tpu.memory_space<hbm>>
    %dma_wait3A_451 = tpu.memref_squeeze %dma_wait3A_450 : memref<1x8xi32, #tpu.memory_space<hbm>> -> memref<8xi32, #tpu.memory_space<hbm>>
    tpu.wait_dma2 semaphore(%arg18 : memref<!tpu.dma_semaphore, #tpu.memory_space<semaphore_mem>>) src(%dma_wait3A_451 : memref<8xi32, #tpu.memory_space<hbm>>) dst(%dma_wait3A_449 : memref<8xi32, #tpu.memory_space<vmem>>)
    %dma_wait3A_452 = arith.constant 3 : i32
    %dma_wait3A_453 = arith.constant 88 : i32
    %dma_wait3A_454 = tpu.memref_slice %arg6[%dma_wait3A_453] : memref<256xi32, #tpu.memory_space<vmem>> -> memref<8xi32, #tpu.memory_space<vmem>>
    %dma_wait3A_455 = tpu.memref_slice %arg2[%dma_wait3A_452, %add3A_124] : memref<4x2048xi32, #tpu.memory_space<hbm>> -> memref<1x8xi32, #tpu.memory_space<hbm>>
    %dma_wait3A_456 = tpu.memref_squeeze %dma_wait3A_455 : memref<1x8xi32, #tpu.memory_space<hbm>> -> memref<8xi32, #tpu.memory_space<hbm>>
    %dma_wait3A_457 = arith.constant 88 : i32
    %dma_wait3A_458 = tpu.memref_slice %arg6[%dma_wait3A_457] : memref<256xi32, #tpu.memory_space<vmem>> -> memref<8xi32, #tpu.memory_space<vmem>>
    %dma_wait3A_459 = tpu.memref_slice %arg2[%dma_wait3A_452, %add3A_124] : memref<4x2048xi32, #tpu.memory_space<hbm>> -> memref<1x8xi32, #tpu.memory_space<hbm>>
    %dma_wait3A_460 = tpu.memref_squeeze %dma_wait3A_459 : memref<1x8xi32, #tpu.memory_space<hbm>> -> memref<8xi32, #tpu.memory_space<hbm>>
    tpu.wait_dma2 semaphore(%arg18 : memref<!tpu.dma_semaphore, #tpu.memory_space<semaphore_mem>>) src(%dma_wait3A_460 : memref<8xi32, #tpu.memory_space<hbm>>) dst(%dma_wait3A_458 : memref<8xi32, #tpu.memory_space<vmem>>)
    %dma_wait3A_461 = arith.constant 0 : i32
    %dma_wait3A_462 = arith.constant 96 : i32
    %dma_wait3A_463 = tpu.memref_slice %arg6[%dma_wait3A_462] : memref<256xi32, #tpu.memory_space<vmem>> -> memref<8xi32, #tpu.memory_space<vmem>>
    %dma_wait3A_464 = tpu.memref_slice %arg2[%dma_wait3A_461, %add3A_135] : memref<4x2048xi32, #tpu.memory_space<hbm>> -> memref<1x8xi32, #tpu.memory_space<hbm>>
    %dma_wait3A_465 = tpu.memref_squeeze %dma_wait3A_464 : memref<1x8xi32, #tpu.memory_space<hbm>> -> memref<8xi32, #tpu.memory_space<hbm>>
    %dma_wait3A_466 = arith.constant 96 : i32
    %dma_wait3A_467 = tpu.memref_slice %arg6[%dma_wait3A_466] : memref<256xi32, #tpu.memory_space<vmem>> -> memref<8xi32, #tpu.memory_space<vmem>>
    %dma_wait3A_468 = tpu.memref_slice %arg2[%dma_wait3A_461, %add3A_135] : memref<4x2048xi32, #tpu.memory_space<hbm>> -> memref<1x8xi32, #tpu.memory_space<hbm>>
    %dma_wait3A_469 = tpu.memref_squeeze %dma_wait3A_468 : memref<1x8xi32, #tpu.memory_space<hbm>> -> memref<8xi32, #tpu.memory_space<hbm>>
    tpu.wait_dma2 semaphore(%arg18 : memref<!tpu.dma_semaphore, #tpu.memory_space<semaphore_mem>>) src(%dma_wait3A_469 : memref<8xi32, #tpu.memory_space<hbm>>) dst(%dma_wait3A_467 : memref<8xi32, #tpu.memory_space<vmem>>)
    %dma_wait3A_470 = arith.constant 1 : i32
    %dma_wait3A_471 = arith.constant 104 : i32
    %dma_wait3A_472 = tpu.memref_slice %arg6[%dma_wait3A_471] : memref<256xi32, #tpu.memory_space<vmem>> -> memref<8xi32, #tpu.memory_space<vmem>>
    %dma_wait3A_473 = tpu.memref_slice %arg2[%dma_wait3A_470, %add3A_146] : memref<4x2048xi32, #tpu.memory_space<hbm>> -> memref<1x8xi32, #tpu.memory_space<hbm>>
    %dma_wait3A_474 = tpu.memref_squeeze %dma_wait3A_473 : memref<1x8xi32, #tpu.memory_space<hbm>> -> memref<8xi32, #tpu.memory_space<hbm>>
    %dma_wait3A_475 = arith.constant 104 : i32
    %dma_wait3A_476 = tpu.memref_slice %arg6[%dma_wait3A_475] : memref<256xi32, #tpu.memory_space<vmem>> -> memref<8xi32, #tpu.memory_space<vmem>>
    %dma_wait3A_477 = tpu.memref_slice %arg2[%dma_wait3A_470, %add3A_146] : memref<4x2048xi32, #tpu.memory_space<hbm>> -> memref<1x8xi32, #tpu.memory_space<hbm>>
    %dma_wait3A_478 = tpu.memref_squeeze %dma_wait3A_477 : memref<1x8xi32, #tpu.memory_space<hbm>> -> memref<8xi32, #tpu.memory_space<hbm>>
    tpu.wait_dma2 semaphore(%arg18 : memref<!tpu.dma_semaphore, #tpu.memory_space<semaphore_mem>>) src(%dma_wait3A_478 : memref<8xi32, #tpu.memory_space<hbm>>) dst(%dma_wait3A_476 : memref<8xi32, #tpu.memory_space<vmem>>)
    %dma_wait3A_479 = arith.constant 2 : i32
    %dma_wait3A_480 = arith.constant 112 : i32
    %dma_wait3A_481 = tpu.memref_slice %arg6[%dma_wait3A_480] : memref<256xi32, #tpu.memory_space<vmem>> -> memref<8xi32, #tpu.memory_space<vmem>>
    %dma_wait3A_482 = tpu.memref_slice %arg2[%dma_wait3A_479, %add3A_157] : memref<4x2048xi32, #tpu.memory_space<hbm>> -> memref<1x8xi32, #tpu.memory_space<hbm>>
    %dma_wait3A_483 = tpu.memref_squeeze %dma_wait3A_482 : memref<1x8xi32, #tpu.memory_space<hbm>> -> memref<8xi32, #tpu.memory_space<hbm>>
    %dma_wait3A_484 = arith.constant 112 : i32
    %dma_wait3A_485 = tpu.memref_slice %arg6[%dma_wait3A_484] : memref<256xi32, #tpu.memory_space<vmem>> -> memref<8xi32, #tpu.memory_space<vmem>>
    %dma_wait3A_486 = tpu.memref_slice %arg2[%dma_wait3A_479, %add3A_157] : memref<4x2048xi32, #tpu.memory_space<hbm>> -> memref<1x8xi32, #tpu.memory_space<hbm>>
    %dma_wait3A_487 = tpu.memref_squeeze %dma_wait3A_486 : memref<1x8xi32, #tpu.memory_space<hbm>> -> memref<8xi32, #tpu.memory_space<hbm>>
    tpu.wait_dma2 semaphore(%arg18 : memref<!tpu.dma_semaphore, #tpu.memory_space<semaphore_mem>>) src(%dma_wait3A_487 : memref<8xi32, #tpu.memory_space<hbm>>) dst(%dma_wait3A_485 : memref<8xi32, #tpu.memory_space<vmem>>)
    %dma_wait3A_488 = arith.constant 3 : i32
    %dma_wait3A_489 = arith.constant 120 : i32
    %dma_wait3A_490 = tpu.memref_slice %arg6[%dma_wait3A_489] : memref<256xi32, #tpu.memory_space<vmem>> -> memref<8xi32, #tpu.memory_space<vmem>>
    %dma_wait3A_491 = tpu.memref_slice %arg2[%dma_wait3A_488, %add3A_168] : memref<4x2048xi32, #tpu.memory_space<hbm>> -> memref<1x8xi32, #tpu.memory_space<hbm>>
    %dma_wait3A_492 = tpu.memref_squeeze %dma_wait3A_491 : memref<1x8xi32, #tpu.memory_space<hbm>> -> memref<8xi32, #tpu.memory_space<hbm>>
    %dma_wait3A_493 = arith.constant 120 : i32
    %dma_wait3A_494 = tpu.memref_slice %arg6[%dma_wait3A_493] : memref<256xi32, #tpu.memory_space<vmem>> -> memref<8xi32, #tpu.memory_space<vmem>>
    %dma_wait3A_495 = tpu.memref_slice %arg2[%dma_wait3A_488, %add3A_168] : memref<4x2048xi32, #tpu.memory_space<hbm>> -> memref<1x8xi32, #tpu.memory_space<hbm>>
    %dma_wait3A_496 = tpu.memref_squeeze %dma_wait3A_495 : memref<1x8xi32, #tpu.memory_space<hbm>> -> memref<8xi32, #tpu.memory_space<hbm>>
    tpu.wait_dma2 semaphore(%arg18 : memref<!tpu.dma_semaphore, #tpu.memory_space<semaphore_mem>>) src(%dma_wait3A_496 : memref<8xi32, #tpu.memory_space<hbm>>) dst(%dma_wait3A_494 : memref<8xi32, #tpu.memory_space<vmem>>)
    %dma_wait3A_497 = arith.constant 0 : i32
    %dma_wait3A_498 = arith.constant 128 : i32
    %dma_wait3A_499 = tpu.memref_slice %arg6[%dma_wait3A_498] : memref<256xi32, #tpu.memory_space<vmem>> -> memref<8xi32, #tpu.memory_space<vmem>>
    %dma_wait3A_500 = tpu.memref_slice %arg2[%dma_wait3A_497, %add3A_179] : memref<4x2048xi32, #tpu.memory_space<hbm>> -> memref<1x8xi32, #tpu.memory_space<hbm>>
    %dma_wait3A_501 = tpu.memref_squeeze %dma_wait3A_500 : memref<1x8xi32, #tpu.memory_space<hbm>> -> memref<8xi32, #tpu.memory_space<hbm>>
    %dma_wait3A_502 = arith.constant 128 : i32
    %dma_wait3A_503 = tpu.memref_slice %arg6[%dma_wait3A_502] : memref<256xi32, #tpu.memory_space<vmem>> -> memref<8xi32, #tpu.memory_space<vmem>>
    %dma_wait3A_504 = tpu.memref_slice %arg2[%dma_wait3A_497, %add3A_179] : memref<4x2048xi32, #tpu.memory_space<hbm>> -> memref<1x8xi32, #tpu.memory_space<hbm>>
    %dma_wait3A_505 = tpu.memref_squeeze %dma_wait3A_504 : memref<1x8xi32, #tpu.memory_space<hbm>> -> memref<8xi32, #tpu.memory_space<hbm>>
    tpu.wait_dma2 semaphore(%arg18 : memref<!tpu.dma_semaphore, #tpu.memory_space<semaphore_mem>>) src(%dma_wait3A_505 : memref<8xi32, #tpu.memory_space<hbm>>) dst(%dma_wait3A_503 : memref<8xi32, #tpu.memory_space<vmem>>)
    %dma_wait3A_506 = arith.constant 1 : i32
    %dma_wait3A_507 = arith.constant 136 : i32
    %dma_wait3A_508 = tpu.memref_slice %arg6[%dma_wait3A_507] : memref<256xi32, #tpu.memory_space<vmem>> -> memref<8xi32, #tpu.memory_space<vmem>>
    %dma_wait3A_509 = tpu.memref_slice %arg2[%dma_wait3A_506, %add3A_190] : memref<4x2048xi32, #tpu.memory_space<hbm>> -> memref<1x8xi32, #tpu.memory_space<hbm>>
    %dma_wait3A_510 = tpu.memref_squeeze %dma_wait3A_509 : memref<1x8xi32, #tpu.memory_space<hbm>> -> memref<8xi32, #tpu.memory_space<hbm>>
    %dma_wait3A_511 = arith.constant 136 : i32
    %dma_wait3A_512 = tpu.memref_slice %arg6[%dma_wait3A_511] : memref<256xi32, #tpu.memory_space<vmem>> -> memref<8xi32, #tpu.memory_space<vmem>>
    %dma_wait3A_513 = tpu.memref_slice %arg2[%dma_wait3A_506, %add3A_190] : memref<4x2048xi32, #tpu.memory_space<hbm>> -> memref<1x8xi32, #tpu.memory_space<hbm>>
    %dma_wait3A_514 = tpu.memref_squeeze %dma_wait3A_513 : memref<1x8xi32, #tpu.memory_space<hbm>> -> memref<8xi32, #tpu.memory_space<hbm>>
    tpu.wait_dma2 semaphore(%arg18 : memref<!tpu.dma_semaphore, #tpu.memory_space<semaphore_mem>>) src(%dma_wait3A_514 : memref<8xi32, #tpu.memory_space<hbm>>) dst(%dma_wait3A_512 : memref<8xi32, #tpu.memory_space<vmem>>)
    %dma_wait3A_515 = arith.constant 2 : i32
    %dma_wait3A_516 = arith.constant 144 : i32
    %dma_wait3A_517 = tpu.memref_slice %arg6[%dma_wait3A_516] : memref<256xi32, #tpu.memory_space<vmem>> -> memref<8xi32, #tpu.memory_space<vmem>>
    %dma_wait3A_518 = tpu.memref_slice %arg2[%dma_wait3A_515, %add3A_201] : memref<4x2048xi32, #tpu.memory_space<hbm>> -> memref<1x8xi32, #tpu.memory_space<hbm>>
    %dma_wait3A_519 = tpu.memref_squeeze %dma_wait3A_518 : memref<1x8xi32, #tpu.memory_space<hbm>> -> memref<8xi32, #tpu.memory_space<hbm>>
    %dma_wait3A_520 = arith.constant 144 : i32
    %dma_wait3A_521 = tpu.memref_slice %arg6[%dma_wait3A_520] : memref<256xi32, #tpu.memory_space<vmem>> -> memref<8xi32, #tpu.memory_space<vmem>>
    %dma_wait3A_522 = tpu.memref_slice %arg2[%dma_wait3A_515, %add3A_201] : memref<4x2048xi32, #tpu.memory_space<hbm>> -> memref<1x8xi32, #tpu.memory_space<hbm>>
    %dma_wait3A_523 = tpu.memref_squeeze %dma_wait3A_522 : memref<1x8xi32, #tpu.memory_space<hbm>> -> memref<8xi32, #tpu.memory_space<hbm>>
    tpu.wait_dma2 semaphore(%arg18 : memref<!tpu.dma_semaphore, #tpu.memory_space<semaphore_mem>>) src(%dma_wait3A_523 : memref<8xi32, #tpu.memory_space<hbm>>) dst(%dma_wait3A_521 : memref<8xi32, #tpu.memory_space<vmem>>)
    %dma_wait3A_524 = arith.constant 3 : i32
    %dma_wait3A_525 = arith.constant 152 : i32
    %dma_wait3A_526 = tpu.memref_slice %arg6[%dma_wait3A_525] : memref<256xi32, #tpu.memory_space<vmem>> -> memref<8xi32, #tpu.memory_space<vmem>>
    %dma_wait3A_527 = tpu.memref_slice %arg2[%dma_wait3A_524, %add3A_212] : memref<4x2048xi32, #tpu.memory_space<hbm>> -> memref<1x8xi32, #tpu.memory_space<hbm>>
    %dma_wait3A_528 = tpu.memref_squeeze %dma_wait3A_527 : memref<1x8xi32, #tpu.memory_space<hbm>> -> memref<8xi32, #tpu.memory_space<hbm>>
    %dma_wait3A_529 = arith.constant 152 : i32
    %dma_wait3A_530 = tpu.memref_slice %arg6[%dma_wait3A_529] : memref<256xi32, #tpu.memory_space<vmem>> -> memref<8xi32, #tpu.memory_space<vmem>>
    %dma_wait3A_531 = tpu.memref_slice %arg2[%dma_wait3A_524, %add3A_212] : memref<4x2048xi32, #tpu.memory_space<hbm>> -> memref<1x8xi32, #tpu.memory_space<hbm>>
    %dma_wait3A_532 = tpu.memref_squeeze %dma_wait3A_531 : memref<1x8xi32, #tpu.memory_space<hbm>> -> memref<8xi32, #tpu.memory_space<hbm>>
    tpu.wait_dma2 semaphore(%arg18 : memref<!tpu.dma_semaphore, #tpu.memory_space<semaphore_mem>>) src(%dma_wait3A_532 : memref<8xi32, #tpu.memory_space<hbm>>) dst(%dma_wait3A_530 : memref<8xi32, #tpu.memory_space<vmem>>)
    %dma_wait3A_533 = arith.constant 0 : i32
    %dma_wait3A_534 = arith.constant 160 : i32
    %dma_wait3A_535 = tpu.memref_slice %arg6[%dma_wait3A_534] : memref<256xi32, #tpu.memory_space<vmem>> -> memref<8xi32, #tpu.memory_space<vmem>>
    %dma_wait3A_536 = tpu.memref_slice %arg2[%dma_wait3A_533, %add3A_223] : memref<4x2048xi32, #tpu.memory_space<hbm>> -> memref<1x8xi32, #tpu.memory_space<hbm>>
    %dma_wait3A_537 = tpu.memref_squeeze %dma_wait3A_536 : memref<1x8xi32, #tpu.memory_space<hbm>> -> memref<8xi32, #tpu.memory_space<hbm>>
    %dma_wait3A_538 = arith.constant 160 : i32
    %dma_wait3A_539 = tpu.memref_slice %arg6[%dma_wait3A_538] : memref<256xi32, #tpu.memory_space<vmem>> -> memref<8xi32, #tpu.memory_space<vmem>>
    %dma_wait3A_540 = tpu.memref_slice %arg2[%dma_wait3A_533, %add3A_223] : memref<4x2048xi32, #tpu.memory_space<hbm>> -> memref<1x8xi32, #tpu.memory_space<hbm>>
    %dma_wait3A_541 = tpu.memref_squeeze %dma_wait3A_540 : memref<1x8xi32, #tpu.memory_space<hbm>> -> memref<8xi32, #tpu.memory_space<hbm>>
    tpu.wait_dma2 semaphore(%arg18 : memref<!tpu.dma_semaphore, #tpu.memory_space<semaphore_mem>>) src(%dma_wait3A_541 : memref<8xi32, #tpu.memory_space<hbm>>) dst(%dma_wait3A_539 : memref<8xi32, #tpu.memory_space<vmem>>)
    %dma_wait3A_542 = arith.constant 1 : i32
    %dma_wait3A_543 = arith.constant 168 : i32
    %dma_wait3A_544 = tpu.memref_slice %arg6[%dma_wait3A_543] : memref<256xi32, #tpu.memory_space<vmem>> -> memref<8xi32, #tpu.memory_space<vmem>>
    %dma_wait3A_545 = tpu.memref_slice %arg2[%dma_wait3A_542, %add3A_234] : memref<4x2048xi32, #tpu.memory_space<hbm>> -> memref<1x8xi32, #tpu.memory_space<hbm>>
    %dma_wait3A_546 = tpu.memref_squeeze %dma_wait3A_545 : memref<1x8xi32, #tpu.memory_space<hbm>> -> memref<8xi32, #tpu.memory_space<hbm>>
    %dma_wait3A_547 = arith.constant 168 : i32
    %dma_wait3A_548 = tpu.memref_slice %arg6[%dma_wait3A_547] : memref<256xi32, #tpu.memory_space<vmem>> -> memref<8xi32, #tpu.memory_space<vmem>>
    %dma_wait3A_549 = tpu.memref_slice %arg2[%dma_wait3A_542, %add3A_234] : memref<4x2048xi32, #tpu.memory_space<hbm>> -> memref<1x8xi32, #tpu.memory_space<hbm>>
    %dma_wait3A_550 = tpu.memref_squeeze %dma_wait3A_549 : memref<1x8xi32, #tpu.memory_space<hbm>> -> memref<8xi32, #tpu.memory_space<hbm>>
    tpu.wait_dma2 semaphore(%arg18 : memref<!tpu.dma_semaphore, #tpu.memory_space<semaphore_mem>>) src(%dma_wait3A_550 : memref<8xi32, #tpu.memory_space<hbm>>) dst(%dma_wait3A_548 : memref<8xi32, #tpu.memory_space<vmem>>)
    %dma_wait3A_551 = arith.constant 2 : i32
    %dma_wait3A_552 = arith.constant 176 : i32
    %dma_wait3A_553 = tpu.memref_slice %arg6[%dma_wait3A_552] : memref<256xi32, #tpu.memory_space<vmem>> -> memref<8xi32, #tpu.memory_space<vmem>>
    %dma_wait3A_554 = tpu.memref_slice %arg2[%dma_wait3A_551, %add3A_245] : memref<4x2048xi32, #tpu.memory_space<hbm>> -> memref<1x8xi32, #tpu.memory_space<hbm>>
    %dma_wait3A_555 = tpu.memref_squeeze %dma_wait3A_554 : memref<1x8xi32, #tpu.memory_space<hbm>> -> memref<8xi32, #tpu.memory_space<hbm>>
    %dma_wait3A_556 = arith.constant 176 : i32
    %dma_wait3A_557 = tpu.memref_slice %arg6[%dma_wait3A_556] : memref<256xi32, #tpu.memory_space<vmem>> -> memref<8xi32, #tpu.memory_space<vmem>>
    %dma_wait3A_558 = tpu.memref_slice %arg2[%dma_wait3A_551, %add3A_245] : memref<4x2048xi32, #tpu.memory_space<hbm>> -> memref<1x8xi32, #tpu.memory_space<hbm>>
    %dma_wait3A_559 = tpu.memref_squeeze %dma_wait3A_558 : memref<1x8xi32, #tpu.memory_space<hbm>> -> memref<8xi32, #tpu.memory_space<hbm>>
    tpu.wait_dma2 semaphore(%arg18 : memref<!tpu.dma_semaphore, #tpu.memory_space<semaphore_mem>>) src(%dma_wait3A_559 : memref<8xi32, #tpu.memory_space<hbm>>) dst(%dma_wait3A_557 : memref<8xi32, #tpu.memory_space<vmem>>)
    %dma_wait3A_560 = arith.constant 3 : i32
    %dma_wait3A_561 = arith.constant 184 : i32
    %dma_wait3A_562 = tpu.memref_slice %arg6[%dma_wait3A_561] : memref<256xi32, #tpu.memory_space<vmem>> -> memref<8xi32, #tpu.memory_space<vmem>>
    %dma_wait3A_563 = tpu.memref_slice %arg2[%dma_wait3A_560, %add3A_256] : memref<4x2048xi32, #tpu.memory_space<hbm>> -> memref<1x8xi32, #tpu.memory_space<hbm>>
    %dma_wait3A_564 = tpu.memref_squeeze %dma_wait3A_563 : memref<1x8xi32, #tpu.memory_space<hbm>> -> memref<8xi32, #tpu.memory_space<hbm>>
    %dma_wait3A_565 = arith.constant 184 : i32
    %dma_wait3A_566 = tpu.memref_slice %arg6[%dma_wait3A_565] : memref<256xi32, #tpu.memory_space<vmem>> -> memref<8xi32, #tpu.memory_space<vmem>>
    %dma_wait3A_567 = tpu.memref_slice %arg2[%dma_wait3A_560, %add3A_256] : memref<4x2048xi32, #tpu.memory_space<hbm>> -> memref<1x8xi32, #tpu.memory_space<hbm>>
    %dma_wait3A_568 = tpu.memref_squeeze %dma_wait3A_567 : memref<1x8xi32, #tpu.memory_space<hbm>> -> memref<8xi32, #tpu.memory_space<hbm>>
    tpu.wait_dma2 semaphore(%arg18 : memref<!tpu.dma_semaphore, #tpu.memory_space<semaphore_mem>>) src(%dma_wait3A_568 : memref<8xi32, #tpu.memory_space<hbm>>) dst(%dma_wait3A_566 : memref<8xi32, #tpu.memory_space<vmem>>)
    %dma_wait3A_569 = arith.constant 0 : i32
    %dma_wait3A_570 = arith.constant 192 : i32
    %dma_wait3A_571 = tpu.memref_slice %arg6[%dma_wait3A_570] : memref<256xi32, #tpu.memory_space<vmem>> -> memref<8xi32, #tpu.memory_space<vmem>>
    %dma_wait3A_572 = tpu.memref_slice %arg2[%dma_wait3A_569, %add3A_267] : memref<4x2048xi32, #tpu.memory_space<hbm>> -> memref<1x8xi32, #tpu.memory_space<hbm>>
    %dma_wait3A_573 = tpu.memref_squeeze %dma_wait3A_572 : memref<1x8xi32, #tpu.memory_space<hbm>> -> memref<8xi32, #tpu.memory_space<hbm>>
    %dma_wait3A_574 = arith.constant 192 : i32
    %dma_wait3A_575 = tpu.memref_slice %arg6[%dma_wait3A_574] : memref<256xi32, #tpu.memory_space<vmem>> -> memref<8xi32, #tpu.memory_space<vmem>>
    %dma_wait3A_576 = tpu.memref_slice %arg2[%dma_wait3A_569, %add3A_267] : memref<4x2048xi32, #tpu.memory_space<hbm>> -> memref<1x8xi32, #tpu.memory_space<hbm>>
    %dma_wait3A_577 = tpu.memref_squeeze %dma_wait3A_576 : memref<1x8xi32, #tpu.memory_space<hbm>> -> memref<8xi32, #tpu.memory_space<hbm>>
    tpu.wait_dma2 semaphore(%arg18 : memref<!tpu.dma_semaphore, #tpu.memory_space<semaphore_mem>>) src(%dma_wait3A_577 : memref<8xi32, #tpu.memory_space<hbm>>) dst(%dma_wait3A_575 : memref<8xi32, #tpu.memory_space<vmem>>)
    %dma_wait3A_578 = arith.constant 1 : i32
    %dma_wait3A_579 = arith.constant 200 : i32
    %dma_wait3A_580 = tpu.memref_slice %arg6[%dma_wait3A_579] : memref<256xi32, #tpu.memory_space<vmem>> -> memref<8xi32, #tpu.memory_space<vmem>>
    %dma_wait3A_581 = tpu.memref_slice %arg2[%dma_wait3A_578, %add3A_278] : memref<4x2048xi32, #tpu.memory_space<hbm>> -> memref<1x8xi32, #tpu.memory_space<hbm>>
    %dma_wait3A_582 = tpu.memref_squeeze %dma_wait3A_581 : memref<1x8xi32, #tpu.memory_space<hbm>> -> memref<8xi32, #tpu.memory_space<hbm>>
    %dma_wait3A_583 = arith.constant 200 : i32
    %dma_wait3A_584 = tpu.memref_slice %arg6[%dma_wait3A_583] : memref<256xi32, #tpu.memory_space<vmem>> -> memref<8xi32, #tpu.memory_space<vmem>>
    %dma_wait3A_585 = tpu.memref_slice %arg2[%dma_wait3A_578, %add3A_278] : memref<4x2048xi32, #tpu.memory_space<hbm>> -> memref<1x8xi32, #tpu.memory_space<hbm>>
    %dma_wait3A_586 = tpu.memref_squeeze %dma_wait3A_585 : memref<1x8xi32, #tpu.memory_space<hbm>> -> memref<8xi32, #tpu.memory_space<hbm>>
    tpu.wait_dma2 semaphore(%arg18 : memref<!tpu.dma_semaphore, #tpu.memory_space<semaphore_mem>>) src(%dma_wait3A_586 : memref<8xi32, #tpu.memory_space<hbm>>) dst(%dma_wait3A_584 : memref<8xi32, #tpu.memory_space<vmem>>)
    %dma_wait3A_587 = arith.constant 2 : i32
    %dma_wait3A_588 = arith.constant 208 : i32
    %dma_wait3A_589 = tpu.memref_slice %arg6[%dma_wait3A_588] : memref<256xi32, #tpu.memory_space<vmem>> -> memref<8xi32, #tpu.memory_space<vmem>>
    %dma_wait3A_590 = tpu.memref_slice %arg2[%dma_wait3A_587, %add3A_289] : memref<4x2048xi32, #tpu.memory_space<hbm>> -> memref<1x8xi32, #tpu.memory_space<hbm>>
    %dma_wait3A_591 = tpu.memref_squeeze %dma_wait3A_590 : memref<1x8xi32, #tpu.memory_space<hbm>> -> memref<8xi32, #tpu.memory_space<hbm>>
    %dma_wait3A_592 = arith.constant 208 : i32
    %dma_wait3A_593 = tpu.memref_slice %arg6[%dma_wait3A_592] : memref<256xi32, #tpu.memory_space<vmem>> -> memref<8xi32, #tpu.memory_space<vmem>>
    %dma_wait3A_594 = tpu.memref_slice %arg2[%dma_wait3A_587, %add3A_289] : memref<4x2048xi32, #tpu.memory_space<hbm>> -> memref<1x8xi32, #tpu.memory_space<hbm>>
    %dma_wait3A_595 = tpu.memref_squeeze %dma_wait3A_594 : memref<1x8xi32, #tpu.memory_space<hbm>> -> memref<8xi32, #tpu.memory_space<hbm>>
    tpu.wait_dma2 semaphore(%arg18 : memref<!tpu.dma_semaphore, #tpu.memory_space<semaphore_mem>>) src(%dma_wait3A_595 : memref<8xi32, #tpu.memory_space<hbm>>) dst(%dma_wait3A_593 : memref<8xi32, #tpu.memory_space<vmem>>)
    %dma_wait3A_596 = arith.constant 3 : i32
    %dma_wait3A_597 = arith.constant 216 : i32
    %dma_wait3A_598 = tpu.memref_slice %arg6[%dma_wait3A_597] : memref<256xi32, #tpu.memory_space<vmem>> -> memref<8xi32, #tpu.memory_space<vmem>>
    %dma_wait3A_599 = tpu.memref_slice %arg2[%dma_wait3A_596, %add3A_300] : memref<4x2048xi32, #tpu.memory_space<hbm>> -> memref<1x8xi32, #tpu.memory_space<hbm>>
    %dma_wait3A_600 = tpu.memref_squeeze %dma_wait3A_599 : memref<1x8xi32, #tpu.memory_space<hbm>> -> memref<8xi32, #tpu.memory_space<hbm>>
    %dma_wait3A_601 = arith.constant 216 : i32
    %dma_wait3A_602 = tpu.memref_slice %arg6[%dma_wait3A_601] : memref<256xi32, #tpu.memory_space<vmem>> -> memref<8xi32, #tpu.memory_space<vmem>>
    %dma_wait3A_603 = tpu.memref_slice %arg2[%dma_wait3A_596, %add3A_300] : memref<4x2048xi32, #tpu.memory_space<hbm>> -> memref<1x8xi32, #tpu.memory_space<hbm>>
    %dma_wait3A_604 = tpu.memref_squeeze %dma_wait3A_603 : memref<1x8xi32, #tpu.memory_space<hbm>> -> memref<8xi32, #tpu.memory_space<hbm>>
    tpu.wait_dma2 semaphore(%arg18 : memref<!tpu.dma_semaphore, #tpu.memory_space<semaphore_mem>>) src(%dma_wait3A_604 : memref<8xi32, #tpu.memory_space<hbm>>) dst(%dma_wait3A_602 : memref<8xi32, #tpu.memory_space<vmem>>)
    %dma_wait3A_605 = arith.constant 0 : i32
    %dma_wait3A_606 = arith.constant 224 : i32
    %dma_wait3A_607 = tpu.memref_slice %arg6[%dma_wait3A_606] : memref<256xi32, #tpu.memory_space<vmem>> -> memref<8xi32, #tpu.memory_space<vmem>>
    %dma_wait3A_608 = tpu.memref_slice %arg2[%dma_wait3A_605, %add3A_311] : memref<4x2048xi32, #tpu.memory_space<hbm>> -> memref<1x8xi32, #tpu.memory_space<hbm>>
    %dma_wait3A_609 = tpu.memref_squeeze %dma_wait3A_608 : memref<1x8xi32, #tpu.memory_space<hbm>> -> memref<8xi32, #tpu.memory_space<hbm>>
    %dma_wait3A_610 = arith.constant 224 : i32
    %dma_wait3A_611 = tpu.memref_slice %arg6[%dma_wait3A_610] : memref<256xi32, #tpu.memory_space<vmem>> -> memref<8xi32, #tpu.memory_space<vmem>>
    %dma_wait3A_612 = tpu.memref_slice %arg2[%dma_wait3A_605, %add3A_311] : memref<4x2048xi32, #tpu.memory_space<hbm>> -> memref<1x8xi32, #tpu.memory_space<hbm>>
    %dma_wait3A_613 = tpu.memref_squeeze %dma_wait3A_612 : memref<1x8xi32, #tpu.memory_space<hbm>> -> memref<8xi32, #tpu.memory_space<hbm>>
    tpu.wait_dma2 semaphore(%arg18 : memref<!tpu.dma_semaphore, #tpu.memory_space<semaphore_mem>>) src(%dma_wait3A_613 : memref<8xi32, #tpu.memory_space<hbm>>) dst(%dma_wait3A_611 : memref<8xi32, #tpu.memory_space<vmem>>)
    %dma_wait3A_614 = arith.constant 1 : i32
    %dma_wait3A_615 = arith.constant 232 : i32
    %dma_wait3A_616 = tpu.memref_slice %arg6[%dma_wait3A_615] : memref<256xi32, #tpu.memory_space<vmem>> -> memref<8xi32, #tpu.memory_space<vmem>>
    %dma_wait3A_617 = tpu.memref_slice %arg2[%dma_wait3A_614, %add3A_322] : memref<4x2048xi32, #tpu.memory_space<hbm>> -> memref<1x8xi32, #tpu.memory_space<hbm>>
    %dma_wait3A_618 = tpu.memref_squeeze %dma_wait3A_617 : memref<1x8xi32, #tpu.memory_space<hbm>> -> memref<8xi32, #tpu.memory_space<hbm>>
    %dma_wait3A_619 = arith.constant 232 : i32
    %dma_wait3A_620 = tpu.memref_slice %arg6[%dma_wait3A_619] : memref<256xi32, #tpu.memory_space<vmem>> -> memref<8xi32, #tpu.memory_space<vmem>>
    %dma_wait3A_621 = tpu.memref_slice %arg2[%dma_wait3A_614, %add3A_322] : memref<4x2048xi32, #tpu.memory_space<hbm>> -> memref<1x8xi32, #tpu.memory_space<hbm>>
    %dma_wait3A_622 = tpu.memref_squeeze %dma_wait3A_621 : memref<1x8xi32, #tpu.memory_space<hbm>> -> memref<8xi32, #tpu.memory_space<hbm>>
    tpu.wait_dma2 semaphore(%arg18 : memref<!tpu.dma_semaphore, #tpu.memory_space<semaphore_mem>>) src(%dma_wait3A_622 : memref<8xi32, #tpu.memory_space<hbm>>) dst(%dma_wait3A_620 : memref<8xi32, #tpu.memory_space<vmem>>)
    %dma_wait3A_623 = arith.constant 2 : i32
    %dma_wait3A_624 = arith.constant 240 : i32
    %dma_wait3A_625 = tpu.memref_slice %arg6[%dma_wait3A_624] : memref<256xi32, #tpu.memory_space<vmem>> -> memref<8xi32, #tpu.memory_space<vmem>>
    %dma_wait3A_626 = tpu.memref_slice %arg2[%dma_wait3A_623, %add3A_333] : memref<4x2048xi32, #tpu.memory_space<hbm>> -> memref<1x8xi32, #tpu.memory_space<hbm>>
    %dma_wait3A_627 = tpu.memref_squeeze %dma_wait3A_626 : memref<1x8xi32, #tpu.memory_space<hbm>> -> memref<8xi32, #tpu.memory_space<hbm>>
    %dma_wait3A_628 = arith.constant 240 : i32
    %dma_wait3A_629 = tpu.memref_slice %arg6[%dma_wait3A_628] : memref<256xi32, #tpu.memory_space<vmem>> -> memref<8xi32, #tpu.memory_space<vmem>>
    %dma_wait3A_630 = tpu.memref_slice %arg2[%dma_wait3A_623, %add3A_333] : memref<4x2048xi32, #tpu.memory_space<hbm>> -> memref<1x8xi32, #tpu.memory_space<hbm>>
    %dma_wait3A_631 = tpu.memref_squeeze %dma_wait3A_630 : memref<1x8xi32, #tpu.memory_space<hbm>> -> memref<8xi32, #tpu.memory_space<hbm>>
    tpu.wait_dma2 semaphore(%arg18 : memref<!tpu.dma_semaphore, #tpu.memory_space<semaphore_mem>>) src(%dma_wait3A_631 : memref<8xi32, #tpu.memory_space<hbm>>) dst(%dma_wait3A_629 : memref<8xi32, #tpu.memory_space<vmem>>)
    %dma_wait3A_632 = arith.constant 3 : i32
    %dma_wait3A_633 = arith.constant 248 : i32
    %dma_wait3A_634 = tpu.memref_slice %arg6[%dma_wait3A_633] : memref<256xi32, #tpu.memory_space<vmem>> -> memref<8xi32, #tpu.memory_space<vmem>>
    %dma_wait3A_635 = tpu.memref_slice %arg2[%dma_wait3A_632, %add3A_344] : memref<4x2048xi32, #tpu.memory_space<hbm>> -> memref<1x8xi32, #tpu.memory_space<hbm>>
    %dma_wait3A_636 = tpu.memref_squeeze %dma_wait3A_635 : memref<1x8xi32, #tpu.memory_space<hbm>> -> memref<8xi32, #tpu.memory_space<hbm>>
    %dma_wait3A_637 = arith.constant 248 : i32
    %dma_wait3A_638 = tpu.memref_slice %arg6[%dma_wait3A_637] : memref<256xi32, #tpu.memory_space<vmem>> -> memref<8xi32, #tpu.memory_space<vmem>>
    %dma_wait3A_639 = tpu.memref_slice %arg2[%dma_wait3A_632, %add3A_344] : memref<4x2048xi32, #tpu.memory_space<hbm>> -> memref<1x8xi32, #tpu.memory_space<hbm>>
    %dma_wait3A_640 = tpu.memref_squeeze %dma_wait3A_639 : memref<1x8xi32, #tpu.memory_space<hbm>> -> memref<8xi32, #tpu.memory_space<hbm>>
    tpu.wait_dma2 semaphore(%arg18 : memref<!tpu.dma_semaphore, #tpu.memory_space<semaphore_mem>>) src(%dma_wait3A_640 : memref<8xi32, #tpu.memory_space<hbm>>) dst(%dma_wait3A_638 : memref<8xi32, #tpu.memory_space<vmem>>)
    %add3A_641 = arith.constant 0 : i32
    %add3A_642 = arith.addi %mul3A_2, %add3A_641 : i32
    %dma_start3A_643 = arith.constant 0 : i32
    %dma_start3A_644 = arith.constant 0 : i32
    %dma_start3A_645 = arith.constant 0 : i32
    %dma_start3A_646 = tpu.memref_slice %arg8[%dma_start3A_643, %dma_start3A_644, %dma_start3A_645] : memref<3x32x1024xf32, #tpu.memory_space<vmem>> -> memref<1x32x1024xf32, #tpu.memory_space<vmem>>
    %dma_start3A_647 = tpu.memref_squeeze %dma_start3A_646 : memref<1x32x1024xf32, #tpu.memory_space<vmem>> -> memref<32x1024xf32, #tpu.memory_space<vmem>>
    %dma_start3A_648 = arith.constant 0 : i32
    %dma_start3A_649 = tpu.memref_slice %arg6[%dma_start3A_648] : memref<256xi32, #tpu.memory_space<vmem>> -> memref<32xi32, #tpu.memory_space<vmem>>
    %dma_start3A_650 = arith.constant 0 : i32
    %dma_start3A_651 = arith.constant 0 : i32
    %dma_start3A_652 = tpu.memref_slice %arg4[%dma_start3A_650, %dma_start3A_651] : memref<100000x1024xf32, #tpu.memory_space<hbm>> -> memref<100000x1024xf32, #tpu.memory_space<hbm>>
    tpu.enqueue_indirect_dma source(%dma_start3A_652 : memref<100000x1024xf32, #tpu.memory_space<hbm>>) target(%dma_start3A_647 : memref<32x1024xf32, #tpu.memory_space<vmem>>) offsets(%dma_start3A_649 : memref<32xi32, #tpu.memory_space<vmem>>) semaphore(%arg9 : memref<!tpu.dma_semaphore, #tpu.memory_space<semaphore_mem>>)
    %dma_start3A_653 = arith.constant 0 : i32
    %dma_start3A_654 = arith.constant 0 : i32
    %dma_start3A_655 = arith.constant 0 : i32
    %dma_start3A_656 = tpu.memref_slice %arg7[%dma_start3A_653, %dma_start3A_654, %dma_start3A_655] : memref<3x8x1024xf32, #tpu.memory_space<vmem>> -> memref<1x8x1024xf32, #tpu.memory_space<vmem>>
    %dma_start3A_657 = tpu.memref_squeeze %dma_start3A_656 : memref<1x8x1024xf32, #tpu.memory_space<vmem>> -> memref<8x1024xf32, #tpu.memory_space<vmem>>
    %dma_start3A_658 = arith.constant 0 : i32
    %dma_start3A_659 = tpu.memref_slice %arg3[%add3A_642, %dma_start3A_658] : memref<2048x1024xf32, #tpu.memory_space<hbm>> -> memref<8x1024xf32, #tpu.memory_space<hbm>>
    %dma_start3A_660 = arith.constant 0 : i32
    %dma_start3A_661 = arith.constant 0 : i32
    %dma_start3A_662 = tpu.memref_slice %arg7[%dma_start3A_653, %dma_start3A_660, %dma_start3A_661] : memref<3x8x1024xf32, #tpu.memory_space<vmem>> -> memref<1x8x1024xf32, #tpu.memory_space<vmem>>
    %dma_start3A_663 = tpu.memref_squeeze %dma_start3A_662 : memref<1x8x1024xf32, #tpu.memory_space<vmem>> -> memref<8x1024xf32, #tpu.memory_space<vmem>>
    %dma_start3A_664 = arith.constant 0 : i32
    %dma_start3A_665 = tpu.memref_slice %arg3[%add3A_642, %dma_start3A_664] : memref<2048x1024xf32, #tpu.memory_space<hbm>> -> memref<8x1024xf32, #tpu.memory_space<hbm>>
    tpu.enqueue_dma source(%dma_start3A_665 : memref<8x1024xf32, #tpu.memory_space<hbm>>) target(%dma_start3A_663 : memref<8x1024xf32, #tpu.memory_space<vmem>>) target_semaphore(%arg12 : memref<!tpu.dma_semaphore, #tpu.memory_space<semaphore_mem>>)
    %add3A_666 = arith.constant 8 : i32
    %add3A_667 = arith.addi %mul3A_2, %add3A_666 : i32
    %dma_start3A_668 = arith.constant 1 : i32
    %dma_start3A_669 = arith.constant 0 : i32
    %dma_start3A_670 = arith.constant 0 : i32
    %dma_start3A_671 = tpu.memref_slice %arg8[%dma_start3A_668, %dma_start3A_669, %dma_start3A_670] : memref<3x32x1024xf32, #tpu.memory_space<vmem>> -> memref<1x32x1024xf32, #tpu.memory_space<vmem>>
    %dma_start3A_672 = tpu.memref_squeeze %dma_start3A_671 : memref<1x32x1024xf32, #tpu.memory_space<vmem>> -> memref<32x1024xf32, #tpu.memory_space<vmem>>
    %dma_start3A_673 = arith.constant 32 : i32
    %dma_start3A_674 = tpu.memref_slice %arg6[%dma_start3A_673] : memref<256xi32, #tpu.memory_space<vmem>> -> memref<32xi32, #tpu.memory_space<vmem>>
    %dma_start3A_675 = arith.constant 0 : i32
    %dma_start3A_676 = arith.constant 0 : i32
    %dma_start3A_677 = tpu.memref_slice %arg4[%dma_start3A_675, %dma_start3A_676] : memref<100000x1024xf32, #tpu.memory_space<hbm>> -> memref<100000x1024xf32, #tpu.memory_space<hbm>>
    tpu.enqueue_indirect_dma source(%dma_start3A_677 : memref<100000x1024xf32, #tpu.memory_space<hbm>>) target(%dma_start3A_672 : memref<32x1024xf32, #tpu.memory_space<vmem>>) offsets(%dma_start3A_674 : memref<32xi32, #tpu.memory_space<vmem>>) semaphore(%arg10 : memref<!tpu.dma_semaphore, #tpu.memory_space<semaphore_mem>>)
    %dma_start3A_678 = arith.constant 1 : i32
    %dma_start3A_679 = arith.constant 0 : i32
    %dma_start3A_680 = arith.constant 0 : i32
    %dma_start3A_681 = tpu.memref_slice %arg7[%dma_start3A_678, %dma_start3A_679, %dma_start3A_680] : memref<3x8x1024xf32, #tpu.memory_space<vmem>> -> memref<1x8x1024xf32, #tpu.memory_space<vmem>>
    %dma_start3A_682 = tpu.memref_squeeze %dma_start3A_681 : memref<1x8x1024xf32, #tpu.memory_space<vmem>> -> memref<8x1024xf32, #tpu.memory_space<vmem>>
    %dma_start3A_683 = arith.constant 0 : i32
    %dma_start3A_684 = tpu.memref_slice %arg3[%add3A_667, %dma_start3A_683] : memref<2048x1024xf32, #tpu.memory_space<hbm>> -> memref<8x1024xf32, #tpu.memory_space<hbm>>
    %dma_start3A_685 = arith.constant 0 : i32
    %dma_start3A_686 = arith.constant 0 : i32
    %dma_start3A_687 = tpu.memref_slice %arg7[%dma_start3A_678, %dma_start3A_685, %dma_start3A_686] : memref<3x8x1024xf32, #tpu.memory_space<vmem>> -> memref<1x8x1024xf32, #tpu.memory_space<vmem>>
    %dma_start3A_688 = tpu.memref_squeeze %dma_start3A_687 : memref<1x8x1024xf32, #tpu.memory_space<vmem>> -> memref<8x1024xf32, #tpu.memory_space<vmem>>
    %dma_start3A_689 = arith.constant 0 : i32
    %dma_start3A_690 = tpu.memref_slice %arg3[%add3A_667, %dma_start3A_689] : memref<2048x1024xf32, #tpu.memory_space<hbm>> -> memref<8x1024xf32, #tpu.memory_space<hbm>>
    tpu.enqueue_dma source(%dma_start3A_690 : memref<8x1024xf32, #tpu.memory_space<hbm>>) target(%dma_start3A_688 : memref<8x1024xf32, #tpu.memory_space<vmem>>) target_semaphore(%arg13 : memref<!tpu.dma_semaphore, #tpu.memory_space<semaphore_mem>>)
    %scan3A = arith.constant 0 : i32
    %scan3A_691 = arith.constant 0 : i32
    %scan3A_692 = arith.constant 2 : i32
    %scan3A_693 = arith.addi %scan3A_691, %scan3A_692 : i32
    %scan3A_694 = arith.constant 1 : i32
    %scan3A_695 = scf.for %scan3A_1107 = %scan3A_691 to %scan3A_693 step %scan3A_694 iter_args(%scan3A_1108 = %scan3A) -> (i32)  : i32 {
      %mul3A_1109 = arith.constant 3 : i32
      %mul3A_1110 = arith.muli %scan3A_1107, %mul3A_1109 : i32
      %add3A_1111 = arith.constant 0 : i32
      %add3A_1112 = arith.addi %mul3A_1110, %add3A_1111 : i32
      %dma_wait3A_1113 = arith.constant 0 : i32
      %dma_wait3A_1114 = arith.constant 0 : i32
      %dma_wait3A_1115 = arith.constant 0 : i32
      %dma_wait3A_1116 = arith.constant 0 : i32
      %dma_wait3A_1117 = tpu.memref_slice %arg8[%dma_wait3A_1114, %dma_wait3A_1115, %dma_wait3A_1116] : memref<3x32x1024xf32, #tpu.memory_space<vmem>> -> memref<1x32x1024xf32, #tpu.memory_space<vmem>>
      %dma_wait3A_1118 = tpu.memref_squeeze %dma_wait3A_1117 : memref<1x32x1024xf32, #tpu.memory_space<vmem>> -> memref<32x1024xf32, #tpu.memory_space<vmem>>
      %dma_wait3A_1119 = arith.constant 0 : i32
      %dma_wait3A_1120 = arith.constant 0 : i32
      %dma_wait3A_1121 = tpu.memref_slice %arg5[%dma_wait3A_1113, %dma_wait3A_1119, %dma_wait3A_1120] : memref<4x2048x1024xf32, #tpu.memory_space<hbm>> -> memref<1x32x1024xf32, #tpu.memory_space<hbm>>
      %dma_wait3A_1122 = tpu.memref_squeeze %dma_wait3A_1121 : memref<1x32x1024xf32, #tpu.memory_space<hbm>> -> memref<32x1024xf32, #tpu.memory_space<hbm>>
      %dma_wait3A_1123 = arith.constant 0 : i32
      %dma_wait3A_1124 = arith.constant 0 : i32
      %dma_wait3A_1125 = tpu.memref_slice %arg8[%dma_wait3A_1114, %dma_wait3A_1123, %dma_wait3A_1124] : memref<3x32x1024xf32, #tpu.memory_space<vmem>> -> memref<1x32x1024xf32, #tpu.memory_space<vmem>>
      %dma_wait3A_1126 = tpu.memref_squeeze %dma_wait3A_1125 : memref<1x32x1024xf32, #tpu.memory_space<vmem>> -> memref<32x1024xf32, #tpu.memory_space<vmem>>
      %dma_wait3A_1127 = arith.constant 0 : i32
      %dma_wait3A_1128 = arith.constant 0 : i32
      %dma_wait3A_1129 = tpu.memref_slice %arg5[%dma_wait3A_1113, %dma_wait3A_1127, %dma_wait3A_1128] : memref<4x2048x1024xf32, #tpu.memory_space<hbm>> -> memref<1x32x1024xf32, #tpu.memory_space<hbm>>
      %dma_wait3A_1130 = tpu.memref_squeeze %dma_wait3A_1129 : memref<1x32x1024xf32, #tpu.memory_space<hbm>> -> memref<32x1024xf32, #tpu.memory_space<hbm>>
      tpu.wait_dma2 semaphore(%arg9 : memref<!tpu.dma_semaphore, #tpu.memory_space<semaphore_mem>>) src(%dma_wait3A_1130 : memref<32x1024xf32, #tpu.memory_space<hbm>>) dst(%dma_wait3A_1126 : memref<32x1024xf32, #tpu.memory_space<vmem>>)
      %mul3A_1131 = arith.constant 8 : i32
      %mul3A_1132 = arith.muli %add3A_1112, %mul3A_1131 : i32
      %add3A_1133 = arith.addi %mul3A_2, %mul3A_1132 : i32
      %dma_wait3A_1134 = arith.constant 0 : i32
      %dma_wait3A_1135 = arith.constant 0 : i32
      %dma_wait3A_1136 = arith.constant 0 : i32
      %dma_wait3A_1137 = tpu.memref_slice %arg7[%dma_wait3A_1134, %dma_wait3A_1135, %dma_wait3A_1136] : memref<3x8x1024xf32, #tpu.memory_space<vmem>> -> memref<1x8x1024xf32, #tpu.memory_space<vmem>>
      %dma_wait3A_1138 = tpu.memref_squeeze %dma_wait3A_1137 : memref<1x8x1024xf32, #tpu.memory_space<vmem>> -> memref<8x1024xf32, #tpu.memory_space<vmem>>
      %dma_wait3A_1139 = arith.constant 0 : i32
      %dma_wait3A_1140 = tpu.memref_slice %arg3[%add3A_1133, %dma_wait3A_1139] : memref<2048x1024xf32, #tpu.memory_space<hbm>> -> memref<8x1024xf32, #tpu.memory_space<hbm>>
      %dma_wait3A_1141 = arith.constant 0 : i32
      %dma_wait3A_1142 = arith.constant 0 : i32
      %dma_wait3A_1143 = tpu.memref_slice %arg7[%dma_wait3A_1134, %dma_wait3A_1141, %dma_wait3A_1142] : memref<3x8x1024xf32, #tpu.memory_space<vmem>> -> memref<1x8x1024xf32, #tpu.memory_space<vmem>>
      %dma_wait3A_1144 = tpu.memref_squeeze %dma_wait3A_1143 : memref<1x8x1024xf32, #tpu.memory_space<vmem>> -> memref<8x1024xf32, #tpu.memory_space<vmem>>
      %dma_wait3A_1145 = arith.constant 0 : i32
      %dma_wait3A_1146 = tpu.memref_slice %arg3[%add3A_1133, %dma_wait3A_1145] : memref<2048x1024xf32, #tpu.memory_space<hbm>> -> memref<8x1024xf32, #tpu.memory_space<hbm>>
      tpu.wait_dma2 semaphore(%arg12 : memref<!tpu.dma_semaphore, #tpu.memory_space<semaphore_mem>>) src(%dma_wait3A_1146 : memref<8x1024xf32, #tpu.memory_space<hbm>>) dst(%dma_wait3A_1144 : memref<8x1024xf32, #tpu.memory_space<vmem>>)
      %scan3A_1147 = arith.constant 0 : i32
      %scan3A_1148 = arith.constant 0 : i32
      %scan3A_1149 = arith.constant 64 : i32
      %scan3A_1150 = arith.addi %scan3A_1148, %scan3A_1149 : i32
      %scan3A_1151 = arith.constant 1 : i32
      %scan3A_1152 = scf.for %scan3A_1545 = %scan3A_1148 to %scan3A_1150 step %scan3A_1151 iter_args(%scan3A_1546 = %scan3A_1147) -> (i32)  : i32 {
        %jit3A = arith.constant 8 : i32
        %div3A = arith.divsi %scan3A_1545, %jit3A : i32
        %sign3A = arith.constant 0 : i32
        %sign3A_1547 = arith.cmpi sgt, %scan3A_1545, %sign3A : i32
        %sign3A_1548 = arith.extui %sign3A_1547 : i1 to i32
        %sign3A_1549 = arith.constant 0 : i32
        %sign3A_1550 = arith.cmpi slt, %scan3A_1545, %sign3A_1549 : i32
        %sign3A_1551 = arith.extui %sign3A_1550 : i1 to i32
        %sign3A_1552 = arith.subi %sign3A_1548, %sign3A_1551 : i32
        %sign3A_1553 = arith.constant 0 : i32
        %sign3A_1554 = arith.cmpi sgt, %jit3A, %sign3A_1553 : i32
        %sign3A_1555 = arith.extui %sign3A_1554 : i1 to i32
        %sign3A_1556 = arith.constant 0 : i32
        %sign3A_1557 = arith.cmpi slt, %jit3A, %sign3A_1556 : i32
        %sign3A_1558 = arith.extui %sign3A_1557 : i1 to i32
        %sign3A_1559 = arith.subi %sign3A_1555, %sign3A_1558 : i32
        %ne3A = arith.cmpi ne, %sign3A_1552, %sign3A_1559 : i32
        %rem3A = arith.remsi %scan3A_1545, %jit3A : i32
        %ne3A_1560 = arith.constant 0 : i32
        %ne3A_1561 = arith.cmpi ne, %rem3A, %ne3A_1560 : i32
        %and3A = arith.andi %ne3A, %ne3A_1561 : i1
        %sub3A = arith.constant 1 : i32
        %sub3A_1562 = arith.subi %div3A, %sub3A : i32
        %select_n3A = arith.select %and3A, %sub3A_1562, %div3A : i32
        %jit3A_1563 = arith.constant 8 : i32
        %eq3A = arith.constant 0 : i32
        %eq3A_1564 = arith.cmpi eq, %jit3A_1563, %eq3A : i32
        %jit3A_1565 = arith.constant 1 : i32
        %select_n3A_1566 = arith.select %eq3A_1564, %jit3A_1565, %jit3A_1563 : i32
        %rem3A_1567 = arith.remsi %scan3A_1545, %select_n3A_1566 : i32
        %ne3A_1568 = arith.constant 0 : i32
        %ne3A_1569 = arith.cmpi ne, %rem3A_1567, %ne3A_1568 : i32
        %lt3A = arith.constant 0 : i32
        %lt3A_1570 = arith.cmpi slt, %rem3A_1567, %lt3A : i32
        %lt3A_1571 = arith.constant 0 : i32
        %lt3A_1572 = arith.cmpi slt, %select_n3A_1566, %lt3A_1571 : i32
        %ne3A_1573 = arith.xori %lt3A_1570, %lt3A_1572 : i1
        %and3A_1574 = arith.andi %ne3A_1573, %ne3A_1569 : i1
        %add3A_1575 = arith.addi %rem3A_1567, %select_n3A_1566 : i32
        %select_n3A_1576 = arith.select %and3A_1574, %add3A_1575, %rem3A_1567 : i32
        %mul3A_1577 = arith.constant 128 : i32
        %mul3A_1578 = arith.muli %select_n3A_1576, %mul3A_1577 : i32
        %add3A_1579 = arith.constant 0 : i32
        %add3A_1580 = arith.addi %mul3A_1578, %add3A_1579 : i32
        %get3A = arith.constant 0 : i32
        %get3A_1581 = arith.index_cast %get3A : i32 to index
        %get3A_1582 = arith.index_cast %select_n3A : i32 to index
        %get3A_1583 = arith.index_cast %add3A_1580 : i32 to index
        %get3A_1584 = tpu.vector_load %arg7[%get3A_1581, %get3A_1582, %get3A_1583] {strides = array<i32>} : memref<3x8x1024xf32, #tpu.memory_space<vmem>>, vector<1x1x16xf32>,
        %get3A_1585 = vector.shape_cast %get3A_1584 : vector<1x1x16xf32> to vector<16xf32>
        %add3A_1586 = arith.constant 0 : i32
        %add3A_1587 = arith.addi %add3A_1586, %select_n3A : i32
        %swap3A = arith.constant 0 : i32
        %swap3A_1588 = arith.index_cast %swap3A : i32 to index
        %swap3A_1589 = arith.index_cast %add3A_1587 : i32 to index
        %swap3A_1590 = arith.index_cast %add3A_1580 : i32 to index
        %swap3A_1591 = tpu.vector_load %arg8[%swap3A_1588, %swap3A_1589, %swap3A_1590] {strides = array<i32>} : memref<3x32x1024xf32, #tpu.memory_space<vmem>>, vector<1x1x16xf32>,
        %swap3A_1592 = vector.shape_cast %swap3A_1591 : vector<1x1x16xf32> to vector<16xf32>
        %swap3A_1593 = vector.shape_cast %get3A_1585 : vector<16xf32> to vector<1x1x16xf32>
        tpu.vector_store %arg8[%swap3A_1588, %swap3A_1589, %swap3A_1590], %swap3A_1593 {add = true, strides = array<i32>} : memref<3x32x1024xf32, #tpu.memory_space<vmem>>, vector<1x1x16xf32>,
        %add3A_1594 = arith.constant 8 : i32
        %add3A_1595 = arith.addi %add3A_1594, %select_n3A : i32
        %swap3A_1596 = arith.constant 0 : i32
        %swap3A_1597 = arith.index_cast %swap3A_1596 : i32 to index
        %swap3A_1598 = arith.index_cast %add3A_1595 : i32 to index
        %swap3A_1599 = arith.index_cast %add3A_1580 : i32 to index
        %swap3A_1600 = tpu.vector_load %arg8[%swap3A_1597, %swap3A_1598, %swap3A_1599] {strides = array<i32>} : memref<3x32x1024xf32, #tpu.memory_space<vmem>>, vector<1x1x16xf32>,
        %swap3A_1601 = vector.shape_cast %swap3A_1600 : vector<1x1x16xf32> to vector<16xf32>
        %swap3A_1602 = vector.shape_cast %get3A_1585 : vector<16xf32> to vector<1x1x16xf32>
        tpu.vector_store %arg8[%swap3A_1597, %swap3A_1598, %swap3A_1599], %swap3A_1602 {add = true, strides = array<i32>} : memref<3x32x1024xf32, #tpu.memory_space<vmem>>, vector<1x1x16xf32>,
        %add3A_1603 = arith.constant 16 : i32
        %add3A_1604 = arith.addi %add3A_1603, %select_n3A : i32
        %swap3A_1605 = arith.constant 0 : i32
        %swap3A_1606 = arith.index_cast %swap3A_1605 : i32 to index
        %swap3A_1607 = arith.index_cast %add3A_1604 : i32 to index
        %swap3A_1608 = arith.index_cast %add3A_1580 : i32 to index
        %swap3A_1609 = tpu.vector_load %arg8[%swap3A_1606, %swap3A_1607, %swap3A_1608] {strides = array<i32>} : memref<3x32x1024xf32, #tpu.memory_space<vmem>>, vector<1x1x16xf32>,
        %swap3A_1610 = vector.shape_cast %swap3A_1609 : vector<1x1x16xf32> to vector<16xf32>
        %swap3A_1611 = vector.shape_cast %get3A_1585 : vector<16xf32> to vector<1x1x16xf32>
        tpu.vector_store %arg8[%swap3A_1606, %swap3A_1607, %swap3A_1608], %swap3A_1611 {add = true, strides = array<i32>} : memref<3x32x1024xf32, #tpu.memory_space<vmem>>, vector<1x1x16xf32>,
        %add3A_1612 = arith.constant 24 : i32
        %add3A_1613 = arith.addi %add3A_1612, %select_n3A : i32
        %swap3A_1614 = arith.constant 0 : i32
        %swap3A_1615 = arith.index_cast %swap3A_1614 : i32 to index
        %swap3A_1616 = arith.index_cast %add3A_1613 : i32 to index
        %swap3A_1617 = arith.index_cast %add3A_1580 : i32 to index
        %swap3A_1618 = tpu.vector_load %arg8[%swap3A_1615, %swap3A_1616, %swap3A_1617] {strides = array<i32>} : memref<3x32x1024xf32, #tpu.memory_space<vmem>>, vector<1x1x16xf32>,
        %swap3A_1619 = vector.shape_cast %swap3A_1618 : vector<1x1x16xf32> to vector<16xf32>
        %swap3A_1620 = vector.shape_cast %get3A_1585 : vector<16xf32> to vector<1x1x16xf32>
        tpu.vector_store %arg8[%swap3A_1615, %swap3A_1616, %swap3A_1617], %swap3A_1620 {add = true, strides = array<i32>} : memref<3x32x1024xf32, #tpu.memory_space<vmem>>, vector<1x1x16xf32>,
        %add3A_1621 = arith.constant 16 : i32
        %add3A_1622 = arith.addi %mul3A_1578, %add3A_1621 : i32
        %get3A_1623 = arith.constant 0 : i32
        %get3A_1624 = arith.index_cast %get3A_1623 : i32 to index
        %get3A_1625 = arith.index_cast %select_n3A : i32 to index
        %get3A_1626 = arith.index_cast %add3A_1622 : i32 to index
        %get3A_1627 = tpu.vector_load %arg7[%get3A_1624, %get3A_1625, %get3A_1626] {strides = array<i32>} : memref<3x8x1024xf32, #tpu.memory_space<vmem>>, vector<1x1x16xf32>,
        %get3A_1628 = vector.shape_cast %get3A_1627 : vector<1x1x16xf32> to vector<16xf32>
        %add3A_1629 = arith.constant 0 : i32
        %add3A_1630 = arith.addi %add3A_1629, %select_n3A : i32
        %swap3A_1631 = arith.constant 0 : i32
        %swap3A_1632 = arith.index_cast %swap3A_1631 : i32 to index
        %swap3A_1633 = arith.index_cast %add3A_1630 : i32 to index
        %swap3A_1634 = arith.index_cast %add3A_1622 : i32 to index
        %swap3A_1635 = tpu.vector_load %arg8[%swap3A_1632, %swap3A_1633, %swap3A_1634] {strides = array<i32>} : memref<3x32x1024xf32, #tpu.memory_space<vmem>>, vector<1x1x16xf32>,
        %swap3A_1636 = vector.shape_cast %swap3A_1635 : vector<1x1x16xf32> to vector<16xf32>
        %swap3A_1637 = vector.shape_cast %get3A_1628 : vector<16xf32> to vector<1x1x16xf32>
        tpu.vector_store %arg8[%swap3A_1632, %swap3A_1633, %swap3A_1634], %swap3A_1637 {add = true, strides = array<i32>} : memref<3x32x1024xf32, #tpu.memory_space<vmem>>, vector<1x1x16xf32>,
        %add3A_1638 = arith.constant 8 : i32
        %add3A_1639 = arith.addi %add3A_1638, %select_n3A : i32
        %swap3A_1640 = arith.constant 0 : i32
        %swap3A_1641 = arith.index_cast %swap3A_1640 : i32 to index
        %swap3A_1642 = arith.index_cast %add3A_1639 : i32 to index
        %swap3A_1643 = arith.index_cast %add3A_1622 : i32 to index
        %swap3A_1644 = tpu.vector_load %arg8[%swap3A_1641, %swap3A_1642, %swap3A_1643] {strides = array<i32>} : memref<3x32x1024xf32, #tpu.memory_space<vmem>>, vector<1x1x16xf32>,
        %swap3A_1645 = vector.shape_cast %swap3A_1644 : vector<1x1x16xf32> to vector<16xf32>
        %swap3A_1646 = vector.shape_cast %get3A_1628 : vector<16xf32> to vector<1x1x16xf32>
        tpu.vector_store %arg8[%swap3A_1641, %swap3A_1642, %swap3A_1643], %swap3A_1646 {add = true, strides = array<i32>} : memref<3x32x1024xf32, #tpu.memory_space<vmem>>, vector<1x1x16xf32>,
        %add3A_1647 = arith.constant 16 : i32
        %add3A_1648 = arith.addi %add3A_1647, %select_n3A : i32
        %swap3A_1649 = arith.constant 0 : i32
        %swap3A_1650 = arith.index_cast %swap3A_1649 : i32 to index
        %swap3A_1651 = arith.index_cast %add3A_1648 : i32 to index
        %swap3A_1652 = arith.index_cast %add3A_1622 : i32 to index
        %swap3A_1653 = tpu.vector_load %arg8[%swap3A_1650, %swap3A_1651, %swap3A_1652] {strides = array<i32>} : memref<3x32x1024xf32, #tpu.memory_space<vmem>>, vector<1x1x16xf32>,
        %swap3A_1654 = vector.shape_cast %swap3A_1653 : vector<1x1x16xf32> to vector<16xf32>
        %swap3A_1655 = vector.shape_cast %get3A_1628 : vector<16xf32> to vector<1x1x16xf32>
        tpu.vector_store %arg8[%swap3A_1650, %swap3A_1651, %swap3A_1652], %swap3A_1655 {add = true, strides = array<i32>} : memref<3x32x1024xf32, #tpu.memory_space<vmem>>, vector<1x1x16xf32>,
        %add3A_1656 = arith.constant 24 : i32
        %add3A_1657 = arith.addi %add3A_1656, %select_n3A : i32
        %swap3A_1658 = arith.constant 0 : i32
        %swap3A_1659 = arith.index_cast %swap3A_1658 : i32 to index
        %swap3A_1660 = arith.index_cast %add3A_1657 : i32 to index
        %swap3A_1661 = arith.index_cast %add3A_1622 : i32 to index
        %swap3A_1662 = tpu.vector_load %arg8[%swap3A_1659, %swap3A_1660, %swap3A_1661] {strides = array<i32>} : memref<3x32x1024xf32, #tpu.memory_space<vmem>>, vector<1x1x16xf32>,
        %swap3A_1663 = vector.shape_cast %swap3A_1662 : vector<1x1x16xf32> to vector<16xf32>
        %swap3A_1664 = vector.shape_cast %get3A_1628 : vector<16xf32> to vector<1x1x16xf32>
        tpu.vector_store %arg8[%swap3A_1659, %swap3A_1660, %swap3A_1661], %swap3A_1664 {add = true, strides = array<i32>} : memref<3x32x1024xf32, #tpu.memory_space<vmem>>, vector<1x1x16xf32>,
        %add3A_1665 = arith.constant 32 : i32
        %add3A_1666 = arith.addi %mul3A_1578, %add3A_1665 : i32
        %get3A_1667 = arith.constant 0 : i32
        %get3A_1668 = arith.index_cast %get3A_1667 : i32 to index
        %get3A_1669 = arith.index_cast %select_n3A : i32 to index
        %get3A_1670 = arith.index_cast %add3A_1666 : i32 to index
        %get3A_1671 = tpu.vector_load %arg7[%get3A_1668, %get3A_1669, %get3A_1670] {strides = array<i32>} : memref<3x8x1024xf32, #tpu.memory_space<vmem>>, vector<1x1x16xf32>,
        %get3A_1672 = vector.shape_cast %get3A_1671 : vector<1x1x16xf32> to vector<16xf32>
        %add3A_1673 = arith.constant 0 : i32
        %add3A_1674 = arith.addi %add3A_1673, %select_n3A : i32
        %swap3A_1675 = arith.constant 0 : i32
        %swap3A_1676 = arith.index_cast %swap3A_1675 : i32 to index
        %swap3A_1677 = arith.index_cast %add3A_1674 : i32 to index
        %swap3A_1678 = arith.index_cast %add3A_1666 : i32 to index
        %swap3A_1679 = tpu.vector_load %arg8[%swap3A_1676, %swap3A_1677, %swap3A_1678] {strides = array<i32>} : memref<3x32x1024xf32, #tpu.memory_space<vmem>>, vector<1x1x16xf32>,
        %swap3A_1680 = vector.shape_cast %swap3A_1679 : vector<1x1x16xf32> to vector<16xf32>
        %swap3A_1681 = vector.shape_cast %get3A_1672 : vector<16xf32> to vector<1x1x16xf32>
        tpu.vector_store %arg8[%swap3A_1676, %swap3A_1677, %swap3A_1678], %swap3A_1681 {add = true, strides = array<i32>} : memref<3x32x1024xf32, #tpu.memory_space<vmem>>, vector<1x1x16xf32>,
        %add3A_1682 = arith.constant 8 : i32
        %add3A_1683 = arith.addi %add3A_1682, %select_n3A : i32
        %swap3A_1684 = arith.constant 0 : i32
        %swap3A_1685 = arith.index_cast %swap3A_1684 : i32 to index
        %swap3A_1686 = arith.index_cast %add3A_1683 : i32 to index
        %swap3A_1687 = arith.index_cast %add3A_1666 : i32 to index
        %swap3A_1688 = tpu.vector_load %arg8[%swap3A_1685, %swap3A_1686, %swap3A_1687] {strides = array<i32>} : memref<3x32x1024xf32, #tpu.memory_space<vmem>>, vector<1x1x16xf32>,
        %swap3A_1689 = vector.shape_cast %swap3A_1688 : vector<1x1x16xf32> to vector<16xf32>
        %swap3A_1690 = vector.shape_cast %get3A_1672 : vector<16xf32> to vector<1x1x16xf32>
        tpu.vector_store %arg8[%swap3A_1685, %swap3A_1686, %swap3A_1687], %swap3A_1690 {add = true, strides = array<i32>} : memref<3x32x1024xf32, #tpu.memory_space<vmem>>, vector<1x1x16xf32>,
        %add3A_1691 = arith.constant 16 : i32
        %add3A_1692 = arith.addi %add3A_1691, %select_n3A : i32
        %swap3A_1693 = arith.constant 0 : i32
        %swap3A_1694 = arith.index_cast %swap3A_1693 : i32 to index
        %swap3A_1695 = arith.index_cast %add3A_1692 : i32 to index
        %swap3A_1696 = arith.index_cast %add3A_1666 : i32 to index
        %swap3A_1697 = tpu.vector_load %arg8[%swap3A_1694, %swap3A_1695, %swap3A_1696] {strides = array<i32>} : memref<3x32x1024xf32, #tpu.memory_space<vmem>>, vector<1x1x16xf32>,
        %swap3A_1698 = vector.shape_cast %swap3A_1697 : vector<1x1x16xf32> to vector<16xf32>
        %swap3A_1699 = vector.shape_cast %get3A_1672 : vector<16xf32> to vector<1x1x16xf32>
        tpu.vector_store %arg8[%swap3A_1694, %swap3A_1695, %swap3A_1696], %swap3A_1699 {add = true, strides = array<i32>} : memref<3x32x1024xf32, #tpu.memory_space<vmem>>, vector<1x1x16xf32>,
        %add3A_1700 = arith.constant 24 : i32
        %add3A_1701 = arith.addi %add3A_1700, %select_n3A : i32
        %swap3A_1702 = arith.constant 0 : i32
        %swap3A_1703 = arith.index_cast %swap3A_1702 : i32 to index
        %swap3A_1704 = arith.index_cast %add3A_1701 : i32 to index
        %swap3A_1705 = arith.index_cast %add3A_1666 : i32 to index
        %swap3A_1706 = tpu.vector_load %arg8[%swap3A_1703, %swap3A_1704, %swap3A_1705] {strides = array<i32>} : memref<3x32x1024xf32, #tpu.memory_space<vmem>>, vector<1x1x16xf32>,
        %swap3A_1707 = vector.shape_cast %swap3A_1706 : vector<1x1x16xf32> to vector<16xf32>
        %swap3A_1708 = vector.shape_cast %get3A_1672 : vector<16xf32> to vector<1x1x16xf32>
        tpu.vector_store %arg8[%swap3A_1703, %swap3A_1704, %swap3A_1705], %swap3A_1708 {add = true, strides = array<i32>} : memref<3x32x1024xf32, #tpu.memory_space<vmem>>, vector<1x1x16xf32>,
        %add3A_1709 = arith.constant 48 : i32
        %add3A_1710 = arith.addi %mul3A_1578, %add3A_1709 : i32
        %get3A_1711 = arith.constant 0 : i32
        %get3A_1712 = arith.index_cast %get3A_1711 : i32 to index
        %get3A_1713 = arith.index_cast %select_n3A : i32 to index
        %get3A_1714 = arith.index_cast %add3A_1710 : i32 to index
        %get3A_1715 = tpu.vector_load %arg7[%get3A_1712, %get3A_1713, %get3A_1714] {strides = array<i32>} : memref<3x8x1024xf32, #tpu.memory_space<vmem>>, vector<1x1x16xf32>,
        %get3A_1716 = vector.shape_cast %get3A_1715 : vector<1x1x16xf32> to vector<16xf32>
        %add3A_1717 = arith.constant 0 : i32
        %add3A_1718 = arith.addi %add3A_1717, %select_n3A : i32
        %swap3A_1719 = arith.constant 0 : i32
        %swap3A_1720 = arith.index_cast %swap3A_1719 : i32 to index
        %swap3A_1721 = arith.index_cast %add3A_1718 : i32 to index
        %swap3A_1722 = arith.index_cast %add3A_1710 : i32 to index
        %swap3A_1723 = tpu.vector_load %arg8[%swap3A_1720, %swap3A_1721, %swap3A_1722] {strides = array<i32>} : memref<3x32x1024xf32, #tpu.memory_space<vmem>>, vector<1x1x16xf32>,
        %swap3A_1724 = vector.shape_cast %swap3A_1723 : vector<1x1x16xf32> to vector<16xf32>
        %swap3A_1725 = vector.shape_cast %get3A_1716 : vector<16xf32> to vector<1x1x16xf32>
        tpu.vector_store %arg8[%swap3A_1720, %swap3A_1721, %swap3A_1722], %swap3A_1725 {add = true, strides = array<i32>} : memref<3x32x1024xf32, #tpu.memory_space<vmem>>, vector<1x1x16xf32>,
        %add3A_1726 = arith.constant 8 : i32
        %add3A_1727 = arith.addi %add3A_1726, %select_n3A : i32
        %swap3A_1728 = arith.constant 0 : i32
        %swap3A_1729 = arith.index_cast %swap3A_1728 : i32 to index
        %swap3A_1730 = arith.index_cast %add3A_1727 : i32 to index
        %swap3A_1731 = arith.index_cast %add3A_1710 : i32 to index
        %swap3A_1732 = tpu.vector_load %arg8[%swap3A_1729, %swap3A_1730, %swap3A_1731] {strides = array<i32>} : memref<3x32x1024xf32, #tpu.memory_space<vmem>>, vector<1x1x16xf32>,
        %swap3A_1733 = vector.shape_cast %swap3A_1732 : vector<1x1x16xf32> to vector<16xf32>
        %swap3A_1734 = vector.shape_cast %get3A_1716 : vector<16xf32> to vector<1x1x16xf32>
        tpu.vector_store %arg8[%swap3A_1729, %swap3A_1730, %swap3A_1731], %swap3A_1734 {add = true, strides = array<i32>} : memref<3x32x1024xf32, #tpu.memory_space<vmem>>, vector<1x1x16xf32>,
        %add3A_1735 = arith.constant 16 : i32
        %add3A_1736 = arith.addi %add3A_1735, %select_n3A : i32
        %swap3A_1737 = arith.constant 0 : i32
        %swap3A_1738 = arith.index_cast %swap3A_1737 : i32 to index
        %swap3A_1739 = arith.index_cast %add3A_1736 : i32 to index
        %swap3A_1740 = arith.index_cast %add3A_1710 : i32 to index
        %swap3A_1741 = tpu.vector_load %arg8[%swap3A_1738, %swap3A_1739, %swap3A_1740] {strides = array<i32>} : memref<3x32x1024xf32, #tpu.memory_space<vmem>>, vector<1x1x16xf32>,
        %swap3A_1742 = vector.shape_cast %swap3A_1741 : vector<1x1x16xf32> to vector<16xf32>
        %swap3A_1743 = vector.shape_cast %get3A_1716 : vector<16xf32> to vector<1x1x16xf32>
        tpu.vector_store %arg8[%swap3A_1738, %swap3A_1739, %swap3A_1740], %swap3A_1743 {add = true, strides = array<i32>} : memref<3x32x1024xf32, #tpu.memory_space<vmem>>, vector<1x1x16xf32>,
        %add3A_1744 = arith.constant 24 : i32
        %add3A_1745 = arith.addi %add3A_1744, %select_n3A : i32
        %swap3A_1746 = arith.constant 0 : i32
        %swap3A_1747 = arith.index_cast %swap3A_1746 : i32 to index
        %swap3A_1748 = arith.index_cast %add3A_1745 : i32 to index
        %swap3A_1749 = arith.index_cast %add3A_1710 : i32 to index
        %swap3A_1750 = tpu.vector_load %arg8[%swap3A_1747, %swap3A_1748, %swap3A_1749] {strides = array<i32>} : memref<3x32x1024xf32, #tpu.memory_space<vmem>>, vector<1x1x16xf32>,
        %swap3A_1751 = vector.shape_cast %swap3A_1750 : vector<1x1x16xf32> to vector<16xf32>
        %swap3A_1752 = vector.shape_cast %get3A_1716 : vector<16xf32> to vector<1x1x16xf32>
        tpu.vector_store %arg8[%swap3A_1747, %swap3A_1748, %swap3A_1749], %swap3A_1752 {add = true, strides = array<i32>} : memref<3x32x1024xf32, #tpu.memory_space<vmem>>, vector<1x1x16xf32>,
        %add3A_1753 = arith.constant 64 : i32
        %add3A_1754 = arith.addi %mul3A_1578, %add3A_1753 : i32
        %get3A_1755 = arith.constant 0 : i32
        %get3A_1756 = arith.index_cast %get3A_1755 : i32 to index
        %get3A_1757 = arith.index_cast %select_n3A : i32 to index
        %get3A_1758 = arith.index_cast %add3A_1754 : i32 to index
        %get3A_1759 = tpu.vector_load %arg7[%get3A_1756, %get3A_1757, %get3A_1758] {strides = array<i32>} : memref<3x8x1024xf32, #tpu.memory_space<vmem>>, vector<1x1x16xf32>,
        %get3A_1760 = vector.shape_cast %get3A_1759 : vector<1x1x16xf32> to vector<16xf32>
        %add3A_1761 = arith.constant 0 : i32
        %add3A_1762 = arith.addi %add3A_1761, %select_n3A : i32
        %swap3A_1763 = arith.constant 0 : i32
        %swap3A_1764 = arith.index_cast %swap3A_1763 : i32 to index
        %swap3A_1765 = arith.index_cast %add3A_1762 : i32 to index
        %swap3A_1766 = arith.index_cast %add3A_1754 : i32 to index
        %swap3A_1767 = tpu.vector_load %arg8[%swap3A_1764, %swap3A_1765, %swap3A_1766] {strides = array<i32>} : memref<3x32x1024xf32, #tpu.memory_space<vmem>>, vector<1x1x16xf32>,
        %swap3A_1768 = vector.shape_cast %swap3A_1767 : vector<1x1x16xf32> to vector<16xf32>
        %swap3A_1769 = vector.shape_cast %get3A_1760 : vector<16xf32> to vector<1x1x16xf32>
        tpu.vector_store %arg8[%swap3A_1764, %swap3A_1765, %swap3A_1766], %swap3A_1769 {add = true, strides = array<i32>} : memref<3x32x1024xf32, #tpu.memory_space<vmem>>, vector<1x1x16xf32>,
        %add3A_1770 = arith.constant 8 : i32
        %add3A_1771 = arith.addi %add3A_1770, %select_n3A : i32
        %swap3A_1772 = arith.constant 0 : i32
        %swap3A_1773 = arith.index_cast %swap3A_1772 : i32 to index
        %swap3A_1774 = arith.index_cast %add3A_1771 : i32 to index
        %swap3A_1775 = arith.index_cast %add3A_1754 : i32 to index
        %swap3A_1776 = tpu.vector_load %arg8[%swap3A_1773, %swap3A_1774, %swap3A_1775] {strides = array<i32>} : memref<3x32x1024xf32, #tpu.memory_space<vmem>>, vector<1x1x16xf32>,
        %swap3A_1777 = vector.shape_cast %swap3A_1776 : vector<1x1x16xf32> to vector<16xf32>
        %swap3A_1778 = vector.shape_cast %get3A_1760 : vector<16xf32> to vector<1x1x16xf32>
        tpu.vector_store %arg8[%swap3A_1773, %swap3A_1774, %swap3A_1775], %swap3A_1778 {add = true, strides = array<i32>} : memref<3x32x1024xf32, #tpu.memory_space<vmem>>, vector<1x1x16xf32>,
        %add3A_1779 = arith.constant 16 : i32
        %add3A_1780 = arith.addi %add3A_1779, %select_n3A : i32
        %swap3A_1781 = arith.constant 0 : i32
        %swap3A_1782 = arith.index_cast %swap3A_1781 : i32 to index
        %swap3A_1783 = arith.index_cast %add3A_1780 : i32 to index
        %swap3A_1784 = arith.index_cast %add3A_1754 : i32 to index
        %swap3A_1785 = tpu.vector_load %arg8[%swap3A_1782, %swap3A_1783, %swap3A_1784] {strides = array<i32>} : memref<3x32x1024xf32, #tpu.memory_space<vmem>>, vector<1x1x16xf32>,
        %swap3A_1786 = vector.shape_cast %swap3A_1785 : vector<1x1x16xf32> to vector<16xf32>
        %swap3A_1787 = vector.shape_cast %get3A_1760 : vector<16xf32> to vector<1x1x16xf32>
        tpu.vector_store %arg8[%swap3A_1782, %swap3A_1783, %swap3A_1784], %swap3A_1787 {add = true, strides = array<i32>} : memref<3x32x1024xf32, #tpu.memory_space<vmem>>, vector<1x1x16xf32>,
        %add3A_1788 = arith.constant 24 : i32
        %add3A_1789 = arith.addi %add3A_1788, %select_n3A : i32
        %swap3A_1790 = arith.constant 0 : i32
        %swap3A_1791 = arith.index_cast %swap3A_1790 : i32 to index
        %swap3A_1792 = arith.index_cast %add3A_1789 : i32 to index
        %swap3A_1793 = arith.index_cast %add3A_1754 : i32 to index
        %swap3A_1794 = tpu.vector_load %arg8[%swap3A_1791, %swap3A_1792, %swap3A_1793] {strides = array<i32>} : memref<3x32x1024xf32, #tpu.memory_space<vmem>>, vector<1x1x16xf32>,
        %swap3A_1795 = vector.shape_cast %swap3A_1794 : vector<1x1x16xf32> to vector<16xf32>
        %swap3A_1796 = vector.shape_cast %get3A_1760 : vector<16xf32> to vector<1x1x16xf32>
        tpu.vector_store %arg8[%swap3A_1791, %swap3A_1792, %swap3A_1793], %swap3A_1796 {add = true, strides = array<i32>} : memref<3x32x1024xf32, #tpu.memory_space<vmem>>, vector<1x1x16xf32>,
        %add3A_1797 = arith.constant 80 : i32
        %add3A_1798 = arith.addi %mul3A_1578, %add3A_1797 : i32
        %get3A_1799 = arith.constant 0 : i32
        %get3A_1800 = arith.index_cast %get3A_1799 : i32 to index
        %get3A_1801 = arith.index_cast %select_n3A : i32 to index
        %get3A_1802 = arith.index_cast %add3A_1798 : i32 to index
        %get3A_1803 = tpu.vector_load %arg7[%get3A_1800, %get3A_1801, %get3A_1802] {strides = array<i32>} : memref<3x8x1024xf32, #tpu.memory_space<vmem>>, vector<1x1x16xf32>,
        %get3A_1804 = vector.shape_cast %get3A_1803 : vector<1x1x16xf32> to vector<16xf32>
        %add3A_1805 = arith.constant 0 : i32
        %add3A_1806 = arith.addi %add3A_1805, %select_n3A : i32
        %swap3A_1807 = arith.constant 0 : i32
        %swap3A_1808 = arith.index_cast %swap3A_1807 : i32 to index
        %swap3A_1809 = arith.index_cast %add3A_1806 : i32 to index
        %swap3A_1810 = arith.index_cast %add3A_1798 : i32 to index
        %swap3A_1811 = tpu.vector_load %arg8[%swap3A_1808, %swap3A_1809, %swap3A_1810] {strides = array<i32>} : memref<3x32x1024xf32, #tpu.memory_space<vmem>>, vector<1x1x16xf32>,
        %swap3A_1812 = vector.shape_cast %swap3A_1811 : vector<1x1x16xf32> to vector<16xf32>
        %swap3A_1813 = vector.shape_cast %get3A_1804 : vector<16xf32> to vector<1x1x16xf32>
        tpu.vector_store %arg8[%swap3A_1808, %swap3A_1809, %swap3A_1810], %swap3A_1813 {add = true, strides = array<i32>} : memref<3x32x1024xf32, #tpu.memory_space<vmem>>, vector<1x1x16xf32>,
        %add3A_1814 = arith.constant 8 : i32
        %add3A_1815 = arith.addi %add3A_1814, %select_n3A : i32
        %swap3A_1816 = arith.constant 0 : i32
        %swap3A_1817 = arith.index_cast %swap3A_1816 : i32 to index
        %swap3A_1818 = arith.index_cast %add3A_1815 : i32 to index
        %swap3A_1819 = arith.index_cast %add3A_1798 : i32 to index
        %swap3A_1820 = tpu.vector_load %arg8[%swap3A_1817, %swap3A_1818, %swap3A_1819] {strides = array<i32>} : memref<3x32x1024xf32, #tpu.memory_space<vmem>>, vector<1x1x16xf32>,
        %swap3A_1821 = vector.shape_cast %swap3A_1820 : vector<1x1x16xf32> to vector<16xf32>
        %swap3A_1822 = vector.shape_cast %get3A_1804 : vector<16xf32> to vector<1x1x16xf32>
        tpu.vector_store %arg8[%swap3A_1817, %swap3A_1818, %swap3A_1819], %swap3A_1822 {add = true, strides = array<i32>} : memref<3x32x1024xf32, #tpu.memory_space<vmem>>, vector<1x1x16xf32>,
        %add3A_1823 = arith.constant 16 : i32
        %add3A_1824 = arith.addi %add3A_1823, %select_n3A : i32
        %swap3A_1825 = arith.constant 0 : i32
        %swap3A_1826 = arith.index_cast %swap3A_1825 : i32 to index
        %swap3A_1827 = arith.index_cast %add3A_1824 : i32 to index
        %swap3A_1828 = arith.index_cast %add3A_1798 : i32 to index
        %swap3A_1829 = tpu.vector_load %arg8[%swap3A_1826, %swap3A_1827, %swap3A_1828] {strides = array<i32>} : memref<3x32x1024xf32, #tpu.memory_space<vmem>>, vector<1x1x16xf32>,
        %swap3A_1830 = vector.shape_cast %swap3A_1829 : vector<1x1x16xf32> to vector<16xf32>
        %swap3A_1831 = vector.shape_cast %get3A_1804 : vector<16xf32> to vector<1x1x16xf32>
        tpu.vector_store %arg8[%swap3A_1826, %swap3A_1827, %swap3A_1828], %swap3A_1831 {add = true, strides = array<i32>} : memref<3x32x1024xf32, #tpu.memory_space<vmem>>, vector<1x1x16xf32>,
        %add3A_1832 = arith.constant 24 : i32
        %add3A_1833 = arith.addi %add3A_1832, %select_n3A : i32
        %swap3A_1834 = arith.constant 0 : i32
        %swap3A_1835 = arith.index_cast %swap3A_1834 : i32 to index
        %swap3A_1836 = arith.index_cast %add3A_1833 : i32 to index
        %swap3A_1837 = arith.index_cast %add3A_1798 : i32 to index
        %swap3A_1838 = tpu.vector_load %arg8[%swap3A_1835, %swap3A_1836, %swap3A_1837] {strides = array<i32>} : memref<3x32x1024xf32, #tpu.memory_space<vmem>>, vector<1x1x16xf32>,
        %swap3A_1839 = vector.shape_cast %swap3A_1838 : vector<1x1x16xf32> to vector<16xf32>
        %swap3A_1840 = vector.shape_cast %get3A_1804 : vector<16xf32> to vector<1x1x16xf32>
        tpu.vector_store %arg8[%swap3A_1835, %swap3A_1836, %swap3A_1837], %swap3A_1840 {add = true, strides = array<i32>} : memref<3x32x1024xf32, #tpu.memory_space<vmem>>, vector<1x1x16xf32>,
        %add3A_1841 = arith.constant 96 : i32
        %add3A_1842 = arith.addi %mul3A_1578, %add3A_1841 : i32
        %get3A_1843 = arith.constant 0 : i32
        %get3A_1844 = arith.index_cast %get3A_1843 : i32 to index
        %get3A_1845 = arith.index_cast %select_n3A : i32 to index
        %get3A_1846 = arith.index_cast %add3A_1842 : i32 to index
        %get3A_1847 = tpu.vector_load %arg7[%get3A_1844, %get3A_1845, %get3A_1846] {strides = array<i32>} : memref<3x8x1024xf32, #tpu.memory_space<vmem>>, vector<1x1x16xf32>,
        %get3A_1848 = vector.shape_cast %get3A_1847 : vector<1x1x16xf32> to vector<16xf32>
        %add3A_1849 = arith.constant 0 : i32
        %add3A_1850 = arith.addi %add3A_1849, %select_n3A : i32
        %swap3A_1851 = arith.constant 0 : i32
        %swap3A_1852 = arith.index_cast %swap3A_1851 : i32 to index
        %swap3A_1853 = arith.index_cast %add3A_1850 : i32 to index
        %swap3A_1854 = arith.index_cast %add3A_1842 : i32 to index
        %swap3A_1855 = tpu.vector_load %arg8[%swap3A_1852, %swap3A_1853, %swap3A_1854] {strides = array<i32>} : memref<3x32x1024xf32, #tpu.memory_space<vmem>>, vector<1x1x16xf32>,
        %swap3A_1856 = vector.shape_cast %swap3A_1855 : vector<1x1x16xf32> to vector<16xf32>
        %swap3A_1857 = vector.shape_cast %get3A_1848 : vector<16xf32> to vector<1x1x16xf32>
        tpu.vector_store %arg8[%swap3A_1852, %swap3A_1853, %swap3A_1854], %swap3A_1857 {add = true, strides = array<i32>} : memref<3x32x1024xf32, #tpu.memory_space<vmem>>, vector<1x1x16xf32>,
        %add3A_1858 = arith.constant 8 : i32
        %add3A_1859 = arith.addi %add3A_1858, %select_n3A : i32
        %swap3A_1860 = arith.constant 0 : i32
        %swap3A_1861 = arith.index_cast %swap3A_1860 : i32 to index
        %swap3A_1862 = arith.index_cast %add3A_1859 : i32 to index
        %swap3A_1863 = arith.index_cast %add3A_1842 : i32 to index
        %swap3A_1864 = tpu.vector_load %arg8[%swap3A_1861, %swap3A_1862, %swap3A_1863] {strides = array<i32>} : memref<3x32x1024xf32, #tpu.memory_space<vmem>>, vector<1x1x16xf32>,
        %swap3A_1865 = vector.shape_cast %swap3A_1864 : vector<1x1x16xf32> to vector<16xf32>
        %swap3A_1866 = vector.shape_cast %get3A_1848 : vector<16xf32> to vector<1x1x16xf32>
        tpu.vector_store %arg8[%swap3A_1861, %swap3A_1862, %swap3A_1863], %swap3A_1866 {add = true, strides = array<i32>} : memref<3x32x1024xf32, #tpu.memory_space<vmem>>, vector<1x1x16xf32>,
        %add3A_1867 = arith.constant 16 : i32
        %add3A_1868 = arith.addi %add3A_1867, %select_n3A : i32
        %swap3A_1869 = arith.constant 0 : i32
        %swap3A_1870 = arith.index_cast %swap3A_1869 : i32 to index
        %swap3A_1871 = arith.index_cast %add3A_1868 : i32 to index
        %swap3A_1872 = arith.index_cast %add3A_1842 : i32 to index
        %swap3A_1873 = tpu.vector_load %arg8[%swap3A_1870, %swap3A_1871, %swap3A_1872] {strides = array<i32>} : memref<3x32x1024xf32, #tpu.memory_space<vmem>>, vector<1x1x16xf32>,
        %swap3A_1874 = vector.shape_cast %swap3A_1873 : vector<1x1x16xf32> to vector<16xf32>
        %swap3A_1875 = vector.shape_cast %get3A_1848 : vector<16xf32> to vector<1x1x16xf32>
        tpu.vector_store %arg8[%swap3A_1870, %swap3A_1871, %swap3A_1872], %swap3A_1875 {add = true, strides = array<i32>} : memref<3x32x1024xf32, #tpu.memory_space<vmem>>, vector<1x1x16xf32>,
        %add3A_1876 = arith.constant 24 : i32
        %add3A_1877 = arith.addi %add3A_1876, %select_n3A : i32
        %swap3A_1878 = arith.constant 0 : i32
        %swap3A_1879 = arith.index_cast %swap3A_1878 : i32 to index
        %swap3A_1880 = arith.index_cast %add3A_1877 : i32 to index
        %swap3A_1881 = arith.index_cast %add3A_1842 : i32 to index
        %swap3A_1882 = tpu.vector_load %arg8[%swap3A_1879, %swap3A_1880, %swap3A_1881] {strides = array<i32>} : memref<3x32x1024xf32, #tpu.memory_space<vmem>>, vector<1x1x16xf32>,
        %swap3A_1883 = vector.shape_cast %swap3A_1882 : vector<1x1x16xf32> to vector<16xf32>
        %swap3A_1884 = vector.shape_cast %get3A_1848 : vector<16xf32> to vector<1x1x16xf32>
        tpu.vector_store %arg8[%swap3A_1879, %swap3A_1880, %swap3A_1881], %swap3A_1884 {add = true, strides = array<i32>} : memref<3x32x1024xf32, #tpu.memory_space<vmem>>, vector<1x1x16xf32>,
        %add3A_1885 = arith.constant 112 : i32
        %add3A_1886 = arith.addi %mul3A_1578, %add3A_1885 : i32
        %get3A_1887 = arith.constant 0 : i32
        %get3A_1888 = arith.index_cast %get3A_1887 : i32 to index
        %get3A_1889 = arith.index_cast %select_n3A : i32 to index
        %get3A_1890 = arith.index_cast %add3A_1886 : i32 to index
        %get3A_1891 = tpu.vector_load %arg7[%get3A_1888, %get3A_1889, %get3A_1890] {strides = array<i32>} : memref<3x8x1024xf32, #tpu.memory_space<vmem>>, vector<1x1x16xf32>,
        %get3A_1892 = vector.shape_cast %get3A_1891 : vector<1x1x16xf32> to vector<16xf32>
        %add3A_1893 = arith.constant 0 : i32
        %add3A_1894 = arith.addi %add3A_1893, %select_n3A : i32
        %swap3A_1895 = arith.constant 0 : i32
        %swap3A_1896 = arith.index_cast %swap3A_1895 : i32 to index
        %swap3A_1897 = arith.index_cast %add3A_1894 : i32 to index
        %swap3A_1898 = arith.index_cast %add3A_1886 : i32 to index
        %swap3A_1899 = tpu.vector_load %arg8[%swap3A_1896, %swap3A_1897, %swap3A_1898] {strides = array<i32>} : memref<3x32x1024xf32, #tpu.memory_space<vmem>>, vector<1x1x16xf32>,
        %swap3A_1900 = vector.shape_cast %swap3A_1899 : vector<1x1x16xf32> to vector<16xf32>
        %swap3A_1901 = vector.shape_cast %get3A_1892 : vector<16xf32> to vector<1x1x16xf32>
        tpu.vector_store %arg8[%swap3A_1896, %swap3A_1897, %swap3A_1898], %swap3A_1901 {add = true, strides = array<i32>} : memref<3x32x1024xf32, #tpu.memory_space<vmem>>, vector<1x1x16xf32>,
        %add3A_1902 = arith.constant 8 : i32
        %add3A_1903 = arith.addi %add3A_1902, %select_n3A : i32
        %swap3A_1904 = arith.constant 0 : i32
        %swap3A_1905 = arith.index_cast %swap3A_1904 : i32 to index
        %swap3A_1906 = arith.index_cast %add3A_1903 : i32 to index
        %swap3A_1907 = arith.index_cast %add3A_1886 : i32 to index
        %swap3A_1908 = tpu.vector_load %arg8[%swap3A_1905, %swap3A_1906, %swap3A_1907] {strides = array<i32>} : memref<3x32x1024xf32, #tpu.memory_space<vmem>>, vector<1x1x16xf32>,
        %swap3A_1909 = vector.shape_cast %swap3A_1908 : vector<1x1x16xf32> to vector<16xf32>
        %swap3A_1910 = vector.shape_cast %get3A_1892 : vector<16xf32> to vector<1x1x16xf32>
        tpu.vector_store %arg8[%swap3A_1905, %swap3A_1906, %swap3A_1907], %swap3A_1910 {add = true, strides = array<i32>} : memref<3x32x1024xf32, #tpu.memory_space<vmem>>, vector<1x1x16xf32>,
        %add3A_1911 = arith.constant 16 : i32
        %add3A_1912 = arith.addi %add3A_1911, %select_n3A : i32
        %swap3A_1913 = arith.constant 0 : i32
        %swap3A_1914 = arith.index_cast %swap3A_1913 : i32 to index
        %swap3A_1915 = arith.index_cast %add3A_1912 : i32 to index
        %swap3A_1916 = arith.index_cast %add3A_1886 : i32 to index
        %swap3A_1917 = tpu.vector_load %arg8[%swap3A_1914, %swap3A_1915, %swap3A_1916] {strides = array<i32>} : memref<3x32x1024xf32, #tpu.memory_space<vmem>>, vector<1x1x16xf32>,
        %swap3A_1918 = vector.shape_cast %swap3A_1917 : vector<1x1x16xf32> to vector<16xf32>
        %swap3A_1919 = vector.shape_cast %get3A_1892 : vector<16xf32> to vector<1x1x16xf32>
        tpu.vector_store %arg8[%swap3A_1914, %swap3A_1915, %swap3A_1916], %swap3A_1919 {add = true, strides = array<i32>} : memref<3x32x1024xf32, #tpu.memory_space<vmem>>, vector<1x1x16xf32>,
        %add3A_1920 = arith.constant 24 : i32
        %add3A_1921 = arith.addi %add3A_1920, %select_n3A : i32
        %swap3A_1922 = arith.constant 0 : i32
        %swap3A_1923 = arith.index_cast %swap3A_1922 : i32 to index
        %swap3A_1924 = arith.index_cast %add3A_1921 : i32 to index
        %swap3A_1925 = arith.index_cast %add3A_1886 : i32 to index
        %swap3A_1926 = tpu.vector_load %arg8[%swap3A_1923, %swap3A_1924, %swap3A_1925] {strides = array<i32>} : memref<3x32x1024xf32, #tpu.memory_space<vmem>>, vector<1x1x16xf32>,
        %swap3A_1927 = vector.shape_cast %swap3A_1926 : vector<1x1x16xf32> to vector<16xf32>
        %swap3A_1928 = vector.shape_cast %get3A_1892 : vector<16xf32> to vector<1x1x16xf32>
        tpu.vector_store %arg8[%swap3A_1923, %swap3A_1924, %swap3A_1925], %swap3A_1928 {add = true, strides = array<i32>} : memref<3x32x1024xf32, #tpu.memory_space<vmem>>, vector<1x1x16xf32>,
        %scan3A_1929 = arith.constant 0 : i32
        scf.yield %scan3A_1929 : i32
      }
      %scan3A_1153 = arith.constant 64 : i32
      %mul3A_1154 = arith.constant 8 : i32
      %mul3A_1155 = arith.muli %add3A_1112, %mul3A_1154 : i32
      %add3A_1156 = arith.addi %mul3A_2, %mul3A_1155 : i32
      %dma_start3A_1157 = arith.constant 0 : i32
      %dma_start3A_1158 = arith.constant 0 : i32
      %dma_start3A_1159 = arith.constant 0 : i32
      %dma_start3A_1160 = arith.constant 0 : i32
      %dma_start3A_1161 = tpu.memref_slice %arg8[%dma_start3A_1157, %dma_start3A_1159, %dma_start3A_1160] : memref<3x32x1024xf32, #tpu.memory_space<vmem>> -> memref<1x8x1024xf32, #tpu.memory_space<vmem>>
      %dma_start3A_1162 = tpu.memref_squeeze %dma_start3A_1161 : memref<1x8x1024xf32, #tpu.memory_space<vmem>> -> memref<8x1024xf32, #tpu.memory_space<vmem>>
      %dma_start3A_1163 = arith.constant 0 : i32
      %dma_start3A_1164 = tpu.memref_slice %arg5[%dma_start3A_1158, %add3A_1156, %dma_start3A_1163] : memref<4x2048x1024xf32, #tpu.memory_space<hbm>> -> memref<1x8x1024xf32, #tpu.memory_space<hbm>>
      %dma_start3A_1165 = tpu.memref_squeeze %dma_start3A_1164 : memref<1x8x1024xf32, #tpu.memory_space<hbm>> -> memref<8x1024xf32, #tpu.memory_space<hbm>>
      %dma_start3A_1166 = arith.constant 0 : i32
      %dma_start3A_1167 = tpu.memref_slice %arg5[%dma_start3A_1158, %add3A_1156, %dma_start3A_1166] : memref<4x2048x1024xf32, #tpu.memory_space<hbm>> -> memref<1x8x1024xf32, #tpu.memory_space<hbm>>
      %dma_start3A_1168 = tpu.memref_squeeze %dma_start3A_1167 : memref<1x8x1024xf32, #tpu.memory_space<hbm>> -> memref<8x1024xf32, #tpu.memory_space<hbm>>
      %dma_start3A_1169 = arith.constant 0 : i32
      %dma_start3A_1170 = arith.constant 0 : i32
      %dma_start3A_1171 = tpu.memref_slice %arg8[%dma_start3A_1157, %dma_start3A_1169, %dma_start3A_1170] : memref<3x32x1024xf32, #tpu.memory_space<vmem>> -> memref<1x8x1024xf32, #tpu.memory_space<vmem>>
      %dma_start3A_1172 = tpu.memref_squeeze %dma_start3A_1171 : memref<1x8x1024xf32, #tpu.memory_space<vmem>> -> memref<8x1024xf32, #tpu.memory_space<vmem>>
      tpu.enqueue_dma source(%dma_start3A_1172 : memref<8x1024xf32, #tpu.memory_space<vmem>>) target(%dma_start3A_1168 : memref<8x1024xf32, #tpu.memory_space<hbm>>) target_semaphore(%arg15 : memref<!tpu.dma_semaphore, #tpu.memory_space<semaphore_mem>>)
      %dma_start3A_1173 = arith.constant 0 : i32
      %dma_start3A_1174 = arith.constant 1 : i32
      %dma_start3A_1175 = arith.constant 8 : i32
      %dma_start3A_1176 = arith.constant 0 : i32
      %dma_start3A_1177 = tpu.memref_slice %arg8[%dma_start3A_1173, %dma_start3A_1175, %dma_start3A_1176] : memref<3x32x1024xf32, #tpu.memory_space<vmem>> -> memref<1x8x1024xf32, #tpu.memory_space<vmem>>
      %dma_start3A_1178 = tpu.memref_squeeze %dma_start3A_1177 : memref<1x8x1024xf32, #tpu.memory_space<vmem>> -> memref<8x1024xf32, #tpu.memory_space<vmem>>
      %dma_start3A_1179 = arith.constant 0 : i32
      %dma_start3A_1180 = tpu.memref_slice %arg5[%dma_start3A_1174, %add3A_1156, %dma_start3A_1179] : memref<4x2048x1024xf32, #tpu.memory_space<hbm>> -> memref<1x8x1024xf32, #tpu.memory_space<hbm>>
      %dma_start3A_1181 = tpu.memref_squeeze %dma_start3A_1180 : memref<1x8x1024xf32, #tpu.memory_space<hbm>> -> memref<8x1024xf32, #tpu.memory_space<hbm>>
      %dma_start3A_1182 = arith.constant 0 : i32
      %dma_start3A_1183 = tpu.memref_slice %arg5[%dma_start3A_1174, %add3A_1156, %dma_start3A_1182] : memref<4x2048x1024xf32, #tpu.memory_space<hbm>> -> memref<1x8x1024xf32, #tpu.memory_space<hbm>>
      %dma_start3A_1184 = tpu.memref_squeeze %dma_start3A_1183 : memref<1x8x1024xf32, #tpu.memory_space<hbm>> -> memref<8x1024xf32, #tpu.memory_space<hbm>>
      %dma_start3A_1185 = arith.constant 8 : i32
      %dma_start3A_1186 = arith.constant 0 : i32
      %dma_start3A_1187 = tpu.memref_slice %arg8[%dma_start3A_1173, %dma_start3A_1185, %dma_start3A_1186] : memref<3x32x1024xf32, #tpu.memory_space<vmem>> -> memref<1x8x1024xf32, #tpu.memory_space<vmem>>
      %dma_start3A_1188 = tpu.memref_squeeze %dma_start3A_1187 : memref<1x8x1024xf32, #tpu.memory_space<vmem>> -> memref<8x1024xf32, #tpu.memory_space<vmem>>
      tpu.enqueue_dma source(%dma_start3A_1188 : memref<8x1024xf32, #tpu.memory_space<vmem>>) target(%dma_start3A_1184 : memref<8x1024xf32, #tpu.memory_space<hbm>>) target_semaphore(%arg15 : memref<!tpu.dma_semaphore, #tpu.memory_space<semaphore_mem>>)
      %dma_start3A_1189 = arith.constant 0 : i32
      %dma_start3A_1190 = arith.constant 2 : i32
      %dma_start3A_1191 = arith.constant 16 : i32
      %dma_start3A_1192 = arith.constant 0 : i32
      %dma_start3A_1193 = tpu.memref_slice %arg8[%dma_start3A_1189, %dma_start3A_1191, %dma_start3A_1192] : memref<3x32x1024xf32, #tpu.memory_space<vmem>> -> memref<1x8x1024xf32, #tpu.memory_space<vmem>>
      %dma_start3A_1194 = tpu.memref_squeeze %dma_start3A_1193 : memref<1x8x1024xf32, #tpu.memory_space<vmem>> -> memref<8x1024xf32, #tpu.memory_space<vmem>>
      %dma_start3A_1195 = arith.constant 0 : i32
      %dma_start3A_1196 = tpu.memref_slice %arg5[%dma_start3A_1190, %add3A_1156, %dma_start3A_1195] : memref<4x2048x1024xf32, #tpu.memory_space<hbm>> -> memref<1x8x1024xf32, #tpu.memory_space<hbm>>
      %dma_start3A_1197 = tpu.memref_squeeze %dma_start3A_1196 : memref<1x8x1024xf32, #tpu.memory_space<hbm>> -> memref<8x1024xf32, #tpu.memory_space<hbm>>
      %dma_start3A_1198 = arith.constant 0 : i32
      %dma_start3A_1199 = tpu.memref_slice %arg5[%dma_start3A_1190, %add3A_1156, %dma_start3A_1198] : memref<4x2048x1024xf32, #tpu.memory_space<hbm>> -> memref<1x8x1024xf32, #tpu.memory_space<hbm>>
      %dma_start3A_1200 = tpu.memref_squeeze %dma_start3A_1199 : memref<1x8x1024xf32, #tpu.memory_space<hbm>> -> memref<8x1024xf32, #tpu.memory_space<hbm>>
      %dma_start3A_1201 = arith.constant 16 : i32
      %dma_start3A_1202 = arith.constant 0 : i32
      %dma_start3A_1203 = tpu.memref_slice %arg8[%dma_start3A_1189, %dma_start3A_1201, %dma_start3A_1202] : memref<3x32x1024xf32, #tpu.memory_space<vmem>> -> memref<1x8x1024xf32, #tpu.memory_space<vmem>>
      %dma_start3A_1204 = tpu.memref_squeeze %dma_start3A_1203 : memref<1x8x1024xf32, #tpu.memory_space<vmem>> -> memref<8x1024xf32, #tpu.memory_space<vmem>>
      tpu.enqueue_dma source(%dma_start3A_1204 : memref<8x1024xf32, #tpu.memory_space<vmem>>) target(%dma_start3A_1200 : memref<8x1024xf32, #tpu.memory_space<hbm>>) target_semaphore(%arg15 : memref<!tpu.dma_semaphore, #tpu.memory_space<semaphore_mem>>)
      %dma_start3A_1205 = arith.constant 0 : i32
      %dma_start3A_1206 = arith.constant 3 : i32
      %dma_start3A_1207 = arith.constant 24 : i32
      %dma_start3A_1208 = arith.constant 0 : i32
      %dma_start3A_1209 = tpu.memref_slice %arg8[%dma_start3A_1205, %dma_start3A_1207, %dma_start3A_1208] : memref<3x32x1024xf32, #tpu.memory_space<vmem>> -> memref<1x8x1024xf32, #tpu.memory_space<vmem>>
      %dma_start3A_1210 = tpu.memref_squeeze %dma_start3A_1209 : memref<1x8x1024xf32, #tpu.memory_space<vmem>> -> memref<8x1024xf32, #tpu.memory_space<vmem>>
      %dma_start3A_1211 = arith.constant 0 : i32
      %dma_start3A_1212 = tpu.memref_slice %arg5[%dma_start3A_1206, %add3A_1156, %dma_start3A_1211] : memref<4x2048x1024xf32, #tpu.memory_space<hbm>> -> memref<1x8x1024xf32, #tpu.memory_space<hbm>>
      %dma_start3A_1213 = tpu.memref_squeeze %dma_start3A_1212 : memref<1x8x1024xf32, #tpu.memory_space<hbm>> -> memref<8x1024xf32, #tpu.memory_space<hbm>>
      %dma_start3A_1214 = arith.constant 0 : i32
      %dma_start3A_1215 = tpu.memref_slice %arg5[%dma_start3A_1206, %add3A_1156, %dma_start3A_1214] : memref<4x2048x1024xf32, #tpu.memory_space<hbm>> -> memref<1x8x1024xf32, #tpu.memory_space<hbm>>
      %dma_start3A_1216 = tpu.memref_squeeze %dma_start3A_1215 : memref<1x8x1024xf32, #tpu.memory_space<hbm>> -> memref<8x1024xf32, #tpu.memory_space<hbm>>
      %dma_start3A_1217 = arith.constant 24 : i32
      %dma_start3A_1218 = arith.constant 0 : i32
      %dma_start3A_1219 = tpu.memref_slice %arg8[%dma_start3A_1205, %dma_start3A_1217, %dma_start3A_1218] : memref<3x32x1024xf32, #tpu.memory_space<vmem>> -> memref<1x8x1024xf32, #tpu.memory_space<vmem>>
      %dma_start3A_1220 = tpu.memref_squeeze %dma_start3A_1219 : memref<1x8x1024xf32, #tpu.memory_space<vmem>> -> memref<8x1024xf32, #tpu.memory_space<vmem>>
      tpu.enqueue_dma source(%dma_start3A_1220 : memref<8x1024xf32, #tpu.memory_space<vmem>>) target(%dma_start3A_1216 : memref<8x1024xf32, #tpu.memory_space<hbm>>) target_semaphore(%arg15 : memref<!tpu.dma_semaphore, #tpu.memory_space<semaphore_mem>>)
      %ge3A = arith.constant 1 : i32
      %ge3A_1221 = arith.cmpi sge, %add3A_1112, %ge3A : i32
      %convert_element_type3A = arith.extui %ge3A_1221 : i1 to i32
      %cond3A = arith.constant 0 : i32
      %cond3A_1222 = arith.cmpi ne, %convert_element_type3A, %cond3A : i32
      scf.if %cond3A_1222 {
        %sub3A = arith.constant 1 : i32
        %sub3A_1545 = arith.subi %add3A_1112, %sub3A : i32
        %mul3A_1546 = arith.constant 8 : i32
        %mul3A_1547 = arith.muli %sub3A_1545, %mul3A_1546 : i32
        %add3A_1548 = arith.addi %mul3A_2, %mul3A_1547 : i32
        %dma_wait3A_1549 = arith.constant 2 : i32
        %dma_wait3A_1550 = arith.constant 0 : i32
        %dma_wait3A_1551 = arith.constant 0 : i32
        %dma_wait3A_1552 = arith.constant 0 : i32
        %dma_wait3A_1553 = tpu.memref_slice %arg8[%dma_wait3A_1549, %dma_wait3A_1551, %dma_wait3A_1552] : memref<3x32x1024xf32, #tpu.memory_space<vmem>> -> memref<1x8x1024xf32, #tpu.memory_space<vmem>>
        %dma_wait3A_1554 = tpu.memref_squeeze %dma_wait3A_1553 : memref<1x8x1024xf32, #tpu.memory_space<vmem>> -> memref<8x1024xf32, #tpu.memory_space<vmem>>
        %dma_wait3A_1555 = arith.constant 0 : i32
        %dma_wait3A_1556 = tpu.memref_slice %arg5[%dma_wait3A_1550, %add3A_1548, %dma_wait3A_1555] : memref<4x2048x1024xf32, #tpu.memory_space<hbm>> -> memref<1x8x1024xf32, #tpu.memory_space<hbm>>
        %dma_wait3A_1557 = tpu.memref_squeeze %dma_wait3A_1556 : memref<1x8x1024xf32, #tpu.memory_space<hbm>> -> memref<8x1024xf32, #tpu.memory_space<hbm>>
        %dma_wait3A_1558 = arith.constant 0 : i32
        %dma_wait3A_1559 = tpu.memref_slice %arg5[%dma_wait3A_1550, %add3A_1548, %dma_wait3A_1558] : memref<4x2048x1024xf32, #tpu.memory_space<hbm>> -> memref<1x8x1024xf32, #tpu.memory_space<hbm>>
        %dma_wait3A_1560 = tpu.memref_squeeze %dma_wait3A_1559 : memref<1x8x1024xf32, #tpu.memory_space<hbm>> -> memref<8x1024xf32, #tpu.memory_space<hbm>>
        %dma_wait3A_1561 = arith.constant 0 : i32
        %dma_wait3A_1562 = arith.constant 0 : i32
        %dma_wait3A_1563 = tpu.memref_slice %arg8[%dma_wait3A_1549, %dma_wait3A_1561, %dma_wait3A_1562] : memref<3x32x1024xf32, #tpu.memory_space<vmem>> -> memref<1x8x1024xf32, #tpu.memory_space<vmem>>
        %dma_wait3A_1564 = tpu.memref_squeeze %dma_wait3A_1563 : memref<1x8x1024xf32, #tpu.memory_space<vmem>> -> memref<8x1024xf32, #tpu.memory_space<vmem>>
        tpu.wait_dma2 semaphore(%arg17 : memref<!tpu.dma_semaphore, #tpu.memory_space<semaphore_mem>>) src(%dma_wait3A_1564 : memref<8x1024xf32, #tpu.memory_space<vmem>>) dst(%dma_wait3A_1560 : memref<8x1024xf32, #tpu.memory_space<hbm>>)
        %dma_wait3A_1565 = arith.constant 2 : i32
        %dma_wait3A_1566 = arith.constant 1 : i32
        %dma_wait3A_1567 = arith.constant 8 : i32
        %dma_wait3A_1568 = arith.constant 0 : i32
        %dma_wait3A_1569 = tpu.memref_slice %arg8[%dma_wait3A_1565, %dma_wait3A_1567, %dma_wait3A_1568] : memref<3x32x1024xf32, #tpu.memory_space<vmem>> -> memref<1x8x1024xf32, #tpu.memory_space<vmem>>
        %dma_wait3A_1570 = tpu.memref_squeeze %dma_wait3A_1569 : memref<1x8x1024xf32, #tpu.memory_space<vmem>> -> memref<8x1024xf32, #tpu.memory_space<vmem>>
        %dma_wait3A_1571 = arith.constant 0 : i32
        %dma_wait3A_1572 = tpu.memref_slice %arg5[%dma_wait3A_1566, %add3A_1548, %dma_wait3A_1571] : memref<4x2048x1024xf32, #tpu.memory_space<hbm>> -> memref<1x8x1024xf32, #tpu.memory_space<hbm>>
        %dma_wait3A_1573 = tpu.memref_squeeze %dma_wait3A_1572 : memref<1x8x1024xf32, #tpu.memory_space<hbm>> -> memref<8x1024xf32, #tpu.memory_space<hbm>>
        %dma_wait3A_1574 = arith.constant 0 : i32
        %dma_wait3A_1575 = tpu.memref_slice %arg5[%dma_wait3A_1566, %add3A_1548, %dma_wait3A_1574] : memref<4x2048x1024xf32, #tpu.memory_space<hbm>> -> memref<1x8x1024xf32, #tpu.memory_space<hbm>>
        %dma_wait3A_1576 = tpu.memref_squeeze %dma_wait3A_1575 : memref<1x8x1024xf32, #tpu.memory_space<hbm>> -> memref<8x1024xf32, #tpu.memory_space<hbm>>
        %dma_wait3A_1577 = arith.constant 8 : i32
        %dma_wait3A_1578 = arith.constant 0 : i32
        %dma_wait3A_1579 = tpu.memref_slice %arg8[%dma_wait3A_1565, %dma_wait3A_1577, %dma_wait3A_1578] : memref<3x32x1024xf32, #tpu.memory_space<vmem>> -> memref<1x8x1024xf32, #tpu.memory_space<vmem>>
        %dma_wait3A_1580 = tpu.memref_squeeze %dma_wait3A_1579 : memref<1x8x1024xf32, #tpu.memory_space<vmem>> -> memref<8x1024xf32, #tpu.memory_space<vmem>>
        tpu.wait_dma2 semaphore(%arg17 : memref<!tpu.dma_semaphore, #tpu.memory_space<semaphore_mem>>) src(%dma_wait3A_1580 : memref<8x1024xf32, #tpu.memory_space<vmem>>) dst(%dma_wait3A_1576 : memref<8x1024xf32, #tpu.memory_space<hbm>>)
        %dma_wait3A_1581 = arith.constant 2 : i32
        %dma_wait3A_1582 = arith.constant 2 : i32
        %dma_wait3A_1583 = arith.constant 16 : i32
        %dma_wait3A_1584 = arith.constant 0 : i32
        %dma_wait3A_1585 = tpu.memref_slice %arg8[%dma_wait3A_1581, %dma_wait3A_1583, %dma_wait3A_1584] : memref<3x32x1024xf32, #tpu.memory_space<vmem>> -> memref<1x8x1024xf32, #tpu.memory_space<vmem>>
        %dma_wait3A_1586 = tpu.memref_squeeze %dma_wait3A_1585 : memref<1x8x1024xf32, #tpu.memory_space<vmem>> -> memref<8x1024xf32, #tpu.memory_space<vmem>>
        %dma_wait3A_1587 = arith.constant 0 : i32
        %dma_wait3A_1588 = tpu.memref_slice %arg5[%dma_wait3A_1582, %add3A_1548, %dma_wait3A_1587] : memref<4x2048x1024xf32, #tpu.memory_space<hbm>> -> memref<1x8x1024xf32, #tpu.memory_space<hbm>>
        %dma_wait3A_1589 = tpu.memref_squeeze %dma_wait3A_1588 : memref<1x8x1024xf32, #tpu.memory_space<hbm>> -> memref<8x1024xf32, #tpu.memory_space<hbm>>
        %dma_wait3A_1590 = arith.constant 0 : i32
        %dma_wait3A_1591 = tpu.memref_slice %arg5[%dma_wait3A_1582, %add3A_1548, %dma_wait3A_1590] : memref<4x2048x1024xf32, #tpu.memory_space<hbm>> -> memref<1x8x1024xf32, #tpu.memory_space<hbm>>
        %dma_wait3A_1592 = tpu.memref_squeeze %dma_wait3A_1591 : memref<1x8x1024xf32, #tpu.memory_space<hbm>> -> memref<8x1024xf32, #tpu.memory_space<hbm>>
        %dma_wait3A_1593 = arith.constant 16 : i32
        %dma_wait3A_1594 = arith.constant 0 : i32
        %dma_wait3A_1595 = tpu.memref_slice %arg8[%dma_wait3A_1581, %dma_wait3A_1593, %dma_wait3A_1594] : memref<3x32x1024xf32, #tpu.memory_space<vmem>> -> memref<1x8x1024xf32, #tpu.memory_space<vmem>>
        %dma_wait3A_1596 = tpu.memref_squeeze %dma_wait3A_1595 : memref<1x8x1024xf32, #tpu.memory_space<vmem>> -> memref<8x1024xf32, #tpu.memory_space<vmem>>
        tpu.wait_dma2 semaphore(%arg17 : memref<!tpu.dma_semaphore, #tpu.memory_space<semaphore_mem>>) src(%dma_wait3A_1596 : memref<8x1024xf32, #tpu.memory_space<vmem>>) dst(%dma_wait3A_1592 : memref<8x1024xf32, #tpu.memory_space<hbm>>)
        %dma_wait3A_1597 = arith.constant 2 : i32
        %dma_wait3A_1598 = arith.constant 3 : i32
        %dma_wait3A_1599 = arith.constant 24 : i32
        %dma_wait3A_1600 = arith.constant 0 : i32
        %dma_wait3A_1601 = tpu.memref_slice %arg8[%dma_wait3A_1597, %dma_wait3A_1599, %dma_wait3A_1600] : memref<3x32x1024xf32, #tpu.memory_space<vmem>> -> memref<1x8x1024xf32, #tpu.memory_space<vmem>>
        %dma_wait3A_1602 = tpu.memref_squeeze %dma_wait3A_1601 : memref<1x8x1024xf32, #tpu.memory_space<vmem>> -> memref<8x1024xf32, #tpu.memory_space<vmem>>
        %dma_wait3A_1603 = arith.constant 0 : i32
        %dma_wait3A_1604 = tpu.memref_slice %arg5[%dma_wait3A_1598, %add3A_1548, %dma_wait3A_1603] : memref<4x2048x1024xf32, #tpu.memory_space<hbm>> -> memref<1x8x1024xf32, #tpu.memory_space<hbm>>
        %dma_wait3A_1605 = tpu.memref_squeeze %dma_wait3A_1604 : memref<1x8x1024xf32, #tpu.memory_space<hbm>> -> memref<8x1024xf32, #tpu.memory_space<hbm>>
        %dma_wait3A_1606 = arith.constant 0 : i32
        %dma_wait3A_1607 = tpu.memref_slice %arg5[%dma_wait3A_1598, %add3A_1548, %dma_wait3A_1606] : memref<4x2048x1024xf32, #tpu.memory_space<hbm>> -> memref<1x8x1024xf32, #tpu.memory_space<hbm>>
        %dma_wait3A_1608 = tpu.memref_squeeze %dma_wait3A_1607 : memref<1x8x1024xf32, #tpu.memory_space<hbm>> -> memref<8x1024xf32, #tpu.memory_space<hbm>>
        %dma_wait3A_1609 = arith.constant 24 : i32
        %dma_wait3A_1610 = arith.constant 0 : i32
        %dma_wait3A_1611 = tpu.memref_slice %arg8[%dma_wait3A_1597, %dma_wait3A_1609, %dma_wait3A_1610] : memref<3x32x1024xf32, #tpu.memory_space<vmem>> -> memref<1x8x1024xf32, #tpu.memory_space<vmem>>
        %dma_wait3A_1612 = tpu.memref_squeeze %dma_wait3A_1611 : memref<1x8x1024xf32, #tpu.memory_space<vmem>> -> memref<8x1024xf32, #tpu.memory_space<vmem>>
        tpu.wait_dma2 semaphore(%arg17 : memref<!tpu.dma_semaphore, #tpu.memory_space<semaphore_mem>>) src(%dma_wait3A_1612 : memref<8x1024xf32, #tpu.memory_space<vmem>>) dst(%dma_wait3A_1608 : memref<8x1024xf32, #tpu.memory_space<hbm>>)
      } else {
      }
      %add3A_1223 = arith.constant 2 : i32
      %add3A_1224 = arith.addi %add3A_1112, %add3A_1223 : i32
      %mul3A_1225 = arith.constant 8 : i32
      %mul3A_1226 = arith.muli %add3A_1224, %mul3A_1225 : i32
      %add3A_1227 = arith.addi %mul3A_2, %mul3A_1226 : i32
      %mul3A_1228 = arith.constant 32 : i32
      %mul3A_1229 = arith.muli %add3A_1224, %mul3A_1228 : i32
      %dma_start3A_1230 = arith.constant 2 : i32
      %dma_start3A_1231 = arith.constant 0 : i32
      %dma_start3A_1232 = arith.constant 0 : i32
      %dma_start3A_1233 = tpu.memref_slice %arg8[%dma_start3A_1230, %dma_start3A_1231, %dma_start3A_1232] : memref<3x32x1024xf32, #tpu.memory_space<vmem>> -> memref<1x32x1024xf32, #tpu.memory_space<vmem>>
      %dma_start3A_1234 = tpu.memref_squeeze %dma_start3A_1233 : memref<1x32x1024xf32, #tpu.memory_space<vmem>> -> memref<32x1024xf32, #tpu.memory_space<vmem>>
      %dma_start3A_1235 = tpu.memref_slice %arg6[%mul3A_1229] : memref<256xi32, #tpu.memory_space<vmem>> -> memref<32xi32, #tpu.memory_space<vmem>>
      %dma_start3A_1236 = arith.constant 0 : i32
      %dma_start3A_1237 = arith.constant 0 : i32
      %dma_start3A_1238 = tpu.memref_slice %arg4[%dma_start3A_1236, %dma_start3A_1237] : memref<100000x1024xf32, #tpu.memory_space<hbm>> -> memref<100000x1024xf32, #tpu.memory_space<hbm>>
      tpu.enqueue_indirect_dma source(%dma_start3A_1238 : memref<100000x1024xf32, #tpu.memory_space<hbm>>) target(%dma_start3A_1234 : memref<32x1024xf32, #tpu.memory_space<vmem>>) offsets(%dma_start3A_1235 : memref<32xi32, #tpu.memory_space<vmem>>) semaphore(%arg11 : memref<!tpu.dma_semaphore, #tpu.memory_space<semaphore_mem>>)
      %dma_start3A_1239 = arith.constant 2 : i32
      %dma_start3A_1240 = arith.constant 0 : i32
      %dma_start3A_1241 = arith.constant 0 : i32
      %dma_start3A_1242 = tpu.memref_slice %arg7[%dma_start3A_1239, %dma_start3A_1240, %dma_start3A_1241] : memref<3x8x1024xf32, #tpu.memory_space<vmem>> -> memref<1x8x1024xf32, #tpu.memory_space<vmem>>
      %dma_start3A_1243 = tpu.memref_squeeze %dma_start3A_1242 : memref<1x8x1024xf32, #tpu.memory_space<vmem>> -> memref<8x1024xf32, #tpu.memory_space<vmem>>
      %dma_start3A_1244 = arith.constant 0 : i32
      %dma_start3A_1245 = tpu.memref_slice %arg3[%add3A_1227, %dma_start3A_1244] : memref<2048x1024xf32, #tpu.memory_space<hbm>> -> memref<8x1024xf32, #tpu.memory_space<hbm>>
      %dma_start3A_1246 = arith.constant 0 : i32
      %dma_start3A_1247 = arith.constant 0 : i32
      %dma_start3A_1248 = tpu.memref_slice %arg7[%dma_start3A_1239, %dma_start3A_1246, %dma_start3A_1247] : memref<3x8x1024xf32, #tpu.memory_space<vmem>> -> memref<1x8x1024xf32, #tpu.memory_space<vmem>>
      %dma_start3A_1249 = tpu.memref_squeeze %dma_start3A_1248 : memref<1x8x1024xf32, #tpu.memory_space<vmem>> -> memref<8x1024xf32, #tpu.memory_space<vmem>>
      %dma_start3A_1250 = arith.constant 0 : i32
      %dma_start3A_1251 = tpu.memref_slice %arg3[%add3A_1227, %dma_start3A_1250] : memref<2048x1024xf32, #tpu.memory_space<hbm>> -> memref<8x1024xf32, #tpu.memory_space<hbm>>
      tpu.enqueue_dma source(%dma_start3A_1251 : memref<8x1024xf32, #tpu.memory_space<hbm>>) target(%dma_start3A_1249 : memref<8x1024xf32, #tpu.memory_space<vmem>>) target_semaphore(%arg14 : memref<!tpu.dma_semaphore, #tpu.memory_space<semaphore_mem>>)
      %mul3A_1252 = arith.constant 3 : i32
      %mul3A_1253 = arith.muli %scan3A_1107, %mul3A_1252 : i32
      %add3A_1254 = arith.constant 1 : i32
      %add3A_1255 = arith.addi %mul3A_1253, %add3A_1254 : i32
      %dma_wait3A_1256 = arith.constant 0 : i32
      %dma_wait3A_1257 = arith.constant 1 : i32
      %dma_wait3A_1258 = arith.constant 0 : i32
      %dma_wait3A_1259 = arith.constant 0 : i32
      %dma_wait3A_1260 = tpu.memref_slice %arg8[%dma_wait3A_1257, %dma_wait3A_1258, %dma_wait3A_1259] : memref<3x32x1024xf32, #tpu.memory_space<vmem>> -> memref<1x32x1024xf32, #tpu.memory_space<vmem>>
      %dma_wait3A_1261 = tpu.memref_squeeze %dma_wait3A_1260 : memref<1x32x1024xf32, #tpu.memory_space<vmem>> -> memref<32x1024xf32, #tpu.memory_space<vmem>>
      %dma_wait3A_1262 = arith.constant 0 : i32
      %dma_wait3A_1263 = arith.constant 0 : i32
      %dma_wait3A_1264 = tpu.memref_slice %arg5[%dma_wait3A_1256, %dma_wait3A_1262, %dma_wait3A_1263] : memref<4x2048x1024xf32, #tpu.memory_space<hbm>> -> memref<1x32x1024xf32, #tpu.memory_space<hbm>>
      %dma_wait3A_1265 = tpu.memref_squeeze %dma_wait3A_1264 : memref<1x32x1024xf32, #tpu.memory_space<hbm>> -> memref<32x1024xf32, #tpu.memory_space<hbm>>
      %dma_wait3A_1266 = arith.constant 0 : i32
      %dma_wait3A_1267 = arith.constant 0 : i32
      %dma_wait3A_1268 = tpu.memref_slice %arg8[%dma_wait3A_1257, %dma_wait3A_1266, %dma_wait3A_1267] : memref<3x32x1024xf32, #tpu.memory_space<vmem>> -> memref<1x32x1024xf32, #tpu.memory_space<vmem>>
      %dma_wait3A_1269 = tpu.memref_squeeze %dma_wait3A_1268 : memref<1x32x1024xf32, #tpu.memory_space<vmem>> -> memref<32x1024xf32, #tpu.memory_space<vmem>>
      %dma_wait3A_1270 = arith.constant 0 : i32
      %dma_wait3A_1271 = arith.constant 0 : i32
      %dma_wait3A_1272 = tpu.memref_slice %arg5[%dma_wait3A_1256, %dma_wait3A_1270, %dma_wait3A_1271] : memref<4x2048x1024xf32, #tpu.memory_space<hbm>> -> memref<1x32x1024xf32, #tpu.memory_space<hbm>>
      %dma_wait3A_1273 = tpu.memref_squeeze %dma_wait3A_1272 : memref<1x32x1024xf32, #tpu.memory_space<hbm>> -> memref<32x1024xf32, #tpu.memory_space<hbm>>
      tpu.wait_dma2 semaphore(%arg10 : memref<!tpu.dma_semaphore, #tpu.memory_space<semaphore_mem>>) src(%dma_wait3A_1273 : memref<32x1024xf32, #tpu.memory_space<hbm>>) dst(%dma_wait3A_1269 : memref<32x1024xf32, #tpu.memory_space<vmem>>)
      %mul3A_1274 = arith.constant 8 : i32
      %mul3A_1275 = arith.muli %add3A_1255, %mul3A_1274 : i32
      %add3A_1276 = arith.addi %mul3A_2, %mul3A_1275 : i32
      %dma_wait3A_1277 = arith.constant 1 : i32
      %dma_wait3A_1278 = arith.constant 0 : i32
      %dma_wait3A_1279 = arith.constant 0 : i32
      %dma_wait3A_1280 = tpu.memref_slice %arg7[%dma_wait3A_1277, %dma_wait3A_1278, %dma_wait3A_1279] : memref<3x8x1024xf32, #tpu.memory_space<vmem>> -> memref<1x8x1024xf32, #tpu.memory_space<vmem>>
      %dma_wait3A_1281 = tpu.memref_squeeze %dma_wait3A_1280 : memref<1x8x1024xf32, #tpu.memory_space<vmem>> -> memref<8x1024xf32, #tpu.memory_space<vmem>>
      %dma_wait3A_1282 = arith.constant 0 : i32
      %dma_wait3A_1283 = tpu.memref_slice %arg3[%add3A_1276, %dma_wait3A_1282] : memref<2048x1024xf32, #tpu.memory_space<hbm>> -> memref<8x1024xf32, #tpu.memory_space<hbm>>
      %dma_wait3A_1284 = arith.constant 0 : i32
      %dma_wait3A_1285 = arith.constant 0 : i32
      %dma_wait3A_1286 = tpu.memref_slice %arg7[%dma_wait3A_1277, %dma_wait3A_1284, %dma_wait3A_1285] : memref<3x8x1024xf32, #tpu.memory_space<vmem>> -> memref<1x8x1024xf32, #tpu.memory_space<vmem>>
      %dma_wait3A_1287 = tpu.memref_squeeze %dma_wait3A_1286 : memref<1x8x1024xf32, #tpu.memory_space<vmem>> -> memref<8x1024xf32, #tpu.memory_space<vmem>>
      %dma_wait3A_1288 = arith.constant 0 : i32
      %dma_wait3A_1289 = tpu.memref_slice %arg3[%add3A_1276, %dma_wait3A_1288] : memref<2048x1024xf32, #tpu.memory_space<hbm>> -> memref<8x1024xf32, #tpu.memory_space<hbm>>
      tpu.wait_dma2 semaphore(%arg13 : memref<!tpu.dma_semaphore, #tpu.memory_space<semaphore_mem>>) src(%dma_wait3A_1289 : memref<8x1024xf32, #tpu.memory_space<hbm>>) dst(%dma_wait3A_1287 : memref<8x1024xf32, #tpu.memory_space<vmem>>)
      %scan3A_1290 = arith.constant 0 : i32
      %scan3A_1291 = arith.constant 0 : i32
      %scan3A_1292 = arith.constant 64 : i32
      %scan3A_1293 = arith.addi %scan3A_1291, %scan3A_1292 : i32
      %scan3A_1294 = arith.constant 1 : i32
      %scan3A_1295 = scf.for %scan3A_1545 = %scan3A_1291 to %scan3A_1293 step %scan3A_1294 iter_args(%scan3A_1546 = %scan3A_1290) -> (i32)  : i32 {
        %jit3A = arith.constant 8 : i32
        %div3A = arith.divsi %scan3A_1545, %jit3A : i32
        %sign3A = arith.constant 0 : i32
        %sign3A_1547 = arith.cmpi sgt, %scan3A_1545, %sign3A : i32
        %sign3A_1548 = arith.extui %sign3A_1547 : i1 to i32
        %sign3A_1549 = arith.constant 0 : i32
        %sign3A_1550 = arith.cmpi slt, %scan3A_1545, %sign3A_1549 : i32
        %sign3A_1551 = arith.extui %sign3A_1550 : i1 to i32
        %sign3A_1552 = arith.subi %sign3A_1548, %sign3A_1551 : i32
        %sign3A_1553 = arith.constant 0 : i32
        %sign3A_1554 = arith.cmpi sgt, %jit3A, %sign3A_1553 : i32
        %sign3A_1555 = arith.extui %sign3A_1554 : i1 to i32
        %sign3A_1556 = arith.constant 0 : i32
        %sign3A_1557 = arith.cmpi slt, %jit3A, %sign3A_1556 : i32
        %sign3A_1558 = arith.extui %sign3A_1557 : i1 to i32
        %sign3A_1559 = arith.subi %sign3A_1555, %sign3A_1558 : i32
        %ne3A = arith.cmpi ne, %sign3A_1552, %sign3A_1559 : i32
        %rem3A = arith.remsi %scan3A_1545, %jit3A : i32
        %ne3A_1560 = arith.constant 0 : i32
        %ne3A_1561 = arith.cmpi ne, %rem3A, %ne3A_1560 : i32
        %and3A = arith.andi %ne3A, %ne3A_1561 : i1
        %sub3A = arith.constant 1 : i32
        %sub3A_1562 = arith.subi %div3A, %sub3A : i32
        %select_n3A = arith.select %and3A, %sub3A_1562, %div3A : i32
        %jit3A_1563 = arith.constant 8 : i32
        %eq3A = arith.constant 0 : i32
        %eq3A_1564 = arith.cmpi eq, %jit3A_1563, %eq3A : i32
        %jit3A_1565 = arith.constant 1 : i32
        %select_n3A_1566 = arith.select %eq3A_1564, %jit3A_1565, %jit3A_1563 : i32
        %rem3A_1567 = arith.remsi %scan3A_1545, %select_n3A_1566 : i32
        %ne3A_1568 = arith.constant 0 : i32
        %ne3A_1569 = arith.cmpi ne, %rem3A_1567, %ne3A_1568 : i32
        %lt3A = arith.constant 0 : i32
        %lt3A_1570 = arith.cmpi slt, %rem3A_1567, %lt3A : i32
        %lt3A_1571 = arith.constant 0 : i32
        %lt3A_1572 = arith.cmpi slt, %select_n3A_1566, %lt3A_1571 : i32
        %ne3A_1573 = arith.xori %lt3A_1570, %lt3A_1572 : i1
        %and3A_1574 = arith.andi %ne3A_1573, %ne3A_1569 : i1
        %add3A_1575 = arith.addi %rem3A_1567, %select_n3A_1566 : i32
        %select_n3A_1576 = arith.select %and3A_1574, %add3A_1575, %rem3A_1567 : i32
        %mul3A_1577 = arith.constant 128 : i32
        %mul3A_1578 = arith.muli %select_n3A_1576, %mul3A_1577 : i32
        %add3A_1579 = arith.constant 0 : i32
        %add3A_1580 = arith.addi %mul3A_1578, %add3A_1579 : i32
        %get3A = arith.constant 1 : i32
        %get3A_1581 = arith.index_cast %get3A : i32 to index
        %get3A_1582 = arith.index_cast %select_n3A : i32 to index
        %get3A_1583 = arith.index_cast %add3A_1580 : i32 to index
        %get3A_1584 = tpu.vector_load %arg7[%get3A_1581, %get3A_1582, %get3A_1583] {strides = array<i32>} : memref<3x8x1024xf32, #tpu.memory_space<vmem>>, vector<1x1x16xf32>,
        %get3A_1585 = vector.shape_cast %get3A_1584 : vector<1x1x16xf32> to vector<16xf32>
        %add3A_1586 = arith.constant 0 : i32
        %add3A_1587 = arith.addi %add3A_1586, %select_n3A : i32
        %swap3A = arith.constant 1 : i32
        %swap3A_1588 = arith.index_cast %swap3A : i32 to index
        %swap3A_1589 = arith.index_cast %add3A_1587 : i32 to index
        %swap3A_1590 = arith.index_cast %add3A_1580 : i32 to index
        %swap3A_1591 = tpu.vector_load %arg8[%swap3A_1588, %swap3A_1589, %swap3A_1590] {strides = array<i32>} : memref<3x32x1024xf32, #tpu.memory_space<vmem>>, vector<1x1x16xf32>,
        %swap3A_1592 = vector.shape_cast %swap3A_1591 : vector<1x1x16xf32> to vector<16xf32>
        %swap3A_1593 = vector.shape_cast %get3A_1585 : vector<16xf32> to vector<1x1x16xf32>
        tpu.vector_store %arg8[%swap3A_1588, %swap3A_1589, %swap3A_1590], %swap3A_1593 {add = true, strides = array<i32>} : memref<3x32x1024xf32, #tpu.memory_space<vmem>>, vector<1x1x16xf32>,
        %add3A_1594 = arith.constant 8 : i32
        %add3A_1595 = arith.addi %add3A_1594, %select_n3A : i32
        %swap3A_1596 = arith.constant 1 : i32
        %swap3A_1597 = arith.index_cast %swap3A_1596 : i32 to index
        %swap3A_1598 = arith.index_cast %add3A_1595 : i32 to index
        %swap3A_1599 = arith.index_cast %add3A_1580 : i32 to index
        %swap3A_1600 = tpu.vector_load %arg8[%swap3A_1597, %swap3A_1598, %swap3A_1599] {strides = array<i32>} : memref<3x32x1024xf32, #tpu.memory_space<vmem>>, vector<1x1x16xf32>,
        %swap3A_1601 = vector.shape_cast %swap3A_1600 : vector<1x1x16xf32> to vector<16xf32>
        %swap3A_1602 = vector.shape_cast %get3A_1585 : vector<16xf32> to vector<1x1x16xf32>
        tpu.vector_store %arg8[%swap3A_1597, %swap3A_1598, %swap3A_1599], %swap3A_1602 {add = true, strides = array<i32>} : memref<3x32x1024xf32, #tpu.memory_space<vmem>>, vector<1x1x16xf32>,
        %add3A_1603 = arith.constant 16 : i32
        %add3A_1604 = arith.addi %add3A_1603, %select_n3A : i32
        %swap3A_1605 = arith.constant 1 : i32
        %swap3A_1606 = arith.index_cast %swap3A_1605 : i32 to index
        %swap3A_1607 = arith.index_cast %add3A_1604 : i32 to index
        %swap3A_1608 = arith.index_cast %add3A_1580 : i32 to index
        %swap3A_1609 = tpu.vector_load %arg8[%swap3A_1606, %swap3A_1607, %swap3A_1608] {strides = array<i32>} : memref<3x32x1024xf32, #tpu.memory_space<vmem>>, vector<1x1x16xf32>,
        %swap3A_1610 = vector.shape_cast %swap3A_1609 : vector<1x1x16xf32> to vector<16xf32>
        %swap3A_1611 = vector.shape_cast %get3A_1585 : vector<16xf32> to vector<1x1x16xf32>
        tpu.vector_store %arg8[%swap3A_1606, %swap3A_1607, %swap3A_1608], %swap3A_1611 {add = true, strides = array<i32>} : memref<3x32x1024xf32, #tpu.memory_space<vmem>>, vector<1x1x16xf32>,
        %add3A_1612 = arith.constant 24 : i32
        %add3A_1613 = arith.addi %add3A_1612, %select_n3A : i32
        %swap3A_1614 = arith.constant 1 : i32
        %swap3A_1615 = arith.index_cast %swap3A_1614 : i32 to index
        %swap3A_1616 = arith.index_cast %add3A_1613 : i32 to index
        %swap3A_1617 = arith.index_cast %add3A_1580 : i32 to index
        %swap3A_1618 = tpu.vector_load %arg8[%swap3A_1615, %swap3A_1616, %swap3A_1617] {strides = array<i32>} : memref<3x32x1024xf32, #tpu.memory_space<vmem>>, vector<1x1x16xf32>,
        %swap3A_1619 = vector.shape_cast %swap3A_1618 : vector<1x1x16xf32> to vector<16xf32>
        %swap3A_1620 = vector.shape_cast %get3A_1585 : vector<16xf32> to vector<1x1x16xf32>
        tpu.vector_store %arg8[%swap3A_1615, %swap3A_1616, %swap3A_1617], %swap3A_1620 {add = true, strides = array<i32>} : memref<3x32x1024xf32, #tpu.memory_space<vmem>>, vector<1x1x16xf32>,
        %add3A_1621 = arith.constant 16 : i32
        %add3A_1622 = arith.addi %mul3A_1578, %add3A_1621 : i32
        %get3A_1623 = arith.constant 1 : i32
        %get3A_1624 = arith.index_cast %get3A_1623 : i32 to index
        %get3A_1625 = arith.index_cast %select_n3A : i32 to index
        %get3A_1626 = arith.index_cast %add3A_1622 : i32 to index
        %get3A_1627 = tpu.vector_load %arg7[%get3A_1624, %get3A_1625, %get3A_1626] {strides = array<i32>} : memref<3x8x1024xf32, #tpu.memory_space<vmem>>, vector<1x1x16xf32>,
        %get3A_1628 = vector.shape_cast %get3A_1627 : vector<1x1x16xf32> to vector<16xf32>
        %add3A_1629 = arith.constant 0 : i32
        %add3A_1630 = arith.addi %add3A_1629, %select_n3A : i32
        %swap3A_1631 = arith.constant 1 : i32
        %swap3A_1632 = arith.index_cast %swap3A_1631 : i32 to index
        %swap3A_1633 = arith.index_cast %add3A_1630 : i32 to index
        %swap3A_1634 = arith.index_cast %add3A_1622 : i32 to index
        %swap3A_1635 = tpu.vector_load %arg8[%swap3A_1632, %swap3A_1633, %swap3A_1634] {strides = array<i32>} : memref<3x32x1024xf32, #tpu.memory_space<vmem>>, vector<1x1x16xf32>,
        %swap3A_1636 = vector.shape_cast %swap3A_1635 : vector<1x1x16xf32> to vector<16xf32>
        %swap3A_1637 = vector.shape_cast %get3A_1628 : vector<16xf32> to vector<1x1x16xf32>
        tpu.vector_store %arg8[%swap3A_1632, %swap3A_1633, %swap3A_1634], %swap3A_1637 {add = true, strides = array<i32>} : memref<3x32x1024xf32, #tpu.memory_space<vmem>>, vector<1x1x16xf32>,
        %add3A_1638 = arith.constant 8 : i32
        %add3A_1639 = arith.addi %add3A_1638, %select_n3A : i32
        %swap3A_1640 = arith.constant 1 : i32
        %swap3A_1641 = arith.index_cast %swap3A_1640 : i32 to index
        %swap3A_1642 = arith.index_cast %add3A_1639 : i32 to index
        %swap3A_1643 = arith.index_cast %add3A_1622 : i32 to index
        %swap3A_1644 = tpu.vector_load %arg8[%swap3A_1641, %swap3A_1642, %swap3A_1643] {strides = array<i32>} : memref<3x32x1024xf32, #tpu.memory_space<vmem>>, vector<1x1x16xf32>,
        %swap3A_1645 = vector.shape_cast %swap3A_1644 : vector<1x1x16xf32> to vector<16xf32>
        %swap3A_1646 = vector.shape_cast %get3A_1628 : vector<16xf32> to vector<1x1x16xf32>
        tpu.vector_store %arg8[%swap3A_1641, %swap3A_1642, %swap3A_1643], %swap3A_1646 {add = true, strides = array<i32>} : memref<3x32x1024xf32, #tpu.memory_space<vmem>>, vector<1x1x16xf32>,
        %add3A_1647 = arith.constant 16 : i32
        %add3A_1648 = arith.addi %add3A_1647, %select_n3A : i32
        %swap3A_1649 = arith.constant 1 : i32
        %swap3A_1650 = arith.index_cast %swap3A_1649 : i32 to index
        %swap3A_1651 = arith.index_cast %add3A_1648 : i32 to index
        %swap3A_1652 = arith.index_cast %add3A_1622 : i32 to index
        %swap3A_1653 = tpu.vector_load %arg8[%swap3A_1650, %swap3A_1651, %swap3A_1652] {strides = array<i32>} : memref<3x32x1024xf32, #tpu.memory_space<vmem>>, vector<1x1x16xf32>,
        %swap3A_1654 = vector.shape_cast %swap3A_1653 : vector<1x1x16xf32> to vector<16xf32>
        %swap3A_1655 = vector.shape_cast %get3A_1628 : vector<16xf32> to vector<1x1x16xf32>
        tpu.vector_store %arg8[%swap3A_1650, %swap3A_1651, %swap3A_1652], %swap3A_1655 {add = true, strides = array<i32>} : memref<3x32x1024xf32, #tpu.memory_space<vmem>>, vector<1x1x16xf32>,
        %add3A_1656 = arith.constant 24 : i32
        %add3A_1657 = arith.addi %add3A_1656, %select_n3A : i32
        %swap3A_1658 = arith.constant 1 : i32
        %swap3A_1659 = arith.index_cast %swap3A_1658 : i32 to index
        %swap3A_1660 = arith.index_cast %add3A_1657 : i32 to index
        %swap3A_1661 = arith.index_cast %add3A_1622 : i32 to index
        %swap3A_1662 = tpu.vector_load %arg8[%swap3A_1659, %swap3A_1660, %swap3A_1661] {strides = array<i32>} : memref<3x32x1024xf32, #tpu.memory_space<vmem>>, vector<1x1x16xf32>,
        %swap3A_1663 = vector.shape_cast %swap3A_1662 : vector<1x1x16xf32> to vector<16xf32>
        %swap3A_1664 = vector.shape_cast %get3A_1628 : vector<16xf32> to vector<1x1x16xf32>
        tpu.vector_store %arg8[%swap3A_1659, %swap3A_1660, %swap3A_1661], %swap3A_1664 {add = true, strides = array<i32>} : memref<3x32x1024xf32, #tpu.memory_space<vmem>>, vector<1x1x16xf32>,
        %add3A_1665 = arith.constant 32 : i32
        %add3A_1666 = arith.addi %mul3A_1578, %add3A_1665 : i32
        %get3A_1667 = arith.constant 1 : i32
        %get3A_1668 = arith.index_cast %get3A_1667 : i32 to index
        %get3A_1669 = arith.index_cast %select_n3A : i32 to index
        %get3A_1670 = arith.index_cast %add3A_1666 : i32 to index
        %get3A_1671 = tpu.vector_load %arg7[%get3A_1668, %get3A_1669, %get3A_1670] {strides = array<i32>} : memref<3x8x1024xf32, #tpu.memory_space<vmem>>, vector<1x1x16xf32>,
        %get3A_1672 = vector.shape_cast %get3A_1671 : vector<1x1x16xf32> to vector<16xf32>
        %add3A_1673 = arith.constant 0 : i32
        %add3A_1674 = arith.addi %add3A_1673, %select_n3A : i32
        %swap3A_1675 = arith.constant 1 : i32
        %swap3A_1676 = arith.index_cast %swap3A_1675 : i32 to index
        %swap3A_1677 = arith.index_cast %add3A_1674 : i32 to index
        %swap3A_1678 = arith.index_cast %add3A_1666 : i32 to index
        %swap3A_1679 = tpu.vector_load %arg8[%swap3A_1676, %swap3A_1677, %swap3A_1678] {strides = array<i32>} : memref<3x32x1024xf32, #tpu.memory_space<vmem>>, vector<1x1x16xf32>,
        %swap3A_1680 = vector.shape_cast %swap3A_1679 : vector<1x1x16xf32> to vector<16xf32>
        %swap3A_1681 = vector.shape_cast %get3A_1672 : vector<16xf32> to vector<1x1x16xf32>
        tpu.vector_store %arg8[%swap3A_1676, %swap3A_1677, %swap3A_1678], %swap3A_1681 {add = true, strides = array<i32>} : memref<3x32x1024xf32, #tpu.memory_space<vmem>>, vector<1x1x16xf32>,
        %add3A_1682 = arith.constant 8 : i32
        %add3A_1683 = arith.addi %add3A_1682, %select_n3A : i32
        %swap3A_1684 = arith.constant 1 : i32
        %swap3A_1685 = arith.index_cast %swap3A_1684 : i32 to index
        %swap3A_1686 = arith.index_cast %add3A_1683 : i32 to index
        %swap3A_1687 = arith.index_cast %add3A_1666 : i32 to index
        %swap3A_1688 = tpu.vector_load %arg8[%swap3A_1685, %swap3A_1686, %swap3A_1687] {strides = array<i32>} : memref<3x32x1024xf32, #tpu.memory_space<vmem>>, vector<1x1x16xf32>,
        %swap3A_1689 = vector.shape_cast %swap3A_1688 : vector<1x1x16xf32> to vector<16xf32>
        %swap3A_1690 = vector.shape_cast %get3A_1672 : vector<16xf32> to vector<1x1x16xf32>
        tpu.vector_store %arg8[%swap3A_1685, %swap3A_1686, %swap3A_1687], %swap3A_1690 {add = true, strides = array<i32>} : memref<3x32x1024xf32, #tpu.memory_space<vmem>>, vector<1x1x16xf32>,
        %add3A_1691 = arith.constant 16 : i32
        %add3A_1692 = arith.addi %add3A_1691, %select_n3A : i32
        %swap3A_1693 = arith.constant 1 : i32
        %swap3A_1694 = arith.index_cast %swap3A_1693 : i32 to index
        %swap3A_1695 = arith.index_cast %add3A_1692 : i32 to index
        %swap3A_1696 = arith.index_cast %add3A_1666 : i32 to index
        %swap3A_1697 = tpu.vector_load %arg8[%swap3A_1694, %swap3A_1695, %swap3A_1696] {strides = array<i32>} : memref<3x32x1024xf32, #tpu.memory_space<vmem>>, vector<1x1x16xf32>,
        %swap3A_1698 = vector.shape_cast %swap3A_1697 : vector<1x1x16xf32> to vector<16xf32>
        %swap3A_1699 = vector.shape_cast %get3A_1672 : vector<16xf32> to vector<1x1x16xf32>
        tpu.vector_store %arg8[%swap3A_1694, %swap3A_1695, %swap3A_1696], %swap3A_1699 {add = true, strides = array<i32>} : memref<3x32x1024xf32, #tpu.memory_space<vmem>>, vector<1x1x16xf32>,
        %add3A_1700 = arith.constant 24 : i32
        %add3A_1701 = arith.addi %add3A_1700, %select_n3A : i32
        %swap3A_1702 = arith.constant 1 : i32
        %swap3A_1703 = arith.index_cast %swap3A_1702 : i32 to index
        %swap3A_1704 = arith.index_cast %add3A_1701 : i32 to index
        %swap3A_1705 = arith.index_cast %add3A_1666 : i32 to index
        %swap3A_1706 = tpu.vector_load %arg8[%swap3A_1703, %swap3A_1704, %swap3A_1705] {strides = array<i32>} : memref<3x32x1024xf32, #tpu.memory_space<vmem>>, vector<1x1x16xf32>,
        %swap3A_1707 = vector.shape_cast %swap3A_1706 : vector<1x1x16xf32> to vector<16xf32>
        %swap3A_1708 = vector.shape_cast %get3A_1672 : vector<16xf32> to vector<1x1x16xf32>
        tpu.vector_store %arg8[%swap3A_1703, %swap3A_1704, %swap3A_1705], %swap3A_1708 {add = true, strides = array<i32>} : memref<3x32x1024xf32, #tpu.memory_space<vmem>>, vector<1x1x16xf32>,
        %add3A_1709 = arith.constant 48 : i32
        %add3A_1710 = arith.addi %mul3A_1578, %add3A_1709 : i32
        %get3A_1711 = arith.constant 1 : i32
        %get3A_1712 = arith.index_cast %get3A_1711 : i32 to index
        %get3A_1713 = arith.index_cast %select_n3A : i32 to index
        %get3A_1714 = arith.index_cast %add3A_1710 : i32 to index
        %get3A_1715 = tpu.vector_load %arg7[%get3A_1712, %get3A_1713, %get3A_1714] {strides = array<i32>} : memref<3x8x1024xf32, #tpu.memory_space<vmem>>, vector<1x1x16xf32>,
        %get3A_1716 = vector.shape_cast %get3A_1715 : vector<1x1x16xf32> to vector<16xf32>
        %add3A_1717 = arith.constant 0 : i32
        %add3A_1718 = arith.addi %add3A_1717, %select_n3A : i32
        %swap3A_1719 = arith.constant 1 : i32
        %swap3A_1720 = arith.index_cast %swap3A_1719 : i32 to index
        %swap3A_1721 = arith.index_cast %add3A_1718 : i32 to index
        %swap3A_1722 = arith.index_cast %add3A_1710 : i32 to index
        %swap3A_1723 = tpu.vector_load %arg8[%swap3A_1720, %swap3A_1721, %swap3A_1722] {strides = array<i32>} : memref<3x32x1024xf32, #tpu.memory_space<vmem>>, vector<1x1x16xf32>,
        %swap3A_1724 = vector.shape_cast %swap3A_1723 : vector<1x1x16xf32> to vector<16xf32>
        %swap3A_1725 = vector.shape_cast %get3A_1716 : vector<16xf32> to vector<1x1x16xf32>
        tpu.vector_store %arg8[%swap3A_1720, %swap3A_1721, %swap3A_1722], %swap3A_1725 {add = true, strides = array<i32>} : memref<3x32x1024xf32, #tpu.memory_space<vmem>>, vector<1x1x16xf32>,
        %add3A_1726 = arith.constant 8 : i32
        %add3A_1727 = arith.addi %add3A_1726, %select_n3A : i32
        %swap3A_1728 = arith.constant 1 : i32
        %swap3A_1729 = arith.index_cast %swap3A_1728 : i32 to index
        %swap3A_1730 = arith.index_cast %add3A_1727 : i32 to index
        %swap3A_1731 = arith.index_cast %add3A_1710 : i32 to index
        %swap3A_1732 = tpu.vector_load %arg8[%swap3A_1729, %swap3A_1730, %swap3A_1731] {strides = array<i32>} : memref<3x32x1024xf32, #tpu.memory_space<vmem>>, vector<1x1x16xf32>,
        %swap3A_1733 = vector.shape_cast %swap3A_1732 : vector<1x1x16xf32> to vector<16xf32>
        %swap3A_1734 = vector.shape_cast %get3A_1716 : vector<16xf32> to vector<1x1x16xf32>
        tpu.vector_store %arg8[%swap3A_1729, %swap3A_1730, %swap3A_1731], %swap3A_1734 {add = true, strides = array<i32>} : memref<3x32x1024xf32, #tpu.memory_space<vmem>>, vector<1x1x16xf32>,
        %add3A_1735 = arith.constant 16 : i32
        %add3A_1736 = arith.addi %add3A_1735, %select_n3A : i32
        %swap3A_1737 = arith.constant 1 : i32
        %swap3A_1738 = arith.index_cast %swap3A_1737 : i32 to index
        %swap3A_1739 = arith.index_cast %add3A_1736 : i32 to index
        %swap3A_1740 = arith.index_cast %add3A_1710 : i32 to index
        %swap3A_1741 = tpu.vector_load %arg8[%swap3A_1738, %swap3A_1739, %swap3A_1740] {strides = array<i32>} : memref<3x32x1024xf32, #tpu.memory_space<vmem>>, vector<1x1x16xf32>,
        %swap3A_1742 = vector.shape_cast %swap3A_1741 : vector<1x1x16xf32> to vector<16xf32>
        %swap3A_1743 = vector.shape_cast %get3A_1716 : vector<16xf32> to vector<1x1x16xf32>
        tpu.vector_store %arg8[%swap3A_1738, %swap3A_1739, %swap3A_1740], %swap3A_1743 {add = true, strides = array<i32>} : memref<3x32x1024xf32, #tpu.memory_space<vmem>>, vector<1x1x16xf32>,
        %add3A_1744 = arith.constant 24 : i32
        %add3A_1745 = arith.addi %add3A_1744, %select_n3A : i32
        %swap3A_1746 = arith.constant 1 : i32
        %swap3A_1747 = arith.index_cast %swap3A_1746 : i32 to index
        %swap3A_1748 = arith.index_cast %add3A_1745 : i32 to index
        %swap3A_1749 = arith.index_cast %add3A_1710 : i32 to index
        %swap3A_1750 = tpu.vector_load %arg8[%swap3A_1747, %swap3A_1748, %swap3A_1749] {strides = array<i32>} : memref<3x32x1024xf32, #tpu.memory_space<vmem>>, vector<1x1x16xf32>,
        %swap3A_1751 = vector.shape_cast %swap3A_1750 : vector<1x1x16xf32> to vector<16xf32>
        %swap3A_1752 = vector.shape_cast %get3A_1716 : vector<16xf32> to vector<1x1x16xf32>
        tpu.vector_store %arg8[%swap3A_1747, %swap3A_1748, %swap3A_1749], %swap3A_1752 {add = true, strides = array<i32>} : memref<3x32x1024xf32, #tpu.memory_space<vmem>>, vector<1x1x16xf32>,
        %add3A_1753 = arith.constant 64 : i32
        %add3A_1754 = arith.addi %mul3A_1578, %add3A_1753 : i32
        %get3A_1755 = arith.constant 1 : i32
        %get3A_1756 = arith.index_cast %get3A_1755 : i32 to index
        %get3A_1757 = arith.index_cast %select_n3A : i32 to index
        %get3A_1758 = arith.index_cast %add3A_1754 : i32 to index
        %get3A_1759 = tpu.vector_load %arg7[%get3A_1756, %get3A_1757, %get3A_1758] {strides = array<i32>} : memref<3x8x1024xf32, #tpu.memory_space<vmem>>, vector<1x1x16xf32>,
        %get3A_1760 = vector.shape_cast %get3A_1759 : vector<1x1x16xf32> to vector<16xf32>
        %add3A_1761 = arith.constant 0 : i32
        %add3A_1762 = arith.addi %add3A_1761, %select_n3A : i32
        %swap3A_1763 = arith.constant 1 : i32
        %swap3A_1764 = arith.index_cast %swap3A_1763 : i32 to index
        %swap3A_1765 = arith.index_cast %add3A_1762 : i32 to index
        %swap3A_1766 = arith.index_cast %add3A_1754 : i32 to index
        %swap3A_1767 = tpu.vector_load %arg8[%swap3A_1764, %swap3A_1765, %swap3A_1766] {strides = array<i32>} : memref<3x32x1024xf32, #tpu.memory_space<vmem>>, vector<1x1x16xf32>,
        %swap3A_1768 = vector.shape_cast %swap3A_1767 : vector<1x1x16xf32> to vector<16xf32>
        %swap3A_1769 = vector.shape_cast %get3A_1760 : vector<16xf32> to vector<1x1x16xf32>
        tpu.vector_store %arg8[%swap3A_1764, %swap3A_1765, %swap3A_1766], %swap3A_1769 {add = true, strides = array<i32>} : memref<3x32x1024xf32, #tpu.memory_space<vmem>>, vector<1x1x16xf32>,
        %add3A_1770 = arith.constant 8 : i32
        %add3A_1771 = arith.addi %add3A_1770, %select_n3A : i32
        %swap3A_1772 = arith.constant 1 : i32
        %swap3A_1773 = arith.index_cast %swap3A_1772 : i32 to index
        %swap3A_1774 = arith.index_cast %add3A_1771 : i32 to index
        %swap3A_1775 = arith.index_cast %add3A_1754 : i32 to index
        %swap3A_1776 = tpu.vector_load %arg8[%swap3A_1773, %swap3A_1774, %swap3A_1775] {strides = array<i32>} : memref<3x32x1024xf32, #tpu.memory_space<vmem>>, vector<1x1x16xf32>,
        %swap3A_1777 = vector.shape_cast %swap3A_1776 : vector<1x1x16xf32> to vector<16xf32>
        %swap3A_1778 = vector.shape_cast %get3A_1760 : vector<16xf32> to vector<1x1x16xf32>
        tpu.vector_store %arg8[%swap3A_1773, %swap3A_1774, %swap3A_1775], %swap3A_1778 {add = true, strides = array<i32>} : memref<3x32x1024xf32, #tpu.memory_space<vmem>>, vector<1x1x16xf32>,
        %add3A_1779 = arith.constant 16 : i32
        %add3A_1780 = arith.addi %add3A_1779, %select_n3A : i32
        %swap3A_1781 = arith.constant 1 : i32
        %swap3A_1782 = arith.index_cast %swap3A_1781 : i32 to index
        %swap3A_1783 = arith.index_cast %add3A_1780 : i32 to index
        %swap3A_1784 = arith.index_cast %add3A_1754 : i32 to index
        %swap3A_1785 = tpu.vector_load %arg8[%swap3A_1782, %swap3A_1783, %swap3A_1784] {strides = array<i32>} : memref<3x32x1024xf32, #tpu.memory_space<vmem>>, vector<1x1x16xf32>,
        %swap3A_1786 = vector.shape_cast %swap3A_1785 : vector<1x1x16xf32> to vector<16xf32>
        %swap3A_1787 = vector.shape_cast %get3A_1760 : vector<16xf32> to vector<1x1x16xf32>
        tpu.vector_store %arg8[%swap3A_1782, %swap3A_1783, %swap3A_1784], %swap3A_1787 {add = true, strides = array<i32>} : memref<3x32x1024xf32, #tpu.memory_space<vmem>>, vector<1x1x16xf32>,
        %add3A_1788 = arith.constant 24 : i32
        %add3A_1789 = arith.addi %add3A_1788, %select_n3A : i32
        %swap3A_1790 = arith.constant 1 : i32
        %swap3A_1791 = arith.index_cast %swap3A_1790 : i32 to index
        %swap3A_1792 = arith.index_cast %add3A_1789 : i32 to index
        %swap3A_1793 = arith.index_cast %add3A_1754 : i32 to index
        %swap3A_1794 = tpu.vector_load %arg8[%swap3A_1791, %swap3A_1792, %swap3A_1793] {strides = array<i32>} : memref<3x32x1024xf32, #tpu.memory_space<vmem>>, vector<1x1x16xf32>,
        %swap3A_1795 = vector.shape_cast %swap3A_1794 : vector<1x1x16xf32> to vector<16xf32>
        %swap3A_1796 = vector.shape_cast %get3A_1760 : vector<16xf32> to vector<1x1x16xf32>
        tpu.vector_store %arg8[%swap3A_1791, %swap3A_1792, %swap3A_1793], %swap3A_1796 {add = true, strides = array<i32>} : memref<3x32x1024xf32, #tpu.memory_space<vmem>>, vector<1x1x16xf32>,
        %add3A_1797 = arith.constant 80 : i32
        %add3A_1798 = arith.addi %mul3A_1578, %add3A_1797 : i32
        %get3A_1799 = arith.constant 1 : i32
        %get3A_1800 = arith.index_cast %get3A_1799 : i32 to index
        %get3A_1801 = arith.index_cast %select_n3A : i32 to index
        %get3A_1802 = arith.index_cast %add3A_1798 : i32 to index
        %get3A_1803 = tpu.vector_load %arg7[%get3A_1800, %get3A_1801, %get3A_1802] {strides = array<i32>} : memref<3x8x1024xf32, #tpu.memory_space<vmem>>, vector<1x1x16xf32>,
        %get3A_1804 = vector.shape_cast %get3A_1803 : vector<1x1x16xf32> to vector<16xf32>
        %add3A_1805 = arith.constant 0 : i32
        %add3A_1806 = arith.addi %add3A_1805, %select_n3A : i32
        %swap3A_1807 = arith.constant 1 : i32
        %swap3A_1808 = arith.index_cast %swap3A_1807 : i32 to index
        %swap3A_1809 = arith.index_cast %add3A_1806 : i32 to index
        %swap3A_1810 = arith.index_cast %add3A_1798 : i32 to index
        %swap3A_1811 = tpu.vector_load %arg8[%swap3A_1808, %swap3A_1809, %swap3A_1810] {strides = array<i32>} : memref<3x32x1024xf32, #tpu.memory_space<vmem>>, vector<1x1x16xf32>,
        %swap3A_1812 = vector.shape_cast %swap3A_1811 : vector<1x1x16xf32> to vector<16xf32>
        %swap3A_1813 = vector.shape_cast %get3A_1804 : vector<16xf32> to vector<1x1x16xf32>
        tpu.vector_store %arg8[%swap3A_1808, %swap3A_1809, %swap3A_1810], %swap3A_1813 {add = true, strides = array<i32>} : memref<3x32x1024xf32, #tpu.memory_space<vmem>>, vector<1x1x16xf32>,
        %add3A_1814 = arith.constant 8 : i32
        %add3A_1815 = arith.addi %add3A_1814, %select_n3A : i32
        %swap3A_1816 = arith.constant 1 : i32
        %swap3A_1817 = arith.index_cast %swap3A_1816 : i32 to index
        %swap3A_1818 = arith.index_cast %add3A_1815 : i32 to index
        %swap3A_1819 = arith.index_cast %add3A_1798 : i32 to index
        %swap3A_1820 = tpu.vector_load %arg8[%swap3A_1817, %swap3A_1818, %swap3A_1819] {strides = array<i32>} : memref<3x32x1024xf32, #tpu.memory_space<vmem>>, vector<1x1x16xf32>,
        %swap3A_1821 = vector.shape_cast %swap3A_1820 : vector<1x1x16xf32> to vector<16xf32>
        %swap3A_1822 = vector.shape_cast %get3A_1804 : vector<16xf32> to vector<1x1x16xf32>
        tpu.vector_store %arg8[%swap3A_1817, %swap3A_1818, %swap3A_1819], %swap3A_1822 {add = true, strides = array<i32>} : memref<3x32x1024xf32, #tpu.memory_space<vmem>>, vector<1x1x16xf32>,
        %add3A_1823 = arith.constant 16 : i32
        %add3A_1824 = arith.addi %add3A_1823, %select_n3A : i32
        %swap3A_1825 = arith.constant 1 : i32
        %swap3A_1826 = arith.index_cast %swap3A_1825 : i32 to index
        %swap3A_1827 = arith.index_cast %add3A_1824 : i32 to index
        %swap3A_1828 = arith.index_cast %add3A_1798 : i32 to index
        %swap3A_1829 = tpu.vector_load %arg8[%swap3A_1826, %swap3A_1827, %swap3A_1828] {strides = array<i32>} : memref<3x32x1024xf32, #tpu.memory_space<vmem>>, vector<1x1x16xf32>,
        %swap3A_1830 = vector.shape_cast %swap3A_1829 : vector<1x1x16xf32> to vector<16xf32>
        %swap3A_1831 = vector.shape_cast %get3A_1804 : vector<16xf32> to vector<1x1x16xf32>
        tpu.vector_store %arg8[%swap3A_1826, %swap3A_1827, %swap3A_1828], %swap3A_1831 {add = true, strides = array<i32>} : memref<3x32x1024xf32, #tpu.memory_space<vmem>>, vector<1x1x16xf32>,
        %add3A_1832 = arith.constant 24 : i32
        %add3A_1833 = arith.addi %add3A_1832, %select_n3A : i32
        %swap3A_1834 = arith.constant 1 : i32
        %swap3A_1835 = arith.index_cast %swap3A_1834 : i32 to index
        %swap3A_1836 = arith.index_cast %add3A_1833 : i32 to index
        %swap3A_1837 = arith.index_cast %add3A_1798 : i32 to index
        %swap3A_1838 = tpu.vector_load %arg8[%swap3A_1835, %swap3A_1836, %swap3A_1837] {strides = array<i32>} : memref<3x32x1024xf32, #tpu.memory_space<vmem>>, vector<1x1x16xf32>,
        %swap3A_1839 = vector.shape_cast %swap3A_1838 : vector<1x1x16xf32> to vector<16xf32>
        %swap3A_1840 = vector.shape_cast %get3A_1804 : vector<16xf32> to vector<1x1x16xf32>
        tpu.vector_store %arg8[%swap3A_1835, %swap3A_1836, %swap3A_1837], %swap3A_1840 {add = true, strides = array<i32>} : memref<3x32x1024xf32, #tpu.memory_space<vmem>>, vector<1x1x16xf32>,
        %add3A_1841 = arith.constant 96 : i32
        %add3A_1842 = arith.addi %mul3A_1578, %add3A_1841 : i32
        %get3A_1843 = arith.constant 1 : i32
        %get3A_1844 = arith.index_cast %get3A_1843 : i32 to index
        %get3A_1845 = arith.index_cast %select_n3A : i32 to index
        %get3A_1846 = arith.index_cast %add3A_1842 : i32 to index
        %get3A_1847 = tpu.vector_load %arg7[%get3A_1844, %get3A_1845, %get3A_1846] {strides = array<i32>} : memref<3x8x1024xf32, #tpu.memory_space<vmem>>, vector<1x1x16xf32>,
        %get3A_1848 = vector.shape_cast %get3A_1847 : vector<1x1x16xf32> to vector<16xf32>
        %add3A_1849 = arith.constant 0 : i32
        %add3A_1850 = arith.addi %add3A_1849, %select_n3A : i32
        %swap3A_1851 = arith.constant 1 : i32
        %swap3A_1852 = arith.index_cast %swap3A_1851 : i32 to index
        %swap3A_1853 = arith.index_cast %add3A_1850 : i32 to index
        %swap3A_1854 = arith.index_cast %add3A_1842 : i32 to index
        %swap3A_1855 = tpu.vector_load %arg8[%swap3A_1852, %swap3A_1853, %swap3A_1854] {strides = array<i32>} : memref<3x32x1024xf32, #tpu.memory_space<vmem>>, vector<1x1x16xf32>,
        %swap3A_1856 = vector.shape_cast %swap3A_1855 : vector<1x1x16xf32> to vector<16xf32>
        %swap3A_1857 = vector.shape_cast %get3A_1848 : vector<16xf32> to vector<1x1x16xf32>
        tpu.vector_store %arg8[%swap3A_1852, %swap3A_1853, %swap3A_1854], %swap3A_1857 {add = true, strides = array<i32>} : memref<3x32x1024xf32, #tpu.memory_space<vmem>>, vector<1x1x16xf32>,
        %add3A_1858 = arith.constant 8 : i32
        %add3A_1859 = arith.addi %add3A_1858, %select_n3A : i32
        %swap3A_1860 = arith.constant 1 : i32
        %swap3A_1861 = arith.index_cast %swap3A_1860 : i32 to index
        %swap3A_1862 = arith.index_cast %add3A_1859 : i32 to index
        %swap3A_1863 = arith.index_cast %add3A_1842 : i32 to index
        %swap3A_1864 = tpu.vector_load %arg8[%swap3A_1861, %swap3A_1862, %swap3A_1863] {strides = array<i32>} : memref<3x32x1024xf32, #tpu.memory_space<vmem>>, vector<1x1x16xf32>,
        %swap3A_1865 = vector.shape_cast %swap3A_1864 : vector<1x1x16xf32> to vector<16xf32>
        %swap3A_1866 = vector.shape_cast %get3A_1848 : vector<16xf32> to vector<1x1x16xf32>
        tpu.vector_store %arg8[%swap3A_1861, %swap3A_1862, %swap3A_1863], %swap3A_1866 {add = true, strides = array<i32>} : memref<3x32x1024xf32, #tpu.memory_space<vmem>>, vector<1x1x16xf32>,
        %add3A_1867 = arith.constant 16 : i32
        %add3A_1868 = arith.addi %add3A_1867, %select_n3A : i32
        %swap3A_1869 = arith.constant 1 : i32
        %swap3A_1870 = arith.index_cast %swap3A_1869 : i32 to index
        %swap3A_1871 = arith.index_cast %add3A_1868 : i32 to index
        %swap3A_1872 = arith.index_cast %add3A_1842 : i32 to index
        %swap3A_1873 = tpu.vector_load %arg8[%swap3A_1870, %swap3A_1871, %swap3A_1872] {strides = array<i32>} : memref<3x32x1024xf32, #tpu.memory_space<vmem>>, vector<1x1x16xf32>,
        %swap3A_1874 = vector.shape_cast %swap3A_1873 : vector<1x1x16xf32> to vector<16xf32>
        %swap3A_1875 = vector.shape_cast %get3A_1848 : vector<16xf32> to vector<1x1x16xf32>
        tpu.vector_store %arg8[%swap3A_1870, %swap3A_1871, %swap3A_1872], %swap3A_1875 {add = true, strides = array<i32>} : memref<3x32x1024xf32, #tpu.memory_space<vmem>>, vector<1x1x16xf32>,
        %add3A_1876 = arith.constant 24 : i32
        %add3A_1877 = arith.addi %add3A_1876, %select_n3A : i32
        %swap3A_1878 = arith.constant 1 : i32
        %swap3A_1879 = arith.index_cast %swap3A_1878 : i32 to index
        %swap3A_1880 = arith.index_cast %add3A_1877 : i32 to index
        %swap3A_1881 = arith.index_cast %add3A_1842 : i32 to index
        %swap3A_1882 = tpu.vector_load %arg8[%swap3A_1879, %swap3A_1880, %swap3A_1881] {strides = array<i32>} : memref<3x32x1024xf32, #tpu.memory_space<vmem>>, vector<1x1x16xf32>,
        %swap3A_1883 = vector.shape_cast %swap3A_1882 : vector<1x1x16xf32> to vector<16xf32>
        %swap3A_1884 = vector.shape_cast %get3A_1848 : vector<16xf32> to vector<1x1x16xf32>
        tpu.vector_store %arg8[%swap3A_1879, %swap3A_1880, %swap3A_1881], %swap3A_1884 {add = true, strides = array<i32>} : memref<3x32x1024xf32, #tpu.memory_space<vmem>>, vector<1x1x16xf32>,
        %add3A_1885 = arith.constant 112 : i32
        %add3A_1886 = arith.addi %mul3A_1578, %add3A_1885 : i32
        %get3A_1887 = arith.constant 1 : i32
        %get3A_1888 = arith.index_cast %get3A_1887 : i32 to index
        %get3A_1889 = arith.index_cast %select_n3A : i32 to index
        %get3A_1890 = arith.index_cast %add3A_1886 : i32 to index
        %get3A_1891 = tpu.vector_load %arg7[%get3A_1888, %get3A_1889, %get3A_1890] {strides = array<i32>} : memref<3x8x1024xf32, #tpu.memory_space<vmem>>, vector<1x1x16xf32>,
        %get3A_1892 = vector.shape_cast %get3A_1891 : vector<1x1x16xf32> to vector<16xf32>
        %add3A_1893 = arith.constant 0 : i32
        %add3A_1894 = arith.addi %add3A_1893, %select_n3A : i32
        %swap3A_1895 = arith.constant 1 : i32
        %swap3A_1896 = arith.index_cast %swap3A_1895 : i32 to index
        %swap3A_1897 = arith.index_cast %add3A_1894 : i32 to index
        %swap3A_1898 = arith.index_cast %add3A_1886 : i32 to index
        %swap3A_1899 = tpu.vector_load %arg8[%swap3A_1896, %swap3A_1897, %swap3A_1898] {strides = array<i32>} : memref<3x32x1024xf32, #tpu.memory_space<vmem>>, vector<1x1x16xf32>,
        %swap3A_1900 = vector.shape_cast %swap3A_1899 : vector<1x1x16xf32> to vector<16xf32>
        %swap3A_1901 = vector.shape_cast %get3A_1892 : vector<16xf32> to vector<1x1x16xf32>
        tpu.vector_store %arg8[%swap3A_1896, %swap3A_1897, %swap3A_1898], %swap3A_1901 {add = true, strides = array<i32>} : memref<3x32x1024xf32, #tpu.memory_space<vmem>>, vector<1x1x16xf32>,
        %add3A_1902 = arith.constant 8 : i32
        %add3A_1903 = arith.addi %add3A_1902, %select_n3A : i32
        %swap3A_1904 = arith.constant 1 : i32
        %swap3A_1905 = arith.index_cast %swap3A_1904 : i32 to index
        %swap3A_1906 = arith.index_cast %add3A_1903 : i32 to index
        %swap3A_1907 = arith.index_cast %add3A_1886 : i32 to index
        %swap3A_1908 = tpu.vector_load %arg8[%swap3A_1905, %swap3A_1906, %swap3A_1907] {strides = array<i32>} : memref<3x32x1024xf32, #tpu.memory_space<vmem>>, vector<1x1x16xf32>,
        %swap3A_1909 = vector.shape_cast %swap3A_1908 : vector<1x1x16xf32> to vector<16xf32>
        %swap3A_1910 = vector.shape_cast %get3A_1892 : vector<16xf32> to vector<1x1x16xf32>
        tpu.vector_store %arg8[%swap3A_1905, %swap3A_1906, %swap3A_1907], %swap3A_1910 {add = true, strides = array<i32>} : memref<3x32x1024xf32, #tpu.memory_space<vmem>>, vector<1x1x16xf32>,
        %add3A_1911 = arith.constant 16 : i32
        %add3A_1912 = arith.addi %add3A_1911, %select_n3A : i32
        %swap3A_1913 = arith.constant 1 : i32
        %swap3A_1914 = arith.index_cast %swap3A_1913 : i32 to index
        %swap3A_1915 = arith.index_cast %add3A_1912 : i32 to index
        %swap3A_1916 = arith.index_cast %add3A_1886 : i32 to index
        %swap3A_1917 = tpu.vector_load %arg8[%swap3A_1914, %swap3A_1915, %swap3A_1916] {strides = array<i32>} : memref<3x32x1024xf32, #tpu.memory_space<vmem>>, vector<1x1x16xf32>,
        %swap3A_1918 = vector.shape_cast %swap3A_1917 : vector<1x1x16xf32> to vector<16xf32>
        %swap3A_1919 = vector.shape_cast %get3A_1892 : vector<16xf32> to vector<1x1x16xf32>
        tpu.vector_store %arg8[%swap3A_1914, %swap3A_1915, %swap3A_1916], %swap3A_1919 {add = true, strides = array<i32>} : memref<3x32x1024xf32, #tpu.memory_space<vmem>>, vector<1x1x16xf32>,
        %add3A_1920 = arith.constant 24 : i32
        %add3A_1921 = arith.addi %add3A_1920, %select_n3A : i32
        %swap3A_1922 = arith.constant 1 : i32
        %swap3A_1923 = arith.index_cast %swap3A_1922 : i32 to index
        %swap3A_1924 = arith.index_cast %add3A_1921 : i32 to index
        %swap3A_1925 = arith.index_cast %add3A_1886 : i32 to index
        %swap3A_1926 = tpu.vector_load %arg8[%swap3A_1923, %swap3A_1924, %swap3A_1925] {strides = array<i32>} : memref<3x32x1024xf32, #tpu.memory_space<vmem>>, vector<1x1x16xf32>,
        %swap3A_1927 = vector.shape_cast %swap3A_1926 : vector<1x1x16xf32> to vector<16xf32>
        %swap3A_1928 = vector.shape_cast %get3A_1892 : vector<16xf32> to vector<1x1x16xf32>
        tpu.vector_store %arg8[%swap3A_1923, %swap3A_1924, %swap3A_1925], %swap3A_1928 {add = true, strides = array<i32>} : memref<3x32x1024xf32, #tpu.memory_space<vmem>>, vector<1x1x16xf32>,
        %scan3A_1929 = arith.constant 0 : i32
        scf.yield %scan3A_1929 : i32
      }
      %scan3A_1296 = arith.constant 64 : i32
      %mul3A_1297 = arith.constant 8 : i32
      %mul3A_1298 = arith.muli %add3A_1255, %mul3A_1297 : i32
      %add3A_1299 = arith.addi %mul3A_2, %mul3A_1298 : i32
      %dma_start3A_1300 = arith.constant 1 : i32
      %dma_start3A_1301 = arith.constant 0 : i32
      %dma_start3A_1302 = arith.constant 0 : i32
      %dma_start3A_1303 = arith.constant 0 : i32
      %dma_start3A_1304 = tpu.memref_slice %arg8[%dma_start3A_1300, %dma_start3A_1302, %dma_start3A_1303] : memref<3x32x1024xf32, #tpu.memory_space<vmem>> -> memref<1x8x1024xf32, #tpu.memory_space<vmem>>
      %dma_start3A_1305 = tpu.memref_squeeze %dma_start3A_1304 : memref<1x8x1024xf32, #tpu.memory_space<vmem>> -> memref<8x1024xf32, #tpu.memory_space<vmem>>
      %dma_start3A_1306 = arith.constant 0 : i32
      %dma_start3A_1307 = tpu.memref_slice %arg5[%dma_start3A_1301, %add3A_1299, %dma_start3A_1306] : memref<4x2048x1024xf32, #tpu.memory_space<hbm>> -> memref<1x8x1024xf32, #tpu.memory_space<hbm>>
      %dma_start3A_1308 = tpu.memref_squeeze %dma_start3A_1307 : memref<1x8x1024xf32, #tpu.memory_space<hbm>> -> memref<8x1024xf32, #tpu.memory_space<hbm>>
      %dma_start3A_1309 = arith.constant 0 : i32
      %dma_start3A_1310 = tpu.memref_slice %arg5[%dma_start3A_1301, %add3A_1299, %dma_start3A_1309] : memref<4x2048x1024xf32, #tpu.memory_space<hbm>> -> memref<1x8x1024xf32, #tpu.memory_space<hbm>>
      %dma_start3A_1311 = tpu.memref_squeeze %dma_start3A_1310 : memref<1x8x1024xf32, #tpu.memory_space<hbm>> -> memref<8x1024xf32, #tpu.memory_space<hbm>>
      %dma_start3A_1312 = arith.constant 0 : i32
      %dma_start3A_1313 = arith.constant 0 : i32
      %dma_start3A_1314 = tpu.memref_slice %arg8[%dma_start3A_1300, %dma_start3A_1312, %dma_start3A_1313] : memref<3x32x1024xf32, #tpu.memory_space<vmem>> -> memref<1x8x1024xf32, #tpu.memory_space<vmem>>
      %dma_start3A_1315 = tpu.memref_squeeze %dma_start3A_1314 : memref<1x8x1024xf32, #tpu.memory_space<vmem>> -> memref<8x1024xf32, #tpu.memory_space<vmem>>
      tpu.enqueue_dma source(%dma_start3A_1315 : memref<8x1024xf32, #tpu.memory_space<vmem>>) target(%dma_start3A_1311 : memref<8x1024xf32, #tpu.memory_space<hbm>>) target_semaphore(%arg16 : memref<!tpu.dma_semaphore, #tpu.memory_space<semaphore_mem>>)
      %dma_start3A_1316 = arith.constant 1 : i32
      %dma_start3A_1317 = arith.constant 1 : i32
      %dma_start3A_1318 = arith.constant 8 : i32
      %dma_start3A_1319 = arith.constant 0 : i32
      %dma_start3A_1320 = tpu.memref_slice %arg8[%dma_start3A_1316, %dma_start3A_1318, %dma_start3A_1319] : memref<3x32x1024xf32, #tpu.memory_space<vmem>> -> memref<1x8x1024xf32, #tpu.memory_space<vmem>>
      %dma_start3A_1321 = tpu.memref_squeeze %dma_start3A_1320 : memref<1x8x1024xf32, #tpu.memory_space<vmem>> -> memref<8x1024xf32, #tpu.memory_space<vmem>>
      %dma_start3A_1322 = arith.constant 0 : i32
      %dma_start3A_1323 = tpu.memref_slice %arg5[%dma_start3A_1317, %add3A_1299, %dma_start3A_1322] : memref<4x2048x1024xf32, #tpu.memory_space<hbm>> -> memref<1x8x1024xf32, #tpu.memory_space<hbm>>
      %dma_start3A_1324 = tpu.memref_squeeze %dma_start3A_1323 : memref<1x8x1024xf32, #tpu.memory_space<hbm>> -> memref<8x1024xf32, #tpu.memory_space<hbm>>
      %dma_start3A_1325 = arith.constant 0 : i32
      %dma_start3A_1326 = tpu.memref_slice %arg5[%dma_start3A_1317, %add3A_1299, %dma_start3A_1325] : memref<4x2048x1024xf32, #tpu.memory_space<hbm>> -> memref<1x8x1024xf32, #tpu.memory_space<hbm>>
      %dma_start3A_1327 = tpu.memref_squeeze %dma_start3A_1326 : memref<1x8x1024xf32, #tpu.memory_space<hbm>> -> memref<8x1024xf32, #tpu.memory_space<hbm>>
      %dma_start3A_1328 = arith.constant 8 : i32
      %dma_start3A_1329 = arith.constant 0 : i32
      %dma_start3A_1330 = tpu.memref_slice %arg8[%dma_start3A_1316, %dma_start3A_1328, %dma_start3A_1329] : memref<3x32x1024xf32, #tpu.memory_space<vmem>> -> memref<1x8x1024xf32, #tpu.memory_space<vmem>>
      %dma_start3A_1331 = tpu.memref_squeeze %dma_start3A_1330 : memref<1x8x1024xf32, #tpu.memory_space<vmem>> -> memref<8x1024xf32, #tpu.memory_space<vmem>>
      tpu.enqueue_dma source(%dma_start3A_1331 : memref<8x1024xf32, #tpu.memory_space<vmem>>) target(%dma_start3A_1327 : memref<8x1024xf32, #tpu.memory_space<hbm>>) target_semaphore(%arg16 : memref<!tpu.dma_semaphore, #tpu.memory_space<semaphore_mem>>)
      %dma_start3A_1332 = arith.constant 1 : i32
      %dma_start3A_1333 = arith.constant 2 : i32
      %dma_start3A_1334 = arith.constant 16 : i32
      %dma_start3A_1335 = arith.constant 0 : i32
      %dma_start3A_1336 = tpu.memref_slice %arg8[%dma_start3A_1332, %dma_start3A_1334, %dma_start3A_1335] : memref<3x32x1024xf32, #tpu.memory_space<vmem>> -> memref<1x8x1024xf32, #tpu.memory_space<vmem>>
      %dma_start3A_1337 = tpu.memref_squeeze %dma_start3A_1336 : memref<1x8x1024xf32, #tpu.memory_space<vmem>> -> memref<8x1024xf32, #tpu.memory_space<vmem>>
      %dma_start3A_1338 = arith.constant 0 : i32
      %dma_start3A_1339 = tpu.memref_slice %arg5[%dma_start3A_1333, %add3A_1299, %dma_start3A_1338] : memref<4x2048x1024xf32, #tpu.memory_space<hbm>> -> memref<1x8x1024xf32, #tpu.memory_space<hbm>>
      %dma_start3A_1340 = tpu.memref_squeeze %dma_start3A_1339 : memref<1x8x1024xf32, #tpu.memory_space<hbm>> -> memref<8x1024xf32, #tpu.memory_space<hbm>>
      %dma_start3A_1341 = arith.constant 0 : i32
      %dma_start3A_1342 = tpu.memref_slice %arg5[%dma_start3A_1333, %add3A_1299, %dma_start3A_1341] : memref<4x2048x1024xf32, #tpu.memory_space<hbm>> -> memref<1x8x1024xf32, #tpu.memory_space<hbm>>
      %dma_start3A_1343 = tpu.memref_squeeze %dma_start3A_1342 : memref<1x8x1024xf32, #tpu.memory_space<hbm>> -> memref<8x1024xf32, #tpu.memory_space<hbm>>
      %dma_start3A_1344 = arith.constant 16 : i32
      %dma_start3A_1345 = arith.constant 0 : i32
      %dma_start3A_1346 = tpu.memref_slice %arg8[%dma_start3A_1332, %dma_start3A_1344, %dma_start3A_1345] : memref<3x32x1024xf32, #tpu.memory_space<vmem>> -> memref<1x8x1024xf32, #tpu.memory_space<vmem>>
      %dma_start3A_1347 = tpu.memref_squeeze %dma_start3A_1346 : memref<1x8x1024xf32, #tpu.memory_space<vmem>> -> memref<8x1024xf32, #tpu.memory_space<vmem>>
      tpu.enqueue_dma source(%dma_start3A_1347 : memref<8x1024xf32, #tpu.memory_space<vmem>>) target(%dma_start3A_1343 : memref<8x1024xf32, #tpu.memory_space<hbm>>) target_semaphore(%arg16 : memref<!tpu.dma_semaphore, #tpu.memory_space<semaphore_mem>>)
      %dma_start3A_1348 = arith.constant 1 : i32
      %dma_start3A_1349 = arith.constant 3 : i32
      %dma_start3A_1350 = arith.constant 24 : i32
      %dma_start3A_1351 = arith.constant 0 : i32
      %dma_start3A_1352 = tpu.memref_slice %arg8[%dma_start3A_1348, %dma_start3A_1350, %dma_start3A_1351] : memref<3x32x1024xf32, #tpu.memory_space<vmem>> -> memref<1x8x1024xf32, #tpu.memory_space<vmem>>
      %dma_start3A_1353 = tpu.memref_squeeze %dma_start3A_1352 : memref<1x8x1024xf32, #tpu.memory_space<vmem>> -> memref<8x1024xf32, #tpu.memory_space<vmem>>
      %dma_start3A_1354 = arith.constant 0 : i32
      %dma_start3A_1355 = tpu.memref_slice %arg5[%dma_start3A_1349, %add3A_1299, %dma_start3A_1354] : memref<4x2048x1024xf32, #tpu.memory_space<hbm>> -> memref<1x8x1024xf32, #tpu.memory_space<hbm>>
      %dma_start3A_1356 = tpu.memref_squeeze %dma_start3A_1355 : memref<1x8x1024xf32, #tpu.memory_space<hbm>> -> memref<8x1024xf32, #tpu.memory_space<hbm>>
      %dma_start3A_1357 = arith.constant 0 : i32
      %dma_start3A_1358 = tpu.memref_slice %arg5[%dma_start3A_1349, %add3A_1299, %dma_start3A_1357] : memref<4x2048x1024xf32, #tpu.memory_space<hbm>> -> memref<1x8x1024xf32, #tpu.memory_space<hbm>>
      %dma_start3A_1359 = tpu.memref_squeeze %dma_start3A_1358 : memref<1x8x1024xf32, #tpu.memory_space<hbm>> -> memref<8x1024xf32, #tpu.memory_space<hbm>>
      %dma_start3A_1360 = arith.constant 24 : i32
      %dma_start3A_1361 = arith.constant 0 : i32
      %dma_start3A_1362 = tpu.memref_slice %arg8[%dma_start3A_1348, %dma_start3A_1360, %dma_start3A_1361] : memref<3x32x1024xf32, #tpu.memory_space<vmem>> -> memref<1x8x1024xf32, #tpu.memory_space<vmem>>
      %dma_start3A_1363 = tpu.memref_squeeze %dma_start3A_1362 : memref<1x8x1024xf32, #tpu.memory_space<vmem>> -> memref<8x1024xf32, #tpu.memory_space<vmem>>
      tpu.enqueue_dma source(%dma_start3A_1363 : memref<8x1024xf32, #tpu.memory_space<vmem>>) target(%dma_start3A_1359 : memref<8x1024xf32, #tpu.memory_space<hbm>>) target_semaphore(%arg16 : memref<!tpu.dma_semaphore, #tpu.memory_space<semaphore_mem>>)
      %ge3A_1364 = arith.constant 1 : i32
      %ge3A_1365 = arith.cmpi sge, %add3A_1255, %ge3A_1364 : i32
      %convert_element_type3A_1366 = arith.extui %ge3A_1365 : i1 to i32
      %cond3A_1367 = arith.constant 0 : i32
      %cond3A_1368 = arith.cmpi ne, %convert_element_type3A_1366, %cond3A_1367 : i32
      scf.if %cond3A_1368 {
        %sub3A = arith.constant 1 : i32
        %sub3A_1545 = arith.subi %add3A_1255, %sub3A : i32
        %mul3A_1546 = arith.constant 8 : i32
        %mul3A_1547 = arith.muli %sub3A_1545, %mul3A_1546 : i32
        %add3A_1548 = arith.addi %mul3A_2, %mul3A_1547 : i32
        %dma_wait3A_1549 = arith.constant 0 : i32
        %dma_wait3A_1550 = arith.constant 0 : i32
        %dma_wait3A_1551 = arith.constant 0 : i32
        %dma_wait3A_1552 = arith.constant 0 : i32
        %dma_wait3A_1553 = tpu.memref_slice %arg8[%dma_wait3A_1549, %dma_wait3A_1551, %dma_wait3A_1552] : memref<3x32x1024xf32, #tpu.memory_space<vmem>> -> memref<1x8x1024xf32, #tpu.memory_space<vmem>>
        %dma_wait3A_1554 = tpu.memref_squeeze %dma_wait3A_1553 : memref<1x8x1024xf32, #tpu.memory_space<vmem>> -> memref<8x1024xf32, #tpu.memory_space<vmem>>
        %dma_wait3A_1555 = arith.constant 0 : i32
        %dma_wait3A_1556 = tpu.memref_slice %arg5[%dma_wait3A_1550, %add3A_1548, %dma_wait3A_1555] : memref<4x2048x1024xf32, #tpu.memory_space<hbm>> -> memref<1x8x1024xf32, #tpu.memory_space<hbm>>
        %dma_wait3A_1557 = tpu.memref_squeeze %dma_wait3A_1556 : memref<1x8x1024xf32, #tpu.memory_space<hbm>> -> memref<8x1024xf32, #tpu.memory_space<hbm>>
        %dma_wait3A_1558 = arith.constant 0 : i32
        %dma_wait3A_1559 = tpu.memref_slice %arg5[%dma_wait3A_1550, %add3A_1548, %dma_wait3A_1558] : memref<4x2048x1024xf32, #tpu.memory_space<hbm>> -> memref<1x8x1024xf32, #tpu.memory_space<hbm>>
        %dma_wait3A_1560 = tpu.memref_squeeze %dma_wait3A_1559 : memref<1x8x1024xf32, #tpu.memory_space<hbm>> -> memref<8x1024xf32, #tpu.memory_space<hbm>>
        %dma_wait3A_1561 = arith.constant 0 : i32
        %dma_wait3A_1562 = arith.constant 0 : i32
        %dma_wait3A_1563 = tpu.memref_slice %arg8[%dma_wait3A_1549, %dma_wait3A_1561, %dma_wait3A_1562] : memref<3x32x1024xf32, #tpu.memory_space<vmem>> -> memref<1x8x1024xf32, #tpu.memory_space<vmem>>
        %dma_wait3A_1564 = tpu.memref_squeeze %dma_wait3A_1563 : memref<1x8x1024xf32, #tpu.memory_space<vmem>> -> memref<8x1024xf32, #tpu.memory_space<vmem>>
        tpu.wait_dma2 semaphore(%arg15 : memref<!tpu.dma_semaphore, #tpu.memory_space<semaphore_mem>>) src(%dma_wait3A_1564 : memref<8x1024xf32, #tpu.memory_space<vmem>>) dst(%dma_wait3A_1560 : memref<8x1024xf32, #tpu.memory_space<hbm>>)
        %dma_wait3A_1565 = arith.constant 0 : i32
        %dma_wait3A_1566 = arith.constant 1 : i32
        %dma_wait3A_1567 = arith.constant 8 : i32
        %dma_wait3A_1568 = arith.constant 0 : i32
        %dma_wait3A_1569 = tpu.memref_slice %arg8[%dma_wait3A_1565, %dma_wait3A_1567, %dma_wait3A_1568] : memref<3x32x1024xf32, #tpu.memory_space<vmem>> -> memref<1x8x1024xf32, #tpu.memory_space<vmem>>
        %dma_wait3A_1570 = tpu.memref_squeeze %dma_wait3A_1569 : memref<1x8x1024xf32, #tpu.memory_space<vmem>> -> memref<8x1024xf32, #tpu.memory_space<vmem>>
        %dma_wait3A_1571 = arith.constant 0 : i32
        %dma_wait3A_1572 = tpu.memref_slice %arg5[%dma_wait3A_1566, %add3A_1548, %dma_wait3A_1571] : memref<4x2048x1024xf32, #tpu.memory_space<hbm>> -> memref<1x8x1024xf32, #tpu.memory_space<hbm>>
        %dma_wait3A_1573 = tpu.memref_squeeze %dma_wait3A_1572 : memref<1x8x1024xf32, #tpu.memory_space<hbm>> -> memref<8x1024xf32, #tpu.memory_space<hbm>>
        %dma_wait3A_1574 = arith.constant 0 : i32
        %dma_wait3A_1575 = tpu.memref_slice %arg5[%dma_wait3A_1566, %add3A_1548, %dma_wait3A_1574] : memref<4x2048x1024xf32, #tpu.memory_space<hbm>> -> memref<1x8x1024xf32, #tpu.memory_space<hbm>>
        %dma_wait3A_1576 = tpu.memref_squeeze %dma_wait3A_1575 : memref<1x8x1024xf32, #tpu.memory_space<hbm>> -> memref<8x1024xf32, #tpu.memory_space<hbm>>
        %dma_wait3A_1577 = arith.constant 8 : i32
        %dma_wait3A_1578 = arith.constant 0 : i32
        %dma_wait3A_1579 = tpu.memref_slice %arg8[%dma_wait3A_1565, %dma_wait3A_1577, %dma_wait3A_1578] : memref<3x32x1024xf32, #tpu.memory_space<vmem>> -> memref<1x8x1024xf32, #tpu.memory_space<vmem>>
        %dma_wait3A_1580 = tpu.memref_squeeze %dma_wait3A_1579 : memref<1x8x1024xf32, #tpu.memory_space<vmem>> -> memref<8x1024xf32, #tpu.memory_space<vmem>>
        tpu.wait_dma2 semaphore(%arg15 : memref<!tpu.dma_semaphore, #tpu.memory_space<semaphore_mem>>) src(%dma_wait3A_1580 : memref<8x1024xf32, #tpu.memory_space<vmem>>) dst(%dma_wait3A_1576 : memref<8x1024xf32, #tpu.memory_space<hbm>>)
        %dma_wait3A_1581 = arith.constant 0 : i32
        %dma_wait3A_1582 = arith.constant 2 : i32
        %dma_wait3A_1583 = arith.constant 16 : i32
        %dma_wait3A_1584 = arith.constant 0 : i32
        %dma_wait3A_1585 = tpu.memref_slice %arg8[%dma_wait3A_1581, %dma_wait3A_1583, %dma_wait3A_1584] : memref<3x32x1024xf32, #tpu.memory_space<vmem>> -> memref<1x8x1024xf32, #tpu.memory_space<vmem>>
        %dma_wait3A_1586 = tpu.memref_squeeze %dma_wait3A_1585 : memref<1x8x1024xf32, #tpu.memory_space<vmem>> -> memref<8x1024xf32, #tpu.memory_space<vmem>>
        %dma_wait3A_1587 = arith.constant 0 : i32
        %dma_wait3A_1588 = tpu.memref_slice %arg5[%dma_wait3A_1582, %add3A_1548, %dma_wait3A_1587] : memref<4x2048x1024xf32, #tpu.memory_space<hbm>> -> memref<1x8x1024xf32, #tpu.memory_space<hbm>>
        %dma_wait3A_1589 = tpu.memref_squeeze %dma_wait3A_1588 : memref<1x8x1024xf32, #tpu.memory_space<hbm>> -> memref<8x1024xf32, #tpu.memory_space<hbm>>
        %dma_wait3A_1590 = arith.constant 0 : i32
        %dma_wait3A_1591 = tpu.memref_slice %arg5[%dma_wait3A_1582, %add3A_1548, %dma_wait3A_1590] : memref<4x2048x1024xf32, #tpu.memory_space<hbm>> -> memref<1x8x1024xf32, #tpu.memory_space<hbm>>
        %dma_wait3A_1592 = tpu.memref_squeeze %dma_wait3A_1591 : memref<1x8x1024xf32, #tpu.memory_space<hbm>> -> memref<8x1024xf32, #tpu.memory_space<hbm>>
        %dma_wait3A_1593 = arith.constant 16 : i32
        %dma_wait3A_1594 = arith.constant 0 : i32
        %dma_wait3A_1595 = tpu.memref_slice %arg8[%dma_wait3A_1581, %dma_wait3A_1593, %dma_wait3A_1594] : memref<3x32x1024xf32, #tpu.memory_space<vmem>> -> memref<1x8x1024xf32, #tpu.memory_space<vmem>>
        %dma_wait3A_1596 = tpu.memref_squeeze %dma_wait3A_1595 : memref<1x8x1024xf32, #tpu.memory_space<vmem>> -> memref<8x1024xf32, #tpu.memory_space<vmem>>
        tpu.wait_dma2 semaphore(%arg15 : memref<!tpu.dma_semaphore, #tpu.memory_space<semaphore_mem>>) src(%dma_wait3A_1596 : memref<8x1024xf32, #tpu.memory_space<vmem>>) dst(%dma_wait3A_1592 : memref<8x1024xf32, #tpu.memory_space<hbm>>)
        %dma_wait3A_1597 = arith.constant 0 : i32
        %dma_wait3A_1598 = arith.constant 3 : i32
        %dma_wait3A_1599 = arith.constant 24 : i32
        %dma_wait3A_1600 = arith.constant 0 : i32
        %dma_wait3A_1601 = tpu.memref_slice %arg8[%dma_wait3A_1597, %dma_wait3A_1599, %dma_wait3A_1600] : memref<3x32x1024xf32, #tpu.memory_space<vmem>> -> memref<1x8x1024xf32, #tpu.memory_space<vmem>>
        %dma_wait3A_1602 = tpu.memref_squeeze %dma_wait3A_1601 : memref<1x8x1024xf32, #tpu.memory_space<vmem>> -> memref<8x1024xf32, #tpu.memory_space<vmem>>
        %dma_wait3A_1603 = arith.constant 0 : i32
        %dma_wait3A_1604 = tpu.memref_slice %arg5[%dma_wait3A_1598, %add3A_1548, %dma_wait3A_1603] : memref<4x2048x1024xf32, #tpu.memory_space<hbm>> -> memref<1x8x1024xf32, #tpu.memory_space<hbm>>
        %dma_wait3A_1605 = tpu.memref_squeeze %dma_wait3A_1604 : memref<1x8x1024xf32, #tpu.memory_space<hbm>> -> memref<8x1024xf32, #tpu.memory_space<hbm>>
        %dma_wait3A_1606 = arith.constant 0 : i32
        %dma_wait3A_1607 = tpu.memref_slice %arg5[%dma_wait3A_1598, %add3A_1548, %dma_wait3A_1606] : memref<4x2048x1024xf32, #tpu.memory_space<hbm>> -> memref<1x8x1024xf32, #tpu.memory_space<hbm>>
        %dma_wait3A_1608 = tpu.memref_squeeze %dma_wait3A_1607 : memref<1x8x1024xf32, #tpu.memory_space<hbm>> -> memref<8x1024xf32, #tpu.memory_space<hbm>>
        %dma_wait3A_1609 = arith.constant 24 : i32
        %dma_wait3A_1610 = arith.constant 0 : i32
        %dma_wait3A_1611 = tpu.memref_slice %arg8[%dma_wait3A_1597, %dma_wait3A_1609, %dma_wait3A_1610] : memref<3x32x1024xf32, #tpu.memory_space<vmem>> -> memref<1x8x1024xf32, #tpu.memory_space<vmem>>
        %dma_wait3A_1612 = tpu.memref_squeeze %dma_wait3A_1611 : memref<1x8x1024xf32, #tpu.memory_space<vmem>> -> memref<8x1024xf32, #tpu.memory_space<vmem>>
        tpu.wait_dma2 semaphore(%arg15 : memref<!tpu.dma_semaphore, #tpu.memory_space<semaphore_mem>>) src(%dma_wait3A_1612 : memref<8x1024xf32, #tpu.memory_space<vmem>>) dst(%dma_wait3A_1608 : memref<8x1024xf32, #tpu.memory_space<hbm>>)
      } else {
      }
      %add3A_1369 = arith.constant 2 : i32
      %add3A_1370 = arith.addi %add3A_1255, %add3A_1369 : i32
      %mul3A_1371 = arith.constant 8 : i32
      %mul3A_1372 = arith.muli %add3A_1370, %mul3A_1371 : i32
      %add3A_1373 = arith.addi %mul3A_2, %mul3A_1372 : i32
      %mul3A_1374 = arith.constant 32 : i32
      %mul3A_1375 = arith.muli %add3A_1370, %mul3A_1374 : i32
      %dma_start3A_1376 = arith.constant 0 : i32
      %dma_start3A_1377 = arith.constant 0 : i32
      %dma_start3A_1378 = arith.constant 0 : i32
      %dma_start3A_1379 = tpu.memref_slice %arg8[%dma_start3A_1376, %dma_start3A_1377, %dma_start3A_1378] : memref<3x32x1024xf32, #tpu.memory_space<vmem>> -> memref<1x32x1024xf32, #tpu.memory_space<vmem>>
      %dma_start3A_1380 = tpu.memref_squeeze %dma_start3A_1379 : memref<1x32x1024xf32, #tpu.memory_space<vmem>> -> memref<32x1024xf32, #tpu.memory_space<vmem>>
      %dma_start3A_1381 = tpu.memref_slice %arg6[%mul3A_1375] : memref<256xi32, #tpu.memory_space<vmem>> -> memref<32xi32, #tpu.memory_space<vmem>>
      %dma_start3A_1382 = arith.constant 0 : i32
      %dma_start3A_1383 = arith.constant 0 : i32
      %dma_start3A_1384 = tpu.memref_slice %arg4[%dma_start3A_1382, %dma_start3A_1383] : memref<100000x1024xf32, #tpu.memory_space<hbm>> -> memref<100000x1024xf32, #tpu.memory_space<hbm>>
      tpu.enqueue_indirect_dma source(%dma_start3A_1384 : memref<100000x1024xf32, #tpu.memory_space<hbm>>) target(%dma_start3A_1380 : memref<32x1024xf32, #tpu.memory_space<vmem>>) offsets(%dma_start3A_1381 : memref<32xi32, #tpu.memory_space<vmem>>) semaphore(%arg9 : memref<!tpu.dma_semaphore, #tpu.memory_space<semaphore_mem>>)
      %dma_start3A_1385 = arith.constant 0 : i32
      %dma_start3A_1386 = arith.constant 0 : i32
      %dma_start3A_1387 = arith.constant 0 : i32
      %dma_start3A_1388 = tpu.memref_slice %arg7[%dma_start3A_1385, %dma_start3A_1386, %dma_start3A_1387] : memref<3x8x1024xf32, #tpu.memory_space<vmem>> -> memref<1x8x1024xf32, #tpu.memory_space<vmem>>
      %dma_start3A_1389 = tpu.memref_squeeze %dma_start3A_1388 : memref<1x8x1024xf32, #tpu.memory_space<vmem>> -> memref<8x1024xf32, #tpu.memory_space<vmem>>
      %dma_start3A_1390 = arith.constant 0 : i32
      %dma_start3A_1391 = tpu.memref_slice %arg3[%add3A_1373, %dma_start3A_1390] : memref<2048x1024xf32, #tpu.memory_space<hbm>> -> memref<8x1024xf32, #tpu.memory_space<hbm>>
      %dma_start3A_1392 = arith.constant 0 : i32
      %dma_start3A_1393 = arith.constant 0 : i32
      %dma_start3A_1394 = tpu.memref_slice %arg7[%dma_start3A_1385, %dma_start3A_1392, %dma_start3A_1393] : memref<3x8x1024xf32, #tpu.memory_space<vmem>> -> memref<1x8x1024xf32, #tpu.memory_space<vmem>>
      %dma_start3A_1395 = tpu.memref_squeeze %dma_start3A_1394 : memref<1x8x1024xf32, #tpu.memory_space<vmem>> -> memref<8x1024xf32, #tpu.memory_space<vmem>>
      %dma_start3A_1396 = arith.constant 0 : i32
      %dma_start3A_1397 = tpu.memref_slice %arg3[%add3A_1373, %dma_start3A_1396] : memref<2048x1024xf32, #tpu.memory_space<hbm>> -> memref<8x1024xf32, #tpu.memory_space<hbm>>
      tpu.enqueue_dma source(%dma_start3A_1397 : memref<8x1024xf32, #tpu.memory_space<hbm>>) target(%dma_start3A_1395 : memref<8x1024xf32, #tpu.memory_space<vmem>>) target_semaphore(%arg12 : memref<!tpu.dma_semaphore, #tpu.memory_space<semaphore_mem>>)
      %mul3A_1398 = arith.constant 3 : i32
      %mul3A_1399 = arith.muli %scan3A_1107, %mul3A_1398 : i32
      %add3A_1400 = arith.constant 2 : i32
      %add3A_1401 = arith.addi %mul3A_1399, %add3A_1400 : i32
      %dma_wait3A_1402 = arith.constant 0 : i32
      %dma_wait3A_1403 = arith.constant 2 : i32
      %dma_wait3A_1404 = arith.constant 0 : i32
      %dma_wait3A_1405 = arith.constant 0 : i32
      %dma_wait3A_1406 = tpu.memref_slice %arg8[%dma_wait3A_1403, %dma_wait3A_1404, %dma_wait3A_1405] : memref<3x32x1024xf32, #tpu.memory_space<vmem>> -> memref<1x32x1024xf32, #tpu.memory_space<vmem>>
      %dma_wait3A_1407 = tpu.memref_squeeze %dma_wait3A_1406 : memref<1x32x1024xf32, #tpu.memory_space<vmem>> -> memref<32x1024xf32, #tpu.memory_space<vmem>>
      %dma_wait3A_1408 = arith.constant 0 : i32
      %dma_wait3A_1409 = arith.constant 0 : i32
      %dma_wait3A_1410 = tpu.memref_slice %arg5[%dma_wait3A_1402, %dma_wait3A_1408, %dma_wait3A_1409] : memref<4x2048x1024xf32, #tpu.memory_space<hbm>> -> memref<1x32x1024xf32, #tpu.memory_space<hbm>>
      %dma_wait3A_1411 = tpu.memref_squeeze %dma_wait3A_1410 : memref<1x32x1024xf32, #tpu.memory_space<hbm>> -> memref<32x1024xf32, #tpu.memory_space<hbm>>
      %dma_wait3A_1412 = arith.constant 0 : i32
      %dma_wait3A_1413 = arith.constant 0 : i32
      %dma_wait3A_1414 = tpu.memref_slice %arg8[%dma_wait3A_1403, %dma_wait3A_1412, %dma_wait3A_1413] : memref<3x32x1024xf32, #tpu.memory_space<vmem>> -> memref<1x32x1024xf32, #tpu.memory_space<vmem>>
      %dma_wait3A_1415 = tpu.memref_squeeze %dma_wait3A_1414 : memref<1x32x1024xf32, #tpu.memory_space<vmem>> -> memref<32x1024xf32, #tpu.memory_space<vmem>>
      %dma_wait3A_1416 = arith.constant 0 : i32
      %dma_wait3A_1417 = arith.constant 0 : i32
      %dma_wait3A_1418 = tpu.memref_slice %arg5[%dma_wait3A_1402, %dma_wait3A_1416, %dma_wait3A_1417] : memref<4x2048x1024xf32, #tpu.memory_space<hbm>> -> memref<1x32x1024xf32, #tpu.memory_space<hbm>>
      %dma_wait3A_1419 = tpu.memref_squeeze %dma_wait3A_1418 : memref<1x32x1024xf32, #tpu.memory_space<hbm>> -> memref<32x1024xf32, #tpu.memory_space<hbm>>
      tpu.wait_dma2 semaphore(%arg11 : memref<!tpu.dma_semaphore, #tpu.memory_space<semaphore_mem>>) src(%dma_wait3A_1419 : memref<32x1024xf32, #tpu.memory_space<hbm>>) dst(%dma_wait3A_1415 : memref<32x1024xf32, #tpu.memory_space<vmem>>)
      %mul3A_1420 = arith.constant 8 : i32
      %mul3A_1421 = arith.muli %add3A_1401, %mul3A_1420 : i32
      %add3A_1422 = arith.addi %mul3A_2, %mul3A_1421 : i32
      %dma_wait3A_1423 = arith.constant 2 : i32
      %dma_wait3A_1424 = arith.constant 0 : i32
      %dma_wait3A_1425 = arith.constant 0 : i32
      %dma_wait3A_1426 = tpu.memref_slice %arg7[%dma_wait3A_1423, %dma_wait3A_1424, %dma_wait3A_1425] : memref<3x8x1024xf32, #tpu.memory_space<vmem>> -> memref<1x8x1024xf32, #tpu.memory_space<vmem>>
      %dma_wait3A_1427 = tpu.memref_squeeze %dma_wait3A_1426 : memref<1x8x1024xf32, #tpu.memory_space<vmem>> -> memref<8x1024xf32, #tpu.memory_space<vmem>>
      %dma_wait3A_1428 = arith.constant 0 : i32
      %dma_wait3A_1429 = tpu.memref_slice %arg3[%add3A_1422, %dma_wait3A_1428] : memref<2048x1024xf32, #tpu.memory_space<hbm>> -> memref<8x1024xf32, #tpu.memory_space<hbm>>
      %dma_wait3A_1430 = arith.constant 0 : i32
      %dma_wait3A_1431 = arith.constant 0 : i32
      %dma_wait3A_1432 = tpu.memref_slice %arg7[%dma_wait3A_1423, %dma_wait3A_1430, %dma_wait3A_1431] : memref<3x8x1024xf32, #tpu.memory_space<vmem>> -> memref<1x8x1024xf32, #tpu.memory_space<vmem>>
      %dma_wait3A_1433 = tpu.memref_squeeze %dma_wait3A_1432 : memref<1x8x1024xf32, #tpu.memory_space<vmem>> -> memref<8x1024xf32, #tpu.memory_space<vmem>>
      %dma_wait3A_1434 = arith.constant 0 : i32
      %dma_wait3A_1435 = tpu.memref_slice %arg3[%add3A_1422, %dma_wait3A_1434] : memref<2048x1024xf32, #tpu.memory_space<hbm>> -> memref<8x1024xf32, #tpu.memory_space<hbm>>
      tpu.wait_dma2 semaphore(%arg14 : memref<!tpu.dma_semaphore, #tpu.memory_space<semaphore_mem>>) src(%dma_wait3A_1435 : memref<8x1024xf32, #tpu.memory_space<hbm>>) dst(%dma_wait3A_1433 : memref<8x1024xf32, #tpu.memory_space<vmem>>)
      %scan3A_1436 = arith.constant 0 : i32
      %scan3A_1437 = arith.constant 0 : i32
      %scan3A_1438 = arith.constant 64 : i32
      %scan3A_1439 = arith.addi %scan3A_1437, %scan3A_1438 : i32
      %scan3A_1440 = arith.constant 1 : i32
      %scan3A_1441 = scf.for %scan3A_1545 = %scan3A_1437 to %scan3A_1439 step %scan3A_1440 iter_args(%scan3A_1546 = %scan3A_1436) -> (i32)  : i32 {
        %jit3A = arith.constant 8 : i32
        %div3A = arith.divsi %scan3A_1545, %jit3A : i32
        %sign3A = arith.constant 0 : i32
        %sign3A_1547 = arith.cmpi sgt, %scan3A_1545, %sign3A : i32
        %sign3A_1548 = arith.extui %sign3A_1547 : i1 to i32
        %sign3A_1549 = arith.constant 0 : i32
        %sign3A_1550 = arith.cmpi slt, %scan3A_1545, %sign3A_1549 : i32
        %sign3A_1551 = arith.extui %sign3A_1550 : i1 to i32
        %sign3A_1552 = arith.subi %sign3A_1548, %sign3A_1551 : i32
        %sign3A_1553 = arith.constant 0 : i32
        %sign3A_1554 = arith.cmpi sgt, %jit3A, %sign3A_1553 : i32
        %sign3A_1555 = arith.extui %sign3A_1554 : i1 to i32
        %sign3A_1556 = arith.constant 0 : i32
        %sign3A_1557 = arith.cmpi slt, %jit3A, %sign3A_1556 : i32
        %sign3A_1558 = arith.extui %sign3A_1557 : i1 to i32
        %sign3A_1559 = arith.subi %sign3A_1555, %sign3A_1558 : i32
        %ne3A = arith.cmpi ne, %sign3A_1552, %sign3A_1559 : i32
        %rem3A = arith.remsi %scan3A_1545, %jit3A : i32
        %ne3A_1560 = arith.constant 0 : i32
        %ne3A_1561 = arith.cmpi ne, %rem3A, %ne3A_1560 : i32
        %and3A = arith.andi %ne3A, %ne3A_1561 : i1
        %sub3A = arith.constant 1 : i32
        %sub3A_1562 = arith.subi %div3A, %sub3A : i32
        %select_n3A = arith.select %and3A, %sub3A_1562, %div3A : i32
        %jit3A_1563 = arith.constant 8 : i32
        %eq3A = arith.constant 0 : i32
        %eq3A_1564 = arith.cmpi eq, %jit3A_1563, %eq3A : i32
        %jit3A_1565 = arith.constant 1 : i32
        %select_n3A_1566 = arith.select %eq3A_1564, %jit3A_1565, %jit3A_1563 : i32
        %rem3A_1567 = arith.remsi %scan3A_1545, %select_n3A_1566 : i32
        %ne3A_1568 = arith.constant 0 : i32
        %ne3A_1569 = arith.cmpi ne, %rem3A_1567, %ne3A_1568 : i32
        %lt3A = arith.constant 0 : i32
        %lt3A_1570 = arith.cmpi slt, %rem3A_1567, %lt3A : i32
        %lt3A_1571 = arith.constant 0 : i32
        %lt3A_1572 = arith.cmpi slt, %select_n3A_1566, %lt3A_1571 : i32
        %ne3A_1573 = arith.xori %lt3A_1570, %lt3A_1572 : i1
        %and3A_1574 = arith.andi %ne3A_1573, %ne3A_1569 : i1
        %add3A_1575 = arith.addi %rem3A_1567, %select_n3A_1566 : i32
        %select_n3A_1576 = arith.select %and3A_1574, %add3A_1575, %rem3A_1567 : i32
        %mul3A_1577 = arith.constant 128 : i32
        %mul3A_1578 = arith.muli %select_n3A_1576, %mul3A_1577 : i32
        %add3A_1579 = arith.constant 0 : i32
        %add3A_1580 = arith.addi %mul3A_1578, %add3A_1579 : i32
        %get3A = arith.constant 2 : i32
        %get3A_1581 = arith.index_cast %get3A : i32 to index
        %get3A_1582 = arith.index_cast %select_n3A : i32 to index
        %get3A_1583 = arith.index_cast %add3A_1580 : i32 to index
        %get3A_1584 = tpu.vector_load %arg7[%get3A_1581, %get3A_1582, %get3A_1583] {strides = array<i32>} : memref<3x8x1024xf32, #tpu.memory_space<vmem>>, vector<1x1x16xf32>,
        %get3A_1585 = vector.shape_cast %get3A_1584 : vector<1x1x16xf32> to vector<16xf32>
        %add3A_1586 = arith.constant 0 : i32
        %add3A_1587 = arith.addi %add3A_1586, %select_n3A : i32
        %swap3A = arith.constant 2 : i32
        %swap3A_1588 = arith.index_cast %swap3A : i32 to index
        %swap3A_1589 = arith.index_cast %add3A_1587 : i32 to index
        %swap3A_1590 = arith.index_cast %add3A_1580 : i32 to index
        %swap3A_1591 = tpu.vector_load %arg8[%swap3A_1588, %swap3A_1589, %swap3A_1590] {strides = array<i32>} : memref<3x32x1024xf32, #tpu.memory_space<vmem>>, vector<1x1x16xf32>,
        %swap3A_1592 = vector.shape_cast %swap3A_1591 : vector<1x1x16xf32> to vector<16xf32>
        %swap3A_1593 = vector.shape_cast %get3A_1585 : vector<16xf32> to vector<1x1x16xf32>
        tpu.vector_store %arg8[%swap3A_1588, %swap3A_1589, %swap3A_1590], %swap3A_1593 {add = true, strides = array<i32>} : memref<3x32x1024xf32, #tpu.memory_space<vmem>>, vector<1x1x16xf32>,
        %add3A_1594 = arith.constant 8 : i32
        %add3A_1595 = arith.addi %add3A_1594, %select_n3A : i32
        %swap3A_1596 = arith.constant 2 : i32
        %swap3A_1597 = arith.index_cast %swap3A_1596 : i32 to index
        %swap3A_1598 = arith.index_cast %add3A_1595 : i32 to index
        %swap3A_1599 = arith.index_cast %add3A_1580 : i32 to index
        %swap3A_1600 = tpu.vector_load %arg8[%swap3A_1597, %swap3A_1598, %swap3A_1599] {strides = array<i32>} : memref<3x32x1024xf32, #tpu.memory_space<vmem>>, vector<1x1x16xf32>,
        %swap3A_1601 = vector.shape_cast %swap3A_1600 : vector<1x1x16xf32> to vector<16xf32>
        %swap3A_1602 = vector.shape_cast %get3A_1585 : vector<16xf32> to vector<1x1x16xf32>
        tpu.vector_store %arg8[%swap3A_1597, %swap3A_1598, %swap3A_1599], %swap3A_1602 {add = true, strides = array<i32>} : memref<3x32x1024xf32, #tpu.memory_space<vmem>>, vector<1x1x16xf32>,
        %add3A_1603 = arith.constant 16 : i32
        %add3A_1604 = arith.addi %add3A_1603, %select_n3A : i32
        %swap3A_1605 = arith.constant 2 : i32
        %swap3A_1606 = arith.index_cast %swap3A_1605 : i32 to index
        %swap3A_1607 = arith.index_cast %add3A_1604 : i32 to index
        %swap3A_1608 = arith.index_cast %add3A_1580 : i32 to index
        %swap3A_1609 = tpu.vector_load %arg8[%swap3A_1606, %swap3A_1607, %swap3A_1608] {strides = array<i32>} : memref<3x32x1024xf32, #tpu.memory_space<vmem>>, vector<1x1x16xf32>,
        %swap3A_1610 = vector.shape_cast %swap3A_1609 : vector<1x1x16xf32> to vector<16xf32>
        %swap3A_1611 = vector.shape_cast %get3A_1585 : vector<16xf32> to vector<1x1x16xf32>
        tpu.vector_store %arg8[%swap3A_1606, %swap3A_1607, %swap3A_1608], %swap3A_1611 {add = true, strides = array<i32>} : memref<3x32x1024xf32, #tpu.memory_space<vmem>>, vector<1x1x16xf32>,
        %add3A_1612 = arith.constant 24 : i32
        %add3A_1613 = arith.addi %add3A_1612, %select_n3A : i32
        %swap3A_1614 = arith.constant 2 : i32
        %swap3A_1615 = arith.index_cast %swap3A_1614 : i32 to index
        %swap3A_1616 = arith.index_cast %add3A_1613 : i32 to index
        %swap3A_1617 = arith.index_cast %add3A_1580 : i32 to index
        %swap3A_1618 = tpu.vector_load %arg8[%swap3A_1615, %swap3A_1616, %swap3A_1617] {strides = array<i32>} : memref<3x32x1024xf32, #tpu.memory_space<vmem>>, vector<1x1x16xf32>,
        %swap3A_1619 = vector.shape_cast %swap3A_1618 : vector<1x1x16xf32> to vector<16xf32>
        %swap3A_1620 = vector.shape_cast %get3A_1585 : vector<16xf32> to vector<1x1x16xf32>
        tpu.vector_store %arg8[%swap3A_1615, %swap3A_1616, %swap3A_1617], %swap3A_1620 {add = true, strides = array<i32>} : memref<3x32x1024xf32, #tpu.memory_space<vmem>>, vector<1x1x16xf32>,
        %add3A_1621 = arith.constant 16 : i32
        %add3A_1622 = arith.addi %mul3A_1578, %add3A_1621 : i32
        %get3A_1623 = arith.constant 2 : i32
        %get3A_1624 = arith.index_cast %get3A_1623 : i32 to index
        %get3A_1625 = arith.index_cast %select_n3A : i32 to index
        %get3A_1626 = arith.index_cast %add3A_1622 : i32 to index
        %get3A_1627 = tpu.vector_load %arg7[%get3A_1624, %get3A_1625, %get3A_1626] {strides = array<i32>} : memref<3x8x1024xf32, #tpu.memory_space<vmem>>, vector<1x1x16xf32>,
        %get3A_1628 = vector.shape_cast %get3A_1627 : vector<1x1x16xf32> to vector<16xf32>
        %add3A_1629 = arith.constant 0 : i32
        %add3A_1630 = arith.addi %add3A_1629, %select_n3A : i32
        %swap3A_1631 = arith.constant 2 : i32
        %swap3A_1632 = arith.index_cast %swap3A_1631 : i32 to index
        %swap3A_1633 = arith.index_cast %add3A_1630 : i32 to index
        %swap3A_1634 = arith.index_cast %add3A_1622 : i32 to index
        %swap3A_1635 = tpu.vector_load %arg8[%swap3A_1632, %swap3A_1633, %swap3A_1634] {strides = array<i32>} : memref<3x32x1024xf32, #tpu.memory_space<vmem>>, vector<1x1x16xf32>,
        %swap3A_1636 = vector.shape_cast %swap3A_1635 : vector<1x1x16xf32> to vector<16xf32>
        %swap3A_1637 = vector.shape_cast %get3A_1628 : vector<16xf32> to vector<1x1x16xf32>
        tpu.vector_store %arg8[%swap3A_1632, %swap3A_1633, %swap3A_1634], %swap3A_1637 {add = true, strides = array<i32>} : memref<3x32x1024xf32, #tpu.memory_space<vmem>>, vector<1x1x16xf32>,
        %add3A_1638 = arith.constant 8 : i32
        %add3A_1639 = arith.addi %add3A_1638, %select_n3A : i32
        %swap3A_1640 = arith.constant 2 : i32
        %swap3A_1641 = arith.index_cast %swap3A_1640 : i32 to index
        %swap3A_1642 = arith.index_cast %add3A_1639 : i32 to index
        %swap3A_1643 = arith.index_cast %add3A_1622 : i32 to index
        %swap3A_1644 = tpu.vector_load %arg8[%swap3A_1641, %swap3A_1642, %swap3A_1643] {strides = array<i32>} : memref<3x32x1024xf32, #tpu.memory_space<vmem>>, vector<1x1x16xf32>,
        %swap3A_1645 = vector.shape_cast %swap3A_1644 : vector<1x1x16xf32> to vector<16xf32>
        %swap3A_1646 = vector.shape_cast %get3A_1628 : vector<16xf32> to vector<1x1x16xf32>
        tpu.vector_store %arg8[%swap3A_1641, %swap3A_1642, %swap3A_1643], %swap3A_1646 {add = true, strides = array<i32>} : memref<3x32x1024xf32, #tpu.memory_space<vmem>>, vector<1x1x16xf32>,
        %add3A_1647 = arith.constant 16 : i32
        %add3A_1648 = arith.addi %add3A_1647, %select_n3A : i32
        %swap3A_1649 = arith.constant 2 : i32
        %swap3A_1650 = arith.index_cast %swap3A_1649 : i32 to index
        %swap3A_1651 = arith.index_cast %add3A_1648 : i32 to index
        %swap3A_1652 = arith.index_cast %add3A_1622 : i32 to index
        %swap3A_1653 = tpu.vector_load %arg8[%swap3A_1650, %swap3A_1651, %swap3A_1652] {strides = array<i32>} : memref<3x32x1024xf32, #tpu.memory_space<vmem>>, vector<1x1x16xf32>,
        %swap3A_1654 = vector.shape_cast %swap3A_1653 : vector<1x1x16xf32> to vector<16xf32>
        %swap3A_1655 = vector.shape_cast %get3A_1628 : vector<16xf32> to vector<1x1x16xf32>
        tpu.vector_store %arg8[%swap3A_1650, %swap3A_1651, %swap3A_1652], %swap3A_1655 {add = true, strides = array<i32>} : memref<3x32x1024xf32, #tpu.memory_space<vmem>>, vector<1x1x16xf32>,
        %add3A_1656 = arith.constant 24 : i32
        %add3A_1657 = arith.addi %add3A_1656, %select_n3A : i32
        %swap3A_1658 = arith.constant 2 : i32
        %swap3A_1659 = arith.index_cast %swap3A_1658 : i32 to index
        %swap3A_1660 = arith.index_cast %add3A_1657 : i32 to index
        %swap3A_1661 = arith.index_cast %add3A_1622 : i32 to index
        %swap3A_1662 = tpu.vector_load %arg8[%swap3A_1659, %swap3A_1660, %swap3A_1661] {strides = array<i32>} : memref<3x32x1024xf32, #tpu.memory_space<vmem>>, vector<1x1x16xf32>,
        %swap3A_1663 = vector.shape_cast %swap3A_1662 : vector<1x1x16xf32> to vector<16xf32>
        %swap3A_1664 = vector.shape_cast %get3A_1628 : vector<16xf32> to vector<1x1x16xf32>
        tpu.vector_store %arg8[%swap3A_1659, %swap3A_1660, %swap3A_1661], %swap3A_1664 {add = true, strides = array<i32>} : memref<3x32x1024xf32, #tpu.memory_space<vmem>>, vector<1x1x16xf32>,
        %add3A_1665 = arith.constant 32 : i32
        %add3A_1666 = arith.addi %mul3A_1578, %add3A_1665 : i32
        %get3A_1667 = arith.constant 2 : i32
        %get3A_1668 = arith.index_cast %get3A_1667 : i32 to index
        %get3A_1669 = arith.index_cast %select_n3A : i32 to index
        %get3A_1670 = arith.index_cast %add3A_1666 : i32 to index
        %get3A_1671 = tpu.vector_load %arg7[%get3A_1668, %get3A_1669, %get3A_1670] {strides = array<i32>} : memref<3x8x1024xf32, #tpu.memory_space<vmem>>, vector<1x1x16xf32>,
        %get3A_1672 = vector.shape_cast %get3A_1671 : vector<1x1x16xf32> to vector<16xf32>
        %add3A_1673 = arith.constant 0 : i32
        %add3A_1674 = arith.addi %add3A_1673, %select_n3A : i32
        %swap3A_1675 = arith.constant 2 : i32
        %swap3A_1676 = arith.index_cast %swap3A_1675 : i32 to index
        %swap3A_1677 = arith.index_cast %add3A_1674 : i32 to index
        %swap3A_1678 = arith.index_cast %add3A_1666 : i32 to index
        %swap3A_1679 = tpu.vector_load %arg8[%swap3A_1676, %swap3A_1677, %swap3A_1678] {strides = array<i32>} : memref<3x32x1024xf32, #tpu.memory_space<vmem>>, vector<1x1x16xf32>,
        %swap3A_1680 = vector.shape_cast %swap3A_1679 : vector<1x1x16xf32> to vector<16xf32>
        %swap3A_1681 = vector.shape_cast %get3A_1672 : vector<16xf32> to vector<1x1x16xf32>
        tpu.vector_store %arg8[%swap3A_1676, %swap3A_1677, %swap3A_1678], %swap3A_1681 {add = true, strides = array<i32>} : memref<3x32x1024xf32, #tpu.memory_space<vmem>>, vector<1x1x16xf32>,
        %add3A_1682 = arith.constant 8 : i32
        %add3A_1683 = arith.addi %add3A_1682, %select_n3A : i32
        %swap3A_1684 = arith.constant 2 : i32
        %swap3A_1685 = arith.index_cast %swap3A_1684 : i32 to index
        %swap3A_1686 = arith.index_cast %add3A_1683 : i32 to index
        %swap3A_1687 = arith.index_cast %add3A_1666 : i32 to index
        %swap3A_1688 = tpu.vector_load %arg8[%swap3A_1685, %swap3A_1686, %swap3A_1687] {strides = array<i32>} : memref<3x32x1024xf32, #tpu.memory_space<vmem>>, vector<1x1x16xf32>,
        %swap3A_1689 = vector.shape_cast %swap3A_1688 : vector<1x1x16xf32> to vector<16xf32>
        %swap3A_1690 = vector.shape_cast %get3A_1672 : vector<16xf32> to vector<1x1x16xf32>
        tpu.vector_store %arg8[%swap3A_1685, %swap3A_1686, %swap3A_1687], %swap3A_1690 {add = true, strides = array<i32>} : memref<3x32x1024xf32, #tpu.memory_space<vmem>>, vector<1x1x16xf32>,
        %add3A_1691 = arith.constant 16 : i32
        %add3A_1692 = arith.addi %add3A_1691, %select_n3A : i32
        %swap3A_1693 = arith.constant 2 : i32
        %swap3A_1694 = arith.index_cast %swap3A_1693 : i32 to index
        %swap3A_1695 = arith.index_cast %add3A_1692 : i32 to index
        %swap3A_1696 = arith.index_cast %add3A_1666 : i32 to index
        %swap3A_1697 = tpu.vector_load %arg8[%swap3A_1694, %swap3A_1695, %swap3A_1696] {strides = array<i32>} : memref<3x32x1024xf32, #tpu.memory_space<vmem>>, vector<1x1x16xf32>,
        %swap3A_1698 = vector.shape_cast %swap3A_1697 : vector<1x1x16xf32> to vector<16xf32>
        %swap3A_1699 = vector.shape_cast %get3A_1672 : vector<16xf32> to vector<1x1x16xf32>
        tpu.vector_store %arg8[%swap3A_1694, %swap3A_1695, %swap3A_1696], %swap3A_1699 {add = true, strides = array<i32>} : memref<3x32x1024xf32, #tpu.memory_space<vmem>>, vector<1x1x16xf32>,
        %add3A_1700 = arith.constant 24 : i32
        %add3A_1701 = arith.addi %add3A_1700, %select_n3A : i32
        %swap3A_1702 = arith.constant 2 : i32
        %swap3A_1703 = arith.index_cast %swap3A_1702 : i32 to index
        %swap3A_1704 = arith.index_cast %add3A_1701 : i32 to index
        %swap3A_1705 = arith.index_cast %add3A_1666 : i32 to index
        %swap3A_1706 = tpu.vector_load %arg8[%swap3A_1703, %swap3A_1704, %swap3A_1705] {strides = array<i32>} : memref<3x32x1024xf32, #tpu.memory_space<vmem>>, vector<1x1x16xf32>,
        %swap3A_1707 = vector.shape_cast %swap3A_1706 : vector<1x1x16xf32> to vector<16xf32>
        %swap3A_1708 = vector.shape_cast %get3A_1672 : vector<16xf32> to vector<1x1x16xf32>
        tpu.vector_store %arg8[%swap3A_1703, %swap3A_1704, %swap3A_1705], %swap3A_1708 {add = true, strides = array<i32>} : memref<3x32x1024xf32, #tpu.memory_space<vmem>>, vector<1x1x16xf32>,
        %add3A_1709 = arith.constant 48 : i32
        %add3A_1710 = arith.addi %mul3A_1578, %add3A_1709 : i32
        %get3A_1711 = arith.constant 2 : i32
        %get3A_1712 = arith.index_cast %get3A_1711 : i32 to index
        %get3A_1713 = arith.index_cast %select_n3A : i32 to index
        %get3A_1714 = arith.index_cast %add3A_1710 : i32 to index
        %get3A_1715 = tpu.vector_load %arg7[%get3A_1712, %get3A_1713, %get3A_1714] {strides = array<i32>} : memref<3x8x1024xf32, #tpu.memory_space<vmem>>, vector<1x1x16xf32>,
        %get3A_1716 = vector.shape_cast %get3A_1715 : vector<1x1x16xf32> to vector<16xf32>
        %add3A_1717 = arith.constant 0 : i32
        %add3A_1718 = arith.addi %add3A_1717, %select_n3A : i32
        %swap3A_1719 = arith.constant 2 : i32
        %swap3A_1720 = arith.index_cast %swap3A_1719 : i32 to index
        %swap3A_1721 = arith.index_cast %add3A_1718 : i32 to index
        %swap3A_1722 = arith.index_cast %add3A_1710 : i32 to index
        %swap3A_1723 = tpu.vector_load %arg8[%swap3A_1720, %swap3A_1721, %swap3A_1722] {strides = array<i32>} : memref<3x32x1024xf32, #tpu.memory_space<vmem>>, vector<1x1x16xf32>,
        %swap3A_1724 = vector.shape_cast %swap3A_1723 : vector<1x1x16xf32> to vector<16xf32>
        %swap3A_1725 = vector.shape_cast %get3A_1716 : vector<16xf32> to vector<1x1x16xf32>
        tpu.vector_store %arg8[%swap3A_1720, %swap3A_1721, %swap3A_1722], %swap3A_1725 {add = true, strides = array<i32>} : memref<3x32x1024xf32, #tpu.memory_space<vmem>>, vector<1x1x16xf32>,
        %add3A_1726 = arith.constant 8 : i32
        %add3A_1727 = arith.addi %add3A_1726, %select_n3A : i32
        %swap3A_1728 = arith.constant 2 : i32
        %swap3A_1729 = arith.index_cast %swap3A_1728 : i32 to index
        %swap3A_1730 = arith.index_cast %add3A_1727 : i32 to index
        %swap3A_1731 = arith.index_cast %add3A_1710 : i32 to index
        %swap3A_1732 = tpu.vector_load %arg8[%swap3A_1729, %swap3A_1730, %swap3A_1731] {strides = array<i32>} : memref<3x32x1024xf32, #tpu.memory_space<vmem>>, vector<1x1x16xf32>,
        %swap3A_1733 = vector.shape_cast %swap3A_1732 : vector<1x1x16xf32> to vector<16xf32>
        %swap3A_1734 = vector.shape_cast %get3A_1716 : vector<16xf32> to vector<1x1x16xf32>
        tpu.vector_store %arg8[%swap3A_1729, %swap3A_1730, %swap3A_1731], %swap3A_1734 {add = true, strides = array<i32>} : memref<3x32x1024xf32, #tpu.memory_space<vmem>>, vector<1x1x16xf32>,
        %add3A_1735 = arith.constant 16 : i32
        %add3A_1736 = arith.addi %add3A_1735, %select_n3A : i32
        %swap3A_1737 = arith.constant 2 : i32
        %swap3A_1738 = arith.index_cast %swap3A_1737 : i32 to index
        %swap3A_1739 = arith.index_cast %add3A_1736 : i32 to index
        %swap3A_1740 = arith.index_cast %add3A_1710 : i32 to index
        %swap3A_1741 = tpu.vector_load %arg8[%swap3A_1738, %swap3A_1739, %swap3A_1740] {strides = array<i32>} : memref<3x32x1024xf32, #tpu.memory_space<vmem>>, vector<1x1x16xf32>,
        %swap3A_1742 = vector.shape_cast %swap3A_1741 : vector<1x1x16xf32> to vector<16xf32>
        %swap3A_1743 = vector.shape_cast %get3A_1716 : vector<16xf32> to vector<1x1x16xf32>
        tpu.vector_store %arg8[%swap3A_1738, %swap3A_1739, %swap3A_1740], %swap3A_1743 {add = true, strides = array<i32>} : memref<3x32x1024xf32, #tpu.memory_space<vmem>>, vector<1x1x16xf32>,
        %add3A_1744 = arith.constant 24 : i32
        %add3A_1745 = arith.addi %add3A_1744, %select_n3A : i32
        %swap3A_1746 = arith.constant 2 : i32
        %swap3A_1747 = arith.index_cast %swap3A_1746 : i32 to index
        %swap3A_1748 = arith.index_cast %add3A_1745 : i32 to index
        %swap3A_1749 = arith.index_cast %add3A_1710 : i32 to index
        %swap3A_1750 = tpu.vector_load %arg8[%swap3A_1747, %swap3A_1748, %swap3A_1749] {strides = array<i32>} : memref<3x32x1024xf32, #tpu.memory_space<vmem>>, vector<1x1x16xf32>,
        %swap3A_1751 = vector.shape_cast %swap3A_1750 : vector<1x1x16xf32> to vector<16xf32>
        %swap3A_1752 = vector.shape_cast %get3A_1716 : vector<16xf32> to vector<1x1x16xf32>
        tpu.vector_store %arg8[%swap3A_1747, %swap3A_1748, %swap3A_1749], %swap3A_1752 {add = true, strides = array<i32>} : memref<3x32x1024xf32, #tpu.memory_space<vmem>>, vector<1x1x16xf32>,
        %add3A_1753 = arith.constant 64 : i32
        %add3A_1754 = arith.addi %mul3A_1578, %add3A_1753 : i32
        %get3A_1755 = arith.constant 2 : i32
        %get3A_1756 = arith.index_cast %get3A_1755 : i32 to index
        %get3A_1757 = arith.index_cast %select_n3A : i32 to index
        %get3A_1758 = arith.index_cast %add3A_1754 : i32 to index
        %get3A_1759 = tpu.vector_load %arg7[%get3A_1756, %get3A_1757, %get3A_1758] {strides = array<i32>} : memref<3x8x1024xf32, #tpu.memory_space<vmem>>, vector<1x1x16xf32>,
        %get3A_1760 = vector.shape_cast %get3A_1759 : vector<1x1x16xf32> to vector<16xf32>
        %add3A_1761 = arith.constant 0 : i32
        %add3A_1762 = arith.addi %add3A_1761, %select_n3A : i32
        %swap3A_1763 = arith.constant 2 : i32
        %swap3A_1764 = arith.index_cast %swap3A_1763 : i32 to index
        %swap3A_1765 = arith.index_cast %add3A_1762 : i32 to index
        %swap3A_1766 = arith.index_cast %add3A_1754 : i32 to index
        %swap3A_1767 = tpu.vector_load %arg8[%swap3A_1764, %swap3A_1765, %swap3A_1766] {strides = array<i32>} : memref<3x32x1024xf32, #tpu.memory_space<vmem>>, vector<1x1x16xf32>,
        %swap3A_1768 = vector.shape_cast %swap3A_1767 : vector<1x1x16xf32> to vector<16xf32>
        %swap3A_1769 = vector.shape_cast %get3A_1760 : vector<16xf32> to vector<1x1x16xf32>
        tpu.vector_store %arg8[%swap3A_1764, %swap3A_1765, %swap3A_1766], %swap3A_1769 {add = true, strides = array<i32>} : memref<3x32x1024xf32, #tpu.memory_space<vmem>>, vector<1x1x16xf32>,
        %add3A_1770 = arith.constant 8 : i32
        %add3A_1771 = arith.addi %add3A_1770, %select_n3A : i32
        %swap3A_1772 = arith.constant 2 : i32
        %swap3A_1773 = arith.index_cast %swap3A_1772 : i32 to index
        %swap3A_1774 = arith.index_cast %add3A_1771 : i32 to index
        %swap3A_1775 = arith.index_cast %add3A_1754 : i32 to index
        %swap3A_1776 = tpu.vector_load %arg8[%swap3A_1773, %swap3A_1774, %swap3A_1775] {strides = array<i32>} : memref<3x32x1024xf32, #tpu.memory_space<vmem>>, vector<1x1x16xf32>,
        %swap3A_1777 = vector.shape_cast %swap3A_1776 : vector<1x1x16xf32> to vector<16xf32>
        %swap3A_1778 = vector.shape_cast %get3A_1760 : vector<16xf32> to vector<1x1x16xf32>
        tpu.vector_store %arg8[%swap3A_1773, %swap3A_1774, %swap3A_1775], %swap3A_1778 {add = true, strides = array<i32>} : memref<3x32x1024xf32, #tpu.memory_space<vmem>>, vector<1x1x16xf32>,
        %add3A_1779 = arith.constant 16 : i32
        %add3A_1780 = arith.addi %add3A_1779, %select_n3A : i32
        %swap3A_1781 = arith.constant 2 : i32
        %swap3A_1782 = arith.index_cast %swap3A_1781 : i32 to index
        %swap3A_1783 = arith.index_cast %add3A_1780 : i32 to index
        %swap3A_1784 = arith.index_cast %add3A_1754 : i32 to index
        %swap3A_1785 = tpu.vector_load %arg8[%swap3A_1782, %swap3A_1783, %swap3A_1784] {strides = array<i32>} : memref<3x32x1024xf32, #tpu.memory_space<vmem>>, vector<1x1x16xf32>,
        %swap3A_1786 = vector.shape_cast %swap3A_1785 : vector<1x1x16xf32> to vector<16xf32>
        %swap3A_1787 = vector.shape_cast %get3A_1760 : vector<16xf32> to vector<1x1x16xf32>
        tpu.vector_store %arg8[%swap3A_1782, %swap3A_1783, %swap3A_1784], %swap3A_1787 {add = true, strides = array<i32>} : memref<3x32x1024xf32, #tpu.memory_space<vmem>>, vector<1x1x16xf32>,
        %add3A_1788 = arith.constant 24 : i32
        %add3A_1789 = arith.addi %add3A_1788, %select_n3A : i32
        %swap3A_1790 = arith.constant 2 : i32
        %swap3A_1791 = arith.index_cast %swap3A_1790 : i32 to index
        %swap3A_1792 = arith.index_cast %add3A_1789 : i32 to index
        %swap3A_1793 = arith.index_cast %add3A_1754 : i32 to index
        %swap3A_1794 = tpu.vector_load %arg8[%swap3A_1791, %swap3A_1792, %swap3A_1793] {strides = array<i32>} : memref<3x32x1024xf32, #tpu.memory_space<vmem>>, vector<1x1x16xf32>,
        %swap3A_1795 = vector.shape_cast %swap3A_1794 : vector<1x1x16xf32> to vector<16xf32>
        %swap3A_1796 = vector.shape_cast %get3A_1760 : vector<16xf32> to vector<1x1x16xf32>
        tpu.vector_store %arg8[%swap3A_1791, %swap3A_1792, %swap3A_1793], %swap3A_1796 {add = true, strides = array<i32>} : memref<3x32x1024xf32, #tpu.memory_space<vmem>>, vector<1x1x16xf32>,
        %add3A_1797 = arith.constant 80 : i32
        %add3A_1798 = arith.addi %mul3A_1578, %add3A_1797 : i32
        %get3A_1799 = arith.constant 2 : i32
        %get3A_1800 = arith.index_cast %get3A_1799 : i32 to index
        %get3A_1801 = arith.index_cast %select_n3A : i32 to index
        %get3A_1802 = arith.index_cast %add3A_1798 : i32 to index
        %get3A_1803 = tpu.vector_load %arg7[%get3A_1800, %get3A_1801, %get3A_1802] {strides = array<i32>} : memref<3x8x1024xf32, #tpu.memory_space<vmem>>, vector<1x1x16xf32>,
        %get3A_1804 = vector.shape_cast %get3A_1803 : vector<1x1x16xf32> to vector<16xf32>
        %add3A_1805 = arith.constant 0 : i32
        %add3A_1806 = arith.addi %add3A_1805, %select_n3A : i32
        %swap3A_1807 = arith.constant 2 : i32
        %swap3A_1808 = arith.index_cast %swap3A_1807 : i32 to index
        %swap3A_1809 = arith.index_cast %add3A_1806 : i32 to index
        %swap3A_1810 = arith.index_cast %add3A_1798 : i32 to index
        %swap3A_1811 = tpu.vector_load %arg8[%swap3A_1808, %swap3A_1809, %swap3A_1810] {strides = array<i32>} : memref<3x32x1024xf32, #tpu.memory_space<vmem>>, vector<1x1x16xf32>,
        %swap3A_1812 = vector.shape_cast %swap3A_1811 : vector<1x1x16xf32> to vector<16xf32>
        %swap3A_1813 = vector.shape_cast %get3A_1804 : vector<16xf32> to vector<1x1x16xf32>
        tpu.vector_store %arg8[%swap3A_1808, %swap3A_1809, %swap3A_1810], %swap3A_1813 {add = true, strides = array<i32>} : memref<3x32x1024xf32, #tpu.memory_space<vmem>>, vector<1x1x16xf32>,
        %add3A_1814 = arith.constant 8 : i32
        %add3A_1815 = arith.addi %add3A_1814, %select_n3A : i32
        %swap3A_1816 = arith.constant 2 : i32
        %swap3A_1817 = arith.index_cast %swap3A_1816 : i32 to index
        %swap3A_1818 = arith.index_cast %add3A_1815 : i32 to index
        %swap3A_1819 = arith.index_cast %add3A_1798 : i32 to index
        %swap3A_1820 = tpu.vector_load %arg8[%swap3A_1817, %swap3A_1818, %swap3A_1819] {strides = array<i32>} : memref<3x32x1024xf32, #tpu.memory_space<vmem>>, vector<1x1x16xf32>,
        %swap3A_1821 = vector.shape_cast %swap3A_1820 : vector<1x1x16xf32> to vector<16xf32>
        %swap3A_1822 = vector.shape_cast %get3A_1804 : vector<16xf32> to vector<1x1x16xf32>
        tpu.vector_store %arg8[%swap3A_1817, %swap3A_1818, %swap3A_1819], %swap3A_1822 {add = true, strides = array<i32>} : memref<3x32x1024xf32, #tpu.memory_space<vmem>>, vector<1x1x16xf32>,
        %add3A_1823 = arith.constant 16 : i32
        %add3A_1824 = arith.addi %add3A_1823, %select_n3A : i32
        %swap3A_1825 = arith.constant 2 : i32
        %swap3A_1826 = arith.index_cast %swap3A_1825 : i32 to index
        %swap3A_1827 = arith.index_cast %add3A_1824 : i32 to index
        %swap3A_1828 = arith.index_cast %add3A_1798 : i32 to index
        %swap3A_1829 = tpu.vector_load %arg8[%swap3A_1826, %swap3A_1827, %swap3A_1828] {strides = array<i32>} : memref<3x32x1024xf32, #tpu.memory_space<vmem>>, vector<1x1x16xf32>,
        %swap3A_1830 = vector.shape_cast %swap3A_1829 : vector<1x1x16xf32> to vector<16xf32>
        %swap3A_1831 = vector.shape_cast %get3A_1804 : vector<16xf32> to vector<1x1x16xf32>
        tpu.vector_store %arg8[%swap3A_1826, %swap3A_1827, %swap3A_1828], %swap3A_1831 {add = true, strides = array<i32>} : memref<3x32x1024xf32, #tpu.memory_space<vmem>>, vector<1x1x16xf32>,
        %add3A_1832 = arith.constant 24 : i32
        %add3A_1833 = arith.addi %add3A_1832, %select_n3A : i32
        %swap3A_1834 = arith.constant 2 : i32
        %swap3A_1835 = arith.index_cast %swap3A_1834 : i32 to index
        %swap3A_1836 = arith.index_cast %add3A_1833 : i32 to index
        %swap3A_1837 = arith.index_cast %add3A_1798 : i32 to index
        %swap3A_1838 = tpu.vector_load %arg8[%swap3A_1835, %swap3A_1836, %swap3A_1837] {strides = array<i32>} : memref<3x32x1024xf32, #tpu.memory_space<vmem>>, vector<1x1x16xf32>,
        %swap3A_1839 = vector.shape_cast %swap3A_1838 : vector<1x1x16xf32> to vector<16xf32>
        %swap3A_1840 = vector.shape_cast %get3A_1804 : vector<16xf32> to vector<1x1x16xf32>
        tpu.vector_store %arg8[%swap3A_1835, %swap3A_1836, %swap3A_1837], %swap3A_1840 {add = true, strides = array<i32>} : memref<3x32x1024xf32, #tpu.memory_space<vmem>>, vector<1x1x16xf32>,
        %add3A_1841 = arith.constant 96 : i32
        %add3A_1842 = arith.addi %mul3A_1578, %add3A_1841 : i32
        %get3A_1843 = arith.constant 2 : i32
        %get3A_1844 = arith.index_cast %get3A_1843 : i32 to index
        %get3A_1845 = arith.index_cast %select_n3A : i32 to index
        %get3A_1846 = arith.index_cast %add3A_1842 : i32 to index
        %get3A_1847 = tpu.vector_load %arg7[%get3A_1844, %get3A_1845, %get3A_1846] {strides = array<i32>} : memref<3x8x1024xf32, #tpu.memory_space<vmem>>, vector<1x1x16xf32>,
        %get3A_1848 = vector.shape_cast %get3A_1847 : vector<1x1x16xf32> to vector<16xf32>
        %add3A_1849 = arith.constant 0 : i32
        %add3A_1850 = arith.addi %add3A_1849, %select_n3A : i32
        %swap3A_1851 = arith.constant 2 : i32
        %swap3A_1852 = arith.index_cast %swap3A_1851 : i32 to index
        %swap3A_1853 = arith.index_cast %add3A_1850 : i32 to index
        %swap3A_1854 = arith.index_cast %add3A_1842 : i32 to index
        %swap3A_1855 = tpu.vector_load %arg8[%swap3A_1852, %swap3A_1853, %swap3A_1854] {strides = array<i32>} : memref<3x32x1024xf32, #tpu.memory_space<vmem>>, vector<1x1x16xf32>,
        %swap3A_1856 = vector.shape_cast %swap3A_1855 : vector<1x1x16xf32> to vector<16xf32>
        %swap3A_1857 = vector.shape_cast %get3A_1848 : vector<16xf32> to vector<1x1x16xf32>
        tpu.vector_store %arg8[%swap3A_1852, %swap3A_1853, %swap3A_1854], %swap3A_1857 {add = true, strides = array<i32>} : memref<3x32x1024xf32, #tpu.memory_space<vmem>>, vector<1x1x16xf32>,
        %add3A_1858 = arith.constant 8 : i32
        %add3A_1859 = arith.addi %add3A_1858, %select_n3A : i32
        %swap3A_1860 = arith.constant 2 : i32
        %swap3A_1861 = arith.index_cast %swap3A_1860 : i32 to index
        %swap3A_1862 = arith.index_cast %add3A_1859 : i32 to index
        %swap3A_1863 = arith.index_cast %add3A_1842 : i32 to index
        %swap3A_1864 = tpu.vector_load %arg8[%swap3A_1861, %swap3A_1862, %swap3A_1863] {strides = array<i32>} : memref<3x32x1024xf32, #tpu.memory_space<vmem>>, vector<1x1x16xf32>,
        %swap3A_1865 = vector.shape_cast %swap3A_1864 : vector<1x1x16xf32> to vector<16xf32>
        %swap3A_1866 = vector.shape_cast %get3A_1848 : vector<16xf32> to vector<1x1x16xf32>
        tpu.vector_store %arg8[%swap3A_1861, %swap3A_1862, %swap3A_1863], %swap3A_1866 {add = true, strides = array<i32>} : memref<3x32x1024xf32, #tpu.memory_space<vmem>>, vector<1x1x16xf32>,
        %add3A_1867 = arith.constant 16 : i32
        %add3A_1868 = arith.addi %add3A_1867, %select_n3A : i32
        %swap3A_1869 = arith.constant 2 : i32
        %swap3A_1870 = arith.index_cast %swap3A_1869 : i32 to index
        %swap3A_1871 = arith.index_cast %add3A_1868 : i32 to index
        %swap3A_1872 = arith.index_cast %add3A_1842 : i32 to index
        %swap3A_1873 = tpu.vector_load %arg8[%swap3A_1870, %swap3A_1871, %swap3A_1872] {strides = array<i32>} : memref<3x32x1024xf32, #tpu.memory_space<vmem>>, vector<1x1x16xf32>,
        %swap3A_1874 = vector.shape_cast %swap3A_1873 : vector<1x1x16xf32> to vector<16xf32>
        %swap3A_1875 = vector.shape_cast %get3A_1848 : vector<16xf32> to vector<1x1x16xf32>
        tpu.vector_store %arg8[%swap3A_1870, %swap3A_1871, %swap3A_1872], %swap3A_1875 {add = true, strides = array<i32>} : memref<3x32x1024xf32, #tpu.memory_space<vmem>>, vector<1x1x16xf32>,
        %add3A_1876 = arith.constant 24 : i32
        %add3A_1877 = arith.addi %add3A_1876, %select_n3A : i32
        %swap3A_1878 = arith.constant 2 : i32
        %swap3A_1879 = arith.index_cast %swap3A_1878 : i32 to index
        %swap3A_1880 = arith.index_cast %add3A_1877 : i32 to index
        %swap3A_1881 = arith.index_cast %add3A_1842 : i32 to index
        %swap3A_1882 = tpu.vector_load %arg8[%swap3A_1879, %swap3A_1880, %swap3A_1881] {strides = array<i32>} : memref<3x32x1024xf32, #tpu.memory_space<vmem>>, vector<1x1x16xf32>,
        %swap3A_1883 = vector.shape_cast %swap3A_1882 : vector<1x1x16xf32> to vector<16xf32>
        %swap3A_1884 = vector.shape_cast %get3A_1848 : vector<16xf32> to vector<1x1x16xf32>
        tpu.vector_store %arg8[%swap3A_1879, %swap3A_1880, %swap3A_1881], %swap3A_1884 {add = true, strides = array<i32>} : memref<3x32x1024xf32, #tpu.memory_space<vmem>>, vector<1x1x16xf32>,
        %add3A_1885 = arith.constant 112 : i32
        %add3A_1886 = arith.addi %mul3A_1578, %add3A_1885 : i32
        %get3A_1887 = arith.constant 2 : i32
        %get3A_1888 = arith.index_cast %get3A_1887 : i32 to index
        %get3A_1889 = arith.index_cast %select_n3A : i32 to index
        %get3A_1890 = arith.index_cast %add3A_1886 : i32 to index
        %get3A_1891 = tpu.vector_load %arg7[%get3A_1888, %get3A_1889, %get3A_1890] {strides = array<i32>} : memref<3x8x1024xf32, #tpu.memory_space<vmem>>, vector<1x1x16xf32>,
        %get3A_1892 = vector.shape_cast %get3A_1891 : vector<1x1x16xf32> to vector<16xf32>
        %add3A_1893 = arith.constant 0 : i32
        %add3A_1894 = arith.addi %add3A_1893, %select_n3A : i32
        %swap3A_1895 = arith.constant 2 : i32
        %swap3A_1896 = arith.index_cast %swap3A_1895 : i32 to index
        %swap3A_1897 = arith.index_cast %add3A_1894 : i32 to index
        %swap3A_1898 = arith.index_cast %add3A_1886 : i32 to index
        %swap3A_1899 = tpu.vector_load %arg8[%swap3A_1896, %swap3A_1897, %swap3A_1898] {strides = array<i32>} : memref<3x32x1024xf32, #tpu.memory_space<vmem>>, vector<1x1x16xf32>,
        %swap3A_1900 = vector.shape_cast %swap3A_1899 : vector<1x1x16xf32> to vector<16xf32>
        %swap3A_1901 = vector.shape_cast %get3A_1892 : vector<16xf32> to vector<1x1x16xf32>
        tpu.vector_store %arg8[%swap3A_1896, %swap3A_1897, %swap3A_1898], %swap3A_1901 {add = true, strides = array<i32>} : memref<3x32x1024xf32, #tpu.memory_space<vmem>>, vector<1x1x16xf32>,
        %add3A_1902 = arith.constant 8 : i32
        %add3A_1903 = arith.addi %add3A_1902, %select_n3A : i32
        %swap3A_1904 = arith.constant 2 : i32
        %swap3A_1905 = arith.index_cast %swap3A_1904 : i32 to index
        %swap3A_1906 = arith.index_cast %add3A_1903 : i32 to index
        %swap3A_1907 = arith.index_cast %add3A_1886 : i32 to index
        %swap3A_1908 = tpu.vector_load %arg8[%swap3A_1905, %swap3A_1906, %swap3A_1907] {strides = array<i32>} : memref<3x32x1024xf32, #tpu.memory_space<vmem>>, vector<1x1x16xf32>,
        %swap3A_1909 = vector.shape_cast %swap3A_1908 : vector<1x1x16xf32> to vector<16xf32>
        %swap3A_1910 = vector.shape_cast %get3A_1892 : vector<16xf32> to vector<1x1x16xf32>
        tpu.vector_store %arg8[%swap3A_1905, %swap3A_1906, %swap3A_1907], %swap3A_1910 {add = true, strides = array<i32>} : memref<3x32x1024xf32, #tpu.memory_space<vmem>>, vector<1x1x16xf32>,
        %add3A_1911 = arith.constant 16 : i32
        %add3A_1912 = arith.addi %add3A_1911, %select_n3A : i32
        %swap3A_1913 = arith.constant 2 : i32
        %swap3A_1914 = arith.index_cast %swap3A_1913 : i32 to index
        %swap3A_1915 = arith.index_cast %add3A_1912 : i32 to index
        %swap3A_1916 = arith.index_cast %add3A_1886 : i32 to index
        %swap3A_1917 = tpu.vector_load %arg8[%swap3A_1914, %swap3A_1915, %swap3A_1916] {strides = array<i32>} : memref<3x32x1024xf32, #tpu.memory_space<vmem>>, vector<1x1x16xf32>,
        %swap3A_1918 = vector.shape_cast %swap3A_1917 : vector<1x1x16xf32> to vector<16xf32>
        %swap3A_1919 = vector.shape_cast %get3A_1892 : vector<16xf32> to vector<1x1x16xf32>
        tpu.vector_store %arg8[%swap3A_1914, %swap3A_1915, %swap3A_1916], %swap3A_1919 {add = true, strides = array<i32>} : memref<3x32x1024xf32, #tpu.memory_space<vmem>>, vector<1x1x16xf32>,
        %add3A_1920 = arith.constant 24 : i32
        %add3A_1921 = arith.addi %add3A_1920, %select_n3A : i32
        %swap3A_1922 = arith.constant 2 : i32
        %swap3A_1923 = arith.index_cast %swap3A_1922 : i32 to index
        %swap3A_1924 = arith.index_cast %add3A_1921 : i32 to index
        %swap3A_1925 = arith.index_cast %add3A_1886 : i32 to index
        %swap3A_1926 = tpu.vector_load %arg8[%swap3A_1923, %swap3A_1924, %swap3A_1925] {strides = array<i32>} : memref<3x32x1024xf32, #tpu.memory_space<vmem>>, vector<1x1x16xf32>,
        %swap3A_1927 = vector.shape_cast %swap3A_1926 : vector<1x1x16xf32> to vector<16xf32>
        %swap3A_1928 = vector.shape_cast %get3A_1892 : vector<16xf32> to vector<1x1x16xf32>
        tpu.vector_store %arg8[%swap3A_1923, %swap3A_1924, %swap3A_1925], %swap3A_1928 {add = true, strides = array<i32>} : memref<3x32x1024xf32, #tpu.memory_space<vmem>>, vector<1x1x16xf32>,
        %scan3A_1929 = arith.constant 0 : i32
        scf.yield %scan3A_1929 : i32
      }
      %scan3A_1442 = arith.constant 64 : i32
      %mul3A_1443 = arith.constant 8 : i32
      %mul3A_1444 = arith.muli %add3A_1401, %mul3A_1443 : i32
      %add3A_1445 = arith.addi %mul3A_2, %mul3A_1444 : i32
      %dma_start3A_1446 = arith.constant 2 : i32
      %dma_start3A_1447 = arith.constant 0 : i32
      %dma_start3A_1448 = arith.constant 0 : i32
      %dma_start3A_1449 = arith.constant 0 : i32
      %dma_start3A_1450 = tpu.memref_slice %arg8[%dma_start3A_1446, %dma_start3A_1448, %dma_start3A_1449] : memref<3x32x1024xf32, #tpu.memory_space<vmem>> -> memref<1x8x1024xf32, #tpu.memory_space<vmem>>
      %dma_start3A_1451 = tpu.memref_squeeze %dma_start3A_1450 : memref<1x8x1024xf32, #tpu.memory_space<vmem>> -> memref<8x1024xf32, #tpu.memory_space<vmem>>
      %dma_start3A_1452 = arith.constant 0 : i32
      %dma_start3A_1453 = tpu.memref_slice %arg5[%dma_start3A_1447, %add3A_1445, %dma_start3A_1452] : memref<4x2048x1024xf32, #tpu.memory_space<hbm>> -> memref<1x8x1024xf32, #tpu.memory_space<hbm>>
      %dma_start3A_1454 = tpu.memref_squeeze %dma_start3A_1453 : memref<1x8x1024xf32, #tpu.memory_space<hbm>> -> memref<8x1024xf32, #tpu.memory_space<hbm>>
      %dma_start3A_1455 = arith.constant 0 : i32
      %dma_start3A_1456 = tpu.memref_slice %arg5[%dma_start3A_1447, %add3A_1445, %dma_start3A_1455] : memref<4x2048x1024xf32, #tpu.memory_space<hbm>> -> memref<1x8x1024xf32, #tpu.memory_space<hbm>>
      %dma_start3A_1457 = tpu.memref_squeeze %dma_start3A_1456 : memref<1x8x1024xf32, #tpu.memory_space<hbm>> -> memref<8x1024xf32, #tpu.memory_space<hbm>>
      %dma_start3A_1458 = arith.constant 0 : i32
      %dma_start3A_1459 = arith.constant 0 : i32
      %dma_start3A_1460 = tpu.memref_slice %arg8[%dma_start3A_1446, %dma_start3A_1458, %dma_start3A_1459] : memref<3x32x1024xf32, #tpu.memory_space<vmem>> -> memref<1x8x1024xf32, #tpu.memory_space<vmem>>
      %dma_start3A_1461 = tpu.memref_squeeze %dma_start3A_1460 : memref<1x8x1024xf32, #tpu.memory_space<vmem>> -> memref<8x1024xf32, #tpu.memory_space<vmem>>
      tpu.enqueue_dma source(%dma_start3A_1461 : memref<8x1024xf32, #tpu.memory_space<vmem>>) target(%dma_start3A_1457 : memref<8x1024xf32, #tpu.memory_space<hbm>>) target_semaphore(%arg17 : memref<!tpu.dma_semaphore, #tpu.memory_space<semaphore_mem>>)
      %dma_start3A_1462 = arith.constant 2 : i32
      %dma_start3A_1463 = arith.constant 1 : i32
      %dma_start3A_1464 = arith.constant 8 : i32
      %dma_start3A_1465 = arith.constant 0 : i32
      %dma_start3A_1466 = tpu.memref_slice %arg8[%dma_start3A_1462, %dma_start3A_1464, %dma_start3A_1465] : memref<3x32x1024xf32, #tpu.memory_space<vmem>> -> memref<1x8x1024xf32, #tpu.memory_space<vmem>>
      %dma_start3A_1467 = tpu.memref_squeeze %dma_start3A_1466 : memref<1x8x1024xf32, #tpu.memory_space<vmem>> -> memref<8x1024xf32, #tpu.memory_space<vmem>>
      %dma_start3A_1468 = arith.constant 0 : i32
      %dma_start3A_1469 = tpu.memref_slice %arg5[%dma_start3A_1463, %add3A_1445, %dma_start3A_1468] : memref<4x2048x1024xf32, #tpu.memory_space<hbm>> -> memref<1x8x1024xf32, #tpu.memory_space<hbm>>
      %dma_start3A_1470 = tpu.memref_squeeze %dma_start3A_1469 : memref<1x8x1024xf32, #tpu.memory_space<hbm>> -> memref<8x1024xf32, #tpu.memory_space<hbm>>
      %dma_start3A_1471 = arith.constant 0 : i32
      %dma_start3A_1472 = tpu.memref_slice %arg5[%dma_start3A_1463, %add3A_1445, %dma_start3A_1471] : memref<4x2048x1024xf32, #tpu.memory_space<hbm>> -> memref<1x8x1024xf32, #tpu.memory_space<hbm>>
      %dma_start3A_1473 = tpu.memref_squeeze %dma_start3A_1472 : memref<1x8x1024xf32, #tpu.memory_space<hbm>> -> memref<8x1024xf32, #tpu.memory_space<hbm>>
      %dma_start3A_1474 = arith.constant 8 : i32
      %dma_start3A_1475 = arith.constant 0 : i32
      %dma_start3A_1476 = tpu.memref_slice %arg8[%dma_start3A_1462, %dma_start3A_1474, %dma_start3A_1475] : memref<3x32x1024xf32, #tpu.memory_space<vmem>> -> memref<1x8x1024xf32, #tpu.memory_space<vmem>>
      %dma_start3A_1477 = tpu.memref_squeeze %dma_start3A_1476 : memref<1x8x1024xf32, #tpu.memory_space<vmem>> -> memref<8x1024xf32, #tpu.memory_space<vmem>>
      tpu.enqueue_dma source(%dma_start3A_1477 : memref<8x1024xf32, #tpu.memory_space<vmem>>) target(%dma_start3A_1473 : memref<8x1024xf32, #tpu.memory_space<hbm>>) target_semaphore(%arg17 : memref<!tpu.dma_semaphore, #tpu.memory_space<semaphore_mem>>)
      %dma_start3A_1478 = arith.constant 2 : i32
      %dma_start3A_1479 = arith.constant 2 : i32
      %dma_start3A_1480 = arith.constant 16 : i32
      %dma_start3A_1481 = arith.constant 0 : i32
      %dma_start3A_1482 = tpu.memref_slice %arg8[%dma_start3A_1478, %dma_start3A_1480, %dma_start3A_1481] : memref<3x32x1024xf32, #tpu.memory_space<vmem>> -> memref<1x8x1024xf32, #tpu.memory_space<vmem>>
      %dma_start3A_1483 = tpu.memref_squeeze %dma_start3A_1482 : memref<1x8x1024xf32, #tpu.memory_space<vmem>> -> memref<8x1024xf32, #tpu.memory_space<vmem>>
      %dma_start3A_1484 = arith.constant 0 : i32
      %dma_start3A_1485 = tpu.memref_slice %arg5[%dma_start3A_1479, %add3A_1445, %dma_start3A_1484] : memref<4x2048x1024xf32, #tpu.memory_space<hbm>> -> memref<1x8x1024xf32, #tpu.memory_space<hbm>>
      %dma_start3A_1486 = tpu.memref_squeeze %dma_start3A_1485 : memref<1x8x1024xf32, #tpu.memory_space<hbm>> -> memref<8x1024xf32, #tpu.memory_space<hbm>>
      %dma_start3A_1487 = arith.constant 0 : i32
      %dma_start3A_1488 = tpu.memref_slice %arg5[%dma_start3A_1479, %add3A_1445, %dma_start3A_1487] : memref<4x2048x1024xf32, #tpu.memory_space<hbm>> -> memref<1x8x1024xf32, #tpu.memory_space<hbm>>
      %dma_start3A_1489 = tpu.memref_squeeze %dma_start3A_1488 : memref<1x8x1024xf32, #tpu.memory_space<hbm>> -> memref<8x1024xf32, #tpu.memory_space<hbm>>
      %dma_start3A_1490 = arith.constant 16 : i32
      %dma_start3A_1491 = arith.constant 0 : i32
      %dma_start3A_1492 = tpu.memref_slice %arg8[%dma_start3A_1478, %dma_start3A_1490, %dma_start3A_1491] : memref<3x32x1024xf32, #tpu.memory_space<vmem>> -> memref<1x8x1024xf32, #tpu.memory_space<vmem>>
      %dma_start3A_1493 = tpu.memref_squeeze %dma_start3A_1492 : memref<1x8x1024xf32, #tpu.memory_space<vmem>> -> memref<8x1024xf32, #tpu.memory_space<vmem>>
      tpu.enqueue_dma source(%dma_start3A_1493 : memref<8x1024xf32, #tpu.memory_space<vmem>>) target(%dma_start3A_1489 : memref<8x1024xf32, #tpu.memory_space<hbm>>) target_semaphore(%arg17 : memref<!tpu.dma_semaphore, #tpu.memory_space<semaphore_mem>>)
      %dma_start3A_1494 = arith.constant 2 : i32
      %dma_start3A_1495 = arith.constant 3 : i32
      %dma_start3A_1496 = arith.constant 24 : i32
      %dma_start3A_1497 = arith.constant 0 : i32
      %dma_start3A_1498 = tpu.memref_slice %arg8[%dma_start3A_1494, %dma_start3A_1496, %dma_start3A_1497] : memref<3x32x1024xf32, #tpu.memory_space<vmem>> -> memref<1x8x1024xf32, #tpu.memory_space<vmem>>
      %dma_start3A_1499 = tpu.memref_squeeze %dma_start3A_1498 : memref<1x8x1024xf32, #tpu.memory_space<vmem>> -> memref<8x1024xf32, #tpu.memory_space<vmem>>
      %dma_start3A_1500 = arith.constant 0 : i32
      %dma_start3A_1501 = tpu.memref_slice %arg5[%dma_start3A_1495, %add3A_1445, %dma_start3A_1500] : memref<4x2048x1024xf32, #tpu.memory_space<hbm>> -> memref<1x8x1024xf32, #tpu.memory_space<hbm>>
      %dma_start3A_1502 = tpu.memref_squeeze %dma_start3A_1501 : memref<1x8x1024xf32, #tpu.memory_space<hbm>> -> memref<8x1024xf32, #tpu.memory_space<hbm>>
      %dma_start3A_1503 = arith.constant 0 : i32
      %dma_start3A_1504 = tpu.memref_slice %arg5[%dma_start3A_1495, %add3A_1445, %dma_start3A_1503] : memref<4x2048x1024xf32, #tpu.memory_space<hbm>> -> memref<1x8x1024xf32, #tpu.memory_space<hbm>>
      %dma_start3A_1505 = tpu.memref_squeeze %dma_start3A_1504 : memref<1x8x1024xf32, #tpu.memory_space<hbm>> -> memref<8x1024xf32, #tpu.memory_space<hbm>>
      %dma_start3A_1506 = arith.constant 24 : i32
      %dma_start3A_1507 = arith.constant 0 : i32
      %dma_start3A_1508 = tpu.memref_slice %arg8[%dma_start3A_1494, %dma_start3A_1506, %dma_start3A_1507] : memref<3x32x1024xf32, #tpu.memory_space<vmem>> -> memref<1x8x1024xf32, #tpu.memory_space<vmem>>
      %dma_start3A_1509 = tpu.memref_squeeze %dma_start3A_1508 : memref<1x8x1024xf32, #tpu.memory_space<vmem>> -> memref<8x1024xf32, #tpu.memory_space<vmem>>
      tpu.enqueue_dma source(%dma_start3A_1509 : memref<8x1024xf32, #tpu.memory_space<vmem>>) target(%dma_start3A_1505 : memref<8x1024xf32, #tpu.memory_space<hbm>>) target_semaphore(%arg17 : memref<!tpu.dma_semaphore, #tpu.memory_space<semaphore_mem>>)
      %ge3A_1510 = arith.constant 1 : i32
      %ge3A_1511 = arith.cmpi sge, %add3A_1401, %ge3A_1510 : i32
      %convert_element_type3A_1512 = arith.extui %ge3A_1511 : i1 to i32
      %cond3A_1513 = arith.constant 0 : i32
      %cond3A_1514 = arith.cmpi ne, %convert_element_type3A_1512, %cond3A_1513 : i32
      scf.if %cond3A_1514 {
        %sub3A = arith.constant 1 : i32
        %sub3A_1545 = arith.subi %add3A_1401, %sub3A : i32
        %mul3A_1546 = arith.constant 8 : i32
        %mul3A_1547 = arith.muli %sub3A_1545, %mul3A_1546 : i32
        %add3A_1548 = arith.addi %mul3A_2, %mul3A_1547 : i32
        %dma_wait3A_1549 = arith.constant 1 : i32
        %dma_wait3A_1550 = arith.constant 0 : i32
        %dma_wait3A_1551 = arith.constant 0 : i32
        %dma_wait3A_1552 = arith.constant 0 : i32
        %dma_wait3A_1553 = tpu.memref_slice %arg8[%dma_wait3A_1549, %dma_wait3A_1551, %dma_wait3A_1552] : memref<3x32x1024xf32, #tpu.memory_space<vmem>> -> memref<1x8x1024xf32, #tpu.memory_space<vmem>>
        %dma_wait3A_1554 = tpu.memref_squeeze %dma_wait3A_1553 : memref<1x8x1024xf32, #tpu.memory_space<vmem>> -> memref<8x1024xf32, #tpu.memory_space<vmem>>
        %dma_wait3A_1555 = arith.constant 0 : i32
        %dma_wait3A_1556 = tpu.memref_slice %arg5[%dma_wait3A_1550, %add3A_1548, %dma_wait3A_1555] : memref<4x2048x1024xf32, #tpu.memory_space<hbm>> -> memref<1x8x1024xf32, #tpu.memory_space<hbm>>
        %dma_wait3A_1557 = tpu.memref_squeeze %dma_wait3A_1556 : memref<1x8x1024xf32, #tpu.memory_space<hbm>> -> memref<8x1024xf32, #tpu.memory_space<hbm>>
        %dma_wait3A_1558 = arith.constant 0 : i32
        %dma_wait3A_1559 = tpu.memref_slice %arg5[%dma_wait3A_1550, %add3A_1548, %dma_wait3A_1558] : memref<4x2048x1024xf32, #tpu.memory_space<hbm>> -> memref<1x8x1024xf32, #tpu.memory_space<hbm>>
        %dma_wait3A_1560 = tpu.memref_squeeze %dma_wait3A_1559 : memref<1x8x1024xf32, #tpu.memory_space<hbm>> -> memref<8x1024xf32, #tpu.memory_space<hbm>>
        %dma_wait3A_1561 = arith.constant 0 : i32
        %dma_wait3A_1562 = arith.constant 0 : i32
        %dma_wait3A_1563 = tpu.memref_slice %arg8[%dma_wait3A_1549, %dma_wait3A_1561, %dma_wait3A_1562] : memref<3x32x1024xf32, #tpu.memory_space<vmem>> -> memref<1x8x1024xf32, #tpu.memory_space<vmem>>
        %dma_wait3A_1564 = tpu.memref_squeeze %dma_wait3A_1563 : memref<1x8x1024xf32, #tpu.memory_space<vmem>> -> memref<8x1024xf32, #tpu.memory_space<vmem>>
        tpu.wait_dma2 semaphore(%arg16 : memref<!tpu.dma_semaphore, #tpu.memory_space<semaphore_mem>>) src(%dma_wait3A_1564 : memref<8x1024xf32, #tpu.memory_space<vmem>>) dst(%dma_wait3A_1560 : memref<8x1024xf32, #tpu.memory_space<hbm>>)
        %dma_wait3A_1565 = arith.constant 1 : i32
        %dma_wait3A_1566 = arith.constant 1 : i32
        %dma_wait3A_1567 = arith.constant 8 : i32
        %dma_wait3A_1568 = arith.constant 0 : i32
        %dma_wait3A_1569 = tpu.memref_slice %arg8[%dma_wait3A_1565, %dma_wait3A_1567, %dma_wait3A_1568] : memref<3x32x1024xf32, #tpu.memory_space<vmem>> -> memref<1x8x1024xf32, #tpu.memory_space<vmem>>
        %dma_wait3A_1570 = tpu.memref_squeeze %dma_wait3A_1569 : memref<1x8x1024xf32, #tpu.memory_space<vmem>> -> memref<8x1024xf32, #tpu.memory_space<vmem>>
        %dma_wait3A_1571 = arith.constant 0 : i32
        %dma_wait3A_1572 = tpu.memref_slice %arg5[%dma_wait3A_1566, %add3A_1548, %dma_wait3A_1571] : memref<4x2048x1024xf32, #tpu.memory_space<hbm>> -> memref<1x8x1024xf32, #tpu.memory_space<hbm>>
        %dma_wait3A_1573 = tpu.memref_squeeze %dma_wait3A_1572 : memref<1x8x1024xf32, #tpu.memory_space<hbm>> -> memref<8x1024xf32, #tpu.memory_space<hbm>>
        %dma_wait3A_1574 = arith.constant 0 : i32
        %dma_wait3A_1575 = tpu.memref_slice %arg5[%dma_wait3A_1566, %add3A_1548, %dma_wait3A_1574] : memref<4x2048x1024xf32, #tpu.memory_space<hbm>> -> memref<1x8x1024xf32, #tpu.memory_space<hbm>>
        %dma_wait3A_1576 = tpu.memref_squeeze %dma_wait3A_1575 : memref<1x8x1024xf32, #tpu.memory_space<hbm>> -> memref<8x1024xf32, #tpu.memory_space<hbm>>
        %dma_wait3A_1577 = arith.constant 8 : i32
        %dma_wait3A_1578 = arith.constant 0 : i32
        %dma_wait3A_1579 = tpu.memref_slice %arg8[%dma_wait3A_1565, %dma_wait3A_1577, %dma_wait3A_1578] : memref<3x32x1024xf32, #tpu.memory_space<vmem>> -> memref<1x8x1024xf32, #tpu.memory_space<vmem>>
        %dma_wait3A_1580 = tpu.memref_squeeze %dma_wait3A_1579 : memref<1x8x1024xf32, #tpu.memory_space<vmem>> -> memref<8x1024xf32, #tpu.memory_space<vmem>>
        tpu.wait_dma2 semaphore(%arg16 : memref<!tpu.dma_semaphore, #tpu.memory_space<semaphore_mem>>) src(%dma_wait3A_1580 : memref<8x1024xf32, #tpu.memory_space<vmem>>) dst(%dma_wait3A_1576 : memref<8x1024xf32, #tpu.memory_space<hbm>>)
        %dma_wait3A_1581 = arith.constant 1 : i32
        %dma_wait3A_1582 = arith.constant 2 : i32
        %dma_wait3A_1583 = arith.constant 16 : i32
        %dma_wait3A_1584 = arith.constant 0 : i32
        %dma_wait3A_1585 = tpu.memref_slice %arg8[%dma_wait3A_1581, %dma_wait3A_1583, %dma_wait3A_1584] : memref<3x32x1024xf32, #tpu.memory_space<vmem>> -> memref<1x8x1024xf32, #tpu.memory_space<vmem>>
        %dma_wait3A_1586 = tpu.memref_squeeze %dma_wait3A_1585 : memref<1x8x1024xf32, #tpu.memory_space<vmem>> -> memref<8x1024xf32, #tpu.memory_space<vmem>>
        %dma_wait3A_1587 = arith.constant 0 : i32
        %dma_wait3A_1588 = tpu.memref_slice %arg5[%dma_wait3A_1582, %add3A_1548, %dma_wait3A_1587] : memref<4x2048x1024xf32, #tpu.memory_space<hbm>> -> memref<1x8x1024xf32, #tpu.memory_space<hbm>>
        %dma_wait3A_1589 = tpu.memref_squeeze %dma_wait3A_1588 : memref<1x8x1024xf32, #tpu.memory_space<hbm>> -> memref<8x1024xf32, #tpu.memory_space<hbm>>
        %dma_wait3A_1590 = arith.constant 0 : i32
        %dma_wait3A_1591 = tpu.memref_slice %arg5[%dma_wait3A_1582, %add3A_1548, %dma_wait3A_1590] : memref<4x2048x1024xf32, #tpu.memory_space<hbm>> -> memref<1x8x1024xf32, #tpu.memory_space<hbm>>
        %dma_wait3A_1592 = tpu.memref_squeeze %dma_wait3A_1591 : memref<1x8x1024xf32, #tpu.memory_space<hbm>> -> memref<8x1024xf32, #tpu.memory_space<hbm>>
        %dma_wait3A_1593 = arith.constant 16 : i32
        %dma_wait3A_1594 = arith.constant 0 : i32
        %dma_wait3A_1595 = tpu.memref_slice %arg8[%dma_wait3A_1581, %dma_wait3A_1593, %dma_wait3A_1594] : memref<3x32x1024xf32, #tpu.memory_space<vmem>> -> memref<1x8x1024xf32, #tpu.memory_space<vmem>>
        %dma_wait3A_1596 = tpu.memref_squeeze %dma_wait3A_1595 : memref<1x8x1024xf32, #tpu.memory_space<vmem>> -> memref<8x1024xf32, #tpu.memory_space<vmem>>
        tpu.wait_dma2 semaphore(%arg16 : memref<!tpu.dma_semaphore, #tpu.memory_space<semaphore_mem>>) src(%dma_wait3A_1596 : memref<8x1024xf32, #tpu.memory_space<vmem>>) dst(%dma_wait3A_1592 : memref<8x1024xf32, #tpu.memory_space<hbm>>)
        %dma_wait3A_1597 = arith.constant 1 : i32
        %dma_wait3A_1598 = arith.constant 3 : i32
        %dma_wait3A_1599 = arith.constant 24 : i32
        %dma_wait3A_1600 = arith.constant 0 : i32
        %dma_wait3A_1601 = tpu.memref_slice %arg8[%dma_wait3A_1597, %dma_wait3A_1599, %dma_wait3A_1600] : memref<3x32x1024xf32, #tpu.memory_space<vmem>> -> memref<1x8x1024xf32, #tpu.memory_space<vmem>>
        %dma_wait3A_1602 = tpu.memref_squeeze %dma_wait3A_1601 : memref<1x8x1024xf32, #tpu.memory_space<vmem>> -> memref<8x1024xf32, #tpu.memory_space<vmem>>
        %dma_wait3A_1603 = arith.constant 0 : i32
        %dma_wait3A_1604 = tpu.memref_slice %arg5[%dma_wait3A_1598, %add3A_1548, %dma_wait3A_1603] : memref<4x2048x1024xf32, #tpu.memory_space<hbm>> -> memref<1x8x1024xf32, #tpu.memory_space<hbm>>
        %dma_wait3A_1605 = tpu.memref_squeeze %dma_wait3A_1604 : memref<1x8x1024xf32, #tpu.memory_space<hbm>> -> memref<8x1024xf32, #tpu.memory_space<hbm>>
        %dma_wait3A_1606 = arith.constant 0 : i32
        %dma_wait3A_1607 = tpu.memref_slice %arg5[%dma_wait3A_1598, %add3A_1548, %dma_wait3A_1606] : memref<4x2048x1024xf32, #tpu.memory_space<hbm>> -> memref<1x8x1024xf32, #tpu.memory_space<hbm>>
        %dma_wait3A_1608 = tpu.memref_squeeze %dma_wait3A_1607 : memref<1x8x1024xf32, #tpu.memory_space<hbm>> -> memref<8x1024xf32, #tpu.memory_space<hbm>>
        %dma_wait3A_1609 = arith.constant 24 : i32
        %dma_wait3A_1610 = arith.constant 0 : i32
        %dma_wait3A_1611 = tpu.memref_slice %arg8[%dma_wait3A_1597, %dma_wait3A_1609, %dma_wait3A_1610] : memref<3x32x1024xf32, #tpu.memory_space<vmem>> -> memref<1x8x1024xf32, #tpu.memory_space<vmem>>
        %dma_wait3A_1612 = tpu.memref_squeeze %dma_wait3A_1611 : memref<1x8x1024xf32, #tpu.memory_space<vmem>> -> memref<8x1024xf32, #tpu.memory_space<vmem>>
        tpu.wait_dma2 semaphore(%arg16 : memref<!tpu.dma_semaphore, #tpu.memory_space<semaphore_mem>>) src(%dma_wait3A_1612 : memref<8x1024xf32, #tpu.memory_space<vmem>>) dst(%dma_wait3A_1608 : memref<8x1024xf32, #tpu.memory_space<hbm>>)
      } else {
      }
      %add3A_1515 = arith.constant 2 : i32
      %add3A_1516 = arith.addi %add3A_1401, %add3A_1515 : i32
      %mul3A_1517 = arith.constant 8 : i32
      %mul3A_1518 = arith.muli %add3A_1516, %mul3A_1517 : i32
      %add3A_1519 = arith.addi %mul3A_2, %mul3A_1518 : i32
      %mul3A_1520 = arith.constant 32 : i32
      %mul3A_1521 = arith.muli %add3A_1516, %mul3A_1520 : i32
      %dma_start3A_1522 = arith.constant 1 : i32
      %dma_start3A_1523 = arith.constant 0 : i32
      %dma_start3A_1524 = arith.constant 0 : i32
      %dma_start3A_1525 = tpu.memref_slice %arg8[%dma_start3A_1522, %dma_start3A_1523, %dma_start3A_1524] : memref<3x32x1024xf32, #tpu.memory_space<vmem>> -> memref<1x32x1024xf32, #tpu.memory_space<vmem>>
      %dma_start3A_1526 = tpu.memref_squeeze %dma_start3A_1525 : memref<1x32x1024xf32, #tpu.memory_space<vmem>> -> memref<32x1024xf32, #tpu.memory_space<vmem>>
      %dma_start3A_1527 = tpu.memref_slice %arg6[%mul3A_1521] : memref<256xi32, #tpu.memory_space<vmem>> -> memref<32xi32, #tpu.memory_space<vmem>>
      %dma_start3A_1528 = arith.constant 0 : i32
      %dma_start3A_1529 = arith.constant 0 : i32
      %dma_start3A_1530 = tpu.memref_slice %arg4[%dma_start3A_1528, %dma_start3A_1529] : memref<100000x1024xf32, #tpu.memory_space<hbm>> -> memref<100000x1024xf32, #tpu.memory_space<hbm>>
      tpu.enqueue_indirect_dma source(%dma_start3A_1530 : memref<100000x1024xf32, #tpu.memory_space<hbm>>) target(%dma_start3A_1526 : memref<32x1024xf32, #tpu.memory_space<vmem>>) offsets(%dma_start3A_1527 : memref<32xi32, #tpu.memory_space<vmem>>) semaphore(%arg10 : memref<!tpu.dma_semaphore, #tpu.memory_space<semaphore_mem>>)
      %dma_start3A_1531 = arith.constant 1 : i32
      %dma_start3A_1532 = arith.constant 0 : i32
      %dma_start3A_1533 = arith.constant 0 : i32
      %dma_start3A_1534 = tpu.memref_slice %arg7[%dma_start3A_1531, %dma_start3A_1532, %dma_start3A_1533] : memref<3x8x1024xf32, #tpu.memory_space<vmem>> -> memref<1x8x1024xf32, #tpu.memory_space<vmem>>
      %dma_start3A_1535 = tpu.memref_squeeze %dma_start3A_1534 : memref<1x8x1024xf32, #tpu.memory_space<vmem>> -> memref<8x1024xf32, #tpu.memory_space<vmem>>
      %dma_start3A_1536 = arith.constant 0 : i32
      %dma_start3A_1537 = tpu.memref_slice %arg3[%add3A_1519, %dma_start3A_1536] : memref<2048x1024xf32, #tpu.memory_space<hbm>> -> memref<8x1024xf32, #tpu.memory_space<hbm>>
      %dma_start3A_1538 = arith.constant 0 : i32
      %dma_start3A_1539 = arith.constant 0 : i32
      %dma_start3A_1540 = tpu.memref_slice %arg7[%dma_start3A_1531, %dma_start3A_1538, %dma_start3A_1539] : memref<3x8x1024xf32, #tpu.memory_space<vmem>> -> memref<1x8x1024xf32, #tpu.memory_space<vmem>>
      %dma_start3A_1541 = tpu.memref_squeeze %dma_start3A_1540 : memref<1x8x1024xf32, #tpu.memory_space<vmem>> -> memref<8x1024xf32, #tpu.memory_space<vmem>>
      %dma_start3A_1542 = arith.constant 0 : i32
      %dma_start3A_1543 = tpu.memref_slice %arg3[%add3A_1519, %dma_start3A_1542] : memref<2048x1024xf32, #tpu.memory_space<hbm>> -> memref<8x1024xf32, #tpu.memory_space<hbm>>
      tpu.enqueue_dma source(%dma_start3A_1543 : memref<8x1024xf32, #tpu.memory_space<hbm>>) target(%dma_start3A_1541 : memref<8x1024xf32, #tpu.memory_space<vmem>>) target_semaphore(%arg13 : memref<!tpu.dma_semaphore, #tpu.memory_space<semaphore_mem>>)
      %scan3A_1544 = arith.constant 0 : i32
      scf.yield %scan3A_1544 : i32
    }
    %scan3A_696 = arith.constant 2 : i32
    %dma_wait3A_697 = arith.constant 0 : i32
    %dma_wait3A_698 = arith.constant 0 : i32
    %dma_wait3A_699 = arith.constant 0 : i32
    %dma_wait3A_700 = arith.constant 0 : i32
    %dma_wait3A_701 = tpu.memref_slice %arg8[%dma_wait3A_698, %dma_wait3A_699, %dma_wait3A_700] : memref<3x32x1024xf32, #tpu.memory_space<vmem>> -> memref<1x32x1024xf32, #tpu.memory_space<vmem>>
    %dma_wait3A_702 = tpu.memref_squeeze %dma_wait3A_701 : memref<1x32x1024xf32, #tpu.memory_space<vmem>> -> memref<32x1024xf32, #tpu.memory_space<vmem>>
    %dma_wait3A_703 = arith.constant 0 : i32
    %dma_wait3A_704 = arith.constant 0 : i32
    %dma_wait3A_705 = tpu.memref_slice %arg5[%dma_wait3A_697, %dma_wait3A_703, %dma_wait3A_704] : memref<4x2048x1024xf32, #tpu.memory_space<hbm>> -> memref<1x32x1024xf32, #tpu.memory_space<hbm>>
    %dma_wait3A_706 = tpu.memref_squeeze %dma_wait3A_705 : memref<1x32x1024xf32, #tpu.memory_space<hbm>> -> memref<32x1024xf32, #tpu.memory_space<hbm>>
    %dma_wait3A_707 = arith.constant 0 : i32
    %dma_wait3A_708 = arith.constant 0 : i32
    %dma_wait3A_709 = tpu.memref_slice %arg8[%dma_wait3A_698, %dma_wait3A_707, %dma_wait3A_708] : memref<3x32x1024xf32, #tpu.memory_space<vmem>> -> memref<1x32x1024xf32, #tpu.memory_space<vmem>>
    %dma_wait3A_710 = tpu.memref_squeeze %dma_wait3A_709 : memref<1x32x1024xf32, #tpu.memory_space<vmem>> -> memref<32x1024xf32, #tpu.memory_space<vmem>>
    %dma_wait3A_711 = arith.constant 0 : i32
    %dma_wait3A_712 = arith.constant 0 : i32
    %dma_wait3A_713 = tpu.memref_slice %arg5[%dma_wait3A_697, %dma_wait3A_711, %dma_wait3A_712] : memref<4x2048x1024xf32, #tpu.memory_space<hbm>> -> memref<1x32x1024xf32, #tpu.memory_space<hbm>>
    %dma_wait3A_714 = tpu.memref_squeeze %dma_wait3A_713 : memref<1x32x1024xf32, #tpu.memory_space<hbm>> -> memref<32x1024xf32, #tpu.memory_space<hbm>>
    tpu.wait_dma2 semaphore(%arg9 : memref<!tpu.dma_semaphore, #tpu.memory_space<semaphore_mem>>) src(%dma_wait3A_714 : memref<32x1024xf32, #tpu.memory_space<hbm>>) dst(%dma_wait3A_710 : memref<32x1024xf32, #tpu.memory_space<vmem>>)
    %add3A_715 = arith.constant 48 : i32
    %add3A_716 = arith.addi %mul3A_2, %add3A_715 : i32
    %dma_wait3A_717 = arith.constant 0 : i32
    %dma_wait3A_718 = arith.constant 0 : i32
    %dma_wait3A_719 = arith.constant 0 : i32
    %dma_wait3A_720 = tpu.memref_slice %arg7[%dma_wait3A_717, %dma_wait3A_718, %dma_wait3A_719] : memref<3x8x1024xf32, #tpu.memory_space<vmem>> -> memref<1x8x1024xf32, #tpu.memory_space<vmem>>
    %dma_wait3A_721 = tpu.memref_squeeze %dma_wait3A_720 : memref<1x8x1024xf32, #tpu.memory_space<vmem>> -> memref<8x1024xf32, #tpu.memory_space<vmem>>
    %dma_wait3A_722 = arith.constant 0 : i32
    %dma_wait3A_723 = tpu.memref_slice %arg3[%add3A_716, %dma_wait3A_722] : memref<2048x1024xf32, #tpu.memory_space<hbm>> -> memref<8x1024xf32, #tpu.memory_space<hbm>>
    %dma_wait3A_724 = arith.constant 0 : i32
    %dma_wait3A_725 = arith.constant 0 : i32
    %dma_wait3A_726 = tpu.memref_slice %arg7[%dma_wait3A_717, %dma_wait3A_724, %dma_wait3A_725] : memref<3x8x1024xf32, #tpu.memory_space<vmem>> -> memref<1x8x1024xf32, #tpu.memory_space<vmem>>
    %dma_wait3A_727 = tpu.memref_squeeze %dma_wait3A_726 : memref<1x8x1024xf32, #tpu.memory_space<vmem>> -> memref<8x1024xf32, #tpu.memory_space<vmem>>
    %dma_wait3A_728 = arith.constant 0 : i32
    %dma_wait3A_729 = tpu.memref_slice %arg3[%add3A_716, %dma_wait3A_728] : memref<2048x1024xf32, #tpu.memory_space<hbm>> -> memref<8x1024xf32, #tpu.memory_space<hbm>>
    tpu.wait_dma2 semaphore(%arg12 : memref<!tpu.dma_semaphore, #tpu.memory_space<semaphore_mem>>) src(%dma_wait3A_729 : memref<8x1024xf32, #tpu.memory_space<hbm>>) dst(%dma_wait3A_727 : memref<8x1024xf32, #tpu.memory_space<vmem>>)
    %scan3A_730 = arith.constant 0 : i32
    %scan3A_731 = arith.constant 0 : i32
    %scan3A_732 = arith.constant 64 : i32
    %scan3A_733 = arith.addi %scan3A_731, %scan3A_732 : i32
    %scan3A_734 = arith.constant 1 : i32
    %scan3A_735 = scf.for %scan3A_1107 = %scan3A_731 to %scan3A_733 step %scan3A_734 iter_args(%scan3A_1108 = %scan3A_730) -> (i32)  : i32 {
      %jit3A = arith.constant 8 : i32
      %div3A = arith.divsi %scan3A_1107, %jit3A : i32
      %sign3A = arith.constant 0 : i32
      %sign3A_1109 = arith.cmpi sgt, %scan3A_1107, %sign3A : i32
      %sign3A_1110 = arith.extui %sign3A_1109 : i1 to i32
      %sign3A_1111 = arith.constant 0 : i32
      %sign3A_1112 = arith.cmpi slt, %scan3A_1107, %sign3A_1111 : i32
      %sign3A_1113 = arith.extui %sign3A_1112 : i1 to i32
      %sign3A_1114 = arith.subi %sign3A_1110, %sign3A_1113 : i32
      %sign3A_1115 = arith.constant 0 : i32
      %sign3A_1116 = arith.cmpi sgt, %jit3A, %sign3A_1115 : i32
      %sign3A_1117 = arith.extui %sign3A_1116 : i1 to i32
      %sign3A_1118 = arith.constant 0 : i32
      %sign3A_1119 = arith.cmpi slt, %jit3A, %sign3A_1118 : i32
      %sign3A_1120 = arith.extui %sign3A_1119 : i1 to i32
      %sign3A_1121 = arith.subi %sign3A_1117, %sign3A_1120 : i32
      %ne3A = arith.cmpi ne, %sign3A_1114, %sign3A_1121 : i32
      %rem3A = arith.remsi %scan3A_1107, %jit3A : i32
      %ne3A_1122 = arith.constant 0 : i32
      %ne3A_1123 = arith.cmpi ne, %rem3A, %ne3A_1122 : i32
      %and3A = arith.andi %ne3A, %ne3A_1123 : i1
      %sub3A = arith.constant 1 : i32
      %sub3A_1124 = arith.subi %div3A, %sub3A : i32
      %select_n3A = arith.select %and3A, %sub3A_1124, %div3A : i32
      %jit3A_1125 = arith.constant 8 : i32
      %eq3A = arith.constant 0 : i32
      %eq3A_1126 = arith.cmpi eq, %jit3A_1125, %eq3A : i32
      %jit3A_1127 = arith.constant 1 : i32
      %select_n3A_1128 = arith.select %eq3A_1126, %jit3A_1127, %jit3A_1125 : i32
      %rem3A_1129 = arith.remsi %scan3A_1107, %select_n3A_1128 : i32
      %ne3A_1130 = arith.constant 0 : i32
      %ne3A_1131 = arith.cmpi ne, %rem3A_1129, %ne3A_1130 : i32
      %lt3A = arith.constant 0 : i32
      %lt3A_1132 = arith.cmpi slt, %rem3A_1129, %lt3A : i32
      %lt3A_1133 = arith.constant 0 : i32
      %lt3A_1134 = arith.cmpi slt, %select_n3A_1128, %lt3A_1133 : i32
      %ne3A_1135 = arith.xori %lt3A_1132, %lt3A_1134 : i1
      %and3A_1136 = arith.andi %ne3A_1135, %ne3A_1131 : i1
      %add3A_1137 = arith.addi %rem3A_1129, %select_n3A_1128 : i32
      %select_n3A_1138 = arith.select %and3A_1136, %add3A_1137, %rem3A_1129 : i32
      %mul3A_1139 = arith.constant 128 : i32
      %mul3A_1140 = arith.muli %select_n3A_1138, %mul3A_1139 : i32
      %add3A_1141 = arith.constant 0 : i32
      %add3A_1142 = arith.addi %mul3A_1140, %add3A_1141 : i32
      %get3A = arith.constant 0 : i32
      %get3A_1143 = arith.index_cast %get3A : i32 to index
      %get3A_1144 = arith.index_cast %select_n3A : i32 to index
      %get3A_1145 = arith.index_cast %add3A_1142 : i32 to index
      %get3A_1146 = tpu.vector_load %arg7[%get3A_1143, %get3A_1144, %get3A_1145] {strides = array<i32>} : memref<3x8x1024xf32, #tpu.memory_space<vmem>>, vector<1x1x16xf32>,
      %get3A_1147 = vector.shape_cast %get3A_1146 : vector<1x1x16xf32> to vector<16xf32>
      %add3A_1148 = arith.constant 0 : i32
      %add3A_1149 = arith.addi %add3A_1148, %select_n3A : i32
      %swap3A = arith.constant 0 : i32
      %swap3A_1150 = arith.index_cast %swap3A : i32 to index
      %swap3A_1151 = arith.index_cast %add3A_1149 : i32 to index
      %swap3A_1152 = arith.index_cast %add3A_1142 : i32 to index
      %swap3A_1153 = tpu.vector_load %arg8[%swap3A_1150, %swap3A_1151, %swap3A_1152] {strides = array<i32>} : memref<3x32x1024xf32, #tpu.memory_space<vmem>>, vector<1x1x16xf32>,
      %swap3A_1154 = vector.shape_cast %swap3A_1153 : vector<1x1x16xf32> to vector<16xf32>
      %swap3A_1155 = vector.shape_cast %get3A_1147 : vector<16xf32> to vector<1x1x16xf32>
      tpu.vector_store %arg8[%swap3A_1150, %swap3A_1151, %swap3A_1152], %swap3A_1155 {add = true, strides = array<i32>} : memref<3x32x1024xf32, #tpu.memory_space<vmem>>, vector<1x1x16xf32>,
      %add3A_1156 = arith.constant 8 : i32
      %add3A_1157 = arith.addi %add3A_1156, %select_n3A : i32
      %swap3A_1158 = arith.constant 0 : i32
      %swap3A_1159 = arith.index_cast %swap3A_1158 : i32 to index
      %swap3A_1160 = arith.index_cast %add3A_1157 : i32 to index
      %swap3A_1161 = arith.index_cast %add3A_1142 : i32 to index
      %swap3A_1162 = tpu.vector_load %arg8[%swap3A_1159, %swap3A_1160, %swap3A_1161] {strides = array<i32>} : memref<3x32x1024xf32, #tpu.memory_space<vmem>>, vector<1x1x16xf32>,
      %swap3A_1163 = vector.shape_cast %swap3A_1162 : vector<1x1x16xf32> to vector<16xf32>
      %swap3A_1164 = vector.shape_cast %get3A_1147 : vector<16xf32> to vector<1x1x16xf32>
      tpu.vector_store %arg8[%swap3A_1159, %swap3A_1160, %swap3A_1161], %swap3A_1164 {add = true, strides = array<i32>} : memref<3x32x1024xf32, #tpu.memory_space<vmem>>, vector<1x1x16xf32>,
      %add3A_1165 = arith.constant 16 : i32
      %add3A_1166 = arith.addi %add3A_1165, %select_n3A : i32
      %swap3A_1167 = arith.constant 0 : i32
      %swap3A_1168 = arith.index_cast %swap3A_1167 : i32 to index
      %swap3A_1169 = arith.index_cast %add3A_1166 : i32 to index
      %swap3A_1170 = arith.index_cast %add3A_1142 : i32 to index
      %swap3A_1171 = tpu.vector_load %arg8[%swap3A_1168, %swap3A_1169, %swap3A_1170] {strides = array<i32>} : memref<3x32x1024xf32, #tpu.memory_space<vmem>>, vector<1x1x16xf32>,
      %swap3A_1172 = vector.shape_cast %swap3A_1171 : vector<1x1x16xf32> to vector<16xf32>
      %swap3A_1173 = vector.shape_cast %get3A_1147 : vector<16xf32> to vector<1x1x16xf32>
      tpu.vector_store %arg8[%swap3A_1168, %swap3A_1169, %swap3A_1170], %swap3A_1173 {add = true, strides = array<i32>} : memref<3x32x1024xf32, #tpu.memory_space<vmem>>, vector<1x1x16xf32>,
      %add3A_1174 = arith.constant 24 : i32
      %add3A_1175 = arith.addi %add3A_1174, %select_n3A : i32
      %swap3A_1176 = arith.constant 0 : i32
      %swap3A_1177 = arith.index_cast %swap3A_1176 : i32 to index
      %swap3A_1178 = arith.index_cast %add3A_1175 : i32 to index
      %swap3A_1179 = arith.index_cast %add3A_1142 : i32 to index
      %swap3A_1180 = tpu.vector_load %arg8[%swap3A_1177, %swap3A_1178, %swap3A_1179] {strides = array<i32>} : memref<3x32x1024xf32, #tpu.memory_space<vmem>>, vector<1x1x16xf32>,
      %swap3A_1181 = vector.shape_cast %swap3A_1180 : vector<1x1x16xf32> to vector<16xf32>
      %swap3A_1182 = vector.shape_cast %get3A_1147 : vector<16xf32> to vector<1x1x16xf32>
      tpu.vector_store %arg8[%swap3A_1177, %swap3A_1178, %swap3A_1179], %swap3A_1182 {add = true, strides = array<i32>} : memref<3x32x1024xf32, #tpu.memory_space<vmem>>, vector<1x1x16xf32>,
      %add3A_1183 = arith.constant 16 : i32
      %add3A_1184 = arith.addi %mul3A_1140, %add3A_1183 : i32
      %get3A_1185 = arith.constant 0 : i32
      %get3A_1186 = arith.index_cast %get3A_1185 : i32 to index
      %get3A_1187 = arith.index_cast %select_n3A : i32 to index
      %get3A_1188 = arith.index_cast %add3A_1184 : i32 to index
      %get3A_1189 = tpu.vector_load %arg7[%get3A_1186, %get3A_1187, %get3A_1188] {strides = array<i32>} : memref<3x8x1024xf32, #tpu.memory_space<vmem>>, vector<1x1x16xf32>,
      %get3A_1190 = vector.shape_cast %get3A_1189 : vector<1x1x16xf32> to vector<16xf32>
      %add3A_1191 = arith.constant 0 : i32
      %add3A_1192 = arith.addi %add3A_1191, %select_n3A : i32
      %swap3A_1193 = arith.constant 0 : i32
      %swap3A_1194 = arith.index_cast %swap3A_1193 : i32 to index
      %swap3A_1195 = arith.index_cast %add3A_1192 : i32 to index
      %swap3A_1196 = arith.index_cast %add3A_1184 : i32 to index
      %swap3A_1197 = tpu.vector_load %arg8[%swap3A_1194, %swap3A_1195, %swap3A_1196] {strides = array<i32>} : memref<3x32x1024xf32, #tpu.memory_space<vmem>>, vector<1x1x16xf32>,
      %swap3A_1198 = vector.shape_cast %swap3A_1197 : vector<1x1x16xf32> to vector<16xf32>
      %swap3A_1199 = vector.shape_cast %get3A_1190 : vector<16xf32> to vector<1x1x16xf32>
      tpu.vector_store %arg8[%swap3A_1194, %swap3A_1195, %swap3A_1196], %swap3A_1199 {add = true, strides = array<i32>} : memref<3x32x1024xf32, #tpu.memory_space<vmem>>, vector<1x1x16xf32>,
      %add3A_1200 = arith.constant 8 : i32
      %add3A_1201 = arith.addi %add3A_1200, %select_n3A : i32
      %swap3A_1202 = arith.constant 0 : i32
      %swap3A_1203 = arith.index_cast %swap3A_1202 : i32 to index
      %swap3A_1204 = arith.index_cast %add3A_1201 : i32 to index
      %swap3A_1205 = arith.index_cast %add3A_1184 : i32 to index
      %swap3A_1206 = tpu.vector_load %arg8[%swap3A_1203, %swap3A_1204, %swap3A_1205] {strides = array<i32>} : memref<3x32x1024xf32, #tpu.memory_space<vmem>>, vector<1x1x16xf32>,
      %swap3A_1207 = vector.shape_cast %swap3A_1206 : vector<1x1x16xf32> to vector<16xf32>
      %swap3A_1208 = vector.shape_cast %get3A_1190 : vector<16xf32> to vector<1x1x16xf32>
      tpu.vector_store %arg8[%swap3A_1203, %swap3A_1204, %swap3A_1205], %swap3A_1208 {add = true, strides = array<i32>} : memref<3x32x1024xf32, #tpu.memory_space<vmem>>, vector<1x1x16xf32>,
      %add3A_1209 = arith.constant 16 : i32
      %add3A_1210 = arith.addi %add3A_1209, %select_n3A : i32
      %swap3A_1211 = arith.constant 0 : i32
      %swap3A_1212 = arith.index_cast %swap3A_1211 : i32 to index
      %swap3A_1213 = arith.index_cast %add3A_1210 : i32 to index
      %swap3A_1214 = arith.index_cast %add3A_1184 : i32 to index
      %swap3A_1215 = tpu.vector_load %arg8[%swap3A_1212, %swap3A_1213, %swap3A_1214] {strides = array<i32>} : memref<3x32x1024xf32, #tpu.memory_space<vmem>>, vector<1x1x16xf32>,
      %swap3A_1216 = vector.shape_cast %swap3A_1215 : vector<1x1x16xf32> to vector<16xf32>
      %swap3A_1217 = vector.shape_cast %get3A_1190 : vector<16xf32> to vector<1x1x16xf32>
      tpu.vector_store %arg8[%swap3A_1212, %swap3A_1213, %swap3A_1214], %swap3A_1217 {add = true, strides = array<i32>} : memref<3x32x1024xf32, #tpu.memory_space<vmem>>, vector<1x1x16xf32>,
      %add3A_1218 = arith.constant 24 : i32
      %add3A_1219 = arith.addi %add3A_1218, %select_n3A : i32
      %swap3A_1220 = arith.constant 0 : i32
      %swap3A_1221 = arith.index_cast %swap3A_1220 : i32 to index
      %swap3A_1222 = arith.index_cast %add3A_1219 : i32 to index
      %swap3A_1223 = arith.index_cast %add3A_1184 : i32 to index
      %swap3A_1224 = tpu.vector_load %arg8[%swap3A_1221, %swap3A_1222, %swap3A_1223] {strides = array<i32>} : memref<3x32x1024xf32, #tpu.memory_space<vmem>>, vector<1x1x16xf32>,
      %swap3A_1225 = vector.shape_cast %swap3A_1224 : vector<1x1x16xf32> to vector<16xf32>
      %swap3A_1226 = vector.shape_cast %get3A_1190 : vector<16xf32> to vector<1x1x16xf32>
      tpu.vector_store %arg8[%swap3A_1221, %swap3A_1222, %swap3A_1223], %swap3A_1226 {add = true, strides = array<i32>} : memref<3x32x1024xf32, #tpu.memory_space<vmem>>, vector<1x1x16xf32>,
      %add3A_1227 = arith.constant 32 : i32
      %add3A_1228 = arith.addi %mul3A_1140, %add3A_1227 : i32
      %get3A_1229 = arith.constant 0 : i32
      %get3A_1230 = arith.index_cast %get3A_1229 : i32 to index
      %get3A_1231 = arith.index_cast %select_n3A : i32 to index
      %get3A_1232 = arith.index_cast %add3A_1228 : i32 to index
      %get3A_1233 = tpu.vector_load %arg7[%get3A_1230, %get3A_1231, %get3A_1232] {strides = array<i32>} : memref<3x8x1024xf32, #tpu.memory_space<vmem>>, vector<1x1x16xf32>,
      %get3A_1234 = vector.shape_cast %get3A_1233 : vector<1x1x16xf32> to vector<16xf32>
      %add3A_1235 = arith.constant 0 : i32
      %add3A_1236 = arith.addi %add3A_1235, %select_n3A : i32
      %swap3A_1237 = arith.constant 0 : i32
      %swap3A_1238 = arith.index_cast %swap3A_1237 : i32 to index
      %swap3A_1239 = arith.index_cast %add3A_1236 : i32 to index
      %swap3A_1240 = arith.index_cast %add3A_1228 : i32 to index
      %swap3A_1241 = tpu.vector_load %arg8[%swap3A_1238, %swap3A_1239, %swap3A_1240] {strides = array<i32>} : memref<3x32x1024xf32, #tpu.memory_space<vmem>>, vector<1x1x16xf32>,
      %swap3A_1242 = vector.shape_cast %swap3A_1241 : vector<1x1x16xf32> to vector<16xf32>
      %swap3A_1243 = vector.shape_cast %get3A_1234 : vector<16xf32> to vector<1x1x16xf32>
      tpu.vector_store %arg8[%swap3A_1238, %swap3A_1239, %swap3A_1240], %swap3A_1243 {add = true, strides = array<i32>} : memref<3x32x1024xf32, #tpu.memory_space<vmem>>, vector<1x1x16xf32>,
      %add3A_1244 = arith.constant 8 : i32
      %add3A_1245 = arith.addi %add3A_1244, %select_n3A : i32
      %swap3A_1246 = arith.constant 0 : i32
      %swap3A_1247 = arith.index_cast %swap3A_1246 : i32 to index
      %swap3A_1248 = arith.index_cast %add3A_1245 : i32 to index
      %swap3A_1249 = arith.index_cast %add3A_1228 : i32 to index
      %swap3A_1250 = tpu.vector_load %arg8[%swap3A_1247, %swap3A_1248, %swap3A_1249] {strides = array<i32>} : memref<3x32x1024xf32, #tpu.memory_space<vmem>>, vector<1x1x16xf32>,
      %swap3A_1251 = vector.shape_cast %swap3A_1250 : vector<1x1x16xf32> to vector<16xf32>
      %swap3A_1252 = vector.shape_cast %get3A_1234 : vector<16xf32> to vector<1x1x16xf32>
      tpu.vector_store %arg8[%swap3A_1247, %swap3A_1248, %swap3A_1249], %swap3A_1252 {add = true, strides = array<i32>} : memref<3x32x1024xf32, #tpu.memory_space<vmem>>, vector<1x1x16xf32>,
      %add3A_1253 = arith.constant 16 : i32
      %add3A_1254 = arith.addi %add3A_1253, %select_n3A : i32
      %swap3A_1255 = arith.constant 0 : i32
      %swap3A_1256 = arith.index_cast %swap3A_1255 : i32 to index
      %swap3A_1257 = arith.index_cast %add3A_1254 : i32 to index
      %swap3A_1258 = arith.index_cast %add3A_1228 : i32 to index
      %swap3A_1259 = tpu.vector_load %arg8[%swap3A_1256, %swap3A_1257, %swap3A_1258] {strides = array<i32>} : memref<3x32x1024xf32, #tpu.memory_space<vmem>>, vector<1x1x16xf32>,
      %swap3A_1260 = vector.shape_cast %swap3A_1259 : vector<1x1x16xf32> to vector<16xf32>
      %swap3A_1261 = vector.shape_cast %get3A_1234 : vector<16xf32> to vector<1x1x16xf32>
      tpu.vector_store %arg8[%swap3A_1256, %swap3A_1257, %swap3A_1258], %swap3A_1261 {add = true, strides = array<i32>} : memref<3x32x1024xf32, #tpu.memory_space<vmem>>, vector<1x1x16xf32>,
      %add3A_1262 = arith.constant 24 : i32
      %add3A_1263 = arith.addi %add3A_1262, %select_n3A : i32
      %swap3A_1264 = arith.constant 0 : i32
      %swap3A_1265 = arith.index_cast %swap3A_1264 : i32 to index
      %swap3A_1266 = arith.index_cast %add3A_1263 : i32 to index
      %swap3A_1267 = arith.index_cast %add3A_1228 : i32 to index
      %swap3A_1268 = tpu.vector_load %arg8[%swap3A_1265, %swap3A_1266, %swap3A_1267] {strides = array<i32>} : memref<3x32x1024xf32, #tpu.memory_space<vmem>>, vector<1x1x16xf32>,
      %swap3A_1269 = vector.shape_cast %swap3A_1268 : vector<1x1x16xf32> to vector<16xf32>
      %swap3A_1270 = vector.shape_cast %get3A_1234 : vector<16xf32> to vector<1x1x16xf32>
      tpu.vector_store %arg8[%swap3A_1265, %swap3A_1266, %swap3A_1267], %swap3A_1270 {add = true, strides = array<i32>} : memref<3x32x1024xf32, #tpu.memory_space<vmem>>, vector<1x1x16xf32>,
      %add3A_1271 = arith.constant 48 : i32
      %add3A_1272 = arith.addi %mul3A_1140, %add3A_1271 : i32
      %get3A_1273 = arith.constant 0 : i32
      %get3A_1274 = arith.index_cast %get3A_1273 : i32 to index
      %get3A_1275 = arith.index_cast %select_n3A : i32 to index
      %get3A_1276 = arith.index_cast %add3A_1272 : i32 to index
      %get3A_1277 = tpu.vector_load %arg7[%get3A_1274, %get3A_1275, %get3A_1276] {strides = array<i32>} : memref<3x8x1024xf32, #tpu.memory_space<vmem>>, vector<1x1x16xf32>,
      %get3A_1278 = vector.shape_cast %get3A_1277 : vector<1x1x16xf32> to vector<16xf32>
      %add3A_1279 = arith.constant 0 : i32
      %add3A_1280 = arith.addi %add3A_1279, %select_n3A : i32
      %swap3A_1281 = arith.constant 0 : i32
      %swap3A_1282 = arith.index_cast %swap3A_1281 : i32 to index
      %swap3A_1283 = arith.index_cast %add3A_1280 : i32 to index
      %swap3A_1284 = arith.index_cast %add3A_1272 : i32 to index
      %swap3A_1285 = tpu.vector_load %arg8[%swap3A_1282, %swap3A_1283, %swap3A_1284] {strides = array<i32>} : memref<3x32x1024xf32, #tpu.memory_space<vmem>>, vector<1x1x16xf32>,
      %swap3A_1286 = vector.shape_cast %swap3A_1285 : vector<1x1x16xf32> to vector<16xf32>
      %swap3A_1287 = vector.shape_cast %get3A_1278 : vector<16xf32> to vector<1x1x16xf32>
      tpu.vector_store %arg8[%swap3A_1282, %swap3A_1283, %swap3A_1284], %swap3A_1287 {add = true, strides = array<i32>} : memref<3x32x1024xf32, #tpu.memory_space<vmem>>, vector<1x1x16xf32>,
      %add3A_1288 = arith.constant 8 : i32
      %add3A_1289 = arith.addi %add3A_1288, %select_n3A : i32
      %swap3A_1290 = arith.constant 0 : i32
      %swap3A_1291 = arith.index_cast %swap3A_1290 : i32 to index
      %swap3A_1292 = arith.index_cast %add3A_1289 : i32 to index
      %swap3A_1293 = arith.index_cast %add3A_1272 : i32 to index
      %swap3A_1294 = tpu.vector_load %arg8[%swap3A_1291, %swap3A_1292, %swap3A_1293] {strides = array<i32>} : memref<3x32x1024xf32, #tpu.memory_space<vmem>>, vector<1x1x16xf32>,
      %swap3A_1295 = vector.shape_cast %swap3A_1294 : vector<1x1x16xf32> to vector<16xf32>
      %swap3A_1296 = vector.shape_cast %get3A_1278 : vector<16xf32> to vector<1x1x16xf32>
      tpu.vector_store %arg8[%swap3A_1291, %swap3A_1292, %swap3A_1293], %swap3A_1296 {add = true, strides = array<i32>} : memref<3x32x1024xf32, #tpu.memory_space<vmem>>, vector<1x1x16xf32>,
      %add3A_1297 = arith.constant 16 : i32
      %add3A_1298 = arith.addi %add3A_1297, %select_n3A : i32
      %swap3A_1299 = arith.constant 0 : i32
      %swap3A_1300 = arith.index_cast %swap3A_1299 : i32 to index
      %swap3A_1301 = arith.index_cast %add3A_1298 : i32 to index
      %swap3A_1302 = arith.index_cast %add3A_1272 : i32 to index
      %swap3A_1303 = tpu.vector_load %arg8[%swap3A_1300, %swap3A_1301, %swap3A_1302] {strides = array<i32>} : memref<3x32x1024xf32, #tpu.memory_space<vmem>>, vector<1x1x16xf32>,
      %swap3A_1304 = vector.shape_cast %swap3A_1303 : vector<1x1x16xf32> to vector<16xf32>
      %swap3A_1305 = vector.shape_cast %get3A_1278 : vector<16xf32> to vector<1x1x16xf32>
      tpu.vector_store %arg8[%swap3A_1300, %swap3A_1301, %swap3A_1302], %swap3A_1305 {add = true, strides = array<i32>} : memref<3x32x1024xf32, #tpu.memory_space<vmem>>, vector<1x1x16xf32>,
      %add3A_1306 = arith.constant 24 : i32
      %add3A_1307 = arith.addi %add3A_1306, %select_n3A : i32
      %swap3A_1308 = arith.constant 0 : i32
      %swap3A_1309 = arith.index_cast %swap3A_1308 : i32 to index
      %swap3A_1310 = arith.index_cast %add3A_1307 : i32 to index
      %swap3A_1311 = arith.index_cast %add3A_1272 : i32 to index
      %swap3A_1312 = tpu.vector_load %arg8[%swap3A_1309, %swap3A_1310, %swap3A_1311] {strides = array<i32>} : memref<3x32x1024xf32, #tpu.memory_space<vmem>>, vector<1x1x16xf32>,
      %swap3A_1313 = vector.shape_cast %swap3A_1312 : vector<1x1x16xf32> to vector<16xf32>
      %swap3A_1314 = vector.shape_cast %get3A_1278 : vector<16xf32> to vector<1x1x16xf32>
      tpu.vector_store %arg8[%swap3A_1309, %swap3A_1310, %swap3A_1311], %swap3A_1314 {add = true, strides = array<i32>} : memref<3x32x1024xf32, #tpu.memory_space<vmem>>, vector<1x1x16xf32>,
      %add3A_1315 = arith.constant 64 : i32
      %add3A_1316 = arith.addi %mul3A_1140, %add3A_1315 : i32
      %get3A_1317 = arith.constant 0 : i32
      %get3A_1318 = arith.index_cast %get3A_1317 : i32 to index
      %get3A_1319 = arith.index_cast %select_n3A : i32 to index
      %get3A_1320 = arith.index_cast %add3A_1316 : i32 to index
      %get3A_1321 = tpu.vector_load %arg7[%get3A_1318, %get3A_1319, %get3A_1320] {strides = array<i32>} : memref<3x8x1024xf32, #tpu.memory_space<vmem>>, vector<1x1x16xf32>,
      %get3A_1322 = vector.shape_cast %get3A_1321 : vector<1x1x16xf32> to vector<16xf32>
      %add3A_1323 = arith.constant 0 : i32
      %add3A_1324 = arith.addi %add3A_1323, %select_n3A : i32
      %swap3A_1325 = arith.constant 0 : i32
      %swap3A_1326 = arith.index_cast %swap3A_1325 : i32 to index
      %swap3A_1327 = arith.index_cast %add3A_1324 : i32 to index
      %swap3A_1328 = arith.index_cast %add3A_1316 : i32 to index
      %swap3A_1329 = tpu.vector_load %arg8[%swap3A_1326, %swap3A_1327, %swap3A_1328] {strides = array<i32>} : memref<3x32x1024xf32, #tpu.memory_space<vmem>>, vector<1x1x16xf32>,
      %swap3A_1330 = vector.shape_cast %swap3A_1329 : vector<1x1x16xf32> to vector<16xf32>
      %swap3A_1331 = vector.shape_cast %get3A_1322 : vector<16xf32> to vector<1x1x16xf32>
      tpu.vector_store %arg8[%swap3A_1326, %swap3A_1327, %swap3A_1328], %swap3A_1331 {add = true, strides = array<i32>} : memref<3x32x1024xf32, #tpu.memory_space<vmem>>, vector<1x1x16xf32>,
      %add3A_1332 = arith.constant 8 : i32
      %add3A_1333 = arith.addi %add3A_1332, %select_n3A : i32
      %swap3A_1334 = arith.constant 0 : i32
      %swap3A_1335 = arith.index_cast %swap3A_1334 : i32 to index
      %swap3A_1336 = arith.index_cast %add3A_1333 : i32 to index
      %swap3A_1337 = arith.index_cast %add3A_1316 : i32 to index
      %swap3A_1338 = tpu.vector_load %arg8[%swap3A_1335, %swap3A_1336, %swap3A_1337] {strides = array<i32>} : memref<3x32x1024xf32, #tpu.memory_space<vmem>>, vector<1x1x16xf32>,
      %swap3A_1339 = vector.shape_cast %swap3A_1338 : vector<1x1x16xf32> to vector<16xf32>
      %swap3A_1340 = vector.shape_cast %get3A_1322 : vector<16xf32> to vector<1x1x16xf32>
      tpu.vector_store %arg8[%swap3A_1335, %swap3A_1336, %swap3A_1337], %swap3A_1340 {add = true, strides = array<i32>} : memref<3x32x1024xf32, #tpu.memory_space<vmem>>, vector<1x1x16xf32>,
      %add3A_1341 = arith.constant 16 : i32
      %add3A_1342 = arith.addi %add3A_1341, %select_n3A : i32
      %swap3A_1343 = arith.constant 0 : i32
      %swap3A_1344 = arith.index_cast %swap3A_1343 : i32 to index
      %swap3A_1345 = arith.index_cast %add3A_1342 : i32 to index
      %swap3A_1346 = arith.index_cast %add3A_1316 : i32 to index
      %swap3A_1347 = tpu.vector_load %arg8[%swap3A_1344, %swap3A_1345, %swap3A_1346] {strides = array<i32>} : memref<3x32x1024xf32, #tpu.memory_space<vmem>>, vector<1x1x16xf32>,
      %swap3A_1348 = vector.shape_cast %swap3A_1347 : vector<1x1x16xf32> to vector<16xf32>
      %swap3A_1349 = vector.shape_cast %get3A_1322 : vector<16xf32> to vector<1x1x16xf32>
      tpu.vector_store %arg8[%swap3A_1344, %swap3A_1345, %swap3A_1346], %swap3A_1349 {add = true, strides = array<i32>} : memref<3x32x1024xf32, #tpu.memory_space<vmem>>, vector<1x1x16xf32>,
      %add3A_1350 = arith.constant 24 : i32
      %add3A_1351 = arith.addi %add3A_1350, %select_n3A : i32
      %swap3A_1352 = arith.constant 0 : i32
      %swap3A_1353 = arith.index_cast %swap3A_1352 : i32 to index
      %swap3A_1354 = arith.index_cast %add3A_1351 : i32 to index
      %swap3A_1355 = arith.index_cast %add3A_1316 : i32 to index
      %swap3A_1356 = tpu.vector_load %arg8[%swap3A_1353, %swap3A_1354, %swap3A_1355] {strides = array<i32>} : memref<3x32x1024xf32, #tpu.memory_space<vmem>>, vector<1x1x16xf32>,
      %swap3A_1357 = vector.shape_cast %swap3A_1356 : vector<1x1x16xf32> to vector<16xf32>
      %swap3A_1358 = vector.shape_cast %get3A_1322 : vector<16xf32> to vector<1x1x16xf32>
      tpu.vector_store %arg8[%swap3A_1353, %swap3A_1354, %swap3A_1355], %swap3A_1358 {add = true, strides = array<i32>} : memref<3x32x1024xf32, #tpu.memory_space<vmem>>, vector<1x1x16xf32>,
      %add3A_1359 = arith.constant 80 : i32
      %add3A_1360 = arith.addi %mul3A_1140, %add3A_1359 : i32
      %get3A_1361 = arith.constant 0 : i32
      %get3A_1362 = arith.index_cast %get3A_1361 : i32 to index
      %get3A_1363 = arith.index_cast %select_n3A : i32 to index
      %get3A_1364 = arith.index_cast %add3A_1360 : i32 to index
      %get3A_1365 = tpu.vector_load %arg7[%get3A_1362, %get3A_1363, %get3A_1364] {strides = array<i32>} : memref<3x8x1024xf32, #tpu.memory_space<vmem>>, vector<1x1x16xf32>,
      %get3A_1366 = vector.shape_cast %get3A_1365 : vector<1x1x16xf32> to vector<16xf32>
      %add3A_1367 = arith.constant 0 : i32
      %add3A_1368 = arith.addi %add3A_1367, %select_n3A : i32
      %swap3A_1369 = arith.constant 0 : i32
      %swap3A_1370 = arith.index_cast %swap3A_1369 : i32 to index
      %swap3A_1371 = arith.index_cast %add3A_1368 : i32 to index
      %swap3A_1372 = arith.index_cast %add3A_1360 : i32 to index
      %swap3A_1373 = tpu.vector_load %arg8[%swap3A_1370, %swap3A_1371, %swap3A_1372] {strides = array<i32>} : memref<3x32x1024xf32, #tpu.memory_space<vmem>>, vector<1x1x16xf32>,
      %swap3A_1374 = vector.shape_cast %swap3A_1373 : vector<1x1x16xf32> to vector<16xf32>
      %swap3A_1375 = vector.shape_cast %get3A_1366 : vector<16xf32> to vector<1x1x16xf32>
      tpu.vector_store %arg8[%swap3A_1370, %swap3A_1371, %swap3A_1372], %swap3A_1375 {add = true, strides = array<i32>} : memref<3x32x1024xf32, #tpu.memory_space<vmem>>, vector<1x1x16xf32>,
      %add3A_1376 = arith.constant 8 : i32
      %add3A_1377 = arith.addi %add3A_1376, %select_n3A : i32
      %swap3A_1378 = arith.constant 0 : i32
      %swap3A_1379 = arith.index_cast %swap3A_1378 : i32 to index
      %swap3A_1380 = arith.index_cast %add3A_1377 : i32 to index
      %swap3A_1381 = arith.index_cast %add3A_1360 : i32 to index
      %swap3A_1382 = tpu.vector_load %arg8[%swap3A_1379, %swap3A_1380, %swap3A_1381] {strides = array<i32>} : memref<3x32x1024xf32, #tpu.memory_space<vmem>>, vector<1x1x16xf32>,
      %swap3A_1383 = vector.shape_cast %swap3A_1382 : vector<1x1x16xf32> to vector<16xf32>
      %swap3A_1384 = vector.shape_cast %get3A_1366 : vector<16xf32> to vector<1x1x16xf32>
      tpu.vector_store %arg8[%swap3A_1379, %swap3A_1380, %swap3A_1381], %swap3A_1384 {add = true, strides = array<i32>} : memref<3x32x1024xf32, #tpu.memory_space<vmem>>, vector<1x1x16xf32>,
      %add3A_1385 = arith.constant 16 : i32
      %add3A_1386 = arith.addi %add3A_1385, %select_n3A : i32
      %swap3A_1387 = arith.constant 0 : i32
      %swap3A_1388 = arith.index_cast %swap3A_1387 : i32 to index
      %swap3A_1389 = arith.index_cast %add3A_1386 : i32 to index
      %swap3A_1390 = arith.index_cast %add3A_1360 : i32 to index
      %swap3A_1391 = tpu.vector_load %arg8[%swap3A_1388, %swap3A_1389, %swap3A_1390] {strides = array<i32>} : memref<3x32x1024xf32, #tpu.memory_space<vmem>>, vector<1x1x16xf32>,
      %swap3A_1392 = vector.shape_cast %swap3A_1391 : vector<1x1x16xf32> to vector<16xf32>
      %swap3A_1393 = vector.shape_cast %get3A_1366 : vector<16xf32> to vector<1x1x16xf32>
      tpu.vector_store %arg8[%swap3A_1388, %swap3A_1389, %swap3A_1390], %swap3A_1393 {add = true, strides = array<i32>} : memref<3x32x1024xf32, #tpu.memory_space<vmem>>, vector<1x1x16xf32>,
      %add3A_1394 = arith.constant 24 : i32
      %add3A_1395 = arith.addi %add3A_1394, %select_n3A : i32
      %swap3A_1396 = arith.constant 0 : i32
      %swap3A_1397 = arith.index_cast %swap3A_1396 : i32 to index
      %swap3A_1398 = arith.index_cast %add3A_1395 : i32 to index
      %swap3A_1399 = arith.index_cast %add3A_1360 : i32 to index
      %swap3A_1400 = tpu.vector_load %arg8[%swap3A_1397, %swap3A_1398, %swap3A_1399] {strides = array<i32>} : memref<3x32x1024xf32, #tpu.memory_space<vmem>>, vector<1x1x16xf32>,
      %swap3A_1401 = vector.shape_cast %swap3A_1400 : vector<1x1x16xf32> to vector<16xf32>
      %swap3A_1402 = vector.shape_cast %get3A_1366 : vector<16xf32> to vector<1x1x16xf32>
      tpu.vector_store %arg8[%swap3A_1397, %swap3A_1398, %swap3A_1399], %swap3A_1402 {add = true, strides = array<i32>} : memref<3x32x1024xf32, #tpu.memory_space<vmem>>, vector<1x1x16xf32>,
      %add3A_1403 = arith.constant 96 : i32
      %add3A_1404 = arith.addi %mul3A_1140, %add3A_1403 : i32
      %get3A_1405 = arith.constant 0 : i32
      %get3A_1406 = arith.index_cast %get3A_1405 : i32 to index
      %get3A_1407 = arith.index_cast %select_n3A : i32 to index
      %get3A_1408 = arith.index_cast %add3A_1404 : i32 to index
      %get3A_1409 = tpu.vector_load %arg7[%get3A_1406, %get3A_1407, %get3A_1408] {strides = array<i32>} : memref<3x8x1024xf32, #tpu.memory_space<vmem>>, vector<1x1x16xf32>,
      %get3A_1410 = vector.shape_cast %get3A_1409 : vector<1x1x16xf32> to vector<16xf32>
      %add3A_1411 = arith.constant 0 : i32
      %add3A_1412 = arith.addi %add3A_1411, %select_n3A : i32
      %swap3A_1413 = arith.constant 0 : i32
      %swap3A_1414 = arith.index_cast %swap3A_1413 : i32 to index
      %swap3A_1415 = arith.index_cast %add3A_1412 : i32 to index
      %swap3A_1416 = arith.index_cast %add3A_1404 : i32 to index
      %swap3A_1417 = tpu.vector_load %arg8[%swap3A_1414, %swap3A_1415, %swap3A_1416] {strides = array<i32>} : memref<3x32x1024xf32, #tpu.memory_space<vmem>>, vector<1x1x16xf32>,
      %swap3A_1418 = vector.shape_cast %swap3A_1417 : vector<1x1x16xf32> to vector<16xf32>
      %swap3A_1419 = vector.shape_cast %get3A_1410 : vector<16xf32> to vector<1x1x16xf32>
      tpu.vector_store %arg8[%swap3A_1414, %swap3A_1415, %swap3A_1416], %swap3A_1419 {add = true, strides = array<i32>} : memref<3x32x1024xf32, #tpu.memory_space<vmem>>, vector<1x1x16xf32>,
      %add3A_1420 = arith.constant 8 : i32
      %add3A_1421 = arith.addi %add3A_1420, %select_n3A : i32
      %swap3A_1422 = arith.constant 0 : i32
      %swap3A_1423 = arith.index_cast %swap3A_1422 : i32 to index
      %swap3A_1424 = arith.index_cast %add3A_1421 : i32 to index
      %swap3A_1425 = arith.index_cast %add3A_1404 : i32 to index
      %swap3A_1426 = tpu.vector_load %arg8[%swap3A_1423, %swap3A_1424, %swap3A_1425] {strides = array<i32>} : memref<3x32x1024xf32, #tpu.memory_space<vmem>>, vector<1x1x16xf32>,
      %swap3A_1427 = vector.shape_cast %swap3A_1426 : vector<1x1x16xf32> to vector<16xf32>
      %swap3A_1428 = vector.shape_cast %get3A_1410 : vector<16xf32> to vector<1x1x16xf32>
      tpu.vector_store %arg8[%swap3A_1423, %swap3A_1424, %swap3A_1425], %swap3A_1428 {add = true, strides = array<i32>} : memref<3x32x1024xf32, #tpu.memory_space<vmem>>, vector<1x1x16xf32>,
      %add3A_1429 = arith.constant 16 : i32
      %add3A_1430 = arith.addi %add3A_1429, %select_n3A : i32
      %swap3A_1431 = arith.constant 0 : i32
      %swap3A_1432 = arith.index_cast %swap3A_1431 : i32 to index
      %swap3A_1433 = arith.index_cast %add3A_1430 : i32 to index
      %swap3A_1434 = arith.index_cast %add3A_1404 : i32 to index
      %swap3A_1435 = tpu.vector_load %arg8[%swap3A_1432, %swap3A_1433, %swap3A_1434] {strides = array<i32>} : memref<3x32x1024xf32, #tpu.memory_space<vmem>>, vector<1x1x16xf32>,
      %swap3A_1436 = vector.shape_cast %swap3A_1435 : vector<1x1x16xf32> to vector<16xf32>
      %swap3A_1437 = vector.shape_cast %get3A_1410 : vector<16xf32> to vector<1x1x16xf32>
      tpu.vector_store %arg8[%swap3A_1432, %swap3A_1433, %swap3A_1434], %swap3A_1437 {add = true, strides = array<i32>} : memref<3x32x1024xf32, #tpu.memory_space<vmem>>, vector<1x1x16xf32>,
      %add3A_1438 = arith.constant 24 : i32
      %add3A_1439 = arith.addi %add3A_1438, %select_n3A : i32
      %swap3A_1440 = arith.constant 0 : i32
      %swap3A_1441 = arith.index_cast %swap3A_1440 : i32 to index
      %swap3A_1442 = arith.index_cast %add3A_1439 : i32 to index
      %swap3A_1443 = arith.index_cast %add3A_1404 : i32 to index
      %swap3A_1444 = tpu.vector_load %arg8[%swap3A_1441, %swap3A_1442, %swap3A_1443] {strides = array<i32>} : memref<3x32x1024xf32, #tpu.memory_space<vmem>>, vector<1x1x16xf32>,
      %swap3A_1445 = vector.shape_cast %swap3A_1444 : vector<1x1x16xf32> to vector<16xf32>
      %swap3A_1446 = vector.shape_cast %get3A_1410 : vector<16xf32> to vector<1x1x16xf32>
      tpu.vector_store %arg8[%swap3A_1441, %swap3A_1442, %swap3A_1443], %swap3A_1446 {add = true, strides = array<i32>} : memref<3x32x1024xf32, #tpu.memory_space<vmem>>, vector<1x1x16xf32>,
      %add3A_1447 = arith.constant 112 : i32
      %add3A_1448 = arith.addi %mul3A_1140, %add3A_1447 : i32
      %get3A_1449 = arith.constant 0 : i32
      %get3A_1450 = arith.index_cast %get3A_1449 : i32 to index
      %get3A_1451 = arith.index_cast %select_n3A : i32 to index
      %get3A_1452 = arith.index_cast %add3A_1448 : i32 to index
      %get3A_1453 = tpu.vector_load %arg7[%get3A_1450, %get3A_1451, %get3A_1452] {strides = array<i32>} : memref<3x8x1024xf32, #tpu.memory_space<vmem>>, vector<1x1x16xf32>,
      %get3A_1454 = vector.shape_cast %get3A_1453 : vector<1x1x16xf32> to vector<16xf32>
      %add3A_1455 = arith.constant 0 : i32
      %add3A_1456 = arith.addi %add3A_1455, %select_n3A : i32
      %swap3A_1457 = arith.constant 0 : i32
      %swap3A_1458 = arith.index_cast %swap3A_1457 : i32 to index
      %swap3A_1459 = arith.index_cast %add3A_1456 : i32 to index
      %swap3A_1460 = arith.index_cast %add3A_1448 : i32 to index
      %swap3A_1461 = tpu.vector_load %arg8[%swap3A_1458, %swap3A_1459, %swap3A_1460] {strides = array<i32>} : memref<3x32x1024xf32, #tpu.memory_space<vmem>>, vector<1x1x16xf32>,
      %swap3A_1462 = vector.shape_cast %swap3A_1461 : vector<1x1x16xf32> to vector<16xf32>
      %swap3A_1463 = vector.shape_cast %get3A_1454 : vector<16xf32> to vector<1x1x16xf32>
      tpu.vector_store %arg8[%swap3A_1458, %swap3A_1459, %swap3A_1460], %swap3A_1463 {add = true, strides = array<i32>} : memref<3x32x1024xf32, #tpu.memory_space<vmem>>, vector<1x1x16xf32>,
      %add3A_1464 = arith.constant 8 : i32
      %add3A_1465 = arith.addi %add3A_1464, %select_n3A : i32
      %swap3A_1466 = arith.constant 0 : i32
      %swap3A_1467 = arith.index_cast %swap3A_1466 : i32 to index
      %swap3A_1468 = arith.index_cast %add3A_1465 : i32 to index
      %swap3A_1469 = arith.index_cast %add3A_1448 : i32 to index
      %swap3A_1470 = tpu.vector_load %arg8[%swap3A_1467, %swap3A_1468, %swap3A_1469] {strides = array<i32>} : memref<3x32x1024xf32, #tpu.memory_space<vmem>>, vector<1x1x16xf32>,
      %swap3A_1471 = vector.shape_cast %swap3A_1470 : vector<1x1x16xf32> to vector<16xf32>
      %swap3A_1472 = vector.shape_cast %get3A_1454 : vector<16xf32> to vector<1x1x16xf32>
      tpu.vector_store %arg8[%swap3A_1467, %swap3A_1468, %swap3A_1469], %swap3A_1472 {add = true, strides = array<i32>} : memref<3x32x1024xf32, #tpu.memory_space<vmem>>, vector<1x1x16xf32>,
      %add3A_1473 = arith.constant 16 : i32
      %add3A_1474 = arith.addi %add3A_1473, %select_n3A : i32
      %swap3A_1475 = arith.constant 0 : i32
      %swap3A_1476 = arith.index_cast %swap3A_1475 : i32 to index
      %swap3A_1477 = arith.index_cast %add3A_1474 : i32 to index
      %swap3A_1478 = arith.index_cast %add3A_1448 : i32 to index
      %swap3A_1479 = tpu.vector_load %arg8[%swap3A_1476, %swap3A_1477, %swap3A_1478] {strides = array<i32>} : memref<3x32x1024xf32, #tpu.memory_space<vmem>>, vector<1x1x16xf32>,
      %swap3A_1480 = vector.shape_cast %swap3A_1479 : vector<1x1x16xf32> to vector<16xf32>
      %swap3A_1481 = vector.shape_cast %get3A_1454 : vector<16xf32> to vector<1x1x16xf32>
      tpu.vector_store %arg8[%swap3A_1476, %swap3A_1477, %swap3A_1478], %swap3A_1481 {add = true, strides = array<i32>} : memref<3x32x1024xf32, #tpu.memory_space<vmem>>, vector<1x1x16xf32>,
      %add3A_1482 = arith.constant 24 : i32
      %add3A_1483 = arith.addi %add3A_1482, %select_n3A : i32
      %swap3A_1484 = arith.constant 0 : i32
      %swap3A_1485 = arith.index_cast %swap3A_1484 : i32 to index
      %swap3A_1486 = arith.index_cast %add3A_1483 : i32 to index
      %swap3A_1487 = arith.index_cast %add3A_1448 : i32 to index
      %swap3A_1488 = tpu.vector_load %arg8[%swap3A_1485, %swap3A_1486, %swap3A_1487] {strides = array<i32>} : memref<3x32x1024xf32, #tpu.memory_space<vmem>>, vector<1x1x16xf32>,
      %swap3A_1489 = vector.shape_cast %swap3A_1488 : vector<1x1x16xf32> to vector<16xf32>
      %swap3A_1490 = vector.shape_cast %get3A_1454 : vector<16xf32> to vector<1x1x16xf32>
      tpu.vector_store %arg8[%swap3A_1485, %swap3A_1486, %swap3A_1487], %swap3A_1490 {add = true, strides = array<i32>} : memref<3x32x1024xf32, #tpu.memory_space<vmem>>, vector<1x1x16xf32>,
      %scan3A_1491 = arith.constant 0 : i32
      scf.yield %scan3A_1491 : i32
    }
    %scan3A_736 = arith.constant 64 : i32
    %add3A_737 = arith.constant 48 : i32
    %add3A_738 = arith.addi %mul3A_2, %add3A_737 : i32
    %dma_start3A_739 = arith.constant 0 : i32
    %dma_start3A_740 = arith.constant 0 : i32
    %dma_start3A_741 = arith.constant 0 : i32
    %dma_start3A_742 = arith.constant 0 : i32
    %dma_start3A_743 = tpu.memref_slice %arg8[%dma_start3A_739, %dma_start3A_741, %dma_start3A_742] : memref<3x32x1024xf32, #tpu.memory_space<vmem>> -> memref<1x8x1024xf32, #tpu.memory_space<vmem>>
    %dma_start3A_744 = tpu.memref_squeeze %dma_start3A_743 : memref<1x8x1024xf32, #tpu.memory_space<vmem>> -> memref<8x1024xf32, #tpu.memory_space<vmem>>
    %dma_start3A_745 = arith.constant 0 : i32
    %dma_start3A_746 = tpu.memref_slice %arg5[%dma_start3A_740, %add3A_738, %dma_start3A_745] : memref<4x2048x1024xf32, #tpu.memory_space<hbm>> -> memref<1x8x1024xf32, #tpu.memory_space<hbm>>
    %dma_start3A_747 = tpu.memref_squeeze %dma_start3A_746 : memref<1x8x1024xf32, #tpu.memory_space<hbm>> -> memref<8x1024xf32, #tpu.memory_space<hbm>>
    %dma_start3A_748 = arith.constant 0 : i32
    %dma_start3A_749 = tpu.memref_slice %arg5[%dma_start3A_740, %add3A_738, %dma_start3A_748] : memref<4x2048x1024xf32, #tpu.memory_space<hbm>> -> memref<1x8x1024xf32, #tpu.memory_space<hbm>>
    %dma_start3A_750 = tpu.memref_squeeze %dma_start3A_749 : memref<1x8x1024xf32, #tpu.memory_space<hbm>> -> memref<8x1024xf32, #tpu.memory_space<hbm>>
    %dma_start3A_751 = arith.constant 0 : i32
    %dma_start3A_752 = arith.constant 0 : i32
    %dma_start3A_753 = tpu.memref_slice %arg8[%dma_start3A_739, %dma_start3A_751, %dma_start3A_752] : memref<3x32x1024xf32, #tpu.memory_space<vmem>> -> memref<1x8x1024xf32, #tpu.memory_space<vmem>>
    %dma_start3A_754 = tpu.memref_squeeze %dma_start3A_753 : memref<1x8x1024xf32, #tpu.memory_space<vmem>> -> memref<8x1024xf32, #tpu.memory_space<vmem>>
    tpu.enqueue_dma source(%dma_start3A_754 : memref<8x1024xf32, #tpu.memory_space<vmem>>) target(%dma_start3A_750 : memref<8x1024xf32, #tpu.memory_space<hbm>>) target_semaphore(%arg15 : memref<!tpu.dma_semaphore, #tpu.memory_space<semaphore_mem>>)
    %dma_start3A_755 = arith.constant 0 : i32
    %dma_start3A_756 = arith.constant 1 : i32
    %dma_start3A_757 = arith.constant 8 : i32
    %dma_start3A_758 = arith.constant 0 : i32
    %dma_start3A_759 = tpu.memref_slice %arg8[%dma_start3A_755, %dma_start3A_757, %dma_start3A_758] : memref<3x32x1024xf32, #tpu.memory_space<vmem>> -> memref<1x8x1024xf32, #tpu.memory_space<vmem>>
    %dma_start3A_760 = tpu.memref_squeeze %dma_start3A_759 : memref<1x8x1024xf32, #tpu.memory_space<vmem>> -> memref<8x1024xf32, #tpu.memory_space<vmem>>
    %dma_start3A_761 = arith.constant 0 : i32
    %dma_start3A_762 = tpu.memref_slice %arg5[%dma_start3A_756, %add3A_738, %dma_start3A_761] : memref<4x2048x1024xf32, #tpu.memory_space<hbm>> -> memref<1x8x1024xf32, #tpu.memory_space<hbm>>
    %dma_start3A_763 = tpu.memref_squeeze %dma_start3A_762 : memref<1x8x1024xf32, #tpu.memory_space<hbm>> -> memref<8x1024xf32, #tpu.memory_space<hbm>>
    %dma_start3A_764 = arith.constant 0 : i32
    %dma_start3A_765 = tpu.memref_slice %arg5[%dma_start3A_756, %add3A_738, %dma_start3A_764] : memref<4x2048x1024xf32, #tpu.memory_space<hbm>> -> memref<1x8x1024xf32, #tpu.memory_space<hbm>>
    %dma_start3A_766 = tpu.memref_squeeze %dma_start3A_765 : memref<1x8x1024xf32, #tpu.memory_space<hbm>> -> memref<8x1024xf32, #tpu.memory_space<hbm>>
    %dma_start3A_767 = arith.constant 8 : i32
    %dma_start3A_768 = arith.constant 0 : i32
    %dma_start3A_769 = tpu.memref_slice %arg8[%dma_start3A_755, %dma_start3A_767, %dma_start3A_768] : memref<3x32x1024xf32, #tpu.memory_space<vmem>> -> memref<1x8x1024xf32, #tpu.memory_space<vmem>>
    %dma_start3A_770 = tpu.memref_squeeze %dma_start3A_769 : memref<1x8x1024xf32, #tpu.memory_space<vmem>> -> memref<8x1024xf32, #tpu.memory_space<vmem>>
    tpu.enqueue_dma source(%dma_start3A_770 : memref<8x1024xf32, #tpu.memory_space<vmem>>) target(%dma_start3A_766 : memref<8x1024xf32, #tpu.memory_space<hbm>>) target_semaphore(%arg15 : memref<!tpu.dma_semaphore, #tpu.memory_space<semaphore_mem>>)
    %dma_start3A_771 = arith.constant 0 : i32
    %dma_start3A_772 = arith.constant 2 : i32
    %dma_start3A_773 = arith.constant 16 : i32
    %dma_start3A_774 = arith.constant 0 : i32
    %dma_start3A_775 = tpu.memref_slice %arg8[%dma_start3A_771, %dma_start3A_773, %dma_start3A_774] : memref<3x32x1024xf32, #tpu.memory_space<vmem>> -> memref<1x8x1024xf32, #tpu.memory_space<vmem>>
    %dma_start3A_776 = tpu.memref_squeeze %dma_start3A_775 : memref<1x8x1024xf32, #tpu.memory_space<vmem>> -> memref<8x1024xf32, #tpu.memory_space<vmem>>
    %dma_start3A_777 = arith.constant 0 : i32
    %dma_start3A_778 = tpu.memref_slice %arg5[%dma_start3A_772, %add3A_738, %dma_start3A_777] : memref<4x2048x1024xf32, #tpu.memory_space<hbm>> -> memref<1x8x1024xf32, #tpu.memory_space<hbm>>
    %dma_start3A_779 = tpu.memref_squeeze %dma_start3A_778 : memref<1x8x1024xf32, #tpu.memory_space<hbm>> -> memref<8x1024xf32, #tpu.memory_space<hbm>>
    %dma_start3A_780 = arith.constant 0 : i32
    %dma_start3A_781 = tpu.memref_slice %arg5[%dma_start3A_772, %add3A_738, %dma_start3A_780] : memref<4x2048x1024xf32, #tpu.memory_space<hbm>> -> memref<1x8x1024xf32, #tpu.memory_space<hbm>>
    %dma_start3A_782 = tpu.memref_squeeze %dma_start3A_781 : memref<1x8x1024xf32, #tpu.memory_space<hbm>> -> memref<8x1024xf32, #tpu.memory_space<hbm>>
    %dma_start3A_783 = arith.constant 16 : i32
    %dma_start3A_784 = arith.constant 0 : i32
    %dma_start3A_785 = tpu.memref_slice %arg8[%dma_start3A_771, %dma_start3A_783, %dma_start3A_784] : memref<3x32x1024xf32, #tpu.memory_space<vmem>> -> memref<1x8x1024xf32, #tpu.memory_space<vmem>>
    %dma_start3A_786 = tpu.memref_squeeze %dma_start3A_785 : memref<1x8x1024xf32, #tpu.memory_space<vmem>> -> memref<8x1024xf32, #tpu.memory_space<vmem>>
    tpu.enqueue_dma source(%dma_start3A_786 : memref<8x1024xf32, #tpu.memory_space<vmem>>) target(%dma_start3A_782 : memref<8x1024xf32, #tpu.memory_space<hbm>>) target_semaphore(%arg15 : memref<!tpu.dma_semaphore, #tpu.memory_space<semaphore_mem>>)
    %dma_start3A_787 = arith.constant 0 : i32
    %dma_start3A_788 = arith.constant 3 : i32
    %dma_start3A_789 = arith.constant 24 : i32
    %dma_start3A_790 = arith.constant 0 : i32
    %dma_start3A_791 = tpu.memref_slice %arg8[%dma_start3A_787, %dma_start3A_789, %dma_start3A_790] : memref<3x32x1024xf32, #tpu.memory_space<vmem>> -> memref<1x8x1024xf32, #tpu.memory_space<vmem>>
    %dma_start3A_792 = tpu.memref_squeeze %dma_start3A_791 : memref<1x8x1024xf32, #tpu.memory_space<vmem>> -> memref<8x1024xf32, #tpu.memory_space<vmem>>
    %dma_start3A_793 = arith.constant 0 : i32
    %dma_start3A_794 = tpu.memref_slice %arg5[%dma_start3A_788, %add3A_738, %dma_start3A_793] : memref<4x2048x1024xf32, #tpu.memory_space<hbm>> -> memref<1x8x1024xf32, #tpu.memory_space<hbm>>
    %dma_start3A_795 = tpu.memref_squeeze %dma_start3A_794 : memref<1x8x1024xf32, #tpu.memory_space<hbm>> -> memref<8x1024xf32, #tpu.memory_space<hbm>>
    %dma_start3A_796 = arith.constant 0 : i32
    %dma_start3A_797 = tpu.memref_slice %arg5[%dma_start3A_788, %add3A_738, %dma_start3A_796] : memref<4x2048x1024xf32, #tpu.memory_space<hbm>> -> memref<1x8x1024xf32, #tpu.memory_space<hbm>>
    %dma_start3A_798 = tpu.memref_squeeze %dma_start3A_797 : memref<1x8x1024xf32, #tpu.memory_space<hbm>> -> memref<8x1024xf32, #tpu.memory_space<hbm>>
    %dma_start3A_799 = arith.constant 24 : i32
    %dma_start3A_800 = arith.constant 0 : i32
    %dma_start3A_801 = tpu.memref_slice %arg8[%dma_start3A_787, %dma_start3A_799, %dma_start3A_800] : memref<3x32x1024xf32, #tpu.memory_space<vmem>> -> memref<1x8x1024xf32, #tpu.memory_space<vmem>>
    %dma_start3A_802 = tpu.memref_squeeze %dma_start3A_801 : memref<1x8x1024xf32, #tpu.memory_space<vmem>> -> memref<8x1024xf32, #tpu.memory_space<vmem>>
    tpu.enqueue_dma source(%dma_start3A_802 : memref<8x1024xf32, #tpu.memory_space<vmem>>) target(%dma_start3A_798 : memref<8x1024xf32, #tpu.memory_space<hbm>>) target_semaphore(%arg15 : memref<!tpu.dma_semaphore, #tpu.memory_space<semaphore_mem>>)
    %dma_wait3A_803 = arith.constant 0 : i32
    %dma_wait3A_804 = arith.constant 1 : i32
    %dma_wait3A_805 = arith.constant 0 : i32
    %dma_wait3A_806 = arith.constant 0 : i32
    %dma_wait3A_807 = tpu.memref_slice %arg8[%dma_wait3A_804, %dma_wait3A_805, %dma_wait3A_806] : memref<3x32x1024xf32, #tpu.memory_space<vmem>> -> memref<1x32x1024xf32, #tpu.memory_space<vmem>>
    %dma_wait3A_808 = tpu.memref_squeeze %dma_wait3A_807 : memref<1x32x1024xf32, #tpu.memory_space<vmem>> -> memref<32x1024xf32, #tpu.memory_space<vmem>>
    %dma_wait3A_809 = arith.constant 0 : i32
    %dma_wait3A_810 = arith.constant 0 : i32
    %dma_wait3A_811 = tpu.memref_slice %arg5[%dma_wait3A_803, %dma_wait3A_809, %dma_wait3A_810] : memref<4x2048x1024xf32, #tpu.memory_space<hbm>> -> memref<1x32x1024xf32, #tpu.memory_space<hbm>>
    %dma_wait3A_812 = tpu.memref_squeeze %dma_wait3A_811 : memref<1x32x1024xf32, #tpu.memory_space<hbm>> -> memref<32x1024xf32, #tpu.memory_space<hbm>>
    %dma_wait3A_813 = arith.constant 0 : i32
    %dma_wait3A_814 = arith.constant 0 : i32
    %dma_wait3A_815 = tpu.memref_slice %arg8[%dma_wait3A_804, %dma_wait3A_813, %dma_wait3A_814] : memref<3x32x1024xf32, #tpu.memory_space<vmem>> -> memref<1x32x1024xf32, #tpu.memory_space<vmem>>
    %dma_wait3A_816 = tpu.memref_squeeze %dma_wait3A_815 : memref<1x32x1024xf32, #tpu.memory_space<vmem>> -> memref<32x1024xf32, #tpu.memory_space<vmem>>
    %dma_wait3A_817 = arith.constant 0 : i32
    %dma_wait3A_818 = arith.constant 0 : i32
    %dma_wait3A_819 = tpu.memref_slice %arg5[%dma_wait3A_803, %dma_wait3A_817, %dma_wait3A_818] : memref<4x2048x1024xf32, #tpu.memory_space<hbm>> -> memref<1x32x1024xf32, #tpu.memory_space<hbm>>
    %dma_wait3A_820 = tpu.memref_squeeze %dma_wait3A_819 : memref<1x32x1024xf32, #tpu.memory_space<hbm>> -> memref<32x1024xf32, #tpu.memory_space<hbm>>
    tpu.wait_dma2 semaphore(%arg10 : memref<!tpu.dma_semaphore, #tpu.memory_space<semaphore_mem>>) src(%dma_wait3A_820 : memref<32x1024xf32, #tpu.memory_space<hbm>>) dst(%dma_wait3A_816 : memref<32x1024xf32, #tpu.memory_space<vmem>>)
    %add3A_821 = arith.constant 56 : i32
    %add3A_822 = arith.addi %mul3A_2, %add3A_821 : i32
    %dma_wait3A_823 = arith.constant 1 : i32
    %dma_wait3A_824 = arith.constant 0 : i32
    %dma_wait3A_825 = arith.constant 0 : i32
    %dma_wait3A_826 = tpu.memref_slice %arg7[%dma_wait3A_823, %dma_wait3A_824, %dma_wait3A_825] : memref<3x8x1024xf32, #tpu.memory_space<vmem>> -> memref<1x8x1024xf32, #tpu.memory_space<vmem>>
    %dma_wait3A_827 = tpu.memref_squeeze %dma_wait3A_826 : memref<1x8x1024xf32, #tpu.memory_space<vmem>> -> memref<8x1024xf32, #tpu.memory_space<vmem>>
    %dma_wait3A_828 = arith.constant 0 : i32
    %dma_wait3A_829 = tpu.memref_slice %arg3[%add3A_822, %dma_wait3A_828] : memref<2048x1024xf32, #tpu.memory_space<hbm>> -> memref<8x1024xf32, #tpu.memory_space<hbm>>
    %dma_wait3A_830 = arith.constant 0 : i32
    %dma_wait3A_831 = arith.constant 0 : i32
    %dma_wait3A_832 = tpu.memref_slice %arg7[%dma_wait3A_823, %dma_wait3A_830, %dma_wait3A_831] : memref<3x8x1024xf32, #tpu.memory_space<vmem>> -> memref<1x8x1024xf32, #tpu.memory_space<vmem>>
    %dma_wait3A_833 = tpu.memref_squeeze %dma_wait3A_832 : memref<1x8x1024xf32, #tpu.memory_space<vmem>> -> memref<8x1024xf32, #tpu.memory_space<vmem>>
    %dma_wait3A_834 = arith.constant 0 : i32
    %dma_wait3A_835 = tpu.memref_slice %arg3[%add3A_822, %dma_wait3A_834] : memref<2048x1024xf32, #tpu.memory_space<hbm>> -> memref<8x1024xf32, #tpu.memory_space<hbm>>
    tpu.wait_dma2 semaphore(%arg13 : memref<!tpu.dma_semaphore, #tpu.memory_space<semaphore_mem>>) src(%dma_wait3A_835 : memref<8x1024xf32, #tpu.memory_space<hbm>>) dst(%dma_wait3A_833 : memref<8x1024xf32, #tpu.memory_space<vmem>>)
    %scan3A_836 = arith.constant 0 : i32
    %scan3A_837 = arith.constant 0 : i32
    %scan3A_838 = arith.constant 64 : i32
    %scan3A_839 = arith.addi %scan3A_837, %scan3A_838 : i32
    %scan3A_840 = arith.constant 1 : i32
    %scan3A_841 = scf.for %scan3A_1107 = %scan3A_837 to %scan3A_839 step %scan3A_840 iter_args(%scan3A_1108 = %scan3A_836) -> (i32)  : i32 {
      %jit3A = arith.constant 8 : i32
      %div3A = arith.divsi %scan3A_1107, %jit3A : i32
      %sign3A = arith.constant 0 : i32
      %sign3A_1109 = arith.cmpi sgt, %scan3A_1107, %sign3A : i32
      %sign3A_1110 = arith.extui %sign3A_1109 : i1 to i32
      %sign3A_1111 = arith.constant 0 : i32
      %sign3A_1112 = arith.cmpi slt, %scan3A_1107, %sign3A_1111 : i32
      %sign3A_1113 = arith.extui %sign3A_1112 : i1 to i32
      %sign3A_1114 = arith.subi %sign3A_1110, %sign3A_1113 : i32
      %sign3A_1115 = arith.constant 0 : i32
      %sign3A_1116 = arith.cmpi sgt, %jit3A, %sign3A_1115 : i32
      %sign3A_1117 = arith.extui %sign3A_1116 : i1 to i32
      %sign3A_1118 = arith.constant 0 : i32
      %sign3A_1119 = arith.cmpi slt, %jit3A, %sign3A_1118 : i32
      %sign3A_1120 = arith.extui %sign3A_1119 : i1 to i32
      %sign3A_1121 = arith.subi %sign3A_1117, %sign3A_1120 : i32
      %ne3A = arith.cmpi ne, %sign3A_1114, %sign3A_1121 : i32
      %rem3A = arith.remsi %scan3A_1107, %jit3A : i32
      %ne3A_1122 = arith.constant 0 : i32
      %ne3A_1123 = arith.cmpi ne, %rem3A, %ne3A_1122 : i32
      %and3A = arith.andi %ne3A, %ne3A_1123 : i1
      %sub3A = arith.constant 1 : i32
      %sub3A_1124 = arith.subi %div3A, %sub3A : i32
      %select_n3A = arith.select %and3A, %sub3A_1124, %div3A : i32
      %jit3A_1125 = arith.constant 8 : i32
      %eq3A = arith.constant 0 : i32
      %eq3A_1126 = arith.cmpi eq, %jit3A_1125, %eq3A : i32
      %jit3A_1127 = arith.constant 1 : i32
      %select_n3A_1128 = arith.select %eq3A_1126, %jit3A_1127, %jit3A_1125 : i32
      %rem3A_1129 = arith.remsi %scan3A_1107, %select_n3A_1128 : i32
      %ne3A_1130 = arith.constant 0 : i32
      %ne3A_1131 = arith.cmpi ne, %rem3A_1129, %ne3A_1130 : i32
      %lt3A = arith.constant 0 : i32
      %lt3A_1132 = arith.cmpi slt, %rem3A_1129, %lt3A : i32
      %lt3A_1133 = arith.constant 0 : i32
      %lt3A_1134 = arith.cmpi slt, %select_n3A_1128, %lt3A_1133 : i32
      %ne3A_1135 = arith.xori %lt3A_1132, %lt3A_1134 : i1
      %and3A_1136 = arith.andi %ne3A_1135, %ne3A_1131 : i1
      %add3A_1137 = arith.addi %rem3A_1129, %select_n3A_1128 : i32
      %select_n3A_1138 = arith.select %and3A_1136, %add3A_1137, %rem3A_1129 : i32
      %mul3A_1139 = arith.constant 128 : i32
      %mul3A_1140 = arith.muli %select_n3A_1138, %mul3A_1139 : i32
      %add3A_1141 = arith.constant 0 : i32
      %add3A_1142 = arith.addi %mul3A_1140, %add3A_1141 : i32
      %get3A = arith.constant 1 : i32
      %get3A_1143 = arith.index_cast %get3A : i32 to index
      %get3A_1144 = arith.index_cast %select_n3A : i32 to index
      %get3A_1145 = arith.index_cast %add3A_1142 : i32 to index
      %get3A_1146 = tpu.vector_load %arg7[%get3A_1143, %get3A_1144, %get3A_1145] {strides = array<i32>} : memref<3x8x1024xf32, #tpu.memory_space<vmem>>, vector<1x1x16xf32>,
      %get3A_1147 = vector.shape_cast %get3A_1146 : vector<1x1x16xf32> to vector<16xf32>
      %add3A_1148 = arith.constant 0 : i32
      %add3A_1149 = arith.addi %add3A_1148, %select_n3A : i32
      %swap3A = arith.constant 1 : i32
      %swap3A_1150 = arith.index_cast %swap3A : i32 to index
      %swap3A_1151 = arith.index_cast %add3A_1149 : i32 to index
      %swap3A_1152 = arith.index_cast %add3A_1142 : i32 to index
      %swap3A_1153 = tpu.vector_load %arg8[%swap3A_1150, %swap3A_1151, %swap3A_1152] {strides = array<i32>} : memref<3x32x1024xf32, #tpu.memory_space<vmem>>, vector<1x1x16xf32>,
      %swap3A_1154 = vector.shape_cast %swap3A_1153 : vector<1x1x16xf32> to vector<16xf32>
      %swap3A_1155 = vector.shape_cast %get3A_1147 : vector<16xf32> to vector<1x1x16xf32>
      tpu.vector_store %arg8[%swap3A_1150, %swap3A_1151, %swap3A_1152], %swap3A_1155 {add = true, strides = array<i32>} : memref<3x32x1024xf32, #tpu.memory_space<vmem>>, vector<1x1x16xf32>,
      %add3A_1156 = arith.constant 8 : i32
      %add3A_1157 = arith.addi %add3A_1156, %select_n3A : i32
      %swap3A_1158 = arith.constant 1 : i32
      %swap3A_1159 = arith.index_cast %swap3A_1158 : i32 to index
      %swap3A_1160 = arith.index_cast %add3A_1157 : i32 to index
      %swap3A_1161 = arith.index_cast %add3A_1142 : i32 to index
      %swap3A_1162 = tpu.vector_load %arg8[%swap3A_1159, %swap3A_1160, %swap3A_1161] {strides = array<i32>} : memref<3x32x1024xf32, #tpu.memory_space<vmem>>, vector<1x1x16xf32>,
      %swap3A_1163 = vector.shape_cast %swap3A_1162 : vector<1x1x16xf32> to vector<16xf32>
      %swap3A_1164 = vector.shape_cast %get3A_1147 : vector<16xf32> to vector<1x1x16xf32>
      tpu.vector_store %arg8[%swap3A_1159, %swap3A_1160, %swap3A_1161], %swap3A_1164 {add = true, strides = array<i32>} : memref<3x32x1024xf32, #tpu.memory_space<vmem>>, vector<1x1x16xf32>,
      %add3A_1165 = arith.constant 16 : i32
      %add3A_1166 = arith.addi %add3A_1165, %select_n3A : i32
      %swap3A_1167 = arith.constant 1 : i32
      %swap3A_1168 = arith.index_cast %swap3A_1167 : i32 to index
      %swap3A_1169 = arith.index_cast %add3A_1166 : i32 to index
      %swap3A_1170 = arith.index_cast %add3A_1142 : i32 to index
      %swap3A_1171 = tpu.vector_load %arg8[%swap3A_1168, %swap3A_1169, %swap3A_1170] {strides = array<i32>} : memref<3x32x1024xf32, #tpu.memory_space<vmem>>, vector<1x1x16xf32>,
      %swap3A_1172 = vector.shape_cast %swap3A_1171 : vector<1x1x16xf32> to vector<16xf32>
      %swap3A_1173 = vector.shape_cast %get3A_1147 : vector<16xf32> to vector<1x1x16xf32>
      tpu.vector_store %arg8[%swap3A_1168, %swap3A_1169, %swap3A_1170], %swap3A_1173 {add = true, strides = array<i32>} : memref<3x32x1024xf32, #tpu.memory_space<vmem>>, vector<1x1x16xf32>,
      %add3A_1174 = arith.constant 24 : i32
      %add3A_1175 = arith.addi %add3A_1174, %select_n3A : i32
      %swap3A_1176 = arith.constant 1 : i32
      %swap3A_1177 = arith.index_cast %swap3A_1176 : i32 to index
      %swap3A_1178 = arith.index_cast %add3A_1175 : i32 to index
      %swap3A_1179 = arith.index_cast %add3A_1142 : i32 to index
      %swap3A_1180 = tpu.vector_load %arg8[%swap3A_1177, %swap3A_1178, %swap3A_1179] {strides = array<i32>} : memref<3x32x1024xf32, #tpu.memory_space<vmem>>, vector<1x1x16xf32>,
      %swap3A_1181 = vector.shape_cast %swap3A_1180 : vector<1x1x16xf32> to vector<16xf32>
      %swap3A_1182 = vector.shape_cast %get3A_1147 : vector<16xf32> to vector<1x1x16xf32>
      tpu.vector_store %arg8[%swap3A_1177, %swap3A_1178, %swap3A_1179], %swap3A_1182 {add = true, strides = array<i32>} : memref<3x32x1024xf32, #tpu.memory_space<vmem>>, vector<1x1x16xf32>,
      %add3A_1183 = arith.constant 16 : i32
      %add3A_1184 = arith.addi %mul3A_1140, %add3A_1183 : i32
      %get3A_1185 = arith.constant 1 : i32
      %get3A_1186 = arith.index_cast %get3A_1185 : i32 to index
      %get3A_1187 = arith.index_cast %select_n3A : i32 to index
      %get3A_1188 = arith.index_cast %add3A_1184 : i32 to index
      %get3A_1189 = tpu.vector_load %arg7[%get3A_1186, %get3A_1187, %get3A_1188] {strides = array<i32>} : memref<3x8x1024xf32, #tpu.memory_space<vmem>>, vector<1x1x16xf32>,
      %get3A_1190 = vector.shape_cast %get3A_1189 : vector<1x1x16xf32> to vector<16xf32>
      %add3A_1191 = arith.constant 0 : i32
      %add3A_1192 = arith.addi %add3A_1191, %select_n3A : i32
      %swap3A_1193 = arith.constant 1 : i32
      %swap3A_1194 = arith.index_cast %swap3A_1193 : i32 to index
      %swap3A_1195 = arith.index_cast %add3A_1192 : i32 to index
      %swap3A_1196 = arith.index_cast %add3A_1184 : i32 to index
      %swap3A_1197 = tpu.vector_load %arg8[%swap3A_1194, %swap3A_1195, %swap3A_1196] {strides = array<i32>} : memref<3x32x1024xf32, #tpu.memory_space<vmem>>, vector<1x1x16xf32>,
      %swap3A_1198 = vector.shape_cast %swap3A_1197 : vector<1x1x16xf32> to vector<16xf32>
      %swap3A_1199 = vector.shape_cast %get3A_1190 : vector<16xf32> to vector<1x1x16xf32>
      tpu.vector_store %arg8[%swap3A_1194, %swap3A_1195, %swap3A_1196], %swap3A_1199 {add = true, strides = array<i32>} : memref<3x32x1024xf32, #tpu.memory_space<vmem>>, vector<1x1x16xf32>,
      %add3A_1200 = arith.constant 8 : i32
      %add3A_1201 = arith.addi %add3A_1200, %select_n3A : i32
      %swap3A_1202 = arith.constant 1 : i32
      %swap3A_1203 = arith.index_cast %swap3A_1202 : i32 to index
      %swap3A_1204 = arith.index_cast %add3A_1201 : i32 to index
      %swap3A_1205 = arith.index_cast %add3A_1184 : i32 to index
      %swap3A_1206 = tpu.vector_load %arg8[%swap3A_1203, %swap3A_1204, %swap3A_1205] {strides = array<i32>} : memref<3x32x1024xf32, #tpu.memory_space<vmem>>, vector<1x1x16xf32>,
      %swap3A_1207 = vector.shape_cast %swap3A_1206 : vector<1x1x16xf32> to vector<16xf32>
      %swap3A_1208 = vector.shape_cast %get3A_1190 : vector<16xf32> to vector<1x1x16xf32>
      tpu.vector_store %arg8[%swap3A_1203, %swap3A_1204, %swap3A_1205], %swap3A_1208 {add = true, strides = array<i32>} : memref<3x32x1024xf32, #tpu.memory_space<vmem>>, vector<1x1x16xf32>,
      %add3A_1209 = arith.constant 16 : i32
      %add3A_1210 = arith.addi %add3A_1209, %select_n3A : i32
      %swap3A_1211 = arith.constant 1 : i32
      %swap3A_1212 = arith.index_cast %swap3A_1211 : i32 to index
      %swap3A_1213 = arith.index_cast %add3A_1210 : i32 to index
      %swap3A_1214 = arith.index_cast %add3A_1184 : i32 to index
      %swap3A_1215 = tpu.vector_load %arg8[%swap3A_1212, %swap3A_1213, %swap3A_1214] {strides = array<i32>} : memref<3x32x1024xf32, #tpu.memory_space<vmem>>, vector<1x1x16xf32>,
      %swap3A_1216 = vector.shape_cast %swap3A_1215 : vector<1x1x16xf32> to vector<16xf32>
      %swap3A_1217 = vector.shape_cast %get3A_1190 : vector<16xf32> to vector<1x1x16xf32>
      tpu.vector_store %arg8[%swap3A_1212, %swap3A_1213, %swap3A_1214], %swap3A_1217 {add = true, strides = array<i32>} : memref<3x32x1024xf32, #tpu.memory_space<vmem>>, vector<1x1x16xf32>,
      %add3A_1218 = arith.constant 24 : i32
      %add3A_1219 = arith.addi %add3A_1218, %select_n3A : i32
      %swap3A_1220 = arith.constant 1 : i32
      %swap3A_1221 = arith.index_cast %swap3A_1220 : i32 to index
      %swap3A_1222 = arith.index_cast %add3A_1219 : i32 to index
      %swap3A_1223 = arith.index_cast %add3A_1184 : i32 to index
      %swap3A_1224 = tpu.vector_load %arg8[%swap3A_1221, %swap3A_1222, %swap3A_1223] {strides = array<i32>} : memref<3x32x1024xf32, #tpu.memory_space<vmem>>, vector<1x1x16xf32>,
      %swap3A_1225 = vector.shape_cast %swap3A_1224 : vector<1x1x16xf32> to vector<16xf32>
      %swap3A_1226 = vector.shape_cast %get3A_1190 : vector<16xf32> to vector<1x1x16xf32>
      tpu.vector_store %arg8[%swap3A_1221, %swap3A_1222, %swap3A_1223], %swap3A_1226 {add = true, strides = array<i32>} : memref<3x32x1024xf32, #tpu.memory_space<vmem>>, vector<1x1x16xf32>,
      %add3A_1227 = arith.constant 32 : i32
      %add3A_1228 = arith.addi %mul3A_1140, %add3A_1227 : i32
      %get3A_1229 = arith.constant 1 : i32
      %get3A_1230 = arith.index_cast %get3A_1229 : i32 to index
      %get3A_1231 = arith.index_cast %select_n3A : i32 to index
      %get3A_1232 = arith.index_cast %add3A_1228 : i32 to index
      %get3A_1233 = tpu.vector_load %arg7[%get3A_1230, %get3A_1231, %get3A_1232] {strides = array<i32>} : memref<3x8x1024xf32, #tpu.memory_space<vmem>>, vector<1x1x16xf32>,
      %get3A_1234 = vector.shape_cast %get3A_1233 : vector<1x1x16xf32> to vector<16xf32>
      %add3A_1235 = arith.constant 0 : i32
      %add3A_1236 = arith.addi %add3A_1235, %select_n3A : i32
      %swap3A_1237 = arith.constant 1 : i32
      %swap3A_1238 = arith.index_cast %swap3A_1237 : i32 to index
      %swap3A_1239 = arith.index_cast %add3A_1236 : i32 to index
      %swap3A_1240 = arith.index_cast %add3A_1228 : i32 to index
      %swap3A_1241 = tpu.vector_load %arg8[%swap3A_1238, %swap3A_1239, %swap3A_1240] {strides = array<i32>} : memref<3x32x1024xf32, #tpu.memory_space<vmem>>, vector<1x1x16xf32>,
      %swap3A_1242 = vector.shape_cast %swap3A_1241 : vector<1x1x16xf32> to vector<16xf32>
      %swap3A_1243 = vector.shape_cast %get3A_1234 : vector<16xf32> to vector<1x1x16xf32>
      tpu.vector_store %arg8[%swap3A_1238, %swap3A_1239, %swap3A_1240], %swap3A_1243 {add = true, strides = array<i32>} : memref<3x32x1024xf32, #tpu.memory_space<vmem>>, vector<1x1x16xf32>,
      %add3A_1244 = arith.constant 8 : i32
      %add3A_1245 = arith.addi %add3A_1244, %select_n3A : i32
      %swap3A_1246 = arith.constant 1 : i32
      %swap3A_1247 = arith.index_cast %swap3A_1246 : i32 to index
      %swap3A_1248 = arith.index_cast %add3A_1245 : i32 to index
      %swap3A_1249 = arith.index_cast %add3A_1228 : i32 to index
      %swap3A_1250 = tpu.vector_load %arg8[%swap3A_1247, %swap3A_1248, %swap3A_1249] {strides = array<i32>} : memref<3x32x1024xf32, #tpu.memory_space<vmem>>, vector<1x1x16xf32>,
      %swap3A_1251 = vector.shape_cast %swap3A_1250 : vector<1x1x16xf32> to vector<16xf32>
      %swap3A_1252 = vector.shape_cast %get3A_1234 : vector<16xf32> to vector<1x1x16xf32>
      tpu.vector_store %arg8[%swap3A_1247, %swap3A_1248, %swap3A_1249], %swap3A_1252 {add = true, strides = array<i32>} : memref<3x32x1024xf32, #tpu.memory_space<vmem>>, vector<1x1x16xf32>,
      %add3A_1253 = arith.constant 16 : i32
      %add3A_1254 = arith.addi %add3A_1253, %select_n3A : i32
      %swap3A_1255 = arith.constant 1 : i32
      %swap3A_1256 = arith.index_cast %swap3A_1255 : i32 to index
      %swap3A_1257 = arith.index_cast %add3A_1254 : i32 to index
      %swap3A_1258 = arith.index_cast %add3A_1228 : i32 to index
      %swap3A_1259 = tpu.vector_load %arg8[%swap3A_1256, %swap3A_1257, %swap3A_1258] {strides = array<i32>} : memref<3x32x1024xf32, #tpu.memory_space<vmem>>, vector<1x1x16xf32>,
      %swap3A_1260 = vector.shape_cast %swap3A_1259 : vector<1x1x16xf32> to vector<16xf32>
      %swap3A_1261 = vector.shape_cast %get3A_1234 : vector<16xf32> to vector<1x1x16xf32>
      tpu.vector_store %arg8[%swap3A_1256, %swap3A_1257, %swap3A_1258], %swap3A_1261 {add = true, strides = array<i32>} : memref<3x32x1024xf32, #tpu.memory_space<vmem>>, vector<1x1x16xf32>,
      %add3A_1262 = arith.constant 24 : i32
      %add3A_1263 = arith.addi %add3A_1262, %select_n3A : i32
      %swap3A_1264 = arith.constant 1 : i32
      %swap3A_1265 = arith.index_cast %swap3A_1264 : i32 to index
      %swap3A_1266 = arith.index_cast %add3A_1263 : i32 to index
      %swap3A_1267 = arith.index_cast %add3A_1228 : i32 to index
      %swap3A_1268 = tpu.vector_load %arg8[%swap3A_1265, %swap3A_1266, %swap3A_1267] {strides = array<i32>} : memref<3x32x1024xf32, #tpu.memory_space<vmem>>, vector<1x1x16xf32>,
      %swap3A_1269 = vector.shape_cast %swap3A_1268 : vector<1x1x16xf32> to vector<16xf32>
      %swap3A_1270 = vector.shape_cast %get3A_1234 : vector<16xf32> to vector<1x1x16xf32>
      tpu.vector_store %arg8[%swap3A_1265, %swap3A_1266, %swap3A_1267], %swap3A_1270 {add = true, strides = array<i32>} : memref<3x32x1024xf32, #tpu.memory_space<vmem>>, vector<1x1x16xf32>,
      %add3A_1271 = arith.constant 48 : i32
      %add3A_1272 = arith.addi %mul3A_1140, %add3A_1271 : i32
      %get3A_1273 = arith.constant 1 : i32
      %get3A_1274 = arith.index_cast %get3A_1273 : i32 to index
      %get3A_1275 = arith.index_cast %select_n3A : i32 to index
      %get3A_1276 = arith.index_cast %add3A_1272 : i32 to index
      %get3A_1277 = tpu.vector_load %arg7[%get3A_1274, %get3A_1275, %get3A_1276] {strides = array<i32>} : memref<3x8x1024xf32, #tpu.memory_space<vmem>>, vector<1x1x16xf32>,
      %get3A_1278 = vector.shape_cast %get3A_1277 : vector<1x1x16xf32> to vector<16xf32>
      %add3A_1279 = arith.constant 0 : i32
      %add3A_1280 = arith.addi %add3A_1279, %select_n3A : i32
      %swap3A_1281 = arith.constant 1 : i32
      %swap3A_1282 = arith.index_cast %swap3A_1281 : i32 to index
      %swap3A_1283 = arith.index_cast %add3A_1280 : i32 to index
      %swap3A_1284 = arith.index_cast %add3A_1272 : i32 to index
      %swap3A_1285 = tpu.vector_load %arg8[%swap3A_1282, %swap3A_1283, %swap3A_1284] {strides = array<i32>} : memref<3x32x1024xf32, #tpu.memory_space<vmem>>, vector<1x1x16xf32>,
      %swap3A_1286 = vector.shape_cast %swap3A_1285 : vector<1x1x16xf32> to vector<16xf32>
      %swap3A_1287 = vector.shape_cast %get3A_1278 : vector<16xf32> to vector<1x1x16xf32>
      tpu.vector_store %arg8[%swap3A_1282, %swap3A_1283, %swap3A_1284], %swap3A_1287 {add = true, strides = array<i32>} : memref<3x32x1024xf32, #tpu.memory_space<vmem>>, vector<1x1x16xf32>,
      %add3A_1288 = arith.constant 8 : i32
      %add3A_1289 = arith.addi %add3A_1288, %select_n3A : i32
      %swap3A_1290 = arith.constant 1 : i32
      %swap3A_1291 = arith.index_cast %swap3A_1290 : i32 to index
      %swap3A_1292 = arith.index_cast %add3A_1289 : i32 to index
      %swap3A_1293 = arith.index_cast %add3A_1272 : i32 to index
      %swap3A_1294 = tpu.vector_load %arg8[%swap3A_1291, %swap3A_1292, %swap3A_1293] {strides = array<i32>} : memref<3x32x1024xf32, #tpu.memory_space<vmem>>, vector<1x1x16xf32>,
      %swap3A_1295 = vector.shape_cast %swap3A_1294 : vector<1x1x16xf32> to vector<16xf32>
      %swap3A_1296 = vector.shape_cast %get3A_1278 : vector<16xf32> to vector<1x1x16xf32>
      tpu.vector_store %arg8[%swap3A_1291, %swap3A_1292, %swap3A_1293], %swap3A_1296 {add = true, strides = array<i32>} : memref<3x32x1024xf32, #tpu.memory_space<vmem>>, vector<1x1x16xf32>,
      %add3A_1297 = arith.constant 16 : i32
      %add3A_1298 = arith.addi %add3A_1297, %select_n3A : i32
      %swap3A_1299 = arith.constant 1 : i32
      %swap3A_1300 = arith.index_cast %swap3A_1299 : i32 to index
      %swap3A_1301 = arith.index_cast %add3A_1298 : i32 to index
      %swap3A_1302 = arith.index_cast %add3A_1272 : i32 to index
      %swap3A_1303 = tpu.vector_load %arg8[%swap3A_1300, %swap3A_1301, %swap3A_1302] {strides = array<i32>} : memref<3x32x1024xf32, #tpu.memory_space<vmem>>, vector<1x1x16xf32>,
      %swap3A_1304 = vector.shape_cast %swap3A_1303 : vector<1x1x16xf32> to vector<16xf32>
      %swap3A_1305 = vector.shape_cast %get3A_1278 : vector<16xf32> to vector<1x1x16xf32>
      tpu.vector_store %arg8[%swap3A_1300, %swap3A_1301, %swap3A_1302], %swap3A_1305 {add = true, strides = array<i32>} : memref<3x32x1024xf32, #tpu.memory_space<vmem>>, vector<1x1x16xf32>,
      %add3A_1306 = arith.constant 24 : i32
      %add3A_1307 = arith.addi %add3A_1306, %select_n3A : i32
      %swap3A_1308 = arith.constant 1 : i32
      %swap3A_1309 = arith.index_cast %swap3A_1308 : i32 to index
      %swap3A_1310 = arith.index_cast %add3A_1307 : i32 to index
      %swap3A_1311 = arith.index_cast %add3A_1272 : i32 to index
      %swap3A_1312 = tpu.vector_load %arg8[%swap3A_1309, %swap3A_1310, %swap3A_1311] {strides = array<i32>} : memref<3x32x1024xf32, #tpu.memory_space<vmem>>, vector<1x1x16xf32>,
      %swap3A_1313 = vector.shape_cast %swap3A_1312 : vector<1x1x16xf32> to vector<16xf32>
      %swap3A_1314 = vector.shape_cast %get3A_1278 : vector<16xf32> to vector<1x1x16xf32>
      tpu.vector_store %arg8[%swap3A_1309, %swap3A_1310, %swap3A_1311], %swap3A_1314 {add = true, strides = array<i32>} : memref<3x32x1024xf32, #tpu.memory_space<vmem>>, vector<1x1x16xf32>,
      %add3A_1315 = arith.constant 64 : i32
      %add3A_1316 = arith.addi %mul3A_1140, %add3A_1315 : i32
      %get3A_1317 = arith.constant 1 : i32
      %get3A_1318 = arith.index_cast %get3A_1317 : i32 to index
      %get3A_1319 = arith.index_cast %select_n3A : i32 to index
      %get3A_1320 = arith.index_cast %add3A_1316 : i32 to index
      %get3A_1321 = tpu.vector_load %arg7[%get3A_1318, %get3A_1319, %get3A_1320] {strides = array<i32>} : memref<3x8x1024xf32, #tpu.memory_space<vmem>>, vector<1x1x16xf32>,
      %get3A_1322 = vector.shape_cast %get3A_1321 : vector<1x1x16xf32> to vector<16xf32>
      %add3A_1323 = arith.constant 0 : i32
      %add3A_1324 = arith.addi %add3A_1323, %select_n3A : i32
      %swap3A_1325 = arith.constant 1 : i32
      %swap3A_1326 = arith.index_cast %swap3A_1325 : i32 to index
      %swap3A_1327 = arith.index_cast %add3A_1324 : i32 to index
      %swap3A_1328 = arith.index_cast %add3A_1316 : i32 to index
      %swap3A_1329 = tpu.vector_load %arg8[%swap3A_1326, %swap3A_1327, %swap3A_1328] {strides = array<i32>} : memref<3x32x1024xf32, #tpu.memory_space<vmem>>, vector<1x1x16xf32>,
      %swap3A_1330 = vector.shape_cast %swap3A_1329 : vector<1x1x16xf32> to vector<16xf32>
      %swap3A_1331 = vector.shape_cast %get3A_1322 : vector<16xf32> to vector<1x1x16xf32>
      tpu.vector_store %arg8[%swap3A_1326, %swap3A_1327, %swap3A_1328], %swap3A_1331 {add = true, strides = array<i32>} : memref<3x32x1024xf32, #tpu.memory_space<vmem>>, vector<1x1x16xf32>,
      %add3A_1332 = arith.constant 8 : i32
      %add3A_1333 = arith.addi %add3A_1332, %select_n3A : i32
      %swap3A_1334 = arith.constant 1 : i32
      %swap3A_1335 = arith.index_cast %swap3A_1334 : i32 to index
      %swap3A_1336 = arith.index_cast %add3A_1333 : i32 to index
      %swap3A_1337 = arith.index_cast %add3A_1316 : i32 to index
      %swap3A_1338 = tpu.vector_load %arg8[%swap3A_1335, %swap3A_1336, %swap3A_1337] {strides = array<i32>} : memref<3x32x1024xf32, #tpu.memory_space<vmem>>, vector<1x1x16xf32>,
      %swap3A_1339 = vector.shape_cast %swap3A_1338 : vector<1x1x16xf32> to vector<16xf32>
      %swap3A_1340 = vector.shape_cast %get3A_1322 : vector<16xf32> to vector<1x1x16xf32>
      tpu.vector_store %arg8[%swap3A_1335, %swap3A_1336, %swap3A_1337], %swap3A_1340 {add = true, strides = array<i32>} : memref<3x32x1024xf32, #tpu.memory_space<vmem>>, vector<1x1x16xf32>,
      %add3A_1341 = arith.constant 16 : i32
      %add3A_1342 = arith.addi %add3A_1341, %select_n3A : i32
      %swap3A_1343 = arith.constant 1 : i32
      %swap3A_1344 = arith.index_cast %swap3A_1343 : i32 to index
      %swap3A_1345 = arith.index_cast %add3A_1342 : i32 to index
      %swap3A_1346 = arith.index_cast %add3A_1316 : i32 to index
      %swap3A_1347 = tpu.vector_load %arg8[%swap3A_1344, %swap3A_1345, %swap3A_1346] {strides = array<i32>} : memref<3x32x1024xf32, #tpu.memory_space<vmem>>, vector<1x1x16xf32>,
      %swap3A_1348 = vector.shape_cast %swap3A_1347 : vector<1x1x16xf32> to vector<16xf32>
      %swap3A_1349 = vector.shape_cast %get3A_1322 : vector<16xf32> to vector<1x1x16xf32>
      tpu.vector_store %arg8[%swap3A_1344, %swap3A_1345, %swap3A_1346], %swap3A_1349 {add = true, strides = array<i32>} : memref<3x32x1024xf32, #tpu.memory_space<vmem>>, vector<1x1x16xf32>,
      %add3A_1350 = arith.constant 24 : i32
      %add3A_1351 = arith.addi %add3A_1350, %select_n3A : i32
      %swap3A_1352 = arith.constant 1 : i32
      %swap3A_1353 = arith.index_cast %swap3A_1352 : i32 to index
      %swap3A_1354 = arith.index_cast %add3A_1351 : i32 to index
      %swap3A_1355 = arith.index_cast %add3A_1316 : i32 to index
      %swap3A_1356 = tpu.vector_load %arg8[%swap3A_1353, %swap3A_1354, %swap3A_1355] {strides = array<i32>} : memref<3x32x1024xf32, #tpu.memory_space<vmem>>, vector<1x1x16xf32>,
      %swap3A_1357 = vector.shape_cast %swap3A_1356 : vector<1x1x16xf32> to vector<16xf32>
      %swap3A_1358 = vector.shape_cast %get3A_1322 : vector<16xf32> to vector<1x1x16xf32>
      tpu.vector_store %arg8[%swap3A_1353, %swap3A_1354, %swap3A_1355], %swap3A_1358 {add = true, strides = array<i32>} : memref<3x32x1024xf32, #tpu.memory_space<vmem>>, vector<1x1x16xf32>,
      %add3A_1359 = arith.constant 80 : i32
      %add3A_1360 = arith.addi %mul3A_1140, %add3A_1359 : i32
      %get3A_1361 = arith.constant 1 : i32
      %get3A_1362 = arith.index_cast %get3A_1361 : i32 to index
      %get3A_1363 = arith.index_cast %select_n3A : i32 to index
      %get3A_1364 = arith.index_cast %add3A_1360 : i32 to index
      %get3A_1365 = tpu.vector_load %arg7[%get3A_1362, %get3A_1363, %get3A_1364] {strides = array<i32>} : memref<3x8x1024xf32, #tpu.memory_space<vmem>>, vector<1x1x16xf32>,
      %get3A_1366 = vector.shape_cast %get3A_1365 : vector<1x1x16xf32> to vector<16xf32>
      %add3A_1367 = arith.constant 0 : i32
      %add3A_1368 = arith.addi %add3A_1367, %select_n3A : i32
      %swap3A_1369 = arith.constant 1 : i32
      %swap3A_1370 = arith.index_cast %swap3A_1369 : i32 to index
      %swap3A_1371 = arith.index_cast %add3A_1368 : i32 to index
      %swap3A_1372 = arith.index_cast %add3A_1360 : i32 to index
      %swap3A_1373 = tpu.vector_load %arg8[%swap3A_1370, %swap3A_1371, %swap3A_1372] {strides = array<i32>} : memref<3x32x1024xf32, #tpu.memory_space<vmem>>, vector<1x1x16xf32>,
      %swap3A_1374 = vector.shape_cast %swap3A_1373 : vector<1x1x16xf32> to vector<16xf32>
      %swap3A_1375 = vector.shape_cast %get3A_1366 : vector<16xf32> to vector<1x1x16xf32>
      tpu.vector_store %arg8[%swap3A_1370, %swap3A_1371, %swap3A_1372], %swap3A_1375 {add = true, strides = array<i32>} : memref<3x32x1024xf32, #tpu.memory_space<vmem>>, vector<1x1x16xf32>,
      %add3A_1376 = arith.constant 8 : i32
      %add3A_1377 = arith.addi %add3A_1376, %select_n3A : i32
      %swap3A_1378 = arith.constant 1 : i32
      %swap3A_1379 = arith.index_cast %swap3A_1378 : i32 to index
      %swap3A_1380 = arith.index_cast %add3A_1377 : i32 to index
      %swap3A_1381 = arith.index_cast %add3A_1360 : i32 to index
      %swap3A_1382 = tpu.vector_load %arg8[%swap3A_1379, %swap3A_1380, %swap3A_1381] {strides = array<i32>} : memref<3x32x1024xf32, #tpu.memory_space<vmem>>, vector<1x1x16xf32>,
      %swap3A_1383 = vector.shape_cast %swap3A_1382 : vector<1x1x16xf32> to vector<16xf32>
      %swap3A_1384 = vector.shape_cast %get3A_1366 : vector<16xf32> to vector<1x1x16xf32>
      tpu.vector_store %arg8[%swap3A_1379, %swap3A_1380, %swap3A_1381], %swap3A_1384 {add = true, strides = array<i32>} : memref<3x32x1024xf32, #tpu.memory_space<vmem>>, vector<1x1x16xf32>,
      %add3A_1385 = arith.constant 16 : i32
      %add3A_1386 = arith.addi %add3A_1385, %select_n3A : i32
      %swap3A_1387 = arith.constant 1 : i32
      %swap3A_1388 = arith.index_cast %swap3A_1387 : i32 to index
      %swap3A_1389 = arith.index_cast %add3A_1386 : i32 to index
      %swap3A_1390 = arith.index_cast %add3A_1360 : i32 to index
      %swap3A_1391 = tpu.vector_load %arg8[%swap3A_1388, %swap3A_1389, %swap3A_1390] {strides = array<i32>} : memref<3x32x1024xf32, #tpu.memory_space<vmem>>, vector<1x1x16xf32>,
      %swap3A_1392 = vector.shape_cast %swap3A_1391 : vector<1x1x16xf32> to vector<16xf32>
      %swap3A_1393 = vector.shape_cast %get3A_1366 : vector<16xf32> to vector<1x1x16xf32>
      tpu.vector_store %arg8[%swap3A_1388, %swap3A_1389, %swap3A_1390], %swap3A_1393 {add = true, strides = array<i32>} : memref<3x32x1024xf32, #tpu.memory_space<vmem>>, vector<1x1x16xf32>,
      %add3A_1394 = arith.constant 24 : i32
      %add3A_1395 = arith.addi %add3A_1394, %select_n3A : i32
      %swap3A_1396 = arith.constant 1 : i32
      %swap3A_1397 = arith.index_cast %swap3A_1396 : i32 to index
      %swap3A_1398 = arith.index_cast %add3A_1395 : i32 to index
      %swap3A_1399 = arith.index_cast %add3A_1360 : i32 to index
      %swap3A_1400 = tpu.vector_load %arg8[%swap3A_1397, %swap3A_1398, %swap3A_1399] {strides = array<i32>} : memref<3x32x1024xf32, #tpu.memory_space<vmem>>, vector<1x1x16xf32>,
      %swap3A_1401 = vector.shape_cast %swap3A_1400 : vector<1x1x16xf32> to vector<16xf32>
      %swap3A_1402 = vector.shape_cast %get3A_1366 : vector<16xf32> to vector<1x1x16xf32>
      tpu.vector_store %arg8[%swap3A_1397, %swap3A_1398, %swap3A_1399], %swap3A_1402 {add = true, strides = array<i32>} : memref<3x32x1024xf32, #tpu.memory_space<vmem>>, vector<1x1x16xf32>,
      %add3A_1403 = arith.constant 96 : i32
      %add3A_1404 = arith.addi %mul3A_1140, %add3A_1403 : i32
      %get3A_1405 = arith.constant 1 : i32
      %get3A_1406 = arith.index_cast %get3A_1405 : i32 to index
      %get3A_1407 = arith.index_cast %select_n3A : i32 to index
      %get3A_1408 = arith.index_cast %add3A_1404 : i32 to index
      %get3A_1409 = tpu.vector_load %arg7[%get3A_1406, %get3A_1407, %get3A_1408] {strides = array<i32>} : memref<3x8x1024xf32, #tpu.memory_space<vmem>>, vector<1x1x16xf32>,
      %get3A_1410 = vector.shape_cast %get3A_1409 : vector<1x1x16xf32> to vector<16xf32>
      %add3A_1411 = arith.constant 0 : i32
      %add3A_1412 = arith.addi %add3A_1411, %select_n3A : i32
      %swap3A_1413 = arith.constant 1 : i32
      %swap3A_1414 = arith.index_cast %swap3A_1413 : i32 to index
      %swap3A_1415 = arith.index_cast %add3A_1412 : i32 to index
      %swap3A_1416 = arith.index_cast %add3A_1404 : i32 to index
      %swap3A_1417 = tpu.vector_load %arg8[%swap3A_1414, %swap3A_1415, %swap3A_1416] {strides = array<i32>} : memref<3x32x1024xf32, #tpu.memory_space<vmem>>, vector<1x1x16xf32>,
      %swap3A_1418 = vector.shape_cast %swap3A_1417 : vector<1x1x16xf32> to vector<16xf32>
      %swap3A_1419 = vector.shape_cast %get3A_1410 : vector<16xf32> to vector<1x1x16xf32>
      tpu.vector_store %arg8[%swap3A_1414, %swap3A_1415, %swap3A_1416], %swap3A_1419 {add = true, strides = array<i32>} : memref<3x32x1024xf32, #tpu.memory_space<vmem>>, vector<1x1x16xf32>,
      %add3A_1420 = arith.constant 8 : i32
      %add3A_1421 = arith.addi %add3A_1420, %select_n3A : i32
      %swap3A_1422 = arith.constant 1 : i32
      %swap3A_1423 = arith.index_cast %swap3A_1422 : i32 to index
      %swap3A_1424 = arith.index_cast %add3A_1421 : i32 to index
      %swap3A_1425 = arith.index_cast %add3A_1404 : i32 to index
      %swap3A_1426 = tpu.vector_load %arg8[%swap3A_1423, %swap3A_1424, %swap3A_1425] {strides = array<i32>} : memref<3x32x1024xf32, #tpu.memory_space<vmem>>, vector<1x1x16xf32>,
      %swap3A_1427 = vector.shape_cast %swap3A_1426 : vector<1x1x16xf32> to vector<16xf32>
      %swap3A_1428 = vector.shape_cast %get3A_1410 : vector<16xf32> to vector<1x1x16xf32>
      tpu.vector_store %arg8[%swap3A_1423, %swap3A_1424, %swap3A_1425], %swap3A_1428 {add = true, strides = array<i32>} : memref<3x32x1024xf32, #tpu.memory_space<vmem>>, vector<1x1x16xf32>,
      %add3A_1429 = arith.constant 16 : i32
      %add3A_1430 = arith.addi %add3A_1429, %select_n3A : i32
      %swap3A_1431 = arith.constant 1 : i32
      %swap3A_1432 = arith.index_cast %swap3A_1431 : i32 to index
      %swap3A_1433 = arith.index_cast %add3A_1430 : i32 to index
      %swap3A_1434 = arith.index_cast %add3A_1404 : i32 to index
      %swap3A_1435 = tpu.vector_load %arg8[%swap3A_1432, %swap3A_1433, %swap3A_1434] {strides = array<i32>} : memref<3x32x1024xf32, #tpu.memory_space<vmem>>, vector<1x1x16xf32>,
      %swap3A_1436 = vector.shape_cast %swap3A_1435 : vector<1x1x16xf32> to vector<16xf32>
      %swap3A_1437 = vector.shape_cast %get3A_1410 : vector<16xf32> to vector<1x1x16xf32>
      tpu.vector_store %arg8[%swap3A_1432, %swap3A_1433, %swap3A_1434], %swap3A_1437 {add = true, strides = array<i32>} : memref<3x32x1024xf32, #tpu.memory_space<vmem>>, vector<1x1x16xf32>,
      %add3A_1438 = arith.constant 24 : i32
      %add3A_1439 = arith.addi %add3A_1438, %select_n3A : i32
      %swap3A_1440 = arith.constant 1 : i32
      %swap3A_1441 = arith.index_cast %swap3A_1440 : i32 to index
      %swap3A_1442 = arith.index_cast %add3A_1439 : i32 to index
      %swap3A_1443 = arith.index_cast %add3A_1404 : i32 to index
      %swap3A_1444 = tpu.vector_load %arg8[%swap3A_1441, %swap3A_1442, %swap3A_1443] {strides = array<i32>} : memref<3x32x1024xf32, #tpu.memory_space<vmem>>, vector<1x1x16xf32>,
      %swap3A_1445 = vector.shape_cast %swap3A_1444 : vector<1x1x16xf32> to vector<16xf32>
      %swap3A_1446 = vector.shape_cast %get3A_1410 : vector<16xf32> to vector<1x1x16xf32>
      tpu.vector_store %arg8[%swap3A_1441, %swap3A_1442, %swap3A_1443], %swap3A_1446 {add = true, strides = array<i32>} : memref<3x32x1024xf32, #tpu.memory_space<vmem>>, vector<1x1x16xf32>,
      %add3A_1447 = arith.constant 112 : i32
      %add3A_1448 = arith.addi %mul3A_1140, %add3A_1447 : i32
      %get3A_1449 = arith.constant 1 : i32
      %get3A_1450 = arith.index_cast %get3A_1449 : i32 to index
      %get3A_1451 = arith.index_cast %select_n3A : i32 to index
      %get3A_1452 = arith.index_cast %add3A_1448 : i32 to index
      %get3A_1453 = tpu.vector_load %arg7[%get3A_1450, %get3A_1451, %get3A_1452] {strides = array<i32>} : memref<3x8x1024xf32, #tpu.memory_space<vmem>>, vector<1x1x16xf32>,
      %get3A_1454 = vector.shape_cast %get3A_1453 : vector<1x1x16xf32> to vector<16xf32>
      %add3A_1455 = arith.constant 0 : i32
      %add3A_1456 = arith.addi %add3A_1455, %select_n3A : i32
      %swap3A_1457 = arith.constant 1 : i32
      %swap3A_1458 = arith.index_cast %swap3A_1457 : i32 to index
      %swap3A_1459 = arith.index_cast %add3A_1456 : i32 to index
      %swap3A_1460 = arith.index_cast %add3A_1448 : i32 to index
      %swap3A_1461 = tpu.vector_load %arg8[%swap3A_1458, %swap3A_1459, %swap3A_1460] {strides = array<i32>} : memref<3x32x1024xf32, #tpu.memory_space<vmem>>, vector<1x1x16xf32>,
      %swap3A_1462 = vector.shape_cast %swap3A_1461 : vector<1x1x16xf32> to vector<16xf32>
      %swap3A_1463 = vector.shape_cast %get3A_1454 : vector<16xf32> to vector<1x1x16xf32>
      tpu.vector_store %arg8[%swap3A_1458, %swap3A_1459, %swap3A_1460], %swap3A_1463 {add = true, strides = array<i32>} : memref<3x32x1024xf32, #tpu.memory_space<vmem>>, vector<1x1x16xf32>,
      %add3A_1464 = arith.constant 8 : i32
      %add3A_1465 = arith.addi %add3A_1464, %select_n3A : i32
      %swap3A_1466 = arith.constant 1 : i32
      %swap3A_1467 = arith.index_cast %swap3A_1466 : i32 to index
      %swap3A_1468 = arith.index_cast %add3A_1465 : i32 to index
      %swap3A_1469 = arith.index_cast %add3A_1448 : i32 to index
      %swap3A_1470 = tpu.vector_load %arg8[%swap3A_1467, %swap3A_1468, %swap3A_1469] {strides = array<i32>} : memref<3x32x1024xf32, #tpu.memory_space<vmem>>, vector<1x1x16xf32>,
      %swap3A_1471 = vector.shape_cast %swap3A_1470 : vector<1x1x16xf32> to vector<16xf32>
      %swap3A_1472 = vector.shape_cast %get3A_1454 : vector<16xf32> to vector<1x1x16xf32>
      tpu.vector_store %arg8[%swap3A_1467, %swap3A_1468, %swap3A_1469], %swap3A_1472 {add = true, strides = array<i32>} : memref<3x32x1024xf32, #tpu.memory_space<vmem>>, vector<1x1x16xf32>,
      %add3A_1473 = arith.constant 16 : i32
      %add3A_1474 = arith.addi %add3A_1473, %select_n3A : i32
      %swap3A_1475 = arith.constant 1 : i32
      %swap3A_1476 = arith.index_cast %swap3A_1475 : i32 to index
      %swap3A_1477 = arith.index_cast %add3A_1474 : i32 to index
      %swap3A_1478 = arith.index_cast %add3A_1448 : i32 to index
      %swap3A_1479 = tpu.vector_load %arg8[%swap3A_1476, %swap3A_1477, %swap3A_1478] {strides = array<i32>} : memref<3x32x1024xf32, #tpu.memory_space<vmem>>, vector<1x1x16xf32>,
      %swap3A_1480 = vector.shape_cast %swap3A_1479 : vector<1x1x16xf32> to vector<16xf32>
      %swap3A_1481 = vector.shape_cast %get3A_1454 : vector<16xf32> to vector<1x1x16xf32>
      tpu.vector_store %arg8[%swap3A_1476, %swap3A_1477, %swap3A_1478], %swap3A_1481 {add = true, strides = array<i32>} : memref<3x32x1024xf32, #tpu.memory_space<vmem>>, vector<1x1x16xf32>,
      %add3A_1482 = arith.constant 24 : i32
      %add3A_1483 = arith.addi %add3A_1482, %select_n3A : i32
      %swap3A_1484 = arith.constant 1 : i32
      %swap3A_1485 = arith.index_cast %swap3A_1484 : i32 to index
      %swap3A_1486 = arith.index_cast %add3A_1483 : i32 to index
      %swap3A_1487 = arith.index_cast %add3A_1448 : i32 to index
      %swap3A_1488 = tpu.vector_load %arg8[%swap3A_1485, %swap3A_1486, %swap3A_1487] {strides = array<i32>} : memref<3x32x1024xf32, #tpu.memory_space<vmem>>, vector<1x1x16xf32>,
      %swap3A_1489 = vector.shape_cast %swap3A_1488 : vector<1x1x16xf32> to vector<16xf32>
      %swap3A_1490 = vector.shape_cast %get3A_1454 : vector<16xf32> to vector<1x1x16xf32>
      tpu.vector_store %arg8[%swap3A_1485, %swap3A_1486, %swap3A_1487], %swap3A_1490 {add = true, strides = array<i32>} : memref<3x32x1024xf32, #tpu.memory_space<vmem>>, vector<1x1x16xf32>,
      %scan3A_1491 = arith.constant 0 : i32
      scf.yield %scan3A_1491 : i32
    }
    %scan3A_842 = arith.constant 64 : i32
    %add3A_843 = arith.constant 56 : i32
    %add3A_844 = arith.addi %mul3A_2, %add3A_843 : i32
    %dma_start3A_845 = arith.constant 1 : i32
    %dma_start3A_846 = arith.constant 0 : i32
    %dma_start3A_847 = arith.constant 0 : i32
    %dma_start3A_848 = arith.constant 0 : i32
    %dma_start3A_849 = tpu.memref_slice %arg8[%dma_start3A_845, %dma_start3A_847, %dma_start3A_848] : memref<3x32x1024xf32, #tpu.memory_space<vmem>> -> memref<1x8x1024xf32, #tpu.memory_space<vmem>>
    %dma_start3A_850 = tpu.memref_squeeze %dma_start3A_849 : memref<1x8x1024xf32, #tpu.memory_space<vmem>> -> memref<8x1024xf32, #tpu.memory_space<vmem>>
    %dma_start3A_851 = arith.constant 0 : i32
    %dma_start3A_852 = tpu.memref_slice %arg5[%dma_start3A_846, %add3A_844, %dma_start3A_851] : memref<4x2048x1024xf32, #tpu.memory_space<hbm>> -> memref<1x8x1024xf32, #tpu.memory_space<hbm>>
    %dma_start3A_853 = tpu.memref_squeeze %dma_start3A_852 : memref<1x8x1024xf32, #tpu.memory_space<hbm>> -> memref<8x1024xf32, #tpu.memory_space<hbm>>
    %dma_start3A_854 = arith.constant 0 : i32
    %dma_start3A_855 = tpu.memref_slice %arg5[%dma_start3A_846, %add3A_844, %dma_start3A_854] : memref<4x2048x1024xf32, #tpu.memory_space<hbm>> -> memref<1x8x1024xf32, #tpu.memory_space<hbm>>
    %dma_start3A_856 = tpu.memref_squeeze %dma_start3A_855 : memref<1x8x1024xf32, #tpu.memory_space<hbm>> -> memref<8x1024xf32, #tpu.memory_space<hbm>>
    %dma_start3A_857 = arith.constant 0 : i32
    %dma_start3A_858 = arith.constant 0 : i32
    %dma_start3A_859 = tpu.memref_slice %arg8[%dma_start3A_845, %dma_start3A_857, %dma_start3A_858] : memref<3x32x1024xf32, #tpu.memory_space<vmem>> -> memref<1x8x1024xf32, #tpu.memory_space<vmem>>
    %dma_start3A_860 = tpu.memref_squeeze %dma_start3A_859 : memref<1x8x1024xf32, #tpu.memory_space<vmem>> -> memref<8x1024xf32, #tpu.memory_space<vmem>>
    tpu.enqueue_dma source(%dma_start3A_860 : memref<8x1024xf32, #tpu.memory_space<vmem>>) target(%dma_start3A_856 : memref<8x1024xf32, #tpu.memory_space<hbm>>) target_semaphore(%arg16 : memref<!tpu.dma_semaphore, #tpu.memory_space<semaphore_mem>>)
    %dma_start3A_861 = arith.constant 1 : i32
    %dma_start3A_862 = arith.constant 1 : i32
    %dma_start3A_863 = arith.constant 8 : i32
    %dma_start3A_864 = arith.constant 0 : i32
    %dma_start3A_865 = tpu.memref_slice %arg8[%dma_start3A_861, %dma_start3A_863, %dma_start3A_864] : memref<3x32x1024xf32, #tpu.memory_space<vmem>> -> memref<1x8x1024xf32, #tpu.memory_space<vmem>>
    %dma_start3A_866 = tpu.memref_squeeze %dma_start3A_865 : memref<1x8x1024xf32, #tpu.memory_space<vmem>> -> memref<8x1024xf32, #tpu.memory_space<vmem>>
    %dma_start3A_867 = arith.constant 0 : i32
    %dma_start3A_868 = tpu.memref_slice %arg5[%dma_start3A_862, %add3A_844, %dma_start3A_867] : memref<4x2048x1024xf32, #tpu.memory_space<hbm>> -> memref<1x8x1024xf32, #tpu.memory_space<hbm>>
    %dma_start3A_869 = tpu.memref_squeeze %dma_start3A_868 : memref<1x8x1024xf32, #tpu.memory_space<hbm>> -> memref<8x1024xf32, #tpu.memory_space<hbm>>
    %dma_start3A_870 = arith.constant 0 : i32
    %dma_start3A_871 = tpu.memref_slice %arg5[%dma_start3A_862, %add3A_844, %dma_start3A_870] : memref<4x2048x1024xf32, #tpu.memory_space<hbm>> -> memref<1x8x1024xf32, #tpu.memory_space<hbm>>
    %dma_start3A_872 = tpu.memref_squeeze %dma_start3A_871 : memref<1x8x1024xf32, #tpu.memory_space<hbm>> -> memref<8x1024xf32, #tpu.memory_space<hbm>>
    %dma_start3A_873 = arith.constant 8 : i32
    %dma_start3A_874 = arith.constant 0 : i32
    %dma_start3A_875 = tpu.memref_slice %arg8[%dma_start3A_861, %dma_start3A_873, %dma_start3A_874] : memref<3x32x1024xf32, #tpu.memory_space<vmem>> -> memref<1x8x1024xf32, #tpu.memory_space<vmem>>
    %dma_start3A_876 = tpu.memref_squeeze %dma_start3A_875 : memref<1x8x1024xf32, #tpu.memory_space<vmem>> -> memref<8x1024xf32, #tpu.memory_space<vmem>>
    tpu.enqueue_dma source(%dma_start3A_876 : memref<8x1024xf32, #tpu.memory_space<vmem>>) target(%dma_start3A_872 : memref<8x1024xf32, #tpu.memory_space<hbm>>) target_semaphore(%arg16 : memref<!tpu.dma_semaphore, #tpu.memory_space<semaphore_mem>>)
    %dma_start3A_877 = arith.constant 1 : i32
    %dma_start3A_878 = arith.constant 2 : i32
    %dma_start3A_879 = arith.constant 16 : i32
    %dma_start3A_880 = arith.constant 0 : i32
    %dma_start3A_881 = tpu.memref_slice %arg8[%dma_start3A_877, %dma_start3A_879, %dma_start3A_880] : memref<3x32x1024xf32, #tpu.memory_space<vmem>> -> memref<1x8x1024xf32, #tpu.memory_space<vmem>>
    %dma_start3A_882 = tpu.memref_squeeze %dma_start3A_881 : memref<1x8x1024xf32, #tpu.memory_space<vmem>> -> memref<8x1024xf32, #tpu.memory_space<vmem>>
    %dma_start3A_883 = arith.constant 0 : i32
    %dma_start3A_884 = tpu.memref_slice %arg5[%dma_start3A_878, %add3A_844, %dma_start3A_883] : memref<4x2048x1024xf32, #tpu.memory_space<hbm>> -> memref<1x8x1024xf32, #tpu.memory_space<hbm>>
    %dma_start3A_885 = tpu.memref_squeeze %dma_start3A_884 : memref<1x8x1024xf32, #tpu.memory_space<hbm>> -> memref<8x1024xf32, #tpu.memory_space<hbm>>
    %dma_start3A_886 = arith.constant 0 : i32
    %dma_start3A_887 = tpu.memref_slice %arg5[%dma_start3A_878, %add3A_844, %dma_start3A_886] : memref<4x2048x1024xf32, #tpu.memory_space<hbm>> -> memref<1x8x1024xf32, #tpu.memory_space<hbm>>
    %dma_start3A_888 = tpu.memref_squeeze %dma_start3A_887 : memref<1x8x1024xf32, #tpu.memory_space<hbm>> -> memref<8x1024xf32, #tpu.memory_space<hbm>>
    %dma_start3A_889 = arith.constant 16 : i32
    %dma_start3A_890 = arith.constant 0 : i32
    %dma_start3A_891 = tpu.memref_slice %arg8[%dma_start3A_877, %dma_start3A_889, %dma_start3A_890] : memref<3x32x1024xf32, #tpu.memory_space<vmem>> -> memref<1x8x1024xf32, #tpu.memory_space<vmem>>
    %dma_start3A_892 = tpu.memref_squeeze %dma_start3A_891 : memref<1x8x1024xf32, #tpu.memory_space<vmem>> -> memref<8x1024xf32, #tpu.memory_space<vmem>>
    tpu.enqueue_dma source(%dma_start3A_892 : memref<8x1024xf32, #tpu.memory_space<vmem>>) target(%dma_start3A_888 : memref<8x1024xf32, #tpu.memory_space<hbm>>) target_semaphore(%arg16 : memref<!tpu.dma_semaphore, #tpu.memory_space<semaphore_mem>>)
    %dma_start3A_893 = arith.constant 1 : i32
    %dma_start3A_894 = arith.constant 3 : i32
    %dma_start3A_895 = arith.constant 24 : i32
    %dma_start3A_896 = arith.constant 0 : i32
    %dma_start3A_897 = tpu.memref_slice %arg8[%dma_start3A_893, %dma_start3A_895, %dma_start3A_896] : memref<3x32x1024xf32, #tpu.memory_space<vmem>> -> memref<1x8x1024xf32, #tpu.memory_space<vmem>>
    %dma_start3A_898 = tpu.memref_squeeze %dma_start3A_897 : memref<1x8x1024xf32, #tpu.memory_space<vmem>> -> memref<8x1024xf32, #tpu.memory_space<vmem>>
    %dma_start3A_899 = arith.constant 0 : i32
    %dma_start3A_900 = tpu.memref_slice %arg5[%dma_start3A_894, %add3A_844, %dma_start3A_899] : memref<4x2048x1024xf32, #tpu.memory_space<hbm>> -> memref<1x8x1024xf32, #tpu.memory_space<hbm>>
    %dma_start3A_901 = tpu.memref_squeeze %dma_start3A_900 : memref<1x8x1024xf32, #tpu.memory_space<hbm>> -> memref<8x1024xf32, #tpu.memory_space<hbm>>
    %dma_start3A_902 = arith.constant 0 : i32
    %dma_start3A_903 = tpu.memref_slice %arg5[%dma_start3A_894, %add3A_844, %dma_start3A_902] : memref<4x2048x1024xf32, #tpu.memory_space<hbm>> -> memref<1x8x1024xf32, #tpu.memory_space<hbm>>
    %dma_start3A_904 = tpu.memref_squeeze %dma_start3A_903 : memref<1x8x1024xf32, #tpu.memory_space<hbm>> -> memref<8x1024xf32, #tpu.memory_space<hbm>>
    %dma_start3A_905 = arith.constant 24 : i32
    %dma_start3A_906 = arith.constant 0 : i32
    %dma_start3A_907 = tpu.memref_slice %arg8[%dma_start3A_893, %dma_start3A_905, %dma_start3A_906] : memref<3x32x1024xf32, #tpu.memory_space<vmem>> -> memref<1x8x1024xf32, #tpu.memory_space<vmem>>
    %dma_start3A_908 = tpu.memref_squeeze %dma_start3A_907 : memref<1x8x1024xf32, #tpu.memory_space<vmem>> -> memref<8x1024xf32, #tpu.memory_space<vmem>>
    tpu.enqueue_dma source(%dma_start3A_908 : memref<8x1024xf32, #tpu.memory_space<vmem>>) target(%dma_start3A_904 : memref<8x1024xf32, #tpu.memory_space<hbm>>) target_semaphore(%arg16 : memref<!tpu.dma_semaphore, #tpu.memory_space<semaphore_mem>>)
    %add3A_909 = arith.constant 40 : i32
    %add3A_910 = arith.addi %mul3A_2, %add3A_909 : i32
    %dma_wait3A_911 = arith.constant 2 : i32
    %dma_wait3A_912 = arith.constant 0 : i32
    %dma_wait3A_913 = arith.constant 0 : i32
    %dma_wait3A_914 = arith.constant 0 : i32
    %dma_wait3A_915 = tpu.memref_slice %arg8[%dma_wait3A_911, %dma_wait3A_913, %dma_wait3A_914] : memref<3x32x1024xf32, #tpu.memory_space<vmem>> -> memref<1x8x1024xf32, #tpu.memory_space<vmem>>
    %dma_wait3A_916 = tpu.memref_squeeze %dma_wait3A_915 : memref<1x8x1024xf32, #tpu.memory_space<vmem>> -> memref<8x1024xf32, #tpu.memory_space<vmem>>
    %dma_wait3A_917 = arith.constant 0 : i32
    %dma_wait3A_918 = tpu.memref_slice %arg5[%dma_wait3A_912, %add3A_910, %dma_wait3A_917] : memref<4x2048x1024xf32, #tpu.memory_space<hbm>> -> memref<1x8x1024xf32, #tpu.memory_space<hbm>>
    %dma_wait3A_919 = tpu.memref_squeeze %dma_wait3A_918 : memref<1x8x1024xf32, #tpu.memory_space<hbm>> -> memref<8x1024xf32, #tpu.memory_space<hbm>>
    %dma_wait3A_920 = arith.constant 0 : i32
    %dma_wait3A_921 = tpu.memref_slice %arg5[%dma_wait3A_912, %add3A_910, %dma_wait3A_920] : memref<4x2048x1024xf32, #tpu.memory_space<hbm>> -> memref<1x8x1024xf32, #tpu.memory_space<hbm>>
    %dma_wait3A_922 = tpu.memref_squeeze %dma_wait3A_921 : memref<1x8x1024xf32, #tpu.memory_space<hbm>> -> memref<8x1024xf32, #tpu.memory_space<hbm>>
    %dma_wait3A_923 = arith.constant 0 : i32
    %dma_wait3A_924 = arith.constant 0 : i32
    %dma_wait3A_925 = tpu.memref_slice %arg8[%dma_wait3A_911, %dma_wait3A_923, %dma_wait3A_924] : memref<3x32x1024xf32, #tpu.memory_space<vmem>> -> memref<1x8x1024xf32, #tpu.memory_space<vmem>>
    %dma_wait3A_926 = tpu.memref_squeeze %dma_wait3A_925 : memref<1x8x1024xf32, #tpu.memory_space<vmem>> -> memref<8x1024xf32, #tpu.memory_space<vmem>>
    tpu.wait_dma2 semaphore(%arg17 : memref<!tpu.dma_semaphore, #tpu.memory_space<semaphore_mem>>) src(%dma_wait3A_926 : memref<8x1024xf32, #tpu.memory_space<vmem>>) dst(%dma_wait3A_922 : memref<8x1024xf32, #tpu.memory_space<hbm>>)
    %dma_wait3A_927 = arith.constant 2 : i32
    %dma_wait3A_928 = arith.constant 1 : i32
    %dma_wait3A_929 = arith.constant 8 : i32
    %dma_wait3A_930 = arith.constant 0 : i32
    %dma_wait3A_931 = tpu.memref_slice %arg8[%dma_wait3A_927, %dma_wait3A_929, %dma_wait3A_930] : memref<3x32x1024xf32, #tpu.memory_space<vmem>> -> memref<1x8x1024xf32, #tpu.memory_space<vmem>>
    %dma_wait3A_932 = tpu.memref_squeeze %dma_wait3A_931 : memref<1x8x1024xf32, #tpu.memory_space<vmem>> -> memref<8x1024xf32, #tpu.memory_space<vmem>>
    %dma_wait3A_933 = arith.constant 0 : i32
    %dma_wait3A_934 = tpu.memref_slice %arg5[%dma_wait3A_928, %add3A_910, %dma_wait3A_933] : memref<4x2048x1024xf32, #tpu.memory_space<hbm>> -> memref<1x8x1024xf32, #tpu.memory_space<hbm>>
    %dma_wait3A_935 = tpu.memref_squeeze %dma_wait3A_934 : memref<1x8x1024xf32, #tpu.memory_space<hbm>> -> memref<8x1024xf32, #tpu.memory_space<hbm>>
    %dma_wait3A_936 = arith.constant 0 : i32
    %dma_wait3A_937 = tpu.memref_slice %arg5[%dma_wait3A_928, %add3A_910, %dma_wait3A_936] : memref<4x2048x1024xf32, #tpu.memory_space<hbm>> -> memref<1x8x1024xf32, #tpu.memory_space<hbm>>
    %dma_wait3A_938 = tpu.memref_squeeze %dma_wait3A_937 : memref<1x8x1024xf32, #tpu.memory_space<hbm>> -> memref<8x1024xf32, #tpu.memory_space<hbm>>
    %dma_wait3A_939 = arith.constant 8 : i32
    %dma_wait3A_940 = arith.constant 0 : i32
    %dma_wait3A_941 = tpu.memref_slice %arg8[%dma_wait3A_927, %dma_wait3A_939, %dma_wait3A_940] : memref<3x32x1024xf32, #tpu.memory_space<vmem>> -> memref<1x8x1024xf32, #tpu.memory_space<vmem>>
    %dma_wait3A_942 = tpu.memref_squeeze %dma_wait3A_941 : memref<1x8x1024xf32, #tpu.memory_space<vmem>> -> memref<8x1024xf32, #tpu.memory_space<vmem>>
    tpu.wait_dma2 semaphore(%arg17 : memref<!tpu.dma_semaphore, #tpu.memory_space<semaphore_mem>>) src(%dma_wait3A_942 : memref<8x1024xf32, #tpu.memory_space<vmem>>) dst(%dma_wait3A_938 : memref<8x1024xf32, #tpu.memory_space<hbm>>)
    %dma_wait3A_943 = arith.constant 2 : i32
    %dma_wait3A_944 = arith.constant 2 : i32
    %dma_wait3A_945 = arith.constant 16 : i32
    %dma_wait3A_946 = arith.constant 0 : i32
    %dma_wait3A_947 = tpu.memref_slice %arg8[%dma_wait3A_943, %dma_wait3A_945, %dma_wait3A_946] : memref<3x32x1024xf32, #tpu.memory_space<vmem>> -> memref<1x8x1024xf32, #tpu.memory_space<vmem>>
    %dma_wait3A_948 = tpu.memref_squeeze %dma_wait3A_947 : memref<1x8x1024xf32, #tpu.memory_space<vmem>> -> memref<8x1024xf32, #tpu.memory_space<vmem>>
    %dma_wait3A_949 = arith.constant 0 : i32
    %dma_wait3A_950 = tpu.memref_slice %arg5[%dma_wait3A_944, %add3A_910, %dma_wait3A_949] : memref<4x2048x1024xf32, #tpu.memory_space<hbm>> -> memref<1x8x1024xf32, #tpu.memory_space<hbm>>
    %dma_wait3A_951 = tpu.memref_squeeze %dma_wait3A_950 : memref<1x8x1024xf32, #tpu.memory_space<hbm>> -> memref<8x1024xf32, #tpu.memory_space<hbm>>
    %dma_wait3A_952 = arith.constant 0 : i32
    %dma_wait3A_953 = tpu.memref_slice %arg5[%dma_wait3A_944, %add3A_910, %dma_wait3A_952] : memref<4x2048x1024xf32, #tpu.memory_space<hbm>> -> memref<1x8x1024xf32, #tpu.memory_space<hbm>>
    %dma_wait3A_954 = tpu.memref_squeeze %dma_wait3A_953 : memref<1x8x1024xf32, #tpu.memory_space<hbm>> -> memref<8x1024xf32, #tpu.memory_space<hbm>>
    %dma_wait3A_955 = arith.constant 16 : i32
    %dma_wait3A_956 = arith.constant 0 : i32
    %dma_wait3A_957 = tpu.memref_slice %arg8[%dma_wait3A_943, %dma_wait3A_955, %dma_wait3A_956] : memref<3x32x1024xf32, #tpu.memory_space<vmem>> -> memref<1x8x1024xf32, #tpu.memory_space<vmem>>
    %dma_wait3A_958 = tpu.memref_squeeze %dma_wait3A_957 : memref<1x8x1024xf32, #tpu.memory_space<vmem>> -> memref<8x1024xf32, #tpu.memory_space<vmem>>
    tpu.wait_dma2 semaphore(%arg17 : memref<!tpu.dma_semaphore, #tpu.memory_space<semaphore_mem>>) src(%dma_wait3A_958 : memref<8x1024xf32, #tpu.memory_space<vmem>>) dst(%dma_wait3A_954 : memref<8x1024xf32, #tpu.memory_space<hbm>>)
    %dma_wait3A_959 = arith.constant 2 : i32
    %dma_wait3A_960 = arith.constant 3 : i32
    %dma_wait3A_961 = arith.constant 24 : i32
    %dma_wait3A_962 = arith.constant 0 : i32
    %dma_wait3A_963 = tpu.memref_slice %arg8[%dma_wait3A_959, %dma_wait3A_961, %dma_wait3A_962] : memref<3x32x1024xf32, #tpu.memory_space<vmem>> -> memref<1x8x1024xf32, #tpu.memory_space<vmem>>
    %dma_wait3A_964 = tpu.memref_squeeze %dma_wait3A_963 : memref<1x8x1024xf32, #tpu.memory_space<vmem>> -> memref<8x1024xf32, #tpu.memory_space<vmem>>
    %dma_wait3A_965 = arith.constant 0 : i32
    %dma_wait3A_966 = tpu.memref_slice %arg5[%dma_wait3A_960, %add3A_910, %dma_wait3A_965] : memref<4x2048x1024xf32, #tpu.memory_space<hbm>> -> memref<1x8x1024xf32, #tpu.memory_space<hbm>>
    %dma_wait3A_967 = tpu.memref_squeeze %dma_wait3A_966 : memref<1x8x1024xf32, #tpu.memory_space<hbm>> -> memref<8x1024xf32, #tpu.memory_space<hbm>>
    %dma_wait3A_968 = arith.constant 0 : i32
    %dma_wait3A_969 = tpu.memref_slice %arg5[%dma_wait3A_960, %add3A_910, %dma_wait3A_968] : memref<4x2048x1024xf32, #tpu.memory_space<hbm>> -> memref<1x8x1024xf32, #tpu.memory_space<hbm>>
    %dma_wait3A_970 = tpu.memref_squeeze %dma_wait3A_969 : memref<1x8x1024xf32, #tpu.memory_space<hbm>> -> memref<8x1024xf32, #tpu.memory_space<hbm>>
    %dma_wait3A_971 = arith.constant 24 : i32
    %dma_wait3A_972 = arith.constant 0 : i32
    %dma_wait3A_973 = tpu.memref_slice %arg8[%dma_wait3A_959, %dma_wait3A_971, %dma_wait3A_972] : memref<3x32x1024xf32, #tpu.memory_space<vmem>> -> memref<1x8x1024xf32, #tpu.memory_space<vmem>>
    %dma_wait3A_974 = tpu.memref_squeeze %dma_wait3A_973 : memref<1x8x1024xf32, #tpu.memory_space<vmem>> -> memref<8x1024xf32, #tpu.memory_space<vmem>>
    tpu.wait_dma2 semaphore(%arg17 : memref<!tpu.dma_semaphore, #tpu.memory_space<semaphore_mem>>) src(%dma_wait3A_974 : memref<8x1024xf32, #tpu.memory_space<vmem>>) dst(%dma_wait3A_970 : memref<8x1024xf32, #tpu.memory_space<hbm>>)
    %add3A_975 = arith.constant 48 : i32
    %add3A_976 = arith.addi %mul3A_2, %add3A_975 : i32
    %dma_wait3A_977 = arith.constant 0 : i32
    %dma_wait3A_978 = arith.constant 0 : i32
    %dma_wait3A_979 = arith.constant 0 : i32
    %dma_wait3A_980 = arith.constant 0 : i32
    %dma_wait3A_981 = tpu.memref_slice %arg8[%dma_wait3A_977, %dma_wait3A_979, %dma_wait3A_980] : memref<3x32x1024xf32, #tpu.memory_space<vmem>> -> memref<1x8x1024xf32, #tpu.memory_space<vmem>>
    %dma_wait3A_982 = tpu.memref_squeeze %dma_wait3A_981 : memref<1x8x1024xf32, #tpu.memory_space<vmem>> -> memref<8x1024xf32, #tpu.memory_space<vmem>>
    %dma_wait3A_983 = arith.constant 0 : i32
    %dma_wait3A_984 = tpu.memref_slice %arg5[%dma_wait3A_978, %add3A_976, %dma_wait3A_983] : memref<4x2048x1024xf32, #tpu.memory_space<hbm>> -> memref<1x8x1024xf32, #tpu.memory_space<hbm>>
    %dma_wait3A_985 = tpu.memref_squeeze %dma_wait3A_984 : memref<1x8x1024xf32, #tpu.memory_space<hbm>> -> memref<8x1024xf32, #tpu.memory_space<hbm>>
    %dma_wait3A_986 = arith.constant 0 : i32
    %dma_wait3A_987 = tpu.memref_slice %arg5[%dma_wait3A_978, %add3A_976, %dma_wait3A_986] : memref<4x2048x1024xf32, #tpu.memory_space<hbm>> -> memref<1x8x1024xf32, #tpu.memory_space<hbm>>
    %dma_wait3A_988 = tpu.memref_squeeze %dma_wait3A_987 : memref<1x8x1024xf32, #tpu.memory_space<hbm>> -> memref<8x1024xf32, #tpu.memory_space<hbm>>
    %dma_wait3A_989 = arith.constant 0 : i32
    %dma_wait3A_990 = arith.constant 0 : i32
    %dma_wait3A_991 = tpu.memref_slice %arg8[%dma_wait3A_977, %dma_wait3A_989, %dma_wait3A_990] : memref<3x32x1024xf32, #tpu.memory_space<vmem>> -> memref<1x8x1024xf32, #tpu.memory_space<vmem>>
    %dma_wait3A_992 = tpu.memref_squeeze %dma_wait3A_991 : memref<1x8x1024xf32, #tpu.memory_space<vmem>> -> memref<8x1024xf32, #tpu.memory_space<vmem>>
    tpu.wait_dma2 semaphore(%arg15 : memref<!tpu.dma_semaphore, #tpu.memory_space<semaphore_mem>>) src(%dma_wait3A_992 : memref<8x1024xf32, #tpu.memory_space<vmem>>) dst(%dma_wait3A_988 : memref<8x1024xf32, #tpu.memory_space<hbm>>)
    %dma_wait3A_993 = arith.constant 0 : i32
    %dma_wait3A_994 = arith.constant 1 : i32
    %dma_wait3A_995 = arith.constant 8 : i32
    %dma_wait3A_996 = arith.constant 0 : i32
    %dma_wait3A_997 = tpu.memref_slice %arg8[%dma_wait3A_993, %dma_wait3A_995, %dma_wait3A_996] : memref<3x32x1024xf32, #tpu.memory_space<vmem>> -> memref<1x8x1024xf32, #tpu.memory_space<vmem>>
    %dma_wait3A_998 = tpu.memref_squeeze %dma_wait3A_997 : memref<1x8x1024xf32, #tpu.memory_space<vmem>> -> memref<8x1024xf32, #tpu.memory_space<vmem>>
    %dma_wait3A_999 = arith.constant 0 : i32
    %dma_wait3A_1000 = tpu.memref_slice %arg5[%dma_wait3A_994, %add3A_976, %dma_wait3A_999] : memref<4x2048x1024xf32, #tpu.memory_space<hbm>> -> memref<1x8x1024xf32, #tpu.memory_space<hbm>>
    %dma_wait3A_1001 = tpu.memref_squeeze %dma_wait3A_1000 : memref<1x8x1024xf32, #tpu.memory_space<hbm>> -> memref<8x1024xf32, #tpu.memory_space<hbm>>
    %dma_wait3A_1002 = arith.constant 0 : i32
    %dma_wait3A_1003 = tpu.memref_slice %arg5[%dma_wait3A_994, %add3A_976, %dma_wait3A_1002] : memref<4x2048x1024xf32, #tpu.memory_space<hbm>> -> memref<1x8x1024xf32, #tpu.memory_space<hbm>>
    %dma_wait3A_1004 = tpu.memref_squeeze %dma_wait3A_1003 : memref<1x8x1024xf32, #tpu.memory_space<hbm>> -> memref<8x1024xf32, #tpu.memory_space<hbm>>
    %dma_wait3A_1005 = arith.constant 8 : i32
    %dma_wait3A_1006 = arith.constant 0 : i32
    %dma_wait3A_1007 = tpu.memref_slice %arg8[%dma_wait3A_993, %dma_wait3A_1005, %dma_wait3A_1006] : memref<3x32x1024xf32, #tpu.memory_space<vmem>> -> memref<1x8x1024xf32, #tpu.memory_space<vmem>>
    %dma_wait3A_1008 = tpu.memref_squeeze %dma_wait3A_1007 : memref<1x8x1024xf32, #tpu.memory_space<vmem>> -> memref<8x1024xf32, #tpu.memory_space<vmem>>
    tpu.wait_dma2 semaphore(%arg15 : memref<!tpu.dma_semaphore, #tpu.memory_space<semaphore_mem>>) src(%dma_wait3A_1008 : memref<8x1024xf32, #tpu.memory_space<vmem>>) dst(%dma_wait3A_1004 : memref<8x1024xf32, #tpu.memory_space<hbm>>)
    %dma_wait3A_1009 = arith.constant 0 : i32
    %dma_wait3A_1010 = arith.constant 2 : i32
    %dma_wait3A_1011 = arith.constant 16 : i32
    %dma_wait3A_1012 = arith.constant 0 : i32
    %dma_wait3A_1013 = tpu.memref_slice %arg8[%dma_wait3A_1009, %dma_wait3A_1011, %dma_wait3A_1012] : memref<3x32x1024xf32, #tpu.memory_space<vmem>> -> memref<1x8x1024xf32, #tpu.memory_space<vmem>>
    %dma_wait3A_1014 = tpu.memref_squeeze %dma_wait3A_1013 : memref<1x8x1024xf32, #tpu.memory_space<vmem>> -> memref<8x1024xf32, #tpu.memory_space<vmem>>
    %dma_wait3A_1015 = arith.constant 0 : i32
    %dma_wait3A_1016 = tpu.memref_slice %arg5[%dma_wait3A_1010, %add3A_976, %dma_wait3A_1015] : memref<4x2048x1024xf32, #tpu.memory_space<hbm>> -> memref<1x8x1024xf32, #tpu.memory_space<hbm>>
    %dma_wait3A_1017 = tpu.memref_squeeze %dma_wait3A_1016 : memref<1x8x1024xf32, #tpu.memory_space<hbm>> -> memref<8x1024xf32, #tpu.memory_space<hbm>>
    %dma_wait3A_1018 = arith.constant 0 : i32
    %dma_wait3A_1019 = tpu.memref_slice %arg5[%dma_wait3A_1010, %add3A_976, %dma_wait3A_1018] : memref<4x2048x1024xf32, #tpu.memory_space<hbm>> -> memref<1x8x1024xf32, #tpu.memory_space<hbm>>
    %dma_wait3A_1020 = tpu.memref_squeeze %dma_wait3A_1019 : memref<1x8x1024xf32, #tpu.memory_space<hbm>> -> memref<8x1024xf32, #tpu.memory_space<hbm>>
    %dma_wait3A_1021 = arith.constant 16 : i32
    %dma_wait3A_1022 = arith.constant 0 : i32
    %dma_wait3A_1023 = tpu.memref_slice %arg8[%dma_wait3A_1009, %dma_wait3A_1021, %dma_wait3A_1022] : memref<3x32x1024xf32, #tpu.memory_space<vmem>> -> memref<1x8x1024xf32, #tpu.memory_space<vmem>>
    %dma_wait3A_1024 = tpu.memref_squeeze %dma_wait3A_1023 : memref<1x8x1024xf32, #tpu.memory_space<vmem>> -> memref<8x1024xf32, #tpu.memory_space<vmem>>
    tpu.wait_dma2 semaphore(%arg15 : memref<!tpu.dma_semaphore, #tpu.memory_space<semaphore_mem>>) src(%dma_wait3A_1024 : memref<8x1024xf32, #tpu.memory_space<vmem>>) dst(%dma_wait3A_1020 : memref<8x1024xf32, #tpu.memory_space<hbm>>)
    %dma_wait3A_1025 = arith.constant 0 : i32
    %dma_wait3A_1026 = arith.constant 3 : i32
    %dma_wait3A_1027 = arith.constant 24 : i32
    %dma_wait3A_1028 = arith.constant 0 : i32
    %dma_wait3A_1029 = tpu.memref_slice %arg8[%dma_wait3A_1025, %dma_wait3A_1027, %dma_wait3A_1028] : memref<3x32x1024xf32, #tpu.memory_space<vmem>> -> memref<1x8x1024xf32, #tpu.memory_space<vmem>>
    %dma_wait3A_1030 = tpu.memref_squeeze %dma_wait3A_1029 : memref<1x8x1024xf32, #tpu.memory_space<vmem>> -> memref<8x1024xf32, #tpu.memory_space<vmem>>
    %dma_wait3A_1031 = arith.constant 0 : i32
    %dma_wait3A_1032 = tpu.memref_slice %arg5[%dma_wait3A_1026, %add3A_976, %dma_wait3A_1031] : memref<4x2048x1024xf32, #tpu.memory_space<hbm>> -> memref<1x8x1024xf32, #tpu.memory_space<hbm>>
    %dma_wait3A_1033 = tpu.memref_squeeze %dma_wait3A_1032 : memref<1x8x1024xf32, #tpu.memory_space<hbm>> -> memref<8x1024xf32, #tpu.memory_space<hbm>>
    %dma_wait3A_1034 = arith.constant 0 : i32
    %dma_wait3A_1035 = tpu.memref_slice %arg5[%dma_wait3A_1026, %add3A_976, %dma_wait3A_1034] : memref<4x2048x1024xf32, #tpu.memory_space<hbm>> -> memref<1x8x1024xf32, #tpu.memory_space<hbm>>
    %dma_wait3A_1036 = tpu.memref_squeeze %dma_wait3A_1035 : memref<1x8x1024xf32, #tpu.memory_space<hbm>> -> memref<8x1024xf32, #tpu.memory_space<hbm>>
    %dma_wait3A_1037 = arith.constant 24 : i32
    %dma_wait3A_1038 = arith.constant 0 : i32
    %dma_wait3A_1039 = tpu.memref_slice %arg8[%dma_wait3A_1025, %dma_wait3A_1037, %dma_wait3A_1038] : memref<3x32x1024xf32, #tpu.memory_space<vmem>> -> memref<1x8x1024xf32, #tpu.memory_space<vmem>>
    %dma_wait3A_1040 = tpu.memref_squeeze %dma_wait3A_1039 : memref<1x8x1024xf32, #tpu.memory_space<vmem>> -> memref<8x1024xf32, #tpu.memory_space<vmem>>
    tpu.wait_dma2 semaphore(%arg15 : memref<!tpu.dma_semaphore, #tpu.memory_space<semaphore_mem>>) src(%dma_wait3A_1040 : memref<8x1024xf32, #tpu.memory_space<vmem>>) dst(%dma_wait3A_1036 : memref<8x1024xf32, #tpu.memory_space<hbm>>)
    %add3A_1041 = arith.constant 56 : i32
    %add3A_1042 = arith.addi %mul3A_2, %add3A_1041 : i32
    %dma_wait3A_1043 = arith.constant 1 : i32
    %dma_wait3A_1044 = arith.constant 0 : i32
    %dma_wait3A_1045 = arith.constant 0 : i32
    %dma_wait3A_1046 = arith.constant 0 : i32
    %dma_wait3A_1047 = tpu.memref_slice %arg8[%dma_wait3A_1043, %dma_wait3A_1045, %dma_wait3A_1046] : memref<3x32x1024xf32, #tpu.memory_space<vmem>> -> memref<1x8x1024xf32, #tpu.memory_space<vmem>>
    %dma_wait3A_1048 = tpu.memref_squeeze %dma_wait3A_1047 : memref<1x8x1024xf32, #tpu.memory_space<vmem>> -> memref<8x1024xf32, #tpu.memory_space<vmem>>
    %dma_wait3A_1049 = arith.constant 0 : i32
    %dma_wait3A_1050 = tpu.memref_slice %arg5[%dma_wait3A_1044, %add3A_1042, %dma_wait3A_1049] : memref<4x2048x1024xf32, #tpu.memory_space<hbm>> -> memref<1x8x1024xf32, #tpu.memory_space<hbm>>
    %dma_wait3A_1051 = tpu.memref_squeeze %dma_wait3A_1050 : memref<1x8x1024xf32, #tpu.memory_space<hbm>> -> memref<8x1024xf32, #tpu.memory_space<hbm>>
    %dma_wait3A_1052 = arith.constant 0 : i32
    %dma_wait3A_1053 = tpu.memref_slice %arg5[%dma_wait3A_1044, %add3A_1042, %dma_wait3A_1052] : memref<4x2048x1024xf32, #tpu.memory_space<hbm>> -> memref<1x8x1024xf32, #tpu.memory_space<hbm>>
    %dma_wait3A_1054 = tpu.memref_squeeze %dma_wait3A_1053 : memref<1x8x1024xf32, #tpu.memory_space<hbm>> -> memref<8x1024xf32, #tpu.memory_space<hbm>>
    %dma_wait3A_1055 = arith.constant 0 : i32
    %dma_wait3A_1056 = arith.constant 0 : i32
    %dma_wait3A_1057 = tpu.memref_slice %arg8[%dma_wait3A_1043, %dma_wait3A_1055, %dma_wait3A_1056] : memref<3x32x1024xf32, #tpu.memory_space<vmem>> -> memref<1x8x1024xf32, #tpu.memory_space<vmem>>
    %dma_wait3A_1058 = tpu.memref_squeeze %dma_wait3A_1057 : memref<1x8x1024xf32, #tpu.memory_space<vmem>> -> memref<8x1024xf32, #tpu.memory_space<vmem>>
    tpu.wait_dma2 semaphore(%arg16 : memref<!tpu.dma_semaphore, #tpu.memory_space<semaphore_mem>>) src(%dma_wait3A_1058 : memref<8x1024xf32, #tpu.memory_space<vmem>>) dst(%dma_wait3A_1054 : memref<8x1024xf32, #tpu.memory_space<hbm>>)
    %dma_wait3A_1059 = arith.constant 1 : i32
    %dma_wait3A_1060 = arith.constant 1 : i32
    %dma_wait3A_1061 = arith.constant 8 : i32
    %dma_wait3A_1062 = arith.constant 0 : i32
    %dma_wait3A_1063 = tpu.memref_slice %arg8[%dma_wait3A_1059, %dma_wait3A_1061, %dma_wait3A_1062] : memref<3x32x1024xf32, #tpu.memory_space<vmem>> -> memref<1x8x1024xf32, #tpu.memory_space<vmem>>
    %dma_wait3A_1064 = tpu.memref_squeeze %dma_wait3A_1063 : memref<1x8x1024xf32, #tpu.memory_space<vmem>> -> memref<8x1024xf32, #tpu.memory_space<vmem>>
    %dma_wait3A_1065 = arith.constant 0 : i32
    %dma_wait3A_1066 = tpu.memref_slice %arg5[%dma_wait3A_1060, %add3A_1042, %dma_wait3A_1065] : memref<4x2048x1024xf32, #tpu.memory_space<hbm>> -> memref<1x8x1024xf32, #tpu.memory_space<hbm>>
    %dma_wait3A_1067 = tpu.memref_squeeze %dma_wait3A_1066 : memref<1x8x1024xf32, #tpu.memory_space<hbm>> -> memref<8x1024xf32, #tpu.memory_space<hbm>>
    %dma_wait3A_1068 = arith.constant 0 : i32
    %dma_wait3A_1069 = tpu.memref_slice %arg5[%dma_wait3A_1060, %add3A_1042, %dma_wait3A_1068] : memref<4x2048x1024xf32, #tpu.memory_space<hbm>> -> memref<1x8x1024xf32, #tpu.memory_space<hbm>>
    %dma_wait3A_1070 = tpu.memref_squeeze %dma_wait3A_1069 : memref<1x8x1024xf32, #tpu.memory_space<hbm>> -> memref<8x1024xf32, #tpu.memory_space<hbm>>
    %dma_wait3A_1071 = arith.constant 8 : i32
    %dma_wait3A_1072 = arith.constant 0 : i32
    %dma_wait3A_1073 = tpu.memref_slice %arg8[%dma_wait3A_1059, %dma_wait3A_1071, %dma_wait3A_1072] : memref<3x32x1024xf32, #tpu.memory_space<vmem>> -> memref<1x8x1024xf32, #tpu.memory_space<vmem>>
    %dma_wait3A_1074 = tpu.memref_squeeze %dma_wait3A_1073 : memref<1x8x1024xf32, #tpu.memory_space<vmem>> -> memref<8x1024xf32, #tpu.memory_space<vmem>>
    tpu.wait_dma2 semaphore(%arg16 : memref<!tpu.dma_semaphore, #tpu.memory_space<semaphore_mem>>) src(%dma_wait3A_1074 : memref<8x1024xf32, #tpu.memory_space<vmem>>) dst(%dma_wait3A_1070 : memref<8x1024xf32, #tpu.memory_space<hbm>>)
    %dma_wait3A_1075 = arith.constant 1 : i32
    %dma_wait3A_1076 = arith.constant 2 : i32
    %dma_wait3A_1077 = arith.constant 16 : i32
    %dma_wait3A_1078 = arith.constant 0 : i32
    %dma_wait3A_1079 = tpu.memref_slice %arg8[%dma_wait3A_1075, %dma_wait3A_1077, %dma_wait3A_1078] : memref<3x32x1024xf32, #tpu.memory_space<vmem>> -> memref<1x8x1024xf32, #tpu.memory_space<vmem>>
    %dma_wait3A_1080 = tpu.memref_squeeze %dma_wait3A_1079 : memref<1x8x1024xf32, #tpu.memory_space<vmem>> -> memref<8x1024xf32, #tpu.memory_space<vmem>>
    %dma_wait3A_1081 = arith.constant 0 : i32
    %dma_wait3A_1082 = tpu.memref_slice %arg5[%dma_wait3A_1076, %add3A_1042, %dma_wait3A_1081] : memref<4x2048x1024xf32, #tpu.memory_space<hbm>> -> memref<1x8x1024xf32, #tpu.memory_space<hbm>>
    %dma_wait3A_1083 = tpu.memref_squeeze %dma_wait3A_1082 : memref<1x8x1024xf32, #tpu.memory_space<hbm>> -> memref<8x1024xf32, #tpu.memory_space<hbm>>
    %dma_wait3A_1084 = arith.constant 0 : i32
    %dma_wait3A_1085 = tpu.memref_slice %arg5[%dma_wait3A_1076, %add3A_1042, %dma_wait3A_1084] : memref<4x2048x1024xf32, #tpu.memory_space<hbm>> -> memref<1x8x1024xf32, #tpu.memory_space<hbm>>
    %dma_wait3A_1086 = tpu.memref_squeeze %dma_wait3A_1085 : memref<1x8x1024xf32, #tpu.memory_space<hbm>> -> memref<8x1024xf32, #tpu.memory_space<hbm>>
    %dma_wait3A_1087 = arith.constant 16 : i32
    %dma_wait3A_1088 = arith.constant 0 : i32
    %dma_wait3A_1089 = tpu.memref_slice %arg8[%dma_wait3A_1075, %dma_wait3A_1087, %dma_wait3A_1088] : memref<3x32x1024xf32, #tpu.memory_space<vmem>> -> memref<1x8x1024xf32, #tpu.memory_space<vmem>>
    %dma_wait3A_1090 = tpu.memref_squeeze %dma_wait3A_1089 : memref<1x8x1024xf32, #tpu.memory_space<vmem>> -> memref<8x1024xf32, #tpu.memory_space<vmem>>
    tpu.wait_dma2 semaphore(%arg16 : memref<!tpu.dma_semaphore, #tpu.memory_space<semaphore_mem>>) src(%dma_wait3A_1090 : memref<8x1024xf32, #tpu.memory_space<vmem>>) dst(%dma_wait3A_1086 : memref<8x1024xf32, #tpu.memory_space<hbm>>)
    %dma_wait3A_1091 = arith.constant 1 : i32
    %dma_wait3A_1092 = arith.constant 3 : i32
    %dma_wait3A_1093 = arith.constant 24 : i32
    %dma_wait3A_1094 = arith.constant 0 : i32
    %dma_wait3A_1095 = tpu.memref_slice %arg8[%dma_wait3A_1091, %dma_wait3A_1093, %dma_wait3A_1094] : memref<3x32x1024xf32, #tpu.memory_space<vmem>> -> memref<1x8x1024xf32, #tpu.memory_space<vmem>>
    %dma_wait3A_1096 = tpu.memref_squeeze %dma_wait3A_1095 : memref<1x8x1024xf32, #tpu.memory_space<vmem>> -> memref<8x1024xf32, #tpu.memory_space<vmem>>
    %dma_wait3A_1097 = arith.constant 0 : i32
    %dma_wait3A_1098 = tpu.memref_slice %arg5[%dma_wait3A_1092, %add3A_1042, %dma_wait3A_1097] : memref<4x2048x1024xf32, #tpu.memory_space<hbm>> -> memref<1x8x1024xf32, #tpu.memory_space<hbm>>
    %dma_wait3A_1099 = tpu.memref_squeeze %dma_wait3A_1098 : memref<1x8x1024xf32, #tpu.memory_space<hbm>> -> memref<8x1024xf32, #tpu.memory_space<hbm>>
    %dma_wait3A_1100 = arith.constant 0 : i32
    %dma_wait3A_1101 = tpu.memref_slice %arg5[%dma_wait3A_1092, %add3A_1042, %dma_wait3A_1100] : memref<4x2048x1024xf32, #tpu.memory_space<hbm>> -> memref<1x8x1024xf32, #tpu.memory_space<hbm>>
    %dma_wait3A_1102 = tpu.memref_squeeze %dma_wait3A_1101 : memref<1x8x1024xf32, #tpu.memory_space<hbm>> -> memref<8x1024xf32, #tpu.memory_space<hbm>>
    %dma_wait3A_1103 = arith.constant 24 : i32
    %dma_wait3A_1104 = arith.constant 0 : i32
    %dma_wait3A_1105 = tpu.memref_slice %arg8[%dma_wait3A_1091, %dma_wait3A_1103, %dma_wait3A_1104] : memref<3x32x1024xf32, #tpu.memory_space<vmem>> -> memref<1x8x1024xf32, #tpu.memory_space<vmem>>
    %dma_wait3A_1106 = tpu.memref_squeeze %dma_wait3A_1105 : memref<1x8x1024xf32, #tpu.memory_space<vmem>> -> memref<8x1024xf32, #tpu.memory_space<vmem>>
    tpu.wait_dma2 semaphore(%arg16 : memref<!tpu.dma_semaphore, #tpu.memory_space<semaphore_mem>>) src(%dma_wait3A_1106 : memref<8x1024xf32, #tpu.memory_space<vmem>>) dst(%dma_wait3A_1102 : memref<8x1024xf32, #tpu.memory_space<hbm>>)
    return
  }
}

</mosaic_0001>

<sc_bundles>
// kernel: kernel.3.cloned.1.call-start
scs
__scs_entry_jumppad:
0x0: {  	(pc) =	sbr.rel $0x88, $3  }
0x1: {  	(tag) =	ssettag $0x0;
	lr =	simm.s32 $0x1  }
0x2: {  	[smem:$0x3F9E] =	sst lr;
	_ =	strace $0xD0000000  }
0x3: {  	_ = 	snop  }
0x4: {  	_ = 	snop  }
0x5: {  	_ = 	snop  }
0x6: {  	_ = 	snop  }
0x7: {  	_ = 	snop  }
__scs_overlays_trampoline_lowered:
0x8: {  	[smem:$0x3FAD] =	sst s0  }
0x9: {  	[smem:$0x3FAE] =	sst s1  }
0xa: {  	[smem:$0x3FAF] =	sst s2  }
0xb: {  	[smem:$0x3FB0] =	sst s3  }
0xc: {  	[smem:$0x3FB1] =	sst s4  }
0xd: {  	[smem:$0x3FB2] =	sst s5  }
0xe: {  	[smem:$0x3FB3] =	sst s6  }
0xf: {  	[smem:$0x3FB4] =	sst s7  }
0x10: {  	[smem:$0x3FB5] =	sst s8  }
0x11: {  	[smem:$0x3FB6] =	sst s9;
	s0 =	simm.s32 @!p0 $0x0  }
0x12: {  	s1 =	sld [smem:$0x3F9C];
	s0 =	simm.s32 @p0 $0x1  }
0x13: {  	[smem:$0x3FB7] =	sst s0;
	s0 =	simm.s32 @!p1 $0x0  }
0x14: {  	s2 =	sld [smem:$0x3F9B];
	s0 =	simm.s32 @p1 $0x1  }
0x15: {  	[smem:$0x3FB8] =	sst s0;
	s0 =	simm.s32 @!p2 $0x0  }
0x16: {  	s3 =	sld [smem:$0x3FDB];
	s0 =	simm.s32 @p2 $0x1  }
0x17: {  	s4 =	simm.s32 $0x1BF5;
	[smem:$0x3FBA] =	sst s0  }
0x18: {  	s0 =	sld [smem:$0x3F9D];
	_ =	swait.ge [sflag:s4], $0x0  }
0x19: {  	s7 =	sld [smem:$0x3F9E]  }
0x1a: {  	s8 =	sadd.s32 $0xFFFFE003, lr  }
0x1b: {  	s9 =	sadd.s32 $0xFFFFFEF7, lr;
	s5 =	simm.s32 $0xFFFFFFFF;
	p2 =	slt.u32 s8, $0xFFFFF086  }
0x1c: {  	p1 =	slt.u32 s9, $0xF7A;
	s5 =	simm.s32 @!p2 $0x0  }
0x1d: {  	s5 =	simm.s32 @p1 $0x1;
	p0 =	seq.s32 s7, s2  }
0x1e: {  	s7 =	smul.u32 @!p0 $0xF7A, s2;
	p2 =	seq.s32 @!p0 s5, $0x0  }
0x1f: {  	s9 =	smul.u32 $0xF7A, s1;
	s8 =	simm.s32 @!p0 $0x1BF5;
	p2 =	por !p2, p0  }
0x20: {  	[sflag:s8] =	ssyncset.s32 @!p0 $0xFFFFF086;
	s6 =	sadd.s32 @!p0 s3, s7;
	s7 =	simm.s32 @!p0 $0x108  }
0x21: {  	s3 =	sadd.s32 s3, s9;
	s6 =	sadd.s32 @!p0 $0x88, s6;
	s7 =	simm.s32 @p2 $0x1082  }
0x22: {  	[simem:s7], [sflag:s8] =	dma.local @!p0 [hbm:s6], $0xF7A  }
0x23: {  	s9 =	sor.u32 $0xD0000000, s2;
	s6 =	simm.s32 $0x108;
	_ =	swait.ge @!p0 [sflag:s8], $0x0  }
0x24: {  	s3 =	sadd.s32 $0x88, s3;
	s6 =	simm.s32 @!p1 $0x1082;
	[sflag:s4] =	ssyncset.s32 $0xFFFFF086  }
0x25: {  	[simem:s6], [sflag:s4] =	dma.local [hbm:s3], $0xF7A  }
0x26: {  	[smem:$0x3F9E] =	sst s1;
	(tag) =	ssettag s2;
	_ =	strace s9  }
0x27: {  	s1 =	sld [smem:$0x3FAE]  }
0x28: {  	s2 =	sld [smem:$0x3FAF]  }
0x29: {  	s4 =	sld [smem:$0x3FB1]  }
0x2a: {  	p0 =	seq.s32 s5, $0x0;
	s5 =	sld [smem:$0x3FB2]  }
0x2b: {  	s6 =	sld [smem:$0x3FB3]  }
0x2c: {  	s7 =	sld [smem:$0x3FB4]  }
0x2d: {  	s3 =	simm.s32 $0x108;
	s8 =	sld [smem:$0x3FB5]  }
0x2e: {  	s3 =	simm.s32 @!p0 $0x1082;
	s9 =	sld [smem:$0x3FB6]  }
0x2f: {  	lr =	sadd.s32 s0, s3;
	s0 =	sld [smem:$0x3FAD]  }
0x30: {  	s3 =	sld [smem:$0x3FB0]  }
0x31: {  	[smem:$0x3FB9] =	sst s10  }
0x32: {  	s10 =	sld [smem:$0x3FB7];
	_ =	sdelay $0x3  }
0x33: {  	p0 =	seq.s32 s10, $0x1;
	s10 =	sld [smem:$0x3FB9];
	_ =	sdelay $0x3  }
0x34: {  	[smem:$0x3FB9] =	sst s10  }
0x35: {  	s10 =	sld [smem:$0x3FB8];
	_ =	sdelay $0x3  }
0x36: {  	p1 =	seq.s32 s10, $0x1;
	s10 =	sld [smem:$0x3FB9];
	_ =	sdelay $0x3  }
0x37: {  	[smem:$0x3FB9] =	sst s10  }
0x38: {  	s10 =	sld [smem:$0x3FBA]  }
0x39: {  	_ = 	snop;
	(pc) =	sbr.ind lr, $3  }
0x3a: {  	_ = 	snop  }
0x3b: {  	_ = 	snop  }
0x3c: {  	p2 =	seq.s32 s10, $0x1;
	s10 =	sld [smem:$0x3FB9]  }
0x3d: {  	_ =	shalt  }
0x3e: {  	_ =	shalt  }
0x3f: {  	_ =	shalt  }
0x40: {  	_ =	shalt  }
0x41: {  	_ =	shalt  }
0x42: {  	_ =	shalt  }
0x43: {  	_ =	shalt  }
0x44: {  	_ =	shalt  }
0x45: {  	_ =	shalt  }
0x46: {  	_ =	shalt  }
0x47: {  	_ =	shalt  }
0x48: {  	_ =	shalt  }
0x49: {  	_ =	shalt  }
0x4a: {  	_ =	shalt  }
0x4b: {  	_ =	shalt  }
0x4c: {  	_ =	shalt  }
0x4d: {  	_ =	shalt  }
0x4e: {  	_ =	shalt  }
0x4f: {  	_ =	shalt  }
0x50: {  	_ =	shalt  }
0x51: {  	_ =	shalt  }
0x52: {  	_ =	shalt  }
0x53: {  	_ =	shalt  }
0x54: {  	_ =	shalt  }
0x55: {  	_ =	shalt  }
0x56: {  	_ =	shalt  }
0x57: {  	_ =	shalt  }
0x58: {  	_ =	shalt  }
0x59: {  	_ =	shalt  }
0x5a: {  	_ =	shalt  }
0x5b: {  	_ =	shalt  }
0x5c: {  	_ =	shalt  }
0x5d: {  	_ =	shalt  }
0x5e: {  	_ =	shalt  }
0x5f: {  	_ =	shalt  }
0x60: {  	_ =	shalt  }
0x61: {  	_ =	shalt  }
0x62: {  	_ =	shalt  }
0x63: {  	_ =	shalt  }
0x64: {  	_ =	shalt  }
0x65: {  	_ =	shalt  }
0x66: {  	_ =	shalt  }
0x67: {  	_ =	shalt  }
0x68: {  	_ =	shalt  }
0x69: {  	_ =	shalt  }
0x6a: {  	_ =	shalt  }
0x6b: {  	_ =	shalt  }
0x6c: {  	_ =	shalt  }
0x6d: {  	_ =	shalt  }
0x6e: {  	_ =	shalt  }
0x6f: {  	_ =	shalt  }
0x70: {  	_ =	shalt  }
0x71: {  	_ =	shalt  }
0x72: {  	_ =	shalt  }
0x73: {  	_ =	shalt  }
0x74: {  	_ =	shalt  }
0x75: {  	_ =	shalt  }
0x76: {  	_ =	shalt  }
0x77: {  	_ =	shalt  }
0x78: {  	_ =	shalt  }
0x79: {  	_ =	shalt  }
0x7a: {  	_ =	shalt  }
0x7b: {  	_ =	shalt  }
0x7c: {  	_ =	shalt  }
0x7d: {  	_ =	shalt  }
0x7e: {  	_ =	shalt  }
0x7f: {  	_ =	shalt  }
0x80: {  	_ =	shalt  }
0x81: {  	_ =	shalt  }
0x82: {  	_ =	shalt  }
0x83: {  	_ =	shalt  }
0x84: {  	_ =	shalt  }
0x85: {  	_ =	shalt  }
0x86: {  	_ =	shalt  }
0x87: {  	_ =	shalt  }
.Lfunc_end0:
.L_simem_size_0:
called_computation_lowered:
.L_overlay_start_0:
0x88: {  	s2 =	sld [smem:$0x3FD9]  }
0x89: {  	s3 =	sld [smem:$0x3FFE];
	_ =	sdelay $0x1  }
0x8a: {  	s1 =	srdreg.scid  }
0x8b: {  	s0 =	sand.u32 $0x1, s1  }
0x8c: {  	s18 =	sshll.u32 s0, $0xA;
	s2 =	sadd.s32 s3, s2  }
0x8d: {  	s2 =	sadd.s32 s2, s18  }
0x8e: {  	[smem:$0x3FC5] =	sst s2  }
0x8f: {  	_ = 	snop  }
0x90: {  	s2 =	sld [smem:$0x3FC9]  }
0x91: {  	s19 =	sld [smem:$0x3FC8]  }
0x92: {  	s4 =	sld [smem:$0x3FC7]  }
0x93: {  	s5 =	sld [smem:$0x3FD0];
	(tm) =	ssettm $0x1  }
0x94: {  	s6 =	sld [smem:$0x3FFB];
	_ =	sdelay $0x3  }
0x95: {  	_ =	strace s6  }
0x96: {  	s6 =	sld [smem:$0x3FFC];
	_ =	sdelay $0x3  }
0x97: {  	_ =	strace s6  }
0x98: {  	s6 =	sld [smem:$0x3FFD];
	_ =	sdelay $0x3  }
0x99: {  	_ =	strace s6  }
0x9a: {  	_ =	strace $0x8FFFFFFF  }
0x9b: {  	s20 =	sld [smem:$0x3FDB];
	_ =	sdelay $0x1  }
0x9c: {  	s7 =	simm.s32 $_scs_section_size  }
0x9d: {  	s8 =	simm.s32 $_size__tile_overlayer_lowered;
	s9 =	simm.s32 $_tile_overlayer_lowered  }
0x9e: {  	s23 =	simm.s32 $0x1BFF;
	s22 =	sshll.u32 s9, $0x1;
	s6 =	sadd.s32 s7, s20  }
0x9f: {  	s10 =	simm.s32 $0x0;
	s21 =	sshll.u32 s8, $0x1;
	s8 =	sadd.s32 s22, s6  }
0xa0: {  	[timem:s10], [sflag:s23] =	dma.local [hbm:s8], s21  }
0xa1: {  	_ =	swait.ge [sflag:s23], s21  }
0xa2: {  	s7 =	ssub.s32 $0x0, s21;
	[sflag:s23] =	ssyncset.done $0x0  }
0xa3: {  	[sflag:s23] =	ssyncadd.s32 s7;
	_ =	sdelay $0x1  }
0xa4: {  	s24 =	simm.s32 $0x1B8B  }
0xa5: {  	_ =	swait.ge [sflag:s24], $0x1  }
0xa6: {  	[sflag:s24] =	ssyncset.done $0x0  }
0xa7: {  	s25 =	simm.s32 $0x1B8E;
	[sflag:s24] =	ssyncadd.s32 $0xFFFFFFFF  }
0xa8: {  	s26 =	simm.s32 $execute0_lowered;
	[smem:$0x3FD2] =	sst s25  }
0xa9: {  	s7 =	sshll.u32 s26, $0x1;
	_ =	strace $0x80000046;
	[dreg:$0x1] =	wrdreg $0xFFFFFFFF  }
0xaa: {  	s28 =	simm.s32 $_size_execute0_lowered;
	s6 =	sadd.s32 s6, s7;
	[dreg:$0x0] =	wrdreg $0x0  }
0xab: {  	s7 =	sshll.u32 s28, $0x1;
	[dreg:$0x2] =	wrdreg s6  }
0xac: {  	[dreg:$0x3] =	wrdreg s7  }
0xad: {  	[dreg:$0x4] =	wrdreg $0xC0  }
0xae: {  	_ =	task [dreg:s10], $0x5FFFF  }
0xaf: {  	[dreg:$0x1] =	wrdreg $0xFFFFFFFF  }
0xb0: {  	[dreg:$0x0] =	wrdreg $0x60  }
0xb1: {  	[dreg:$0x2] =	wrdreg s2  }
0xb2: {  	[dreg:$0x3] =	wrdreg s19  }
0xb3: {  	[dreg:$0x4] =	wrdreg s4  }
0xb4: {  	[dreg:$0x5] =	wrdreg s5  }
0xb5: {  	[dreg:$0x6] =	wrdreg $0x9  }
0xb6: {  	_ =	task.clear_ibuf [dreg:s10], $0x7FFFF;
	_ =	strace $0x90000046  }
0xb7: {  	s29 =	simm.s32 $0x9;
	_ =	strace $0x80000048  }
0xb8: {  	_ =	swait.ge [sflag:s29], $0x1  }
0xb9: {  	[sflag:s29] =	ssyncadd.s32 $0xFFFFFFFF  }
0xba: {  	_ =	strace $0x90000048  }
0xbb: {  	_ =	sfence  }
0xbc: {  	s30 =	sld [smem:$0x0];
	_ =	sdelay $0x2  }
0xbd: {  	s31 =	sshll.u32 s1, $0xD;
	s1 =	sshrl.u32 s1, $0x2  }
0xbe: {  	s3 =	sand.u32 $0x4000, s31;
	s1 =	sadd.s32 s1, s30  }
0xbf: {  	s0 =	sor.u32 s3, s0;
	s1 =	sshll.u32 s1, $0x11  }
0xc0: {  	s0 =	sor.u32 s1, s0  }
0xc1: {  	s0 =	sadd.s32 $0x8F2B, s0  }
0xc2: {  	[sflag:s0] =	ssyncadd.remote.s32 $0x1  }
0xc3: {  	_ =	sfence.sel $0xFFFF  }
0xc4: {  	[dreg:$0x0] =	wrdreg $0xFFFFFFFF;
	(pc) =	sbr.abs _section_cstart, $3  }
0xc5: {  	[dreg:$0x1] =	wrdreg $0xFFFFFFFF  }
0xc6: {  	_ =	task.clear_ibuf [dreg:s10], $0x2FFFF;
	_ =	strace $0x9FFFFFFF  }
0xc7: {  	(tm) =	ssettm $0x7FFFFFFF  }
tec
execute0_lowered:
.L_overlay_start_1:
0x0: {  	(tag) =	ssettag $0x1  }
0x1: {  	s0 =	srdreg.scid  }
0x2: {  	s1 =	stileid.u32;
	s0 =	sand.u32 $0x1, s0  }
0x3: {  	s2 =	simm.s32 $0x0;
	s1 =	sshll.u32 s1, $0x7;
	s4 =	sshll.u32 s0, $0x6  }
0x4: {  	[smem:$0x7FF] =	sst s2;
	s0 =	ssub.s32 $0x2, s0;
	s26 =	sor.u32 s4, s1  }
0x5: {  	s1 =	rddreg [dreg:$0x0];
	s3 =	sshrl.u32 s0, $0x1;
	s24 =	sor.u32 $0x10, s4  }
0x6: {  	s25 =	sor.u32 $0x18, s4;
	s28 =	sor.u32 $0x20, s4;
	s5 =	sshll.u32 s26, $0x2  }
0x7: {  	s0 =	ssub.s32 s0, s3;
	s3 =	sor.u32 $0x8, s26;
	s8 =	sand.u32 $0x1E00, s5  }
0x8: {  	s6 =	sor.u32 s4, s5;
	s23 =	sand.u32 $0x48, s3;
	s14 =	sor.u32 s24, s5  }
0x9: {  	s16 =	sor.u32 s25, s5;
	s18 =	sor.u32 s28, s5;
	s22 =	sor.u32 s4, s8  }
0xa: {  	s10 =	sshrl.u32 s6, $0x3;
	s11 =	sor.u32 s23, s8;
	s12 =	sor.u32 s5, s23  }
0xb: {  	s13 =	sor.u32 s24, s8;
	s15 =	sor.u32 s25, s8;
	s17 =	sor.u32 s28, s8  }
0xc: {  	s4 =	sor.u32 $0x28, s4;
	s6 =	sor.u32 $0x38, s26;
	s9 =	sshrl.u32 s22, $0x3  }
0xd: {  	s19 =	sor.u32 s4, s8;
	s4 =	sor.u32 s4, s5;
	s21 =	sand.u32 $0x78, s6  }
0xe: {  	s23 =	sor.u32 $0x20, s10;
	s10 =	sor.u32 $0x30, s10;
	s24 =	sshrl.u32 s12, $0x3  }
0xf: {  	s7 =	sadd.s32 s1, s9;
	s31 =	sadd.s32 s1, s23;
	s23 =	sshrl.u32 s11, $0x3  }
0x10: {  	s25 =	sor.u32 $0x20, s24;
	s28 =	sor.u32 $0x30, s24;
	[dreg:$0x6] =	wrdreg s7  }
0x11: {  	s4 =	sshrl.u32 s4, $0x3;
	s7 =	sor.u32 $0x30, s26;
	[dreg:$0x8] =	wrdreg s31  }
0x12: {  	s11 =	sadd.s32 s1, s23;
	s31 =	sshrl.u32 s14, $0x3;
	s20 =	sand.u32 $0x70, s7  }
0x13: {  	[dreg:$0xa] =	wrdreg s11;
	s11 =	sshrl.u32 s13, $0x3;
	s13 =	sor.u32 $0x20, s31  }
0x14: {  	s22 =	sor.u32 s20, s8;
	s20 =	sor.u32 s5, s20;
	s8 =	sor.u32 s21, s8  }
0x15: {  	s5 =	sor.u32 s5, s21;
	s21 =	sadd.s32 $0x10, s1;
	s14 =	sadd.s32 s1, s11  }
0x16: {  	s24 =	sor.u32 $0x30, s31;
	s9 =	sadd.s32 s9, s21;
	[dreg:$0xe] =	wrdreg s14  }
0x17: {  	s14 =	sshrl.u32 s17, $0x3;
	[dreg:$0x7] =	wrdreg s9;
	s9 =	sadd.s32 s1, s10  }
0x18: {  	s5 =	sshrl.u32 s5, $0x3;
	[dreg:$0x9] =	wrdreg s9;
	s9 =	sadd.s32 s23, s21  }
0x19: {  	s23 =	sadd.s32 s1, s13;
	[dreg:$0xb] =	wrdreg s9;
	s9 =	sadd.s32 s1, s25  }
0x1a: {  	[dreg:$0x10] =	wrdreg s23;
	s25 =	sshrl.u32 s15, $0x3;
	s15 =	sshrl.u32 s18, $0x3  }
0x1b: {  	s23 =	sshrl.u32 s19, $0x3;
	[dreg:$0xc] =	wrdreg s9;
	s9 =	sadd.s32 s1, s28  }
0x1c: {  	s28 =	sshrl.u32 s16, $0x3;
	s31 =	sadd.s32 s1, s25;
	[dreg:$0xd] =	wrdreg s9  }
0x1d: {  	s10 =	sadd.s32 s25, s21;
	s16 =	sadd.s32 s1, s14;
	[dreg:$0x12] =	wrdreg s31  }
0x1e: {  	s17 =	sor.u32 $0x20, s15;
	s18 =	sor.u32 $0x30, s15;
	[dreg:$0x13] =	wrdreg s10  }
0x1f: {  	s25 =	sadd.s32 s23, s21;
	s15 =	sor.u32 $0x20, s5;
	[dreg:$0x16] =	wrdreg s16  }
0x20: {  	s9 =	sadd.s32 s11, s21;
	s12 =	sor.u32 $0x20, s28;
	[dreg:$0x1b] =	wrdreg s25  }
0x21: {  	s13 =	sor.u32 $0x30, s28;
	s16 =	sor.u32 $0x30, s5;
	s5 =	rddreg [dreg:$0x2]  }
0x22: {  	s28 =	sor.u32 $0x20, s4;
	[dreg:$0xf] =	wrdreg s9;
	s9 =	sadd.s32 s1, s24  }
0x23: {  	s4 =	sor.u32 $0x30, s4;
	s24 =	sadd.s32 s1, s23;
	[dreg:$0x11] =	wrdreg s9  }
0x24: {  	s31 =	sshrl.u32 s22, $0x3;
	s4 =	sadd.s32 s1, s4;
	[dreg:$0x1a] =	wrdreg s24  }
0x25: {  	s10 =	sadd.s32 s1, s31;
	[dreg:$0x1d] =	wrdreg s4  }
0x26: {  	s9 =	sadd.s32 s1, s12;
	[dreg:$0x1e] =	wrdreg s10  }
0x27: {  	s4 =	sadd.s32 s31, s21;
	[dreg:$0x14] =	wrdreg s9  }
0x28: {  	s8 =	sshrl.u32 s8, $0x3;
	s9 =	sadd.s32 s1, s13;
	[dreg:$0x1f] =	wrdreg s4  }
0x29: {  	s11 =	sshrl.u32 s20, $0x3;
	s13 =	sadd.s32 s8, s21;
	[dreg:$0x15] =	wrdreg s9  }
0x2a: {  	s4 =	sor.u32 $0x30, s11;
	s9 =	sadd.s32 s14, s21;
	[smem:$0x7EC] =	sst s13  }
0x2b: {  	s4 =	sadd.s32 s1, s4;
	[dreg:$0x17] =	wrdreg s9  }
0x2c: {  	s14 =	sadd.s32 s1, s8;
	[smem:$0x7EB] =	sst s4  }
0x2d: {  	s29 =	simm.s32 $0x8;
	[smem:$0x7ED] =	sst s14  }
0x2e: {  	s30 =	simm.s32 $0xA;
	s8 =	sadd.s32 s1, s15;
	s4 =	rddreg [dreg:$0x1]  }
0x2f: {  	s0 =	smax.u32 s0, $0x1;
	s19 =	sshll.u32 s7, $0x7;
	[smem:$0x7EE] =	sst s8  }
0x30: {  	s7 =	simm.s32 $0x0;
	s9 =	sadd.s32 s1, s17;
	s8 =	rddreg [dreg:$0x3]  }
0x31: {  	s25 =	sshll.u32 s6, $0x7;
	[dreg:$0x18] =	wrdreg s9;
	s9 =	sadd.s32 s1, s18  }
0x32: {  	s12 =	sor.u32 $0x20, s11;
	[dreg:$0x19] =	wrdreg s9;
	s9 =	sadd.s32 s1, s28  }
0x33: {  	s11 =	simm.s32 $0x3;
	[dreg:$0x1c] =	wrdreg s9;
	s9 =	sadd.s32 s1, s12  }
0x34: {  	s18 =	sshll.u32 s26, $0x7;
	s1 =	sadd.s32 s1, s16;
	[smem:$0x7EA] =	sst s9  }
0x35: {  	s17 =	sshll.u32 s3, $0x7;
	s3 =	sadd.s32 s4, s18;
	[smem:$0x7EF] =	sst s1  }
0x36: {  	s1 =	sadd.s32 s4, s17;
	_ =	strace $0x80000047;
	[smem:$0x7F0] =	sst s3  }
0x37: {  	s20 =	sadd.s32 $0x40000, s8;
	s22 =	sadd.s32 s8, s19;
	[smem:$0x7F1] =	sst s1  }
0x38: {  	s21 =	sadd.s32 $0x80000, s8;
	s23 =	sadd.s32 s19, s20;
	[smem:$0x7F2] =	sst s22  }
0x39: {  	s15 =	simm.s32 $0xA100;
	s24 =	sadd.s32 s19, s21;
	[smem:$0x7F3] =	sst s23  }
0x3a: {  	s14 =	simm.s32 $0x10100;
	s6 =	sadd.s32 s8, s25;
	[smem:$0x7F4] =	sst s24  }
0x3b: {  	s13 =	sadd.s32 $0xC0000, s8;
	s28 =	sadd.s32 s25, s21;
	[smem:$0x7F6] =	sst s6  }
0x3c: {  	s18 =	simm.s32 $0x1;
	s16 =	simm.s32 $0x2;
	[smem:$0x7F7] =	sst s20  }
0x3d: {  	s12 =	simm.s32 $0x6;
	s17 =	simm.s32 $0x5;
	[smem:$0x7F9] =	sst s21  }
0x3e: {  	s1 =	sadd.s32 s19, s13;
	s3 =	sadd.s32 s25, s20;
	[smem:$0x7FA] =	sst s28  }
0x3f: {  	[smem:$0x7FC] =	sst s0;
	s23 =	sadd.s32 $0x100, s5;
	s24 =	sadd.s32 $0x200, s5  }
0x40: {  	[dreg:$0x5] =	wrdreg s26;
	s26 =	sshrl.u32 s26, $0x3;
	s19 =	simm.s32 $0xC100  }
0x41: {  	s20 =	simm.s32 $0x12100;
	s6 =	simm.s32 $0x14100;
	[smem:$0x7F5] =	sst s1  }
0x42: {  	v2 =	vlaneseq.u32;
	s21 =	simm.s32 $0x4;
	[smem:$0x7F8] =	sst s3;
	s1 =	sadd.s32 s25, s13  }
0x43: {  	vm0 =	vmmov $0xffff;
	v1 =	vshrl.u32 v2, $0x3;
	s25 =	sadd.s32 $0x300, s5;
	s31 =	sor.u32 $0x1, s26;
	[smem:$0x7FB] =	sst s1  }
0x44: {  	v0 =	vand.u32 $0x7, v2;
	v2 =	vor.u32 $0x8, v2;
	v1 =	vmul.u32 $0x8, v1;
	s3 =	simm.s32 $0xE100;
	[smem:$0x7FD] =	sst s31;
	s1 =	simm.s32 $0x7  }
.LBB2_1:
0x45: {  	[smem:$0x7E9] =	sst s7  }
0x46: {  	s0 =	rddreg [dreg:$0x6]  }
0x47: {  	s31 =	rddreg [dreg:$0x7]  }
0x48: {  	[tilespmem:s2], [sflag:$0xA] =	stream.linear.gather [hbm4b:s0+s2], $0x8, $0x38;
	[tilespmem:$0x1E100] =	vst v63  }
0x49: {  	s7 =	rddreg [dreg:$0x8]  }
0x4a: {  	[tilespmem:s29], [sflag:$0xA] =	stream.linear.gather [hbm4b:s31+s2], $0x8, $0x38;
	[tilespmem:$0x1E100] =	vst v63  }
0x4b: {  	s9 =	simm.s32 $0x10;
	s10 =	rddreg [dreg:$0x9]  }
0x4c: {  	[tilespmem:s9], [sflag:$0xA] =	stream.linear.gather [hbm4b:s7+s2], $0x8, $0x38;
	[tilespmem:$0x1E100] =	vst v63  }
0x4d: {  	s22 =	simm.s32 $0x18;
	s28 =	rddreg [dreg:$0xa]  }
0x4e: {  	[tilespmem:s22], [sflag:$0xA] =	stream.linear.gather [hbm4b:s10+s2], $0x8, $0x38;
	[tilespmem:$0x1E100] =	vst v63  }
0x4f: {  	s31 =	simm.s32 $0x20;
	s7 =	rddreg [dreg:$0xb]  }
0x50: {  	[tilespmem:s31], [sflag:$0xA] =	stream.linear.gather [hbm4b:s28+s2], $0x8, $0x38;
	[tilespmem:$0x1E100] =	vst v63  }
0x51: {  	s9 =	simm.s32 $0x28;
	s10 =	rddreg [dreg:$0xc]  }
0x52: {  	[tilespmem:s9], [sflag:$0xA] =	stream.linear.gather [hbm4b:s7+s2], $0x8, $0x38;
	[tilespmem:$0x1E100] =	vst v63  }
0x53: {  	s22 =	simm.s32 $0x30;
	s28 =	rddreg [dreg:$0xd]  }
0x54: {  	[tilespmem:s22], [sflag:$0xA] =	stream.linear.gather [hbm4b:s10+s2], $0x8, $0x38;
	[tilespmem:$0x1E100] =	vst v63  }
0x55: {  	s31 =	simm.s32 $0x38;
	s7 =	rddreg [dreg:$0xe]  }
0x56: {  	[tilespmem:s31], [sflag:$0xA] =	stream.linear.gather [hbm4b:s28+s2], $0x8, $0x38;
	[tilespmem:$0x1E100] =	vst v63  }
0x57: {  	s9 =	simm.s32 $0x40;
	s10 =	rddreg [dreg:$0xf]  }
0x58: {  	[tilespmem:s9], [sflag:$0xA] =	stream.linear.gather [hbm4b:s7+s2], $0x8, $0x38;
	[tilespmem:$0x1E100] =	vst v63  }
0x59: {  	s22 =	simm.s32 $0x48;
	s28 =	rddreg [dreg:$0x10]  }
0x5a: {  	[tilespmem:s22], [sflag:$0xA] =	stream.linear.gather [hbm4b:s10+s2], $0x8, $0x38;
	[tilespmem:$0x1E100] =	vst v63  }
0x5b: {  	s31 =	simm.s32 $0x50;
	s7 =	rddreg [dreg:$0x11]  }
0x5c: {  	[tilespmem:s31], [sflag:$0xA] =	stream.linear.gather [hbm4b:s28+s2], $0x8, $0x38;
	[tilespmem:$0x1E100] =	vst v63  }
0x5d: {  	s9 =	simm.s32 $0x58;
	s10 =	rddreg [dreg:$0x12]  }
0x5e: {  	[tilespmem:s9], [sflag:$0xA] =	stream.linear.gather [hbm4b:s7+s2], $0x8, $0x38;
	[tilespmem:$0x1E100] =	vst v63  }
0x5f: {  	s22 =	simm.s32 $0x60;
	s28 =	rddreg [dreg:$0x13]  }
0x60: {  	[tilespmem:s22], [sflag:$0xA] =	stream.linear.gather [hbm4b:s10+s2], $0x8, $0x38;
	[tilespmem:$0x1E100] =	vst v63  }
0x61: {  	s31 =	simm.s32 $0x68;
	s7 =	rddreg [dreg:$0x14]  }
0x62: {  	[tilespmem:s31], [sflag:$0xA] =	stream.linear.gather [hbm4b:s28+s2], $0x8, $0x38;
	[tilespmem:$0x1E100] =	vst v63  }
0x63: {  	s9 =	simm.s32 $0x70;
	s10 =	rddreg [dreg:$0x15]  }
0x64: {  	[tilespmem:s9], [sflag:$0xA] =	stream.linear.gather [hbm4b:s7+s2], $0x8, $0x38;
	[tilespmem:$0x1E100] =	vst v63  }
0x65: {  	s22 =	simm.s32 $0x78;
	s28 =	rddreg [dreg:$0x16]  }
0x66: {  	[tilespmem:s22], [sflag:$0xA] =	stream.linear.gather [hbm4b:s10+s2], $0x8, $0x38;
	[tilespmem:$0x1E100] =	vst v63  }
0x67: {  	s31 =	simm.s32 $0x80;
	s7 =	rddreg [dreg:$0x17]  }
0x68: {  	[tilespmem:s31], [sflag:$0xA] =	stream.linear.gather [hbm4b:s28+s2], $0x8, $0x38;
	[tilespmem:$0x1E100] =	vst v63  }
0x69: {  	s9 =	simm.s32 $0x88;
	s10 =	rddreg [dreg:$0x18]  }
0x6a: {  	[tilespmem:s9], [sflag:$0xA] =	stream.linear.gather [hbm4b:s7+s2], $0x8, $0x38;
	[tilespmem:$0x1E100] =	vst v63  }
0x6b: {  	s22 =	simm.s32 $0x90;
	s28 =	rddreg [dreg:$0x19]  }
0x6c: {  	[tilespmem:s22], [sflag:$0xA] =	stream.linear.gather [hbm4b:s10+s2], $0x8, $0x38;
	[tilespmem:$0x1E100] =	vst v63  }
0x6d: {  	s31 =	simm.s32 $0x98;
	s7 =	rddreg [dreg:$0x1a]  }
0x6e: {  	[tilespmem:s31], [sflag:$0xA] =	stream.linear.gather [hbm4b:s28+s2], $0x8, $0x38;
	[tilespmem:$0x1E100] =	vst v63  }
0x6f: {  	s9 =	simm.s32 $0xA0;
	s10 =	rddreg [dreg:$0x1b]  }
0x70: {  	[tilespmem:s9], [sflag:$0xA] =	stream.linear.gather [hbm4b:s7+s2], $0x8, $0x38;
	[tilespmem:$0x1E100] =	vst v63  }
0x71: {  	s22 =	simm.s32 $0xA8;
	s28 =	rddreg [dreg:$0x1c]  }
0x72: {  	[tilespmem:s22], [sflag:$0xA] =	stream.linear.gather [hbm4b:s10+s2], $0x8, $0x38;
	[tilespmem:$0x1E100] =	vst v63  }
0x73: {  	s31 =	simm.s32 $0xB0;
	s7 =	rddreg [dreg:$0x1d]  }
0x74: {  	[tilespmem:s31], [sflag:$0xA] =	stream.linear.gather [hbm4b:s28+s2], $0x8, $0x38;
	[tilespmem:$0x1E100] =	vst v63  }
0x75: {  	s9 =	simm.s32 $0xB8;
	s10 =	rddreg [dreg:$0x1e]  }
0x76: {  	[tilespmem:s9], [sflag:$0xA] =	stream.linear.gather [hbm4b:s7+s2], $0x8, $0x38;
	[tilespmem:$0x1E100] =	vst v63  }
0x77: {  	s22 =	simm.s32 $0xC0;
	s28 =	rddreg [dreg:$0x1f]  }
0x78: {  	[tilespmem:s22], [sflag:$0xA] =	stream.linear.gather [hbm4b:s10+s2], $0x8, $0x38;
	[tilespmem:$0x1E100] =	vst v63  }
0x79: {  	s31 =	simm.s32 $0xC8;
	s7 =	sld [smem:$0x7EA]  }
0x7a: {  	[tilespmem:s31], [sflag:$0xA] =	stream.linear.gather [hbm4b:s28+s2], $0x8, $0x38;
	[tilespmem:$0x1E100] =	vst v63  }
0x7b: {  	s9 =	simm.s32 $0xD0;
	s10 =	sld [smem:$0x7EB]  }
0x7c: {  	[tilespmem:s9], [sflag:$0xA] =	stream.linear.gather [hbm4b:s7+s2], $0x8, $0x38;
	[tilespmem:$0x1E100] =	vst v63  }
0x7d: {  	s22 =	simm.s32 $0xD8;
	s28 =	sld [smem:$0x7ED]  }
0x7e: {  	[tilespmem:s22], [sflag:$0xA] =	stream.linear.gather [hbm4b:s10+s2], $0x8, $0x38;
	[tilespmem:$0x1E100] =	vst v63  }
0x7f: {  	s31 =	simm.s32 $0xE0;
	s7 =	sld [smem:$0x7EC]  }
0x80: {  	[tilespmem:s31], [sflag:$0xA] =	stream.linear.gather [hbm4b:s28+s2], $0x8, $0x38;
	[tilespmem:$0x1E100] =	vst v63  }
0x81: {  	s9 =	simm.s32 $0xE8;
	s10 =	sld [smem:$0x7EE]  }
0x82: {  	[tilespmem:s9], [sflag:$0xA] =	stream.linear.gather [hbm4b:s7+s2], $0x8, $0x38;
	[tilespmem:$0x1E100] =	vst v63  }
0x83: {  	s22 =	simm.s32 $0xF0;
	s28 =	sld [smem:$0x7EF]  }
0x84: {  	[tilespmem:s22], [sflag:$0xA] =	stream.linear.gather [hbm4b:s10+s2], $0x8, $0x38;
	[tilespmem:$0x1E100] =	vst v63  }
0x85: {  	s31 =	simm.s32 $0xF8  }
0x86: {  	[tilespmem:s31], [sflag:$0xA] =	stream.linear.gather [hbm4b:s28+s2], $0x8, $0x38;
	[tilespmem:$0x1E100] =	vst v63  }
0x87: {  	_ =	swait.ge [sflag:s30], $0x8  }
0x88: {  	[sflag:s30] =	ssyncset.done $0x0  }
0x89: {  	[sflag:s30] =	ssyncadd.s32 $0xFFFFFFF8  }
0x8a: {  	_ =	swait.ge [sflag:s30], $0x8  }
0x8b: {  	[sflag:s30] =	ssyncset.done $0x0  }
0x8c: {  	[sflag:s30] =	ssyncadd.s32 $0xFFFFFFF8  }
0x8d: {  	_ =	swait.ge [sflag:s30], $0x8  }
0x8e: {  	[sflag:s30] =	ssyncset.done $0x0  }
0x8f: {  	[sflag:s30] =	ssyncadd.s32 $0xFFFFFFF8  }
0x90: {  	_ =	swait.ge [sflag:s30], $0x8  }
0x91: {  	[sflag:s30] =	ssyncset.done $0x0  }
0x92: {  	[sflag:s30] =	ssyncadd.s32 $0xFFFFFFF8  }
0x93: {  	_ =	swait.ge [sflag:s30], $0x8  }
0x94: {  	[sflag:s30] =	ssyncset.done $0x0  }
0x95: {  	[sflag:s30] =	ssyncadd.s32 $0xFFFFFFF8  }
0x96: {  	_ =	swait.ge [sflag:s30], $0x8  }
0x97: {  	[sflag:s30] =	ssyncset.done $0x0  }
0x98: {  	[sflag:s30] =	ssyncadd.s32 $0xFFFFFFF8  }
0x99: {  	_ =	swait.ge [sflag:s30], $0x8  }
0x9a: {  	[sflag:s30] =	ssyncset.done $0x0  }
0x9b: {  	[sflag:s30] =	ssyncadd.s32 $0xFFFFFFF8  }
0x9c: {  	_ =	swait.ge [sflag:s30], $0x8  }
0x9d: {  	[sflag:s30] =	ssyncset.done $0x0  }
0x9e: {  	[sflag:s30] =	ssyncadd.s32 $0xFFFFFFF8  }
0x9f: {  	_ =	swait.ge [sflag:s30], $0x8  }
0xa0: {  	[sflag:s30] =	ssyncset.done $0x0  }
0xa1: {  	[sflag:s30] =	ssyncadd.s32 $0xFFFFFFF8  }
0xa2: {  	_ =	swait.ge [sflag:s30], $0x8  }
0xa3: {  	[sflag:s30] =	ssyncset.done $0x0  }
0xa4: {  	[sflag:s30] =	ssyncadd.s32 $0xFFFFFFF8  }
0xa5: {  	_ =	swait.ge [sflag:s30], $0x8  }
0xa6: {  	[sflag:s30] =	ssyncset.done $0x0  }
0xa7: {  	[sflag:s30] =	ssyncadd.s32 $0xFFFFFFF8  }
0xa8: {  	_ =	swait.ge [sflag:s30], $0x8  }
0xa9: {  	[sflag:s30] =	ssyncset.done $0x0  }
0xaa: {  	[sflag:s30] =	ssyncadd.s32 $0xFFFFFFF8  }
0xab: {  	_ =	swait.ge [sflag:s30], $0x8  }
0xac: {  	[sflag:s30] =	ssyncset.done $0x0  }
0xad: {  	[sflag:s30] =	ssyncadd.s32 $0xFFFFFFF8  }
0xae: {  	_ =	swait.ge [sflag:s30], $0x8  }
0xaf: {  	[sflag:s30] =	ssyncset.done $0x0  }
0xb0: {  	[sflag:s30] =	ssyncadd.s32 $0xFFFFFFF8  }
0xb1: {  	_ =	swait.ge [sflag:s30], $0x8  }
0xb2: {  	[sflag:s30] =	ssyncset.done $0x0  }
0xb3: {  	[sflag:s30] =	ssyncadd.s32 $0xFFFFFFF8  }
0xb4: {  	_ =	swait.ge [sflag:s30], $0x8  }
0xb5: {  	[sflag:s30] =	ssyncset.done $0x0  }
0xb6: {  	[sflag:s30] =	ssyncadd.s32 $0xFFFFFFF8  }
0xb7: {  	_ =	swait.ge [sflag:s30], $0x8  }
0xb8: {  	[sflag:s30] =	ssyncset.done $0x0  }
0xb9: {  	[sflag:s30] =	ssyncadd.s32 $0xFFFFFFF8  }
0xba: {  	_ =	swait.ge [sflag:s30], $0x8  }
0xbb: {  	[sflag:s30] =	ssyncset.done $0x0  }
0xbc: {  	[sflag:s30] =	ssyncadd.s32 $0xFFFFFFF8  }
0xbd: {  	_ =	swait.ge [sflag:s30], $0x8  }
0xbe: {  	[sflag:s30] =	ssyncset.done $0x0  }
0xbf: {  	[sflag:s30] =	ssyncadd.s32 $0xFFFFFFF8  }
0xc0: {  	_ =	swait.ge [sflag:s30], $0x8  }
0xc1: {  	[sflag:s30] =	ssyncset.done $0x0  }
0xc2: {  	[sflag:s30] =	ssyncadd.s32 $0xFFFFFFF8  }
0xc3: {  	_ =	swait.ge [sflag:s30], $0x8  }
0xc4: {  	[sflag:s30] =	ssyncset.done $0x0  }
0xc5: {  	[sflag:s30] =	ssyncadd.s32 $0xFFFFFFF8  }
0xc6: {  	_ =	swait.ge [sflag:s30], $0x8  }
0xc7: {  	[sflag:s30] =	ssyncset.done $0x0  }
0xc8: {  	[sflag:s30] =	ssyncadd.s32 $0xFFFFFFF8  }
0xc9: {  	_ =	swait.ge [sflag:s30], $0x8  }
0xca: {  	[sflag:s30] =	ssyncset.done $0x0  }
0xcb: {  	[sflag:s30] =	ssyncadd.s32 $0xFFFFFFF8  }
0xcc: {  	_ =	swait.ge [sflag:s30], $0x8  }
0xcd: {  	[sflag:s30] =	ssyncset.done $0x0  }
0xce: {  	[sflag:s30] =	ssyncadd.s32 $0xFFFFFFF8  }
0xcf: {  	_ =	swait.ge [sflag:s30], $0x8  }
0xd0: {  	[sflag:s30] =	ssyncset.done $0x0  }
0xd1: {  	[sflag:s30] =	ssyncadd.s32 $0xFFFFFFF8  }
0xd2: {  	_ =	swait.ge [sflag:s30], $0x8  }
0xd3: {  	[sflag:s30] =	ssyncset.done $0x0  }
0xd4: {  	[sflag:s30] =	ssyncadd.s32 $0xFFFFFFF8  }
0xd5: {  	_ =	swait.ge [sflag:s30], $0x8  }
0xd6: {  	[sflag:s30] =	ssyncset.done $0x0  }
0xd7: {  	[sflag:s30] =	ssyncadd.s32 $0xFFFFFFF8  }
0xd8: {  	_ =	swait.ge [sflag:s30], $0x8  }
0xd9: {  	[sflag:s30] =	ssyncset.done $0x0  }
0xda: {  	[sflag:s30] =	ssyncadd.s32 $0xFFFFFFF8  }
0xdb: {  	_ =	swait.ge [sflag:s30], $0x8  }
0xdc: {  	[sflag:s30] =	ssyncset.done $0x0  }
0xdd: {  	[sflag:s30] =	ssyncadd.s32 $0xFFFFFFF8  }
0xde: {  	_ =	swait.ge [sflag:s30], $0x8  }
0xdf: {  	[sflag:s30] =	ssyncset.done $0x0  }
0xe0: {  	[sflag:s30] =	ssyncadd.s32 $0xFFFFFFF8  }
0xe1: {  	_ =	swait.ge [sflag:s30], $0x8  }
0xe2: {  	[sflag:s30] =	ssyncset.done $0x0  }
0xe3: {  	[sflag:s30] =	ssyncadd.s32 $0xFFFFFFF8  }
0xe4: {  	_ =	swait.ge [sflag:s30], $0x8  }
0xe5: {  	[sflag:s30] =	ssyncset.done $0x0  }
0xe6: {  	[sflag:s30] =	ssyncadd.s32 $0xFFFFFFF8  }
0xe7: {  	v3 =	vld [tilespmem:$0x0];
	_ =	sdelay $0x4  }
0xe8: {  	v4 =	vshll.u32 v3, $0x3  }
0xe9: {  	v3 =	vand.u32 $0x7, v3;
	v4 =	vand.u32 $0xFFFFFFC0, v4  }
0xea: {  	v3 =	vor.u32 v3, v4  }
0xeb: {  	v4 =	vperm.xlane v3, v0;
	_ =	sdelay $0x1  }
0xec: {  	v4 =	vadd.s32 v1, v4;
	_ =	sdelay $0x3  }
0xed: {  	s7 =	simm.s32 $0x6100  }
0xee: {  	[tilespmem:s7], [sflag:$0x1] =	stream.indirect_vreg.gather [hbm4b:s5+s2], $0x80, v4, vm0, $0xb8;
	[tilespmem:$0x1E100] =	vst v63  }
0xef: {  	s9 =	simm.s32 $0x6900;
	v3 =	vperm.xlane v3, v2  }
0xf0: {  	[tilespmem:s9], [sflag:$0x1] =	stream.indirect_vreg.gather [hbm4b:s23+s2], $0x80, v4, vm0, $0xb8;
	[tilespmem:$0x1E100] =	vst v63  }
0xf1: {  	s10 =	simm.s32 $0x7100;
	v3 =	vadd.s32 v1, v3  }
0xf2: {  	[tilespmem:s10], [sflag:$0x1] =	stream.indirect_vreg.gather [hbm4b:s24+s2], $0x80, v4, vm0, $0xb8;
	[tilespmem:$0x1E100] =	vst v63  }
0xf3: {  	s22 =	simm.s32 $0x7900  }
0xf4: {  	[tilespmem:s22], [sflag:$0x1] =	stream.indirect_vreg.gather [hbm4b:s25+s2], $0x80, v4, vm0, $0xb8;
	[tilespmem:$0x1E100] =	vst v63  }
0xf5: {  	s28 =	simm.s32 $0x8100  }
0xf6: {  	[tilespmem:s28], [sflag:$0x1] =	stream.indirect_vreg.gather [hbm4b:s5+s2], $0x80, v3, vm0, $0xb8;
	[tilespmem:$0x1E100] =	vst v63  }
0xf7: {  	s31 =	simm.s32 $0x8900  }
0xf8: {  	[tilespmem:s31], [sflag:$0x1] =	stream.indirect_vreg.gather [hbm4b:s23+s2], $0x80, v3, vm0, $0xb8;
	[tilespmem:$0x1E100] =	vst v63  }
0xf9: {  	s7 =	simm.s32 $0x9100  }
0xfa: {  	[tilespmem:s7], [sflag:$0x1] =	stream.indirect_vreg.gather [hbm4b:s24+s2], $0x80, v3, vm0, $0xb8;
	[tilespmem:$0x1E100] =	vst v63  }
0xfb: {  	s9 =	simm.s32 $0x9900  }
0xfc: {  	[tilespmem:s9], [sflag:$0x1] =	stream.indirect_vreg.gather [hbm4b:s25+s2], $0x80, v3, vm0, $0xb8;
	[tilespmem:$0x1E100] =	vst v63  }
0xfd: {  	v3 =	vld [tilespmem:$0x10];
	_ =	sdelay $0x4  }
0xfe: {  	v61 =	vshll.u32 v3, $0x3  }
0xff: {  	v3 =	vand.u32 $0x7, v3;
	v4 =	vand.u32 $0xFFFFFFC0, v61  }
0x100: {  	v3 =	vor.u32 v3, v4  }
0x101: {  	v4 =	vperm.xlane v3, v0;
	_ =	sdelay $0x1  }
0x102: {  	v4 =	vadd.s32 v1, v4;
	_ =	sdelay $0x4  }
0x103: {  	[tilespmem:s15], [sflag:$0x1] =	stream.indirect_vreg.gather [hbm4b:s5+s2], $0x80, v4, vm0, $0xb8;
	[tilespmem:$0x1E100] =	vst v63  }
0x104: {  	s10 =	simm.s32 $0xA900;
	v3 =	vperm.xlane v3, v2  }
0x105: {  	[tilespmem:s10], [sflag:$0x1] =	stream.indirect_vreg.gather [hbm4b:s23+s2], $0x80, v4, vm0, $0xb8;
	[tilespmem:$0x1E100] =	vst v63  }
0x106: {  	s22 =	simm.s32 $0xB100;
	v3 =	vadd.s32 v1, v3  }
0x107: {  	[tilespmem:s22], [sflag:$0x1] =	stream.indirect_vreg.gather [hbm4b:s24+s2], $0x80, v4, vm0, $0xb8;
	[tilespmem:$0x1E100] =	vst v63  }
0x108: {  	s28 =	simm.s32 $0xB900  }
0x109: {  	[tilespmem:s28], [sflag:$0x1] =	stream.indirect_vreg.gather [hbm4b:s25+s2], $0x80, v4, vm0, $0xb8;
	[tilespmem:$0x1E100] =	vst v63  }
0x10a: {  	_ = 	snop  }
0x10b: {  	[tilespmem:s19], [sflag:$0x1] =	stream.indirect_vreg.gather [hbm4b:s5+s2], $0x80, v3, vm0, $0xb8;
	[tilespmem:$0x1E100] =	vst v63  }
0x10c: {  	s31 =	simm.s32 $0xC900  }
0x10d: {  	[tilespmem:s31], [sflag:$0x1] =	stream.indirect_vreg.gather [hbm4b:s23+s2], $0x80, v3, vm0, $0xb8;
	[tilespmem:$0x1E100] =	vst v63  }
0x10e: {  	s7 =	simm.s32 $0xD100  }
0x10f: {  	[tilespmem:s7], [sflag:$0x1] =	stream.indirect_vreg.gather [hbm4b:s24+s2], $0x80, v3, vm0, $0xb8;
	[tilespmem:$0x1E100] =	vst v63  }
0x110: {  	s9 =	simm.s32 $0xD900;
	s10 =	sld [smem:$0x7F0]  }
0x111: {  	[tilespmem:s9], [sflag:$0x1] =	stream.indirect_vreg.gather [hbm4b:s25+s2], $0x80, v3, vm0, $0xb8;
	[tilespmem:$0x1E100] =	vst v63  }
0x112: {  	s22 =	simm.s32 $0x100  }
0x113: {  	[tilespmem:s22], [sflag:$0x4] =	stream.linear.gather [hbm4b:s10+s2], $0x2000, $0x38;
	[tilespmem:$0x1E100] =	vst v63  }
0x114: {  	v3 =	vld [tilespmem:$0x20];
	_ =	sdelay $0x4  }
0x115: {  	v62 =	vshll.u32 v3, $0x3  }
0x116: {  	v3 =	vand.u32 $0x7, v3;
	v4 =	vand.u32 $0xFFFFFFC0, v62  }
0x117: {  	v3 =	vor.u32 v3, v4  }
0x118: {  	v4 =	vperm.xlane v3, v0;
	_ =	sdelay $0x1  }
0x119: {  	v4 =	vadd.s32 v1, v4;
	_ =	sdelay $0x4  }
0x11a: {  	[tilespmem:s3], [sflag:$0x2] =	stream.indirect_vreg.gather [hbm4b:s5+s2], $0x80, v4, vm0, $0xb8;
	[tilespmem:$0x1E100] =	vst v63  }
0x11b: {  	s28 =	simm.s32 $0xE900;
	v3 =	vperm.xlane v3, v2  }
0x11c: {  	[tilespmem:s28], [sflag:$0x2] =	stream.indirect_vreg.gather [hbm4b:s23+s2], $0x80, v4, vm0, $0xb8;
	[tilespmem:$0x1E100] =	vst v63  }
0x11d: {  	s31 =	simm.s32 $0xF100;
	v3 =	vadd.s32 v1, v3  }
0x11e: {  	[tilespmem:s31], [sflag:$0x2] =	stream.indirect_vreg.gather [hbm4b:s24+s2], $0x80, v4, vm0, $0xb8;
	[tilespmem:$0x1E100] =	vst v63  }
0x11f: {  	s7 =	simm.s32 $0xF900  }
0x120: {  	[tilespmem:s7], [sflag:$0x2] =	stream.indirect_vreg.gather [hbm4b:s25+s2], $0x80, v4, vm0, $0xb8;
	[tilespmem:$0x1E100] =	vst v63  }
0x121: {  	_ = 	snop  }
0x122: {  	[tilespmem:s14], [sflag:$0x2] =	stream.indirect_vreg.gather [hbm4b:s5+s2], $0x80, v3, vm0, $0xb8;
	[tilespmem:$0x1E100] =	vst v63  }
0x123: {  	s9 =	simm.s32 $0x10900  }
0x124: {  	[tilespmem:s9], [sflag:$0x2] =	stream.indirect_vreg.gather [hbm4b:s23+s2], $0x80, v3, vm0, $0xb8;
	[tilespmem:$0x1E100] =	vst v63  }
0x125: {  	s10 =	simm.s32 $0x11100  }
0x126: {  	[tilespmem:s10], [sflag:$0x2] =	stream.indirect_vreg.gather [hbm4b:s24+s2], $0x80, v3, vm0, $0xb8;
	[tilespmem:$0x1E100] =	vst v63  }
0x127: {  	s22 =	simm.s32 $0x11900  }
0x128: {  	[tilespmem:s22], [sflag:$0x2] =	stream.indirect_vreg.gather [hbm4b:s25+s2], $0x80, v3, vm0, $0xb8;
	[tilespmem:$0x1E100] =	vst v63  }
0x129: {  	v3 =	vld [tilespmem:$0x30];
	_ =	sdelay $0x4  }
0x12a: {  	v63 =	vshll.u32 v3, $0x3  }
0x12b: {  	v3 =	vand.u32 $0x7, v3;
	v4 =	vand.u32 $0xFFFFFFC0, v63  }
0x12c: {  	v3 =	vor.u32 v3, v4  }
0x12d: {  	v4 =	vperm.xlane v3, v0;
	_ =	sdelay $0x1  }
0x12e: {  	v4 =	vadd.s32 v1, v4;
	_ =	sdelay $0x4  }
0x12f: {  	[tilespmem:s20], [sflag:$0x2] =	stream.indirect_vreg.gather [hbm4b:s5+s2], $0x80, v4, vm0, $0xb8;
	[tilespmem:$0x1E100] =	vst v63  }
0x130: {  	s28 =	simm.s32 $0x12900;
	v3 =	vperm.xlane v3, v2  }
0x131: {  	[tilespmem:s28], [sflag:$0x2] =	stream.indirect_vreg.gather [hbm4b:s23+s2], $0x80, v4, vm0, $0xb8;
	[tilespmem:$0x1E100] =	vst v63  }
0x132: {  	s31 =	simm.s32 $0x13100;
	v3 =	vadd.s32 v1, v3  }
0x133: {  	[tilespmem:s31], [sflag:$0x2] =	stream.indirect_vreg.gather [hbm4b:s24+s2], $0x80, v4, vm0, $0xb8;
	[tilespmem:$0x1E100] =	vst v63  }
0x134: {  	s7 =	simm.s32 $0x13900  }
0x135: {  	[tilespmem:s7], [sflag:$0x2] =	stream.indirect_vreg.gather [hbm4b:s25+s2], $0x80, v4, vm0, $0xb8;
	[tilespmem:$0x1E100] =	vst v63  }
0x136: {  	_ = 	snop  }
0x137: {  	[tilespmem:s6], [sflag:$0x2] =	stream.indirect_vreg.gather [hbm4b:s5+s2], $0x80, v3, vm0, $0xb8;
	[tilespmem:$0x1E100] =	vst v63  }
0x138: {  	s9 =	simm.s32 $0x14900  }
0x139: {  	[tilespmem:s9], [sflag:$0x2] =	stream.indirect_vreg.gather [hbm4b:s23+s2], $0x80, v3, vm0, $0xb8;
	[tilespmem:$0x1E100] =	vst v63  }
0x13a: {  	s10 =	simm.s32 $0x15100  }
0x13b: {  	[tilespmem:s10], [sflag:$0x2] =	stream.indirect_vreg.gather [hbm4b:s24+s2], $0x80, v3, vm0, $0xb8;
	[tilespmem:$0x1E100] =	vst v63  }
0x13c: {  	s22 =	simm.s32 $0x15900;
	s28 =	sld [smem:$0x7F1]  }
0x13d: {  	[tilespmem:s22], [sflag:$0x2] =	stream.indirect_vreg.gather [hbm4b:s25+s2], $0x80, v3, vm0, $0xb8;
	[tilespmem:$0x1E100] =	vst v63  }
0x13e: {  	p1 =	por $0x1, $0x1;
	s31 =	simm.s32 $0x2100;
	s22 =	simm.s32 $0x0  }
0x13f: {  	[tilespmem:s31], [sflag:$0x5] =	stream.linear.gather [hbm4b:s28+s2], $0x2000, $0x38;
	[tilespmem:$0x1E100] =	vst v63  }
.LBB2_2:
0x140: {  	_ =	swait.ge [sflag:s18], $0x8000  }
0x141: {  	[sflag:s18] =	ssyncset.done $0x0  }
0x142: {  	[sflag:s18] =	ssyncadd.s32 $0xFFFF8000  }
0x143: {  	s0 =	simm.s32 $0x0;
	_ =	swait.ge [sflag:s21], $0x2000  }
0x144: {  	s7 =	sand.u32 $0x1C00, s0;
	s0 =	sand.u32 $0x380, s0;
	[sflag:s21] =	ssyncset.done $0x0  }
0x145: {  	s0 =	sor.u32 s0, s7;
	[sflag:s21] =	ssyncadd.s32 $0xFFFFE000  }
0x146: {  	v3 =	vld [tilespmem:s0+$0x170]  }
0x147: {  	v4 =	vld [tilespmem:s0+$0x100]  }
0x148: {  	v5 =	vld [tilespmem:s0+$0x110]  }
0x149: {  	v6 =	vld [tilespmem:s0+$0x120]  }
0x14a: {  	v7 =	vld [tilespmem:s0+$0x130]  }
0x14b: {  	v8 =	vld [tilespmem:s0+$0x140]  }
0x14c: {  	v9 =	vld [tilespmem:s0+$0x150]  }
0x14d: {  	v10 =	vld [tilespmem:s0+$0x160]  }
0x14e: {  	[tilespmem:s0+$0xC170] =	vst.add.f32.msk $0xffff, v3  }
0x14f: {  	[tilespmem:s0+$0x6100] =	vst.add.f32.msk $0xffff, v4  }
0x150: {  	[tilespmem:s0+$0x8100] =	vst.add.f32.msk $0xffff, v4  }
0x151: {  	[tilespmem:s0+$0xA100] =	vst.add.f32.msk $0xffff, v4  }
0x152: {  	[tilespmem:s0+$0xC100] =	vst.add.f32.msk $0xffff, v4  }
0x153: {  	[tilespmem:s0+$0x6110] =	vst.add.f32.msk $0xffff, v5  }
0x154: {  	[tilespmem:s0+$0x8110] =	vst.add.f32.msk $0xffff, v5  }
0x155: {  	[tilespmem:s0+$0xA110] =	vst.add.f32.msk $0xffff, v5  }
0x156: {  	[tilespmem:s0+$0xC110] =	vst.add.f32.msk $0xffff, v5  }
0x157: {  	[tilespmem:s0+$0x6120] =	vst.add.f32.msk $0xffff, v6  }
0x158: {  	[tilespmem:s0+$0x8120] =	vst.add.f32.msk $0xffff, v6  }
0x159: {  	[tilespmem:s0+$0xA120] =	vst.add.f32.msk $0xffff, v6  }
0x15a: {  	[tilespmem:s0+$0xC120] =	vst.add.f32.msk $0xffff, v6  }
0x15b: {  	[tilespmem:s0+$0x6130] =	vst.add.f32.msk $0xffff, v7  }
0x15c: {  	[tilespmem:s0+$0x8130] =	vst.add.f32.msk $0xffff, v7  }
0x15d: {  	[tilespmem:s0+$0xA130] =	vst.add.f32.msk $0xffff, v7  }
0x15e: {  	[tilespmem:s0+$0xC130] =	vst.add.f32.msk $0xffff, v7  }
0x15f: {  	[tilespmem:s0+$0x6140] =	vst.add.f32.msk $0xffff, v8  }
0x160: {  	[tilespmem:s0+$0x8140] =	vst.add.f32.msk $0xffff, v8  }
0x161: {  	[tilespmem:s0+$0xA140] =	vst.add.f32.msk $0xffff, v8  }
0x162: {  	[tilespmem:s0+$0xC140] =	vst.add.f32.msk $0xffff, v8  }
0x163: {  	[tilespmem:s0+$0x6150] =	vst.add.f32.msk $0xffff, v9  }
0x164: {  	[tilespmem:s0+$0x8150] =	vst.add.f32.msk $0xffff, v9  }
0x165: {  	[tilespmem:s0+$0xA150] =	vst.add.f32.msk $0xffff, v9  }
0x166: {  	[tilespmem:s0+$0xC150] =	vst.add.f32.msk $0xffff, v9  }
0x167: {  	[tilespmem:s0+$0x6160] =	vst.add.f32.msk $0xffff, v10  }
0x168: {  	[tilespmem:s0+$0x8160] =	vst.add.f32.msk $0xffff, v10  }
0x169: {  	[tilespmem:s0+$0xA160] =	vst.add.f32.msk $0xffff, v10  }
0x16a: {  	[tilespmem:s0+$0xC160] =	vst.add.f32.msk $0xffff, v10  }
0x16b: {  	s9 =	simm.s32 $0x10;
	p0 =	por p1, p1;
	s7 =	simm.s32 $0x400;
	[tilespmem:s0+$0x6170] =	vst.add.f32.msk $0xffff, v3  }
0x16c: {  	s31 =	sand.u32 $0x380, s9;
	s9 =	simm.s32 $0x20;
	s28 =	sand.u32 $0x1C00, s7;
	[tilespmem:s0+$0x8170] =	vst.add.f32.msk $0xffff, v3  }
.LBB2_3:
0x16d: {  	p1 =	sne.s32 s9, $0x3F0;
	[tilespmem:s0+$0xA170] =	vst.add.f32.msk $0xffff, v3;
	s0 =	sor.u32 s31, s28  }
0x16e: {  	v3 =	vld [tilespmem:s0+$0x170]  }
0x16f: {  	v4 =	vld [tilespmem:s0+$0x100]  }
0x170: {  	v5 =	vld [tilespmem:s0+$0x110]  }
0x171: {  	v6 =	vld [tilespmem:s0+$0x120]  }
0x172: {  	v7 =	vld [tilespmem:s0+$0x130]  }
0x173: {  	[tilespmem:s0+$0xC170] =	vst.add.f32.msk $0xffff, v3  }
0x174: {  	v8 =	vld [tilespmem:s0+$0x140]  }
0x175: {  	v9 =	vld [tilespmem:s0+$0x150]  }
0x176: {  	v10 =	vld [tilespmem:s0+$0x160]  }
0x177: {  	[tilespmem:s0+$0x6100] =	vst.add.f32.msk $0xffff, v4  }
0x178: {  	[tilespmem:s0+$0x8100] =	vst.add.f32.msk $0xffff, v4  }
0x179: {  	[tilespmem:s0+$0xA100] =	vst.add.f32.msk $0xffff, v4  }
0x17a: {  	[tilespmem:s0+$0xC100] =	vst.add.f32.msk $0xffff, v4  }
0x17b: {  	[tilespmem:s0+$0x6110] =	vst.add.f32.msk $0xffff, v5  }
0x17c: {  	[tilespmem:s0+$0x8110] =	vst.add.f32.msk $0xffff, v5  }
0x17d: {  	[tilespmem:s0+$0xA110] =	vst.add.f32.msk $0xffff, v5  }
0x17e: {  	[tilespmem:s0+$0xC110] =	vst.add.f32.msk $0xffff, v5  }
0x17f: {  	[tilespmem:s0+$0x6120] =	vst.add.f32.msk $0xffff, v6  }
0x180: {  	[tilespmem:s0+$0x8120] =	vst.add.f32.msk $0xffff, v6  }
0x181: {  	[tilespmem:s0+$0xA120] =	vst.add.f32.msk $0xffff, v6  }
0x182: {  	[tilespmem:s0+$0xC120] =	vst.add.f32.msk $0xffff, v6  }
0x183: {  	[tilespmem:s0+$0x6130] =	vst.add.f32.msk $0xffff, v7  }
0x184: {  	[tilespmem:s0+$0x8130] =	vst.add.f32.msk $0xffff, v7  }
0x185: {  	[tilespmem:s0+$0xA130] =	vst.add.f32.msk $0xffff, v7  }
0x186: {  	[tilespmem:s0+$0xC130] =	vst.add.f32.msk $0xffff, v7  }
0x187: {  	[tilespmem:s0+$0x6140] =	vst.add.f32.msk $0xffff, v8  }
0x188: {  	[tilespmem:s0+$0x8140] =	vst.add.f32.msk $0xffff, v8  }
0x189: {  	[tilespmem:s0+$0xA140] =	vst.add.f32.msk $0xffff, v8  }
0x18a: {  	[tilespmem:s0+$0xC140] =	vst.add.f32.msk $0xffff, v8  }
0x18b: {  	[tilespmem:s0+$0x6150] =	vst.add.f32.msk $0xffff, v9  }
0x18c: {  	[tilespmem:s0+$0x8150] =	vst.add.f32.msk $0xffff, v9  }
0x18d: {  	[tilespmem:s0+$0xA150] =	vst.add.f32.msk $0xffff, v9  }
0x18e: {  	[tilespmem:s0+$0xC150] =	vst.add.f32.msk $0xffff, v9  }
0x18f: {  	[tilespmem:s0+$0x6160] =	vst.add.f32.msk $0xffff, v10  }
.Ltmp0:
0x190: {  	[tilespmem:s0+$0x8160] =	vst.add.f32.msk $0xffff, v10;
	(pc) =	sbr.rel @p1 .LBB2_3-.Ltmp0, $4  }
0x191: {  	[tilespmem:s0+$0xA160] =	vst.add.f32.msk $0xffff, v10  }
0x192: {  	[tilespmem:s0+$0xC160] =	vst.add.f32.msk $0xffff, v10  }
0x193: {  	s7 =	sadd.s32 $0x400, s7;
	[tilespmem:s0+$0x6170] =	vst.add.f32.msk $0xffff, v3  }
0x194: {  	s31 =	sand.u32 $0x380, s9;
	s9 =	sadd.s32 $0x10, s9;
	s28 =	sand.u32 $0x1C00, s7;
	[tilespmem:s0+$0x8170] =	vst.add.f32.msk $0xffff, v3  }
0x195: {  	s7 =	sor.u32 s31, s28;
	[tilespmem:s0+$0xA170] =	vst.add.f32.msk $0xffff, v3  }
0x196: {  	v3 =	vld [tilespmem:s7+$0x170]  }
0x197: {  	v4 =	vld [tilespmem:s7+$0x100]  }
0x198: {  	v5 =	vld [tilespmem:s7+$0x110]  }
0x199: {  	v6 =	vld [tilespmem:s7+$0x120]  }
0x19a: {  	v7 =	vld [tilespmem:s7+$0x130]  }
0x19b: {  	v8 =	vld [tilespmem:s7+$0x140]  }
0x19c: {  	v9 =	vld [tilespmem:s7+$0x150]  }
0x19d: {  	v10 =	vld [tilespmem:s7+$0x160]  }
0x19e: {  	[tilespmem:s7+$0xC170] =	vst.add.f32.msk $0xffff, v3  }
0x19f: {  	[tilespmem:s7+$0x6100] =	vst.add.f32.msk $0xffff, v4  }
0x1a0: {  	[tilespmem:s7+$0x8100] =	vst.add.f32.msk $0xffff, v4  }
0x1a1: {  	[tilespmem:s7+$0xA100] =	vst.add.f32.msk $0xffff, v4  }
0x1a2: {  	[tilespmem:s7+$0xC100] =	vst.add.f32.msk $0xffff, v4  }
0x1a3: {  	[tilespmem:s7+$0x6110] =	vst.add.f32.msk $0xffff, v5  }
0x1a4: {  	[tilespmem:s7+$0x8110] =	vst.add.f32.msk $0xffff, v5  }
0x1a5: {  	[tilespmem:s7+$0xA110] =	vst.add.f32.msk $0xffff, v5  }
0x1a6: {  	[tilespmem:s7+$0xC110] =	vst.add.f32.msk $0xffff, v5  }
0x1a7: {  	[tilespmem:s7+$0x6120] =	vst.add.f32.msk $0xffff, v6  }
0x1a8: {  	[tilespmem:s7+$0x8120] =	vst.add.f32.msk $0xffff, v6  }
0x1a9: {  	[tilespmem:s7+$0xA120] =	vst.add.f32.msk $0xffff, v6  }
0x1aa: {  	[tilespmem:s7+$0xC120] =	vst.add.f32.msk $0xffff, v6  }
0x1ab: {  	[tilespmem:s7+$0x6130] =	vst.add.f32.msk $0xffff, v7  }
0x1ac: {  	[tilespmem:s7+$0x8130] =	vst.add.f32.msk $0xffff, v7  }
0x1ad: {  	[tilespmem:s7+$0xA130] =	vst.add.f32.msk $0xffff, v7  }
0x1ae: {  	[tilespmem:s7+$0xC130] =	vst.add.f32.msk $0xffff, v7  }
0x1af: {  	[tilespmem:s7+$0x6140] =	vst.add.f32.msk $0xffff, v8  }
0x1b0: {  	[tilespmem:s7+$0x8140] =	vst.add.f32.msk $0xffff, v8  }
0x1b1: {  	[tilespmem:s7+$0xA140] =	vst.add.f32.msk $0xffff, v8  }
0x1b2: {  	[tilespmem:s7+$0xC140] =	vst.add.f32.msk $0xffff, v8  }
0x1b3: {  	[tilespmem:s7+$0x6150] =	vst.add.f32.msk $0xffff, v9  }
0x1b4: {  	[tilespmem:s7+$0x8150] =	vst.add.f32.msk $0xffff, v9  }
0x1b5: {  	[tilespmem:s7+$0xA150] =	vst.add.f32.msk $0xffff, v9  }
0x1b6: {  	[tilespmem:s7+$0xC150] =	vst.add.f32.msk $0xffff, v9  }
0x1b7: {  	[tilespmem:s7+$0x6160] =	vst.add.f32.msk $0xffff, v10  }
0x1b8: {  	[tilespmem:s7+$0x8160] =	vst.add.f32.msk $0xffff, v10  }
0x1b9: {  	s10 =	smul.u32 $0x18, s22;
	[tilespmem:s7+$0xA160] =	vst.add.f32.msk $0xffff, v10  }
0x1ba: {  	s9 =	rddreg [dreg:$0x5];
	[tilespmem:s7+$0xC160] =	vst.add.f32.msk $0xffff, v10  }
0x1bb: {  	s0 =	sor.u32 s9, s10;
	[tilespmem:s7+$0x6170] =	vst.add.f32.msk $0xffff, v3  }
0x1bc: {  	s0 =	sshll.u32 s0, $0x7;
	[tilespmem:s7+$0x8170] =	vst.add.f32.msk $0xffff, v3  }
0x1bd: {  	s10 =	simm.s32 $0x6100;
	s9 =	sadd.s32 s8, s0;
	[tilespmem:s7+$0xA170] =	vst.add.f32.msk $0xffff, v3  }
0x1be: {  	[hbm4b:s9+s2] =	stream.linear.scatter [tilespmem:s10], [sflag:$0x7], $0x2000, $0x38;
	[tilespmem:$0x1E100] =	vst v63  }
0x1bf: {  	s9 =	sld [smem:$0x7F7];
	_ =	sdelay $0x2  }
0x1c0: {  	s7 =	sadd.s32 s0, s9;
	s9 =	sld [smem:$0x7F9]  }
0x1c1: {  	s10 =	simm.s32 $0x8100  }
0x1c2: {  	[hbm4b:s7+s2] =	stream.linear.scatter [tilespmem:s10], [sflag:$0x7], $0x2000, $0x38;
	[tilespmem:$0x1E100] =	vst v63  }
0x1c3: {  	s7 =	sadd.s32 s0, s9  }
0x1c4: {  	[hbm4b:s7+s2] =	stream.linear.scatter [tilespmem:s15], [sflag:$0x7], $0x2000, $0x38;
	[tilespmem:$0x1E100] =	vst v63  }
0x1c5: {  	s0 =	sadd.s32 s0, s13  }
0x1c6: {  	[hbm4b:s0+s2] =	stream.linear.scatter [tilespmem:s19], [sflag:$0x7], $0x2000, $0x38;
	[tilespmem:$0x1E100] =	vst v63  }
0x1c7: {  	s0 =	simm.s32 @!p0 $0x9  }
0x1c8: {  	_ =	swait.ge @!p0 [sflag:s0], $0x2000  }
0x1c9: {  	[sflag:s0] =	ssyncset.done @!p0 $0x0  }
0x1ca: {  	[sflag:s0] =	ssyncadd.s32 @!p0 $0xFFFFE000  }
0x1cb: {  	_ =	swait.ge @!p0 [sflag:s0], $0x2000  }
0x1cc: {  	[sflag:s0] =	ssyncset.done @!p0 $0x0  }
0x1cd: {  	[sflag:s0] =	ssyncadd.s32 @!p0 $0xFFFFE000  }
0x1ce: {  	_ =	swait.ge @!p0 [sflag:s0], $0x2000  }
0x1cf: {  	s28 =	smul.u32 $0x3, s22;
	[sflag:s0] =	ssyncset.done @!p0 $0x0  }
0x1d0: {  	[sflag:s0] =	ssyncadd.s32 @!p0 $0xFFFFE000  }
0x1d1: {  	s7 =	sadd.s32 $0x2, s28;
	_ =	swait.ge @!p0 [sflag:s0], $0x2000  }
0x1d2: {  	s10 =	sshll.u32 s7, $0x5;
	[sflag:s0] =	ssyncset.done @!p0 $0x0  }
0x1d3: {  	s9 =	sand.u32 $0x3FFFFFE0, s10;
	[sflag:s0] =	ssyncadd.s32 @!p0 $0xFFFFE000  }
0x1d4: {  	v3 =	vld [tilespmem:s9+$0x0];
	_ =	sdelay $0x4  }
0x1d5: {  	v4 =	vshll.u32 v3, $0x3  }
0x1d6: {  	v3 =	vand.u32 $0x7, v3;
	v4 =	vand.u32 $0xFFFFFFC0, v4  }
0x1d7: {  	v3 =	vor.u32 v3, v4  }
0x1d8: {  	v4 =	vperm.xlane v3, v0;
	_ =	sdelay $0x1  }
0x1d9: {  	v4 =	vadd.s32 v1, v4;
	_ =	sdelay $0x3  }
0x1da: {  	s10 =	simm.s32 $0x16100;
	s0 =	simm.s32 $0x0  }
0x1db: {  	[tilespmem:s10], [sflag:$0x3] =	stream.indirect_vreg.gather [hbm4b:s5+s0], $0x80, v4, vm0, $0xb8;
	[tilespmem:$0x1E100] =	vst v63  }
0x1dc: {  	s22 =	simm.s32 $0x16900;
	v3 =	vperm.xlane v3, v2  }
0x1dd: {  	[tilespmem:s22], [sflag:$0x3] =	stream.indirect_vreg.gather [hbm4b:s23+s0], $0x80, v4, vm0, $0xb8;
	[tilespmem:$0x1E100] =	vst v63  }
0x1de: {  	v3 =	vadd.s32 v1, v3;
	s22 =	simm.s32 $0x17100  }
0x1df: {  	[tilespmem:s22], [sflag:$0x3] =	stream.indirect_vreg.gather [hbm4b:s24+s0], $0x80, v4, vm0, $0xb8;
	[tilespmem:$0x1E100] =	vst v63  }
0x1e0: {  	s22 =	simm.s32 $0x17900  }
0x1e1: {  	[tilespmem:s22], [sflag:$0x3] =	stream.indirect_vreg.gather [hbm4b:s25+s0], $0x80, v4, vm0, $0xb8;
	[tilespmem:$0x1E100] =	vst v63  }
0x1e2: {  	s22 =	simm.s32 $0x18100  }
0x1e3: {  	[tilespmem:s22], [sflag:$0x3] =	stream.indirect_vreg.gather [hbm4b:s5+s0], $0x80, v3, vm0, $0xb8;
	[tilespmem:$0x1E100] =	vst v63  }
0x1e4: {  	s22 =	simm.s32 $0x18900  }
0x1e5: {  	[tilespmem:s22], [sflag:$0x3] =	stream.indirect_vreg.gather [hbm4b:s23+s0], $0x80, v3, vm0, $0xb8;
	[tilespmem:$0x1E100] =	vst v63  }
0x1e6: {  	s22 =	simm.s32 $0x19100  }
0x1e7: {  	[tilespmem:s22], [sflag:$0x3] =	stream.indirect_vreg.gather [hbm4b:s24+s0], $0x80, v3, vm0, $0xb8;
	[tilespmem:$0x1E100] =	vst v63  }
0x1e8: {  	s22 =	simm.s32 $0x19900  }
0x1e9: {  	[tilespmem:s22], [sflag:$0x3] =	stream.indirect_vreg.gather [hbm4b:s25+s0], $0x80, v3, vm0, $0xb8;
	[tilespmem:$0x1E100] =	vst v63  }
0x1ea: {  	v3 =	vld [tilespmem:s9+$0x10];
	_ =	sdelay $0x4  }
0x1eb: {  	v4 =	vshll.u32 v3, $0x3  }
0x1ec: {  	v3 =	vand.u32 $0x7, v3;
	v4 =	vand.u32 $0xFFFFFFC0, v4  }
0x1ed: {  	v3 =	vor.u32 v3, v4  }
0x1ee: {  	v4 =	vperm.xlane v3, v0;
	_ =	sdelay $0x1  }
0x1ef: {  	v4 =	vadd.s32 v1, v4;
	_ =	sdelay $0x3  }
0x1f0: {  	s10 =	simm.s32 $0x1A100  }
0x1f1: {  	[tilespmem:s10], [sflag:$0x3] =	stream.indirect_vreg.gather [hbm4b:s5+s0], $0x80, v4, vm0, $0xb8;
	[tilespmem:$0x1E100] =	vst v63  }
0x1f2: {  	s22 =	simm.s32 $0x1A900;
	v3 =	vperm.xlane v3, v2  }
0x1f3: {  	[tilespmem:s22], [sflag:$0x3] =	stream.indirect_vreg.gather [hbm4b:s23+s0], $0x80, v4, vm0, $0xb8;
	[tilespmem:$0x1E100] =	vst v63  }
0x1f4: {  	v3 =	vadd.s32 v1, v3;
	s10 =	simm.s32 $0x1B100  }
0x1f5: {  	[tilespmem:s10], [sflag:$0x3] =	stream.indirect_vreg.gather [hbm4b:s24+s0], $0x80, v4, vm0, $0xb8;
	[tilespmem:$0x1E100] =	vst v63  }
0x1f6: {  	s22 =	simm.s32 $0x1B900  }
0x1f7: {  	[tilespmem:s22], [sflag:$0x3] =	stream.indirect_vreg.gather [hbm4b:s25+s0], $0x80, v4, vm0, $0xb8;
	[tilespmem:$0x1E100] =	vst v63  }
0x1f8: {  	s10 =	simm.s32 $0x1C100  }
0x1f9: {  	[tilespmem:s10], [sflag:$0x3] =	stream.indirect_vreg.gather [hbm4b:s5+s0], $0x80, v3, vm0, $0xb8;
	[tilespmem:$0x1E100] =	vst v63  }
0x1fa: {  	s22 =	simm.s32 $0x1C900  }
0x1fb: {  	[tilespmem:s22], [sflag:$0x3] =	stream.indirect_vreg.gather [hbm4b:s23+s0], $0x80, v3, vm0, $0xb8;
	[tilespmem:$0x1E100] =	vst v63  }
0x1fc: {  	s10 =	simm.s32 $0x1D100  }
0x1fd: {  	[tilespmem:s10], [sflag:$0x3] =	stream.indirect_vreg.gather [hbm4b:s24+s0], $0x80, v3, vm0, $0xb8;
	[tilespmem:$0x1E100] =	vst v63  }
0x1fe: {  	s7 =	sor.u32 s26, s7;
	s22 =	simm.s32 $0x1D900  }
0x1ff: {  	[tilespmem:s22], [sflag:$0x3] =	stream.indirect_vreg.gather [hbm4b:s25+s0], $0x80, v3, vm0, $0xb8;
	[tilespmem:$0x1E100] =	vst v63  }
0x200: {  	s22 =	sshll.u32 s7, $0xA  }
0x201: {  	s10 =	simm.s32 $0x4100;
	s7 =	sadd.s32 s4, s22  }
0x202: {  	[tilespmem:s10], [sflag:$0x6] =	stream.linear.gather [hbm4b:s7+s0], $0x2000, $0x38;
	[tilespmem:$0x1E100] =	vst v63  }
0x203: {  	_ =	swait.ge [sflag:s16], $0x8000  }
0x204: {  	[sflag:s16] =	ssyncset.done $0x0  }
0x205: {  	[sflag:s16] =	ssyncadd.s32 $0xFFFF8000  }
0x206: {  	_ =	swait.ge [sflag:s17], $0x2000  }
0x207: {  	s9 =	sand.u32 $0x1C00, s0;
	s10 =	sand.u32 $0x380, s0;
	[sflag:s17] =	ssyncset.done $0x0  }
0x208: {  	s31 =	sor.u32 s10, s9;
	[sflag:s17] =	ssyncadd.s32 $0xFFFFE000  }
0x209: {  	v3 =	vld [tilespmem:s31+$0x2100];
	_ =	sdelay $0x2  }
0x20a: {  	v4 =	vld [tilespmem:s31+$0x2110];
	_ =	sdelay $0x1  }
0x20b: {  	[tilespmem:s31+$0x14100] =	vst.add.f32.msk $0xffff, v3  }
0x20c: {  	[tilespmem:s31+$0x12100] =	vst.add.f32.msk $0xffff, v3  }
0x20d: {  	[tilespmem:s31+$0x10100] =	vst.add.f32.msk $0xffff, v3  }
0x20e: {  	[tilespmem:s31+$0xE110] =	vst.add.f32.msk $0xffff, v4  }
0x20f: {  	s9 =	sadd.s32 $0x6100, s31;
	[tilespmem:s31+$0xE100] =	vst.add.f32.msk $0xffff, v3  }
0x210: {  	[tilespmem:s9+$0xA010] =	vst.add.f32.msk $0xffff, v4  }
0x211: {  	[tilespmem:s9+$0xC010] =	vst.add.f32.msk $0xffff, v4  }
0x212: {  	[tilespmem:s9+$0xE010] =	vst.add.f32.msk $0xffff, v4  }
0x213: {  	v3 =	vld [tilespmem:s31+$0x2120];
	_ =	sdelay $0x4  }
0x214: {  	[tilespmem:s31+$0xE120] =	vst.add.f32.msk $0xffff, v3  }
0x215: {  	[tilespmem:s9+$0xC020] =	vst.add.f32.msk $0xffff, v3  }
0x216: {  	[tilespmem:s9+$0xA020] =	vst.add.f32.msk $0xffff, v3  }
0x217: {  	[tilespmem:s9+$0xE020] =	vst.add.f32.msk $0xffff, v3  }
0x218: {  	v3 =	vld [tilespmem:s31+$0x2130];
	_ =	sdelay $0x4  }
0x219: {  	[tilespmem:s31+$0xE130] =	vst.add.f32.msk $0xffff, v3  }
0x21a: {  	[tilespmem:s9+$0xE030] =	vst.add.f32.msk $0xffff, v3  }
0x21b: {  	[tilespmem:s9+$0xA030] =	vst.add.f32.msk $0xffff, v3  }
0x21c: {  	[tilespmem:s9+$0xC030] =	vst.add.f32.msk $0xffff, v3  }
0x21d: {  	v3 =	vld [tilespmem:s31+$0x2140];
	_ =	sdelay $0x4  }
0x21e: {  	[tilespmem:s31+$0xE140] =	vst.add.f32.msk $0xffff, v3  }
0x21f: {  	[tilespmem:s9+$0xA040] =	vst.add.f32.msk $0xffff, v3  }
0x220: {  	[tilespmem:s9+$0xC040] =	vst.add.f32.msk $0xffff, v3  }
0x221: {  	[tilespmem:s9+$0xE040] =	vst.add.f32.msk $0xffff, v3  }
0x222: {  	v3 =	vld [tilespmem:s31+$0x2150];
	_ =	sdelay $0x4  }
0x223: {  	[tilespmem:s31+$0xE150] =	vst.add.f32.msk $0xffff, v3  }
0x224: {  	[tilespmem:s9+$0xC050] =	vst.add.f32.msk $0xffff, v3  }
0x225: {  	s7 =	simm.s32 $0x10;
	[tilespmem:s9+$0xA050] =	vst.add.f32.msk $0xffff, v3  }
.LBB2_5:
0x226: {  	p1 =	sne.s32 s7, $0x3F0  }
0x227: {  	[tilespmem:s9+$0xE050] =	vst.add.f32.msk $0xffff, v3;
	s0 =	sadd.s32 $0x400, s0;
	s10 =	smov.u32 s7;
	s7 =	sadd.s32 $0x10, s7  }
0x228: {  	v3 =	vld [tilespmem:s31+$0x2160];
	_ =	sdelay $0x4  }
0x229: {  	[tilespmem:s31+$0xE160] =	vst.add.f32.msk $0xffff, v3  }
0x22a: {  	[tilespmem:s9+$0xA060] =	vst.add.f32.msk $0xffff, v3  }
0x22b: {  	[tilespmem:s9+$0xC060] =	vst.add.f32.msk $0xffff, v3  }
0x22c: {  	[tilespmem:s9+$0xE060] =	vst.add.f32.msk $0xffff, v3  }
0x22d: {  	v3 =	vld [tilespmem:s31+$0x2170];
	_ =	sdelay $0x4  }
0x22e: {  	[tilespmem:s31+$0xE170] =	vst.add.f32.msk $0xffff, v3  }
0x22f: {  	[tilespmem:s9+$0xA070] =	vst.add.f32.msk $0xffff, v3  }
0x230: {  	s10 =	sand.u32 $0x380, s10;
	s31 =	sand.u32 $0x1C00, s0;
	[tilespmem:s9+$0xE070] =	vst.add.f32.msk $0xffff, v3  }
0x231: {  	s31 =	sor.u32 s10, s31;
	[tilespmem:s9+$0xC070] =	vst.add.f32.msk $0xffff, v3  }
0x232: {  	v3 =	vld [tilespmem:s31+$0x2100]  }
0x233: {  	v4 =	vld [tilespmem:s31+$0x2110];
	_ =	sdelay $0x3  }
0x234: {  	[tilespmem:s31+$0x14100] =	vst.add.f32.msk $0xffff, v3  }
0x235: {  	[tilespmem:s31+$0x12100] =	vst.add.f32.msk $0xffff, v3  }
0x236: {  	[tilespmem:s31+$0x10100] =	vst.add.f32.msk $0xffff, v3  }
0x237: {  	[tilespmem:s31+$0xE110] =	vst.add.f32.msk $0xffff, v4  }
0x238: {  	s9 =	sadd.s32 $0x6100, s31;
	[tilespmem:s31+$0xE100] =	vst.add.f32.msk $0xffff, v3  }
0x239: {  	[tilespmem:s9+$0xA010] =	vst.add.f32.msk $0xffff, v4  }
0x23a: {  	[tilespmem:s9+$0xC010] =	vst.add.f32.msk $0xffff, v4  }
0x23b: {  	[tilespmem:s9+$0xE010] =	vst.add.f32.msk $0xffff, v4  }
0x23c: {  	v3 =	vld [tilespmem:s31+$0x2120];
	_ =	sdelay $0x4  }
0x23d: {  	[tilespmem:s31+$0xE120] =	vst.add.f32.msk $0xffff, v3  }
0x23e: {  	[tilespmem:s9+$0xC020] =	vst.add.f32.msk $0xffff, v3  }
0x23f: {  	[tilespmem:s9+$0xA020] =	vst.add.f32.msk $0xffff, v3  }
0x240: {  	[tilespmem:s9+$0xE020] =	vst.add.f32.msk $0xffff, v3  }
0x241: {  	v3 =	vld [tilespmem:s31+$0x2130];
	_ =	sdelay $0x4  }
0x242: {  	[tilespmem:s31+$0xE130] =	vst.add.f32.msk $0xffff, v3  }
0x243: {  	[tilespmem:s9+$0xE030] =	vst.add.f32.msk $0xffff, v3  }
0x244: {  	[tilespmem:s9+$0xA030] =	vst.add.f32.msk $0xffff, v3  }
0x245: {  	[tilespmem:s9+$0xC030] =	vst.add.f32.msk $0xffff, v3  }
0x246: {  	v3 =	vld [tilespmem:s31+$0x2140];
	_ =	sdelay $0x4  }
0x247: {  	[tilespmem:s31+$0xE140] =	vst.add.f32.msk $0xffff, v3  }
0x248: {  	[tilespmem:s9+$0xA040] =	vst.add.f32.msk $0xffff, v3  }
0x249: {  	[tilespmem:s9+$0xC040] =	vst.add.f32.msk $0xffff, v3  }
0x24a: {  	[tilespmem:s9+$0xE040] =	vst.add.f32.msk $0xffff, v3  }
0x24b: {  	v3 =	vld [tilespmem:s31+$0x2150];
	_ =	sdelay $0x2  }
.Ltmp1:
0x24c: {  	(pc) =	sbr.rel @p1 .LBB2_5-.Ltmp1, $4  }
0x24d: {  	_ = 	snop  }
0x24e: {  	[tilespmem:s31+$0xE150] =	vst.add.f32.msk $0xffff, v3  }
0x24f: {  	[tilespmem:s9+$0xC050] =	vst.add.f32.msk $0xffff, v3  }
0x250: {  	[tilespmem:s9+$0xA050] =	vst.add.f32.msk $0xffff, v3  }
0x251: {  	[tilespmem:s9+$0xE050] =	vst.add.f32.msk $0xffff, v3  }
0x252: {  	v3 =	vld [tilespmem:s31+$0x2160];
	_ =	sdelay $0x4  }
0x253: {  	[tilespmem:s31+$0xE160] =	vst.add.f32.msk $0xffff, v3  }
0x254: {  	[tilespmem:s9+$0xA060] =	vst.add.f32.msk $0xffff, v3  }
0x255: {  	[tilespmem:s9+$0xC060] =	vst.add.f32.msk $0xffff, v3  }
0x256: {  	[tilespmem:s9+$0xE060] =	vst.add.f32.msk $0xffff, v3  }
0x257: {  	v3 =	vld [tilespmem:s31+$0x2170];
	_ =	sdelay $0x2  }
0x258: {  	s0 =	sld [smem:$0x7FD];
	_ =	sdelay $0x1  }
0x259: {  	[tilespmem:s31+$0xE170] =	vst.add.f32.msk $0xffff, v3  }
0x25a: {  	s0 =	sadd.s32 s0, s28;
	[tilespmem:s9+$0xA070] =	vst.add.f32.msk $0xffff, v3  }
0x25b: {  	s7 =	sshll.u32 s0, $0xA;
	[tilespmem:s9+$0xE070] =	vst.add.f32.msk $0xffff, v3  }
0x25c: {  	s0 =	simm.s32 $0x0;
	s10 =	sadd.s32 s8, s7;
	[tilespmem:s9+$0xC070] =	vst.add.f32.msk $0xffff, v3  }
0x25d: {  	[hbm4b:s10+s0] =	stream.linear.scatter [tilespmem:s3], [sflag:$0x8], $0x2000, $0x38;
	[tilespmem:$0x1E100] =	vst v63  }
0x25e: {  	s10 =	sor.u32 $0x40000, s7  }
0x25f: {  	s9 =	sadd.s32 s8, s10;
	s10 =	sor.u32 $0x80000, s7  }
0x260: {  	[hbm4b:s9+s0] =	stream.linear.scatter [tilespmem:s14], [sflag:$0x8], $0x2000, $0x38;
	[tilespmem:$0x1E100] =	vst v63  }
0x261: {  	s9 =	sadd.s32 s8, s10  }
0x262: {  	[hbm4b:s9+s0] =	stream.linear.scatter [tilespmem:s20], [sflag:$0x8], $0x2000, $0x38;
	[tilespmem:$0x1E100] =	vst v63  }
0x263: {  	s7 =	sadd.s32 s7, s13  }
0x264: {  	[hbm4b:s7+s0] =	stream.linear.scatter [tilespmem:s6], [sflag:$0x8], $0x2000, $0x38;
	[tilespmem:$0x1E100] =	vst v63  }
0x265: {  	_ =	swait.ge [sflag:s1], $0x2000  }
0x266: {  	[sflag:s1] =	ssyncset.done $0x0  }
0x267: {  	[sflag:s1] =	ssyncadd.s32 $0xFFFFE000  }
0x268: {  	_ =	swait.ge [sflag:s1], $0x2000  }
0x269: {  	[sflag:s1] =	ssyncset.done $0x0  }
0x26a: {  	[sflag:s1] =	ssyncadd.s32 $0xFFFFE000  }
0x26b: {  	_ =	swait.ge [sflag:s1], $0x2000  }
0x26c: {  	[sflag:s1] =	ssyncset.done $0x0  }
0x26d: {  	[sflag:s1] =	ssyncadd.s32 $0xFFFFE000  }
0x26e: {  	s7 =	sadd.s32 $0x3, s28;
	_ =	swait.ge [sflag:s1], $0x2000  }
0x26f: {  	s10 =	sshll.u32 s7, $0x5;
	[sflag:s1] =	ssyncset.done $0x0  }
0x270: {  	s9 =	sand.u32 $0x3FFFFFE0, s10;
	[sflag:s1] =	ssyncadd.s32 $0xFFFFE000  }
0x271: {  	v3 =	vld [tilespmem:s9+$0x0];
	_ =	sdelay $0x4  }
0x272: {  	v4 =	vshll.u32 v3, $0x3  }
0x273: {  	v3 =	vand.u32 $0x7, v3;
	v4 =	vand.u32 $0xFFFFFFC0, v4  }
0x274: {  	v3 =	vor.u32 v3, v4  }
0x275: {  	v4 =	vperm.xlane v3, v0;
	_ =	sdelay $0x1  }
0x276: {  	v4 =	vadd.s32 v1, v4;
	_ =	sdelay $0x3  }
0x277: {  	s10 =	simm.s32 $0x6100  }
0x278: {  	[tilespmem:s10], [sflag:$0x1] =	stream.indirect_vreg.gather [hbm4b:s5+s0], $0x80, v4, vm0, $0xb8;
	[tilespmem:$0x1E100] =	vst v63  }
0x279: {  	v3 =	vperm.xlane v3, v2;
	s10 =	simm.s32 $0x6900  }
0x27a: {  	[tilespmem:s10], [sflag:$0x1] =	stream.indirect_vreg.gather [hbm4b:s23+s0], $0x80, v4, vm0, $0xb8;
	[tilespmem:$0x1E100] =	vst v63  }
0x27b: {  	v3 =	vadd.s32 v1, v3;
	s10 =	simm.s32 $0x7100  }
0x27c: {  	[tilespmem:s10], [sflag:$0x1] =	stream.indirect_vreg.gather [hbm4b:s24+s0], $0x80, v4, vm0, $0xb8;
	[tilespmem:$0x1E100] =	vst v63  }
0x27d: {  	s10 =	simm.s32 $0x7900  }
0x27e: {  	[tilespmem:s10], [sflag:$0x1] =	stream.indirect_vreg.gather [hbm4b:s25+s0], $0x80, v4, vm0, $0xb8;
	[tilespmem:$0x1E100] =	vst v63  }
0x27f: {  	s10 =	simm.s32 $0x8100  }
0x280: {  	[tilespmem:s10], [sflag:$0x1] =	stream.indirect_vreg.gather [hbm4b:s5+s0], $0x80, v3, vm0, $0xb8;
	[tilespmem:$0x1E100] =	vst v63  }
0x281: {  	s10 =	simm.s32 $0x8900  }
0x282: {  	[tilespmem:s10], [sflag:$0x1] =	stream.indirect_vreg.gather [hbm4b:s23+s0], $0x80, v3, vm0, $0xb8;
	[tilespmem:$0x1E100] =	vst v63  }
0x283: {  	s10 =	simm.s32 $0x9100  }
0x284: {  	[tilespmem:s10], [sflag:$0x1] =	stream.indirect_vreg.gather [hbm4b:s24+s0], $0x80, v3, vm0, $0xb8;
	[tilespmem:$0x1E100] =	vst v63  }
0x285: {  	s10 =	simm.s32 $0x9900  }
0x286: {  	[tilespmem:s10], [sflag:$0x1] =	stream.indirect_vreg.gather [hbm4b:s25+s0], $0x80, v3, vm0, $0xb8;
	[tilespmem:$0x1E100] =	vst v63  }
0x287: {  	v3 =	vld [tilespmem:s9+$0x10];
	_ =	sdelay $0x4  }
0x288: {  	v4 =	vshll.u32 v3, $0x3  }
0x289: {  	v3 =	vand.u32 $0x7, v3;
	v4 =	vand.u32 $0xFFFFFFC0, v4  }
0x28a: {  	v3 =	vor.u32 v3, v4  }
0x28b: {  	v4 =	vperm.xlane v3, v0;
	_ =	sdelay $0x1  }
0x28c: {  	v4 =	vadd.s32 v1, v4;
	_ =	sdelay $0x4  }
0x28d: {  	[tilespmem:s15], [sflag:$0x1] =	stream.indirect_vreg.gather [hbm4b:s5+s0], $0x80, v4, vm0, $0xb8;
	[tilespmem:$0x1E100] =	vst v63  }
0x28e: {  	s10 =	simm.s32 $0xA900;
	v3 =	vperm.xlane v3, v2  }
0x28f: {  	[tilespmem:s10], [sflag:$0x1] =	stream.indirect_vreg.gather [hbm4b:s23+s0], $0x80, v4, vm0, $0xb8;
	[tilespmem:$0x1E100] =	vst v63  }
0x290: {  	v3 =	vadd.s32 v1, v3;
	s10 =	simm.s32 $0xB100  }
0x291: {  	[tilespmem:s10], [sflag:$0x1] =	stream.indirect_vreg.gather [hbm4b:s24+s0], $0x80, v4, vm0, $0xb8;
	[tilespmem:$0x1E100] =	vst v63  }
0x292: {  	s10 =	simm.s32 $0xB900  }
0x293: {  	[tilespmem:s10], [sflag:$0x1] =	stream.indirect_vreg.gather [hbm4b:s25+s0], $0x80, v4, vm0, $0xb8;
	[tilespmem:$0x1E100] =	vst v63  }
0x294: {  	_ = 	snop  }
0x295: {  	[tilespmem:s19], [sflag:$0x1] =	stream.indirect_vreg.gather [hbm4b:s5+s0], $0x80, v3, vm0, $0xb8;
	[tilespmem:$0x1E100] =	vst v63  }
0x296: {  	s10 =	simm.s32 $0xC900  }
0x297: {  	[tilespmem:s10], [sflag:$0x1] =	stream.indirect_vreg.gather [hbm4b:s23+s0], $0x80, v3, vm0, $0xb8;
	[tilespmem:$0x1E100] =	vst v63  }
0x298: {  	s7 =	sor.u32 s26, s7;
	s10 =	simm.s32 $0xD100  }
0x299: {  	[tilespmem:s10], [sflag:$0x1] =	stream.indirect_vreg.gather [hbm4b:s24+s0], $0x80, v3, vm0, $0xb8;
	[tilespmem:$0x1E100] =	vst v63  }
0x29a: {  	s7 =	sshll.u32 s7, $0xA;
	s10 =	simm.s32 $0xD900  }
0x29b: {  	[tilespmem:s10], [sflag:$0x1] =	stream.indirect_vreg.gather [hbm4b:s25+s0], $0x80, v3, vm0, $0xb8;
	[tilespmem:$0x1E100] =	vst v63  }
0x29c: {  	s7 =	sadd.s32 s4, s7;
	s10 =	simm.s32 $0x100  }
0x29d: {  	[tilespmem:s10], [sflag:$0x4] =	stream.linear.gather [hbm4b:s7+s0], $0x2000, $0x38;
	[tilespmem:$0x1E100] =	vst v63  }
0x29e: {  	_ =	swait.ge [sflag:s11], $0x8000  }
0x29f: {  	[sflag:s11] =	ssyncset.done $0x0  }
0x2a0: {  	[sflag:s11] =	ssyncadd.s32 $0xFFFF8000  }
0x2a1: {  	_ =	swait.ge [sflag:s12], $0x2000  }
0x2a2: {  	s9 =	sand.u32 $0x1C00, s0;
	s0 =	sand.u32 $0x380, s0;
	[sflag:s12] =	ssyncset.done $0x0  }
0x2a3: {  	s0 =	sor.u32 s0, s9;
	[sflag:s12] =	ssyncadd.s32 $0xFFFFE000  }
0x2a4: {  	v3 =	vld [tilespmem:s0+$0x4170]  }
0x2a5: {  	v4 =	vld [tilespmem:s0+$0x4100]  }
0x2a6: {  	v5 =	vld [tilespmem:s0+$0x4110]  }
0x2a7: {  	v6 =	vld [tilespmem:s0+$0x4120]  }
0x2a8: {  	v7 =	vld [tilespmem:s0+$0x4130]  }
0x2a9: {  	v8 =	vld [tilespmem:s0+$0x4140]  }
0x2aa: {  	v9 =	vld [tilespmem:s0+$0x4150]  }
0x2ab: {  	v10 =	vld [tilespmem:s0+$0x4160]  }
0x2ac: {  	[tilespmem:s0+$0x1C170] =	vst.add.f32.msk $0xffff, v3  }
0x2ad: {  	[tilespmem:s0+$0x16100] =	vst.add.f32.msk $0xffff, v4  }
0x2ae: {  	[tilespmem:s0+$0x18100] =	vst.add.f32.msk $0xffff, v4  }
0x2af: {  	[tilespmem:s0+$0x1A100] =	vst.add.f32.msk $0xffff, v4  }
0x2b0: {  	[tilespmem:s0+$0x1C100] =	vst.add.f32.msk $0xffff, v4  }
0x2b1: {  	[tilespmem:s0+$0x16110] =	vst.add.f32.msk $0xffff, v5  }
0x2b2: {  	[tilespmem:s0+$0x18110] =	vst.add.f32.msk $0xffff, v5  }
0x2b3: {  	[tilespmem:s0+$0x1A110] =	vst.add.f32.msk $0xffff, v5  }
0x2b4: {  	[tilespmem:s0+$0x1C110] =	vst.add.f32.msk $0xffff, v5  }
0x2b5: {  	[tilespmem:s0+$0x16120] =	vst.add.f32.msk $0xffff, v6  }
0x2b6: {  	[tilespmem:s0+$0x18120] =	vst.add.f32.msk $0xffff, v6  }
0x2b7: {  	[tilespmem:s0+$0x1A120] =	vst.add.f32.msk $0xffff, v6  }
0x2b8: {  	[tilespmem:s0+$0x1C120] =	vst.add.f32.msk $0xffff, v6  }
0x2b9: {  	[tilespmem:s0+$0x16130] =	vst.add.f32.msk $0xffff, v7  }
0x2ba: {  	[tilespmem:s0+$0x18130] =	vst.add.f32.msk $0xffff, v7  }
0x2bb: {  	[tilespmem:s0+$0x1A130] =	vst.add.f32.msk $0xffff, v7  }
0x2bc: {  	[tilespmem:s0+$0x1C130] =	vst.add.f32.msk $0xffff, v7  }
0x2bd: {  	[tilespmem:s0+$0x16140] =	vst.add.f32.msk $0xffff, v8  }
0x2be: {  	[tilespmem:s0+$0x18140] =	vst.add.f32.msk $0xffff, v8  }
0x2bf: {  	[tilespmem:s0+$0x1A140] =	vst.add.f32.msk $0xffff, v8  }
0x2c0: {  	[tilespmem:s0+$0x1C140] =	vst.add.f32.msk $0xffff, v8  }
0x2c1: {  	[tilespmem:s0+$0x16150] =	vst.add.f32.msk $0xffff, v9  }
0x2c2: {  	[tilespmem:s0+$0x18150] =	vst.add.f32.msk $0xffff, v9  }
0x2c3: {  	[tilespmem:s0+$0x1A150] =	vst.add.f32.msk $0xffff, v9  }
0x2c4: {  	[tilespmem:s0+$0x1C150] =	vst.add.f32.msk $0xffff, v9  }
0x2c5: {  	[tilespmem:s0+$0x16160] =	vst.add.f32.msk $0xffff, v10  }
0x2c6: {  	[tilespmem:s0+$0x18160] =	vst.add.f32.msk $0xffff, v10  }
0x2c7: {  	[tilespmem:s0+$0x1A160] =	vst.add.f32.msk $0xffff, v10  }
0x2c8: {  	[tilespmem:s0+$0x1C160] =	vst.add.f32.msk $0xffff, v10  }
0x2c9: {  	s10 =	simm.s32 $0x10;
	s7 =	simm.s32 $0x400;
	[tilespmem:s0+$0x16170] =	vst.add.f32.msk $0xffff, v3  }
0x2ca: {  	s31 =	sand.u32 $0x1C00, s7;
	s10 =	sand.u32 $0x380, s10;
	s9 =	simm.s32 $0x20;
	[tilespmem:s0+$0x18170] =	vst.add.f32.msk $0xffff, v3  }
.LBB2_7:
0x2cb: {  	p1 =	sne.s32 s9, $0x3F0;
	[tilespmem:s0+$0x1A170] =	vst.add.f32.msk $0xffff, v3;
	s0 =	sor.u32 s10, s31  }
0x2cc: {  	v3 =	vld [tilespmem:s0+$0x4170]  }
0x2cd: {  	v4 =	vld [tilespmem:s0+$0x4100]  }
0x2ce: {  	v5 =	vld [tilespmem:s0+$0x4110]  }
0x2cf: {  	v6 =	vld [tilespmem:s0+$0x4120]  }
0x2d0: {  	v7 =	vld [tilespmem:s0+$0x4130]  }
0x2d1: {  	[tilespmem:s0+$0x1C170] =	vst.add.f32.msk $0xffff, v3  }
0x2d2: {  	v8 =	vld [tilespmem:s0+$0x4140]  }
0x2d3: {  	v9 =	vld [tilespmem:s0+$0x4150]  }
0x2d4: {  	v10 =	vld [tilespmem:s0+$0x4160]  }
0x2d5: {  	[tilespmem:s0+$0x16100] =	vst.add.f32.msk $0xffff, v4  }
0x2d6: {  	[tilespmem:s0+$0x18100] =	vst.add.f32.msk $0xffff, v4  }
0x2d7: {  	[tilespmem:s0+$0x1A100] =	vst.add.f32.msk $0xffff, v4  }
0x2d8: {  	[tilespmem:s0+$0x1C100] =	vst.add.f32.msk $0xffff, v4  }
0x2d9: {  	[tilespmem:s0+$0x16110] =	vst.add.f32.msk $0xffff, v5  }
0x2da: {  	[tilespmem:s0+$0x18110] =	vst.add.f32.msk $0xffff, v5  }
0x2db: {  	[tilespmem:s0+$0x1A110] =	vst.add.f32.msk $0xffff, v5  }
0x2dc: {  	[tilespmem:s0+$0x1C110] =	vst.add.f32.msk $0xffff, v5  }
0x2dd: {  	[tilespmem:s0+$0x16120] =	vst.add.f32.msk $0xffff, v6  }
0x2de: {  	[tilespmem:s0+$0x18120] =	vst.add.f32.msk $0xffff, v6  }
0x2df: {  	[tilespmem:s0+$0x1A120] =	vst.add.f32.msk $0xffff, v6  }
0x2e0: {  	[tilespmem:s0+$0x1C120] =	vst.add.f32.msk $0xffff, v6  }
0x2e1: {  	[tilespmem:s0+$0x16130] =	vst.add.f32.msk $0xffff, v7  }
0x2e2: {  	[tilespmem:s0+$0x18130] =	vst.add.f32.msk $0xffff, v7  }
0x2e3: {  	[tilespmem:s0+$0x1A130] =	vst.add.f32.msk $0xffff, v7  }
0x2e4: {  	[tilespmem:s0+$0x1C130] =	vst.add.f32.msk $0xffff, v7  }
0x2e5: {  	[tilespmem:s0+$0x16140] =	vst.add.f32.msk $0xffff, v8  }
0x2e6: {  	[tilespmem:s0+$0x18140] =	vst.add.f32.msk $0xffff, v8  }
0x2e7: {  	[tilespmem:s0+$0x1A140] =	vst.add.f32.msk $0xffff, v8  }
0x2e8: {  	[tilespmem:s0+$0x1C140] =	vst.add.f32.msk $0xffff, v8  }
0x2e9: {  	[tilespmem:s0+$0x16150] =	vst.add.f32.msk $0xffff, v9  }
0x2ea: {  	[tilespmem:s0+$0x18150] =	vst.add.f32.msk $0xffff, v9  }
0x2eb: {  	[tilespmem:s0+$0x1A150] =	vst.add.f32.msk $0xffff, v9  }
0x2ec: {  	[tilespmem:s0+$0x1C150] =	vst.add.f32.msk $0xffff, v9  }
0x2ed: {  	[tilespmem:s0+$0x16160] =	vst.add.f32.msk $0xffff, v10  }
.Ltmp2:
0x2ee: {  	[tilespmem:s0+$0x18160] =	vst.add.f32.msk $0xffff, v10;
	(pc) =	sbr.rel @p1 .LBB2_7-.Ltmp2, $4  }
0x2ef: {  	[tilespmem:s0+$0x1A160] =	vst.add.f32.msk $0xffff, v10  }
0x2f0: {  	[tilespmem:s0+$0x1C160] =	vst.add.f32.msk $0xffff, v10  }
0x2f1: {  	s7 =	sadd.s32 $0x400, s7;
	[tilespmem:s0+$0x16170] =	vst.add.f32.msk $0xffff, v3  }
0x2f2: {  	s10 =	sand.u32 $0x380, s9;
	s9 =	sadd.s32 $0x10, s9;
	s31 =	sand.u32 $0x1C00, s7;
	[tilespmem:s0+$0x18170] =	vst.add.f32.msk $0xffff, v3  }
0x2f3: {  	s7 =	sor.u32 s10, s31;
	[tilespmem:s0+$0x1A170] =	vst.add.f32.msk $0xffff, v3  }
0x2f4: {  	v3 =	vld [tilespmem:s7+$0x4170]  }
0x2f5: {  	v4 =	vld [tilespmem:s7+$0x4100]  }
0x2f6: {  	v5 =	vld [tilespmem:s7+$0x4110]  }
0x2f7: {  	v6 =	vld [tilespmem:s7+$0x4120]  }
0x2f8: {  	v7 =	vld [tilespmem:s7+$0x4130]  }
0x2f9: {  	v8 =	vld [tilespmem:s7+$0x4140]  }
0x2fa: {  	v9 =	vld [tilespmem:s7+$0x4150]  }
0x2fb: {  	v10 =	vld [tilespmem:s7+$0x4160]  }
0x2fc: {  	[tilespmem:s7+$0x1C170] =	vst.add.f32.msk $0xffff, v3  }
0x2fd: {  	[tilespmem:s7+$0x16100] =	vst.add.f32.msk $0xffff, v4  }
0x2fe: {  	[tilespmem:s7+$0x18100] =	vst.add.f32.msk $0xffff, v4  }
0x2ff: {  	[tilespmem:s7+$0x1A100] =	vst.add.f32.msk $0xffff, v4  }
0x300: {  	[tilespmem:s7+$0x1C100] =	vst.add.f32.msk $0xffff, v4  }
0x301: {  	[tilespmem:s7+$0x16110] =	vst.add.f32.msk $0xffff, v5  }
0x302: {  	[tilespmem:s7+$0x18110] =	vst.add.f32.msk $0xffff, v5  }
0x303: {  	[tilespmem:s7+$0x1A110] =	vst.add.f32.msk $0xffff, v5  }
0x304: {  	[tilespmem:s7+$0x1C110] =	vst.add.f32.msk $0xffff, v5  }
0x305: {  	[tilespmem:s7+$0x16120] =	vst.add.f32.msk $0xffff, v6  }
0x306: {  	[tilespmem:s7+$0x18120] =	vst.add.f32.msk $0xffff, v6  }
0x307: {  	[tilespmem:s7+$0x1A120] =	vst.add.f32.msk $0xffff, v6  }
0x308: {  	[tilespmem:s7+$0x1C120] =	vst.add.f32.msk $0xffff, v6  }
0x309: {  	[tilespmem:s7+$0x16130] =	vst.add.f32.msk $0xffff, v7  }
0x30a: {  	[tilespmem:s7+$0x18130] =	vst.add.f32.msk $0xffff, v7  }
0x30b: {  	[tilespmem:s7+$0x1A130] =	vst.add.f32.msk $0xffff, v7  }
0x30c: {  	[tilespmem:s7+$0x1C130] =	vst.add.f32.msk $0xffff, v7  }
0x30d: {  	[tilespmem:s7+$0x16140] =	vst.add.f32.msk $0xffff, v8  }
0x30e: {  	[tilespmem:s7+$0x18140] =	vst.add.f32.msk $0xffff, v8  }
0x30f: {  	[tilespmem:s7+$0x1A140] =	vst.add.f32.msk $0xffff, v8  }
0x310: {  	[tilespmem:s7+$0x1C140] =	vst.add.f32.msk $0xffff, v8  }
0x311: {  	[tilespmem:s7+$0x16150] =	vst.add.f32.msk $0xffff, v9  }
0x312: {  	[tilespmem:s7+$0x18150] =	vst.add.f32.msk $0xffff, v9  }
0x313: {  	[tilespmem:s7+$0x1A150] =	vst.add.f32.msk $0xffff, v9  }
0x314: {  	[tilespmem:s7+$0x1C150] =	vst.add.f32.msk $0xffff, v9  }
0x315: {  	[tilespmem:s7+$0x16160] =	vst.add.f32.msk $0xffff, v10  }
0x316: {  	[tilespmem:s7+$0x18160] =	vst.add.f32.msk $0xffff, v10  }
0x317: {  	[tilespmem:s7+$0x1A160] =	vst.add.f32.msk $0xffff, v10  }
0x318: {  	[tilespmem:s7+$0x1C160] =	vst.add.f32.msk $0xffff, v10  }
0x319: {  	[tilespmem:s7+$0x16170] =	vst.add.f32.msk $0xffff, v3  }
0x31a: {  	[tilespmem:s7+$0x18170] =	vst.add.f32.msk $0xffff, v3  }
0x31b: {  	s10 =	sadd.s32 s8, s22;
	s31 =	simm.s32 $0x16100;
	[tilespmem:s7+$0x1A170] =	vst.add.f32.msk $0xffff, v3;
	s7 =	sor.u32 $0x40000, s22  }
0x31c: {  	[hbm4b:s10+s2] =	stream.linear.scatter [tilespmem:s31], [sflag:$0x9], $0x2000, $0x38;
	[tilespmem:$0x1E100] =	vst v63  }
0x31d: {  	s9 =	simm.s32 $0x18100;
	s0 =	sadd.s32 s8, s7;
	s10 =	sor.u32 $0x80000, s22  }
0x31e: {  	[hbm4b:s0+s2] =	stream.linear.scatter [tilespmem:s9], [sflag:$0x9], $0x2000, $0x38;
	[tilespmem:$0x1E100] =	vst v63  }
0x31f: {  	s31 =	simm.s32 $0x1A100;
	s0 =	sadd.s32 s8, s10  }
0x320: {  	[hbm4b:s0+s2] =	stream.linear.scatter [tilespmem:s31], [sflag:$0x9], $0x2000, $0x38;
	[tilespmem:$0x1E100] =	vst v63  }
0x321: {  	s7 =	sadd.s32 s22, s13;
	s9 =	simm.s32 $0x1C100  }
0x322: {  	[hbm4b:s7+s2] =	stream.linear.scatter [tilespmem:s9], [sflag:$0x9], $0x2000, $0x38;
	[tilespmem:$0x1E100] =	vst v63  }
0x323: {  	_ =	swait.ge [sflag:s29], $0x2000  }
0x324: {  	[sflag:s29] =	ssyncset.done $0x0  }
0x325: {  	[sflag:s29] =	ssyncadd.s32 $0xFFFFE000  }
0x326: {  	_ =	swait.ge [sflag:s29], $0x2000  }
0x327: {  	[sflag:s29] =	ssyncset.done $0x0  }
0x328: {  	[sflag:s29] =	ssyncadd.s32 $0xFFFFE000  }
0x329: {  	_ =	swait.ge [sflag:s29], $0x2000  }
0x32a: {  	[sflag:s29] =	ssyncset.done $0x0  }
0x32b: {  	[sflag:s29] =	ssyncadd.s32 $0xFFFFE000  }
0x32c: {  	s0 =	sor.u32 $0x4, s28;
	_ =	swait.ge [sflag:s29], $0x2000  }
0x32d: {  	s10 =	sshll.u32 s0, $0x5;
	[sflag:s29] =	ssyncset.done $0x0  }
0x32e: {  	s7 =	sand.u32 $0x3FFFFFE0, s10;
	[sflag:s29] =	ssyncadd.s32 $0xFFFFE000  }
0x32f: {  	v3 =	vld [tilespmem:s7+$0x0];
	_ =	sdelay $0x4  }
0x330: {  	v62 =	vshll.u32 v3, $0x3  }
0x331: {  	v3 =	vand.u32 $0x7, v3;
	v4 =	vand.u32 $0xFFFFFFC0, v62  }
0x332: {  	v3 =	vor.u32 v3, v4  }
0x333: {  	v4 =	vperm.xlane v3, v0;
	_ =	sdelay $0x1  }
0x334: {  	v4 =	vadd.s32 v1, v4;
	_ =	sdelay $0x4  }
0x335: {  	[tilespmem:s3], [sflag:$0x2] =	stream.indirect_vreg.gather [hbm4b:s5+s2], $0x80, v4, vm0, $0xb8;
	[tilespmem:$0x1E100] =	vst v63  }
0x336: {  	s9 =	simm.s32 $0xE900;
	v3 =	vperm.xlane v3, v2  }
0x337: {  	[tilespmem:s9], [sflag:$0x2] =	stream.indirect_vreg.gather [hbm4b:s23+s2], $0x80, v4, vm0, $0xb8;
	[tilespmem:$0x1E100] =	vst v63  }
0x338: {  	s22 =	simm.s32 $0xF100;
	v3 =	vadd.s32 v1, v3  }
0x339: {  	[tilespmem:s22], [sflag:$0x2] =	stream.indirect_vreg.gather [hbm4b:s24+s2], $0x80, v4, vm0, $0xb8;
	[tilespmem:$0x1E100] =	vst v63  }
0x33a: {  	s28 =	simm.s32 $0xF900  }
0x33b: {  	[tilespmem:s28], [sflag:$0x2] =	stream.indirect_vreg.gather [hbm4b:s25+s2], $0x80, v4, vm0, $0xb8;
	[tilespmem:$0x1E100] =	vst v63  }
0x33c: {  	_ = 	snop  }
0x33d: {  	[tilespmem:s14], [sflag:$0x2] =	stream.indirect_vreg.gather [hbm4b:s5+s2], $0x80, v3, vm0, $0xb8;
	[tilespmem:$0x1E100] =	vst v63  }
0x33e: {  	s31 =	simm.s32 $0x10900  }
0x33f: {  	[tilespmem:s31], [sflag:$0x2] =	stream.indirect_vreg.gather [hbm4b:s23+s2], $0x80, v3, vm0, $0xb8;
	[tilespmem:$0x1E100] =	vst v63  }
0x340: {  	s10 =	simm.s32 $0x11100  }
0x341: {  	[tilespmem:s10], [sflag:$0x2] =	stream.indirect_vreg.gather [hbm4b:s24+s2], $0x80, v3, vm0, $0xb8;
	[tilespmem:$0x1E100] =	vst v63  }
0x342: {  	s22 =	simm.s32 $0x11900  }
0x343: {  	[tilespmem:s22], [sflag:$0x2] =	stream.indirect_vreg.gather [hbm4b:s25+s2], $0x80, v3, vm0, $0xb8;
	[tilespmem:$0x1E100] =	vst v63  }
0x344: {  	v3 =	vld [tilespmem:s7+$0x10];
	_ =	sdelay $0x4  }
0x345: {  	v63 =	vshll.u32 v3, $0x3  }
0x346: {  	v3 =	vand.u32 $0x7, v3;
	v4 =	vand.u32 $0xFFFFFFC0, v63  }
0x347: {  	v3 =	vor.u32 v3, v4  }
0x348: {  	v4 =	vperm.xlane v3, v0;
	_ =	sdelay $0x1  }
0x349: {  	v4 =	vadd.s32 v1, v4;
	_ =	sdelay $0x4  }
0x34a: {  	[tilespmem:s20], [sflag:$0x2] =	stream.indirect_vreg.gather [hbm4b:s5+s2], $0x80, v4, vm0, $0xb8;
	[tilespmem:$0x1E100] =	vst v63  }
0x34b: {  	s28 =	simm.s32 $0x12900;
	v3 =	vperm.xlane v3, v2  }
0x34c: {  	[tilespmem:s28], [sflag:$0x2] =	stream.indirect_vreg.gather [hbm4b:s23+s2], $0x80, v4, vm0, $0xb8;
	[tilespmem:$0x1E100] =	vst v63  }
0x34d: {  	s31 =	simm.s32 $0x13100;
	v3 =	vadd.s32 v1, v3  }
0x34e: {  	[tilespmem:s31], [sflag:$0x2] =	stream.indirect_vreg.gather [hbm4b:s24+s2], $0x80, v4, vm0, $0xb8;
	[tilespmem:$0x1E100] =	vst v63  }
0x34f: {  	s9 =	simm.s32 $0x13900  }
0x350: {  	[tilespmem:s9], [sflag:$0x2] =	stream.indirect_vreg.gather [hbm4b:s25+s2], $0x80, v4, vm0, $0xb8;
	[tilespmem:$0x1E100] =	vst v63  }
0x351: {  	_ = 	snop  }
0x352: {  	[tilespmem:s6], [sflag:$0x2] =	stream.indirect_vreg.gather [hbm4b:s5+s2], $0x80, v3, vm0, $0xb8;
	[tilespmem:$0x1E100] =	vst v63  }
0x353: {  	s10 =	simm.s32 $0x14900  }
0x354: {  	[tilespmem:s10], [sflag:$0x2] =	stream.indirect_vreg.gather [hbm4b:s23+s2], $0x80, v3, vm0, $0xb8;
	[tilespmem:$0x1E100] =	vst v63  }
0x355: {  	s22 =	simm.s32 $0x15100  }
0x356: {  	[tilespmem:s22], [sflag:$0x2] =	stream.indirect_vreg.gather [hbm4b:s24+s2], $0x80, v3, vm0, $0xb8;
	[tilespmem:$0x1E100] =	vst v63  }
.Ltmp3:
0x357: {  	s0 =	sor.u32 s26, s0;
	(pc) =	sbr.rel @p0 .LBB2_2-.Ltmp3, $4  }
0x358: {  	p1 =	por $0x0, $0x0;
	s0 =	sshll.u32 s0, $0xA;
	s28 =	simm.s32 $0x15900  }
0x359: {  	[tilespmem:s28], [sflag:$0x2] =	stream.indirect_vreg.gather [hbm4b:s25+s2], $0x80, v3, vm0, $0xb8;
	[tilespmem:$0x1E100] =	vst v63  }
0x35a: {  	s0 =	sadd.s32 s4, s0;
	s31 =	simm.s32 $0x2100;
	s22 =	simm.s32 $0x1  }
0x35b: {  	[tilespmem:s31], [sflag:$0x5] =	stream.linear.gather [hbm4b:s0+s2], $0x2000, $0x38;
	[tilespmem:$0x1E100] =	vst v63  }
0x35c: {  	_ =	swait.ge [sflag:s18], $0x8000  }
0x35d: {  	[sflag:s18] =	ssyncset.done $0x0  }
0x35e: {  	[sflag:s18] =	ssyncadd.s32 $0xFFFF8000  }
0x35f: {  	s0 =	simm.s32 $0x0;
	_ =	swait.ge [sflag:s21], $0x2000  }
0x360: {  	s7 =	sand.u32 $0x1C00, s0;
	s0 =	sand.u32 $0x380, s0;
	[sflag:s21] =	ssyncset.done $0x0  }
0x361: {  	s0 =	sor.u32 s0, s7;
	[sflag:s21] =	ssyncadd.s32 $0xFFFFE000  }
0x362: {  	v3 =	vld [tilespmem:s0+$0x170]  }
0x363: {  	v4 =	vld [tilespmem:s0+$0x100]  }
0x364: {  	v5 =	vld [tilespmem:s0+$0x110]  }
0x365: {  	v6 =	vld [tilespmem:s0+$0x120]  }
0x366: {  	v7 =	vld [tilespmem:s0+$0x130]  }
0x367: {  	v8 =	vld [tilespmem:s0+$0x140]  }
0x368: {  	v9 =	vld [tilespmem:s0+$0x150]  }
0x369: {  	v10 =	vld [tilespmem:s0+$0x160]  }
0x36a: {  	[tilespmem:s0+$0xC170] =	vst.add.f32.msk $0xffff, v3  }
0x36b: {  	[tilespmem:s0+$0x6100] =	vst.add.f32.msk $0xffff, v4  }
0x36c: {  	[tilespmem:s0+$0x8100] =	vst.add.f32.msk $0xffff, v4  }
0x36d: {  	[tilespmem:s0+$0xA100] =	vst.add.f32.msk $0xffff, v4  }
0x36e: {  	[tilespmem:s0+$0xC100] =	vst.add.f32.msk $0xffff, v4  }
0x36f: {  	[tilespmem:s0+$0x6110] =	vst.add.f32.msk $0xffff, v5  }
0x370: {  	[tilespmem:s0+$0x8110] =	vst.add.f32.msk $0xffff, v5  }
0x371: {  	[tilespmem:s0+$0xA110] =	vst.add.f32.msk $0xffff, v5  }
0x372: {  	[tilespmem:s0+$0xC110] =	vst.add.f32.msk $0xffff, v5  }
0x373: {  	[tilespmem:s0+$0x6120] =	vst.add.f32.msk $0xffff, v6  }
0x374: {  	[tilespmem:s0+$0x8120] =	vst.add.f32.msk $0xffff, v6  }
0x375: {  	[tilespmem:s0+$0xA120] =	vst.add.f32.msk $0xffff, v6  }
0x376: {  	[tilespmem:s0+$0xC120] =	vst.add.f32.msk $0xffff, v6  }
0x377: {  	[tilespmem:s0+$0x6130] =	vst.add.f32.msk $0xffff, v7  }
0x378: {  	[tilespmem:s0+$0x8130] =	vst.add.f32.msk $0xffff, v7  }
0x379: {  	[tilespmem:s0+$0xA130] =	vst.add.f32.msk $0xffff, v7  }
0x37a: {  	[tilespmem:s0+$0xC130] =	vst.add.f32.msk $0xffff, v7  }
0x37b: {  	[tilespmem:s0+$0x6140] =	vst.add.f32.msk $0xffff, v8  }
0x37c: {  	[tilespmem:s0+$0x8140] =	vst.add.f32.msk $0xffff, v8  }
0x37d: {  	[tilespmem:s0+$0xA140] =	vst.add.f32.msk $0xffff, v8  }
0x37e: {  	[tilespmem:s0+$0xC140] =	vst.add.f32.msk $0xffff, v8  }
0x37f: {  	[tilespmem:s0+$0x6150] =	vst.add.f32.msk $0xffff, v9  }
0x380: {  	[tilespmem:s0+$0x8150] =	vst.add.f32.msk $0xffff, v9  }
0x381: {  	[tilespmem:s0+$0xA150] =	vst.add.f32.msk $0xffff, v9  }
0x382: {  	[tilespmem:s0+$0xC150] =	vst.add.f32.msk $0xffff, v9  }
0x383: {  	[tilespmem:s0+$0x6160] =	vst.add.f32.msk $0xffff, v10  }
0x384: {  	[tilespmem:s0+$0x8160] =	vst.add.f32.msk $0xffff, v10  }
0x385: {  	[tilespmem:s0+$0xA160] =	vst.add.f32.msk $0xffff, v10  }
0x386: {  	[tilespmem:s0+$0xC160] =	vst.add.f32.msk $0xffff, v10  }
0x387: {  	s9 =	simm.s32 $0x10;
	s7 =	simm.s32 $0x400;
	[tilespmem:s0+$0x6170] =	vst.add.f32.msk $0xffff, v3  }
0x388: {  	s10 =	sand.u32 $0x380, s9;
	s9 =	simm.s32 $0x20;
	s22 =	sand.u32 $0x1C00, s7;
	[tilespmem:s0+$0x8170] =	vst.add.f32.msk $0xffff, v3  }
.LBB2_10:
0x389: {  	p0 =	sne.s32 s9, $0x3F0;
	[tilespmem:s0+$0xA170] =	vst.add.f32.msk $0xffff, v3;
	s0 =	sor.u32 s10, s22  }
0x38a: {  	v3 =	vld [tilespmem:s0+$0x170]  }
0x38b: {  	v4 =	vld [tilespmem:s0+$0x100]  }
0x38c: {  	v5 =	vld [tilespmem:s0+$0x110]  }
0x38d: {  	v6 =	vld [tilespmem:s0+$0x120]  }
0x38e: {  	v7 =	vld [tilespmem:s0+$0x130]  }
0x38f: {  	[tilespmem:s0+$0xC170] =	vst.add.f32.msk $0xffff, v3  }
0x390: {  	v8 =	vld [tilespmem:s0+$0x140]  }
0x391: {  	v9 =	vld [tilespmem:s0+$0x150]  }
0x392: {  	v10 =	vld [tilespmem:s0+$0x160]  }
0x393: {  	[tilespmem:s0+$0x6100] =	vst.add.f32.msk $0xffff, v4  }
0x394: {  	[tilespmem:s0+$0x8100] =	vst.add.f32.msk $0xffff, v4  }
0x395: {  	[tilespmem:s0+$0xA100] =	vst.add.f32.msk $0xffff, v4  }
0x396: {  	[tilespmem:s0+$0xC100] =	vst.add.f32.msk $0xffff, v4  }
0x397: {  	[tilespmem:s0+$0x6110] =	vst.add.f32.msk $0xffff, v5  }
0x398: {  	[tilespmem:s0+$0x8110] =	vst.add.f32.msk $0xffff, v5  }
0x399: {  	[tilespmem:s0+$0xA110] =	vst.add.f32.msk $0xffff, v5  }
0x39a: {  	[tilespmem:s0+$0xC110] =	vst.add.f32.msk $0xffff, v5  }
0x39b: {  	[tilespmem:s0+$0x6120] =	vst.add.f32.msk $0xffff, v6  }
0x39c: {  	[tilespmem:s0+$0x8120] =	vst.add.f32.msk $0xffff, v6  }
0x39d: {  	[tilespmem:s0+$0xA120] =	vst.add.f32.msk $0xffff, v6  }
0x39e: {  	[tilespmem:s0+$0xC120] =	vst.add.f32.msk $0xffff, v6  }
0x39f: {  	[tilespmem:s0+$0x6130] =	vst.add.f32.msk $0xffff, v7  }
0x3a0: {  	[tilespmem:s0+$0x8130] =	vst.add.f32.msk $0xffff, v7  }
0x3a1: {  	[tilespmem:s0+$0xA130] =	vst.add.f32.msk $0xffff, v7  }
0x3a2: {  	[tilespmem:s0+$0xC130] =	vst.add.f32.msk $0xffff, v7  }
0x3a3: {  	[tilespmem:s0+$0x6140] =	vst.add.f32.msk $0xffff, v8  }
0x3a4: {  	[tilespmem:s0+$0x8140] =	vst.add.f32.msk $0xffff, v8  }
0x3a5: {  	[tilespmem:s0+$0xA140] =	vst.add.f32.msk $0xffff, v8  }
0x3a6: {  	[tilespmem:s0+$0xC140] =	vst.add.f32.msk $0xffff, v8  }
0x3a7: {  	[tilespmem:s0+$0x6150] =	vst.add.f32.msk $0xffff, v9  }
0x3a8: {  	[tilespmem:s0+$0x8150] =	vst.add.f32.msk $0xffff, v9  }
0x3a9: {  	[tilespmem:s0+$0xA150] =	vst.add.f32.msk $0xffff, v9  }
0x3aa: {  	[tilespmem:s0+$0xC150] =	vst.add.f32.msk $0xffff, v9  }
0x3ab: {  	[tilespmem:s0+$0x6160] =	vst.add.f32.msk $0xffff, v10  }
.Ltmp4:
0x3ac: {  	[tilespmem:s0+$0x8160] =	vst.add.f32.msk $0xffff, v10;
	(pc) =	sbr.rel @p0 .LBB2_10-.Ltmp4, $4  }
0x3ad: {  	[tilespmem:s0+$0xA160] =	vst.add.f32.msk $0xffff, v10  }
0x3ae: {  	[tilespmem:s0+$0xC160] =	vst.add.f32.msk $0xffff, v10  }
0x3af: {  	s7 =	sadd.s32 $0x400, s7;
	[tilespmem:s0+$0x6170] =	vst.add.f32.msk $0xffff, v3  }
0x3b0: {  	s10 =	sand.u32 $0x380, s9;
	s9 =	sadd.s32 $0x10, s9;
	s22 =	sand.u32 $0x1C00, s7;
	[tilespmem:s0+$0x8170] =	vst.add.f32.msk $0xffff, v3  }
0x3b1: {  	s7 =	sor.u32 s10, s22;
	[tilespmem:s0+$0xA170] =	vst.add.f32.msk $0xffff, v3  }
0x3b2: {  	v3 =	vld [tilespmem:s7+$0x170]  }
0x3b3: {  	v4 =	vld [tilespmem:s7+$0x100]  }
0x3b4: {  	v5 =	vld [tilespmem:s7+$0x110]  }
0x3b5: {  	v6 =	vld [tilespmem:s7+$0x120]  }
0x3b6: {  	v7 =	vld [tilespmem:s7+$0x130]  }
0x3b7: {  	v8 =	vld [tilespmem:s7+$0x140]  }
0x3b8: {  	v9 =	vld [tilespmem:s7+$0x150]  }
0x3b9: {  	v10 =	vld [tilespmem:s7+$0x160]  }
0x3ba: {  	[tilespmem:s7+$0xC170] =	vst.add.f32.msk $0xffff, v3  }
0x3bb: {  	[tilespmem:s7+$0x6100] =	vst.add.f32.msk $0xffff, v4  }
0x3bc: {  	[tilespmem:s7+$0x8100] =	vst.add.f32.msk $0xffff, v4  }
0x3bd: {  	[tilespmem:s7+$0xA100] =	vst.add.f32.msk $0xffff, v4  }
0x3be: {  	[tilespmem:s7+$0xC100] =	vst.add.f32.msk $0xffff, v4  }
0x3bf: {  	[tilespmem:s7+$0x6110] =	vst.add.f32.msk $0xffff, v5  }
0x3c0: {  	[tilespmem:s7+$0x8110] =	vst.add.f32.msk $0xffff, v5  }
0x3c1: {  	[tilespmem:s7+$0xA110] =	vst.add.f32.msk $0xffff, v5  }
0x3c2: {  	[tilespmem:s7+$0xC110] =	vst.add.f32.msk $0xffff, v5  }
0x3c3: {  	[tilespmem:s7+$0x6120] =	vst.add.f32.msk $0xffff, v6  }
0x3c4: {  	[tilespmem:s7+$0x8120] =	vst.add.f32.msk $0xffff, v6  }
0x3c5: {  	[tilespmem:s7+$0xA120] =	vst.add.f32.msk $0xffff, v6  }
0x3c6: {  	[tilespmem:s7+$0xC120] =	vst.add.f32.msk $0xffff, v6  }
0x3c7: {  	[tilespmem:s7+$0x6130] =	vst.add.f32.msk $0xffff, v7  }
0x3c8: {  	[tilespmem:s7+$0x8130] =	vst.add.f32.msk $0xffff, v7  }
0x3c9: {  	[tilespmem:s7+$0xA130] =	vst.add.f32.msk $0xffff, v7  }
0x3ca: {  	[tilespmem:s7+$0xC130] =	vst.add.f32.msk $0xffff, v7  }
0x3cb: {  	[tilespmem:s7+$0x6140] =	vst.add.f32.msk $0xffff, v8  }
0x3cc: {  	[tilespmem:s7+$0x8140] =	vst.add.f32.msk $0xffff, v8  }
0x3cd: {  	[tilespmem:s7+$0xA140] =	vst.add.f32.msk $0xffff, v8  }
0x3ce: {  	[tilespmem:s7+$0xC140] =	vst.add.f32.msk $0xffff, v8  }
0x3cf: {  	[tilespmem:s7+$0x6150] =	vst.add.f32.msk $0xffff, v9  }
0x3d0: {  	[tilespmem:s7+$0x8150] =	vst.add.f32.msk $0xffff, v9  }
0x3d1: {  	[tilespmem:s7+$0xA150] =	vst.add.f32.msk $0xffff, v9  }
0x3d2: {  	[tilespmem:s7+$0xC150] =	vst.add.f32.msk $0xffff, v9  }
0x3d3: {  	[tilespmem:s7+$0x6160] =	vst.add.f32.msk $0xffff, v10  }
0x3d4: {  	[tilespmem:s7+$0x8160] =	vst.add.f32.msk $0xffff, v10  }
0x3d5: {  	[tilespmem:s7+$0xA160] =	vst.add.f32.msk $0xffff, v10  }
0x3d6: {  	[tilespmem:s7+$0xC160] =	vst.add.f32.msk $0xffff, v10  }
0x3d7: {  	s22 =	sld [smem:$0x7F2];
	[tilespmem:s7+$0x6170] =	vst.add.f32.msk $0xffff, v3  }
0x3d8: {  	[tilespmem:s7+$0x8170] =	vst.add.f32.msk $0xffff, v3  }
0x3d9: {  	s0 =	simm.s32 $0x0;
	s9 =	simm.s32 $0x6100;
	s28 =	sld [smem:$0x7F3];
	[tilespmem:s7+$0xA170] =	vst.add.f32.msk $0xffff, v3  }
0x3da: {  	[hbm4b:s22+s0] =	stream.linear.scatter [tilespmem:s9], [sflag:$0x7], $0x2000, $0x38;
	[tilespmem:$0x1E100] =	vst v63  }
0x3db: {  	s31 =	simm.s32 $0x8100;
	s10 =	sld [smem:$0x7F4]  }
0x3dc: {  	[hbm4b:s28+s0] =	stream.linear.scatter [tilespmem:s31], [sflag:$0x7], $0x2000, $0x38;
	[tilespmem:$0x1E100] =	vst v63  }
0x3dd: {  	s22 =	sld [smem:$0x7F5]  }
0x3de: {  	[hbm4b:s10+s0] =	stream.linear.scatter [tilespmem:s15], [sflag:$0x7], $0x2000, $0x38;
	[tilespmem:$0x1E100] =	vst v63  }
0x3df: {  	_ = 	snop  }
0x3e0: {  	[hbm4b:s22+s0] =	stream.linear.scatter [tilespmem:s19], [sflag:$0x7], $0x2000, $0x38;
	[tilespmem:$0x1E100] =	vst v63  }
0x3e1: {  	_ =	swait.ge [sflag:s16], $0x8000  }
0x3e2: {  	[sflag:s16] =	ssyncset.done $0x0  }
0x3e3: {  	[sflag:s16] =	ssyncadd.s32 $0xFFFF8000  }
0x3e4: {  	_ =	swait.ge [sflag:s17], $0x2000  }
0x3e5: {  	s28 =	sand.u32 $0x1C00, s0;
	s31 =	sand.u32 $0x380, s0;
	[sflag:s17] =	ssyncset.done $0x0  }
0x3e6: {  	s22 =	sor.u32 s31, s28;
	[sflag:s17] =	ssyncadd.s32 $0xFFFFE000  }
0x3e7: {  	v3 =	vld [tilespmem:s22+$0x2100];
	_ =	sdelay $0x2  }
0x3e8: {  	v4 =	vld [tilespmem:s22+$0x2110];
	_ =	sdelay $0x1  }
0x3e9: {  	[tilespmem:s22+$0x14100] =	vst.add.f32.msk $0xffff, v3  }
0x3ea: {  	[tilespmem:s22+$0x12100] =	vst.add.f32.msk $0xffff, v3  }
0x3eb: {  	[tilespmem:s22+$0x10100] =	vst.add.f32.msk $0xffff, v3  }
0x3ec: {  	[tilespmem:s22+$0xE110] =	vst.add.f32.msk $0xffff, v4  }
0x3ed: {  	s9 =	sadd.s32 $0x6100, s22;
	[tilespmem:s22+$0xE100] =	vst.add.f32.msk $0xffff, v3  }
0x3ee: {  	[tilespmem:s9+$0xA010] =	vst.add.f32.msk $0xffff, v4  }
0x3ef: {  	[tilespmem:s9+$0xC010] =	vst.add.f32.msk $0xffff, v4  }
0x3f0: {  	[tilespmem:s9+$0xE010] =	vst.add.f32.msk $0xffff, v4  }
0x3f1: {  	v3 =	vld [tilespmem:s22+$0x2120];
	_ =	sdelay $0x4  }
0x3f2: {  	[tilespmem:s22+$0xE120] =	vst.add.f32.msk $0xffff, v3  }
0x3f3: {  	[tilespmem:s9+$0xC020] =	vst.add.f32.msk $0xffff, v3  }
0x3f4: {  	[tilespmem:s9+$0xA020] =	vst.add.f32.msk $0xffff, v3  }
0x3f5: {  	[tilespmem:s9+$0xE020] =	vst.add.f32.msk $0xffff, v3  }
0x3f6: {  	v3 =	vld [tilespmem:s22+$0x2130];
	_ =	sdelay $0x4  }
0x3f7: {  	[tilespmem:s22+$0xE130] =	vst.add.f32.msk $0xffff, v3  }
0x3f8: {  	[tilespmem:s9+$0xE030] =	vst.add.f32.msk $0xffff, v3  }
0x3f9: {  	[tilespmem:s9+$0xA030] =	vst.add.f32.msk $0xffff, v3  }
0x3fa: {  	[tilespmem:s9+$0xC030] =	vst.add.f32.msk $0xffff, v3  }
0x3fb: {  	v3 =	vld [tilespmem:s22+$0x2140];
	_ =	sdelay $0x4  }
0x3fc: {  	[tilespmem:s22+$0xE140] =	vst.add.f32.msk $0xffff, v3  }
0x3fd: {  	[tilespmem:s9+$0xA040] =	vst.add.f32.msk $0xffff, v3  }
0x3fe: {  	[tilespmem:s9+$0xC040] =	vst.add.f32.msk $0xffff, v3  }
0x3ff: {  	[tilespmem:s9+$0xE040] =	vst.add.f32.msk $0xffff, v3  }
0x400: {  	v3 =	vld [tilespmem:s22+$0x2150];
	_ =	sdelay $0x4  }
0x401: {  	[tilespmem:s22+$0xE150] =	vst.add.f32.msk $0xffff, v3  }
0x402: {  	[tilespmem:s9+$0xC050] =	vst.add.f32.msk $0xffff, v3  }
0x403: {  	s7 =	simm.s32 $0x10;
	[tilespmem:s9+$0xA050] =	vst.add.f32.msk $0xffff, v3  }
.LBB2_12:
0x404: {  	p0 =	sne.s32 s7, $0x3F0  }
0x405: {  	[tilespmem:s9+$0xE050] =	vst.add.f32.msk $0xffff, v3;
	s0 =	sadd.s32 $0x400, s0;
	s10 =	smov.u32 s7;
	s7 =	sadd.s32 $0x10, s7  }
0x406: {  	v3 =	vld [tilespmem:s22+$0x2160];
	_ =	sdelay $0x4  }
0x407: {  	[tilespmem:s22+$0xE160] =	vst.add.f32.msk $0xffff, v3  }
0x408: {  	[tilespmem:s9+$0xA060] =	vst.add.f32.msk $0xffff, v3  }
0x409: {  	[tilespmem:s9+$0xC060] =	vst.add.f32.msk $0xffff, v3  }
0x40a: {  	[tilespmem:s9+$0xE060] =	vst.add.f32.msk $0xffff, v3  }
0x40b: {  	v3 =	vld [tilespmem:s22+$0x2170];
	_ =	sdelay $0x4  }
0x40c: {  	[tilespmem:s22+$0xE170] =	vst.add.f32.msk $0xffff, v3  }
0x40d: {  	[tilespmem:s9+$0xA070] =	vst.add.f32.msk $0xffff, v3  }
0x40e: {  	s10 =	sand.u32 $0x380, s10;
	s22 =	sand.u32 $0x1C00, s0;
	[tilespmem:s9+$0xE070] =	vst.add.f32.msk $0xffff, v3  }
0x40f: {  	s22 =	sor.u32 s10, s22;
	[tilespmem:s9+$0xC070] =	vst.add.f32.msk $0xffff, v3  }
0x410: {  	v3 =	vld [tilespmem:s22+$0x2100]  }
0x411: {  	v4 =	vld [tilespmem:s22+$0x2110];
	_ =	sdelay $0x3  }
0x412: {  	[tilespmem:s22+$0x14100] =	vst.add.f32.msk $0xffff, v3  }
0x413: {  	[tilespmem:s22+$0x12100] =	vst.add.f32.msk $0xffff, v3  }
0x414: {  	[tilespmem:s22+$0x10100] =	vst.add.f32.msk $0xffff, v3  }
0x415: {  	[tilespmem:s22+$0xE110] =	vst.add.f32.msk $0xffff, v4  }
0x416: {  	s9 =	sadd.s32 $0x6100, s22;
	[tilespmem:s22+$0xE100] =	vst.add.f32.msk $0xffff, v3  }
0x417: {  	[tilespmem:s9+$0xA010] =	vst.add.f32.msk $0xffff, v4  }
0x418: {  	[tilespmem:s9+$0xC010] =	vst.add.f32.msk $0xffff, v4  }
0x419: {  	[tilespmem:s9+$0xE010] =	vst.add.f32.msk $0xffff, v4  }
0x41a: {  	v3 =	vld [tilespmem:s22+$0x2120];
	_ =	sdelay $0x4  }
0x41b: {  	[tilespmem:s22+$0xE120] =	vst.add.f32.msk $0xffff, v3  }
0x41c: {  	[tilespmem:s9+$0xC020] =	vst.add.f32.msk $0xffff, v3  }
0x41d: {  	[tilespmem:s9+$0xA020] =	vst.add.f32.msk $0xffff, v3  }
0x41e: {  	[tilespmem:s9+$0xE020] =	vst.add.f32.msk $0xffff, v3  }
0x41f: {  	v3 =	vld [tilespmem:s22+$0x2130];
	_ =	sdelay $0x4  }
0x420: {  	[tilespmem:s22+$0xE130] =	vst.add.f32.msk $0xffff, v3  }
0x421: {  	[tilespmem:s9+$0xE030] =	vst.add.f32.msk $0xffff, v3  }
0x422: {  	[tilespmem:s9+$0xA030] =	vst.add.f32.msk $0xffff, v3  }
0x423: {  	[tilespmem:s9+$0xC030] =	vst.add.f32.msk $0xffff, v3  }
0x424: {  	v3 =	vld [tilespmem:s22+$0x2140];
	_ =	sdelay $0x4  }
0x425: {  	[tilespmem:s22+$0xE140] =	vst.add.f32.msk $0xffff, v3  }
0x426: {  	[tilespmem:s9+$0xA040] =	vst.add.f32.msk $0xffff, v3  }
0x427: {  	[tilespmem:s9+$0xC040] =	vst.add.f32.msk $0xffff, v3  }
0x428: {  	[tilespmem:s9+$0xE040] =	vst.add.f32.msk $0xffff, v3  }
0x429: {  	v3 =	vld [tilespmem:s22+$0x2150];
	_ =	sdelay $0x2  }
.Ltmp5:
0x42a: {  	(pc) =	sbr.rel @p0 .LBB2_12-.Ltmp5, $4  }
0x42b: {  	_ = 	snop  }
0x42c: {  	[tilespmem:s22+$0xE150] =	vst.add.f32.msk $0xffff, v3  }
0x42d: {  	[tilespmem:s9+$0xC050] =	vst.add.f32.msk $0xffff, v3  }
0x42e: {  	[tilespmem:s9+$0xA050] =	vst.add.f32.msk $0xffff, v3  }
0x42f: {  	[tilespmem:s9+$0xE050] =	vst.add.f32.msk $0xffff, v3  }
0x430: {  	v3 =	vld [tilespmem:s22+$0x2160];
	_ =	sdelay $0x4  }
0x431: {  	[tilespmem:s22+$0xE160] =	vst.add.f32.msk $0xffff, v3  }
0x432: {  	[tilespmem:s9+$0xA060] =	vst.add.f32.msk $0xffff, v3  }
0x433: {  	[tilespmem:s9+$0xC060] =	vst.add.f32.msk $0xffff, v3  }
0x434: {  	[tilespmem:s9+$0xE060] =	vst.add.f32.msk $0xffff, v3  }
0x435: {  	v3 =	vld [tilespmem:s22+$0x2170];
	_ =	sdelay $0x4  }
0x436: {  	[tilespmem:s22+$0xE170] =	vst.add.f32.msk $0xffff, v3  }
0x437: {  	s0 =	sld [smem:$0x7F6];
	[tilespmem:s9+$0xA070] =	vst.add.f32.msk $0xffff, v3  }
0x438: {  	[tilespmem:s9+$0xE070] =	vst.add.f32.msk $0xffff, v3  }
0x439: {  	[tilespmem:s9+$0xC070] =	vst.add.f32.msk $0xffff, v3;
	s9 =	sld [smem:$0x7F8]  }
0x43a: {  	[hbm4b:s0+s2] =	stream.linear.scatter [tilespmem:s3], [sflag:$0x8], $0x2000, $0x38;
	[tilespmem:$0x1E100] =	vst v63  }
0x43b: {  	s10 =	sld [smem:$0x7FA]  }
0x43c: {  	[hbm4b:s9+s2] =	stream.linear.scatter [tilespmem:s14], [sflag:$0x8], $0x2000, $0x38;
	[tilespmem:$0x1E100] =	vst v63  }
0x43d: {  	s22 =	sld [smem:$0x7FB]  }
0x43e: {  	[hbm4b:s10+s2] =	stream.linear.scatter [tilespmem:s20], [sflag:$0x8], $0x2000, $0x38;
	[tilespmem:$0x1E100] =	vst v63  }
0x43f: {  	s28 =	simm.s32 $0x9  }
0x440: {  	[hbm4b:s22+s2] =	stream.linear.scatter [tilespmem:s6], [sflag:$0x8], $0x2000, $0x38;
	[tilespmem:$0x1E100] =	vst v63  }
0x441: {  	_ =	swait.ge [sflag:s28], $0x2000  }
0x442: {  	[sflag:s28] =	ssyncset.done $0x0  }
0x443: {  	[sflag:s28] =	ssyncadd.s32 $0xFFFFE000  }
0x444: {  	_ =	swait.ge [sflag:s28], $0x2000  }
0x445: {  	[sflag:s28] =	ssyncset.done $0x0  }
0x446: {  	[sflag:s28] =	ssyncadd.s32 $0xFFFFE000  }
0x447: {  	_ =	swait.ge [sflag:s28], $0x2000  }
0x448: {  	[sflag:s28] =	ssyncset.done $0x0  }
0x449: {  	[sflag:s28] =	ssyncadd.s32 $0xFFFFE000  }
0x44a: {  	_ =	swait.ge [sflag:s28], $0x2000  }
0x44b: {  	[sflag:s28] =	ssyncset.done $0x0  }
0x44c: {  	[sflag:s28] =	ssyncadd.s32 $0xFFFFE000  }
0x44d: {  	_ =	swait.ge [sflag:s1], $0x2000  }
0x44e: {  	[sflag:s1] =	ssyncset.done $0x0  }
0x44f: {  	[sflag:s1] =	ssyncadd.s32 $0xFFFFE000  }
0x450: {  	_ =	swait.ge [sflag:s1], $0x2000  }
0x451: {  	[sflag:s1] =	ssyncset.done $0x0  }
0x452: {  	[sflag:s1] =	ssyncadd.s32 $0xFFFFE000  }
0x453: {  	_ =	swait.ge [sflag:s1], $0x2000  }
0x454: {  	[sflag:s1] =	ssyncset.done $0x0  }
0x455: {  	[sflag:s1] =	ssyncadd.s32 $0xFFFFE000  }
0x456: {  	_ =	swait.ge [sflag:s1], $0x2000  }
0x457: {  	[sflag:s1] =	ssyncset.done $0x0  }
0x458: {  	[sflag:s1] =	ssyncadd.s32 $0xFFFFE000  }
0x459: {  	_ =	swait.ge [sflag:s29], $0x2000  }
0x45a: {  	[sflag:s29] =	ssyncset.done $0x0  }
0x45b: {  	[sflag:s29] =	ssyncadd.s32 $0xFFFFE000  }
0x45c: {  	_ =	swait.ge [sflag:s29], $0x2000  }
0x45d: {  	[sflag:s29] =	ssyncset.done $0x0  }
0x45e: {  	[sflag:s29] =	ssyncadd.s32 $0xFFFFE000  }
0x45f: {  	_ =	swait.ge [sflag:s29], $0x2000  }
0x460: {  	[sflag:s29] =	ssyncset.done $0x0  }
0x461: {  	[sflag:s29] =	ssyncadd.s32 $0xFFFFE000  }
0x462: {  	_ =	swait.ge [sflag:s29], $0x2000  }
0x463: {  	s7 =	sld [smem:$0x7E9]  }
0x464: {  	s31 =	sld [smem:$0x7FC];
	_ =	sdelay $0x1  }
0x465: {  	s7 =	sadd.s32 $0x1, s7  }
0x466: {  	p0 =	sne.s32 s7, s31  }
.Ltmp6:
0x467: {  	_ = 	snop;
	(pc) =	sbr.rel @p0 .LBB2_1-.Ltmp6, $3  }
0x468: {  	_ =	sdelay $0x1  }
0x469: {  	[sflag:s29] =	ssyncset.done $0x0  }
0x46a: {  	[sflag:s29] =	ssyncadd.s32 $0xFFFFE000  }
0x46b: {  	_ =	sfence.sel $0x180000  }
0x46c: {  	[bflag:$0x0] =	sbarrier.arrive $0xFFFF  }
0x46d: {  	_ =	strace $0x90000047  }
0x46e: {  	s0 =	stileid.u32;
	[bflag:$0x2] =	sbarrier.arrive $0xFFFF  }
0x46f: {  	p0 =	sne.s32 s0, $0x0;
	s0 =	rddreg [dreg:$0x4]  }
0x470: {  	s0 =	sadd.s32 @!p0 $0x100000, s0  }
0x471: {  	[sflag:s0] =	ssyncadd.tile.s32 @!p0 $0x1;
	_ =	shalt  }
.Lfunc_end2:
_tile_overlayer_lowered:
.L_overlay_start_2:
0x472: {  	(tag) =	ssettag $0x2  }
0x473: {  	s0 =	rddreg [dreg:$0x0];
	s2 =	stileid.u32  }
0x474: {  	s1 =	rddreg [dreg:$0x1];
	p0 =	sne.s32 s2, $0x0  }
0x475: {  	s3 =	rddreg [dreg:$0x2];
	[bflag:$0x3] =	sbarrier.arrive $0xFFFF;
	s2 =	simm.s32 @!p0 $0x1C0B  }
0x476: {  	[timem:s3], [sflag:s2] =	dma.local @!p0 [hbm:s0], s1  }
0x477: {  	s0 =	simm.s32 @!p0 $0xB  }
0x478: {  	_ =	swait.ge @!p0 [sflag:s0], s1  }
0x479: {  	s1 =	ssub.s32 @!p0 $0x0, s1;
	[sflag:s0] =	ssyncset.done @!p0 $0x0  }
0x47a: {  	[sflag:s0] =	ssyncadd.s32 @!p0 s1  }
0x47b: {  	[bflag:$0x3] =	sbarrier.arrive $0xFFFF  }
0x47c: {  	_ =	shalt  }

</sc_bundles>
